<compile_context>
chip_gen: v7x
topology: tpu7x:2x2x1
jax: 0.10.2.dev20260603
libtpu: 0.0.44.dev20260713+nightly
codegen_flags: <defaults>
</compile_context>

<pallas_src>
import functools

import jax
import jax.numpy as jnp
from jax import lax
from jax.experimental import pallas as pl
from jax.experimental.pallas import tpu as pltpu
from jax.experimental.pallas import tpu_sc as plsc

_N = 10000
_G = 64
_NC = 2
_NS = 16
_NW = _NC * _NS
_CHUNK = 128
_N_PAD = 10240
_ROWS_PER_TILE = _N_PAD // _NS
_DEG_W = 16
_DEG_SC = 128

_mesh = plsc.VectorSubcoreMesh(core_axis_name="c", subcore_axis_name="s")


def _make_deg(n_chunks):

    @functools.partial(
        pl.kernel,
        mesh=_mesh,
        out_type=jax.ShapeDtypeStruct((_NC, _N_PAD, _DEG_SC), jnp.float32),
        scratch_types=[
            pltpu.VMEM((n_chunks, _CHUNK), jnp.int32),
            pltpu.VMEM((_CHUNK, _DEG_SC), jnp.float32),
            pltpu.VMEM_SHARED((_N_PAD, _DEG_SC), jnp.float32),
            pltpu.SemaphoreType.DMA,
        ],
    )
    def k(dst_hbm, ones_hbm, zero_hbm, out_hbm, dst_v, ones_v, acc, dsem):
        c = lax.axis_index("c")
        s = lax.axis_index("s")
        wid = c * _NS + s
        pltpu.sync_copy(dst_hbm.at[wid], dst_v)
        pltpu.sync_copy(ones_hbm, ones_v)
        base = s * _ROWS_PER_TILE

        @pl.loop(0, _ROWS_PER_TILE // _CHUNK)
        def _(i):
            pltpu.sync_copy(zero_hbm, acc.at[pl.ds(base + i * _CHUNK, _CHUNK)])

        plsc.subcore_barrier()

        @pl.loop(0, n_chunks, step=16)
        def _(j):
            for t in range(16):
                pltpu.async_copy(ones_v, acc.at[dst_v.at[j + t]], dsem, add=True)
            for t in range(16):
                pltpu.make_async_copy(ones_v, acc.at[dst_v.at[j + t]], dsem).wait()

        plsc.subcore_barrier()
        pltpu.sync_copy(
            acc.at[pl.ds(base, _ROWS_PER_TILE)],
            out_hbm.at[c, pl.ds(base, _ROWS_PER_TILE)],
        )

    return k


def _make_scatter(n_chunks, f):

    assert n_chunks % 4 == 0
    half = n_chunks // 2

    @functools.partial(
        pl.kernel,
        mesh=_mesh,
        out_type=jax.ShapeDtypeStruct((_NC, _N_PAD, f), jnp.float32),
        scratch_types=[
            pltpu.VMEM((half, _CHUNK), jnp.int32),
            pltpu.VMEM((half, _CHUNK), jnp.int32),
            pltpu.VMEM((_CHUNK, f), jnp.float32),
            pltpu.VMEM((_CHUNK, f), jnp.float32),
            pltpu.VMEM_SHARED((_N_PAD, f), jnp.float32),
            pltpu.SemaphoreType.DMA,
            pltpu.SemaphoreType.DMA,
            pltpu.SemaphoreType.DMA,
            pltpu.SemaphoreType.DMA,
        ],
    )
    def k(h_hbm, src_hbm, dst_hbm, zero_hbm, out_hbm,
          src_v, dst_v, rows0, rows1, acc, sem0, sem1, asem0, asem1):
        c = lax.axis_index("c")
        s = lax.axis_index("s")
        wid = c * _NS + s
        base = s * _ROWS_PER_TILE

        @pl.loop(0, _ROWS_PER_TILE // _CHUNK)
        def _(i):
            pltpu.sync_copy(zero_hbm, acc.at[pl.ds(base + i * _CHUNK, _CHUNK)])

        plsc.subcore_barrier()

        for h0 in (0, half):
            pltpu.sync_copy(src_hbm.at[wid, pl.ds(h0, half)], src_v)
            pltpu.sync_copy(dst_hbm.at[wid, pl.ds(h0, half)], dst_v)

            pltpu.async_copy(h_hbm.at[src_v.at[0]], rows0, sem0)

            @pl.loop(0, half - 2, step=2)
            def _(j):
                pltpu.async_copy(h_hbm.at[src_v.at[j + 1]], rows1, sem1)
                pltpu.make_async_copy(h_hbm.at[src_v.at[j]], rows0, sem0).wait()
                pltpu.sync_copy(rows0, acc.at[dst_v.at[j]], add=True)
                pltpu.async_copy(h_hbm.at[src_v.at[j + 2]], rows0, sem0)
                pltpu.make_async_copy(h_hbm.at[src_v.at[j + 1]], rows1, sem1).wait()
                pltpu.sync_copy(rows1, acc.at[dst_v.at[j + 1]], add=True)

            jt = half - 2
            pltpu.async_copy(h_hbm.at[src_v.at[jt + 1]], rows1, sem1)
            pltpu.make_async_copy(h_hbm.at[src_v.at[jt]], rows0, sem0).wait()
            pltpu.sync_copy(rows0, acc.at[dst_v.at[jt]], add=True)
            pltpu.make_async_copy(h_hbm.at[src_v.at[jt + 1]], rows1, sem1).wait()
            pltpu.sync_copy(rows1, acc.at[dst_v.at[jt + 1]], add=True)

        plsc.subcore_barrier()
        pltpu.sync_copy(
            acc.at[pl.ds(base, _ROWS_PER_TILE)],
            out_hbm.at[c, pl.ds(base, _ROWS_PER_TILE)],
        )

    return k


_B = 2000


def _dinv(dp):
    return 1.0 / jnp.sqrt(1.0 + dp[0, :, :1] + dp[1, :, :1])


def _mm_first_body(x_ref, dp_ref, w_ref, o_ref):
    dinv = _dinv(dp_ref[...])
    o_ref[...] = dinv * jnp.dot(
        x_ref[...], w_ref[...], preferred_element_type=jnp.float32
    )


def _mm_first(x, dp, w):
    din, dout = w.shape
    return pl.pallas_call(
        _mm_first_body,
        grid=(_N // _B,),
        in_specs=[
            pl.BlockSpec((_B, din), lambda i: (i, 0)),
            pl.BlockSpec((2, _B, _DEG_SC), lambda i: (0, i, 0)),
            pl.BlockSpec((din, dout), lambda i: (0, 0)),
        ],
        out_specs=pl.BlockSpec((_B, dout), lambda i: (i, 0)),
        out_shape=jax.ShapeDtypeStruct((_N, dout), jnp.float32),
    )(x, dp, w)


def _layer_body(p_ref, h_ref, dp_ref, b_ref, w_ref, o_ref):
    dinv = _dinv(dp_ref[...])
    xb = jnp.maximum(
        dinv * (p_ref[0] + p_ref[1] + h_ref[...]) + b_ref[...], 0.0
    )
    o_ref[...] = dinv * jnp.dot(
        xb, w_ref[...], preferred_element_type=jnp.float32
    )


def _layer(p, h, dp, b, w):
    din, dout = w.shape
    return pl.pallas_call(
        _layer_body,
        grid=(_N // _B,),
        in_specs=[
            pl.BlockSpec((2, _B, din), lambda i: (0, i, 0)),
            pl.BlockSpec((_B, din), lambda i: (i, 0)),
            pl.BlockSpec((2, _B, _DEG_SC), lambda i: (0, i, 0)),
            pl.BlockSpec((1, din), lambda i: (0, 0)),
            pl.BlockSpec((din, dout), lambda i: (0, 0)),
        ],
        out_specs=pl.BlockSpec((_B, dout), lambda i: (i, 0)),
        out_shape=jax.ShapeDtypeStruct((_N, dout), jnp.float32),
    )(p, h, dp, b, w)


def _final_body(
    p_ref, h_ref, dp_ref, b_ref, bt_ref, wl_ref, bl_ref,
    o_ref, sums, cnts
):
    i = pl.program_id(0)
    dinv = _dinv(dp_ref[...])
    xb = jnp.maximum(
        dinv * (p_ref[0] + p_ref[1] + h_ref[...]) + b_ref[...], 0.0
    )
    segs = lax.broadcasted_iota(jnp.int32, (_B, _G), 1).astype(jnp.float32)
    mask = (bt_ref[...][:, :1] == segs).astype(jnp.float32)
    dims = (((0,), (0,)), ((), ()))
    psum = lax.dot_general(mask, xb, dims, preferred_element_type=jnp.float32, precision=lax.Precision.HIGHEST)
    pcnt = lax.dot_general(
        mask, jnp.ones_like(xb), dims, preferred_element_type=jnp.float32, precision=lax.Precision.HIGHEST
    )

    @pl.when(i == 0)
    def _():
        sums[...] = jnp.zeros_like(sums)
        cnts[...] = jnp.zeros_like(cnts)

    sums[...] += psum
    cnts[...] += pcnt

    @pl.when(i == (_N // _B) - 1)
    def _():
        pooled = sums[...] / jnp.maximum(cnts[...], 1.0)
        mu = jnp.mean(pooled, axis=1, keepdims=True)
        var = jnp.mean((pooled - mu) ** 2, axis=1, keepdims=True)
        xn = (pooled - mu) / jnp.sqrt(var + 1e-5)
        o_ref[...] = (
            jnp.dot(xn, wl_ref[...], preferred_element_type=jnp.float32)
            + bl_ref[...]
        )


def _final(p, h, dp, b, batchf, wl, bl2):
    din = h.shape[1]
    return pl.pallas_call(
        _final_body,
        grid=(_N // _B,),
        in_specs=[
            pl.BlockSpec((2, _B, din), lambda i: (0, i, 0)),
            pl.BlockSpec((_B, din), lambda i: (i, 0)),
            pl.BlockSpec((2, _B, _DEG_SC), lambda i: (0, i, 0)),
            pl.BlockSpec((1, din), lambda i: (0, 0)),
            pl.BlockSpec((_B, _DEG_W), lambda i: (i, 0)),
            pl.BlockSpec((din, 1), lambda i: (0, 0)),
            pl.BlockSpec((1, 1), lambda i: (0, 0)),
        ],
        out_specs=pl.BlockSpec((_G, 1), lambda i: (0, 0)),
        out_shape=jax.ShapeDtypeStruct((_G, 1), jnp.float32),
        scratch_shapes=[
            pltpu.VMEM((_G, din), jnp.float32),
            pltpu.VMEM((_G, din), jnp.float32),
        ],
    )(p, h, dp, b, batchf, wl, bl2)


def kernel(x, edge_index, batch, W1, b1, W2, b2, W3, b3, W4, b4, W5, b5, Wl, bl):
    e = edge_index.shape[1]
    n_chunks = -(-e // (_NW * _CHUNK))
    n_chunks = -(-n_chunks // 4) * 4
    e_pad = n_chunks * _NW * _CHUNK
    pad = e_pad - e
    pad_dst = _N + (jnp.arange(pad, dtype=jnp.int32) % (_N_PAD - _N))
    pad_src = jnp.arange(pad, dtype=jnp.int32) % _N
    src = jnp.concatenate([edge_index[0], pad_src]).reshape(_NW, n_chunks, _CHUNK)
    dst = jnp.concatenate([edge_index[1], pad_dst]).reshape(_NW, n_chunks, _CHUNK)

    zeros128 = jnp.zeros((_CHUNK, 128), jnp.float32)
    onesd = jnp.ones((_CHUNK, _DEG_SC), jnp.float32)

    dpart = _make_deg(n_chunks)(dst, onesd, zeros128)

    def pad_w(w):
        return jnp.zeros((128, 128), jnp.float32).at[: w.shape[0], : w.shape[1]].set(w)

    def pad_b(b):
        return jnp.zeros((128,), jnp.float32).at[: b.shape[0]].set(b)

    scatter = _make_scatter(n_chunks, 128)
    h = _mm_first(x, dpart, W1)
    weights = [(b1, pad_w(W2)), (pad_b(b2), pad_w(W3)),
               (pad_b(b3), pad_w(W4)), (pad_b(b4), pad_w(W5))]
    for b_prev, w_next in weights:
        p = scatter(h, src, dst, zeros128)
        h = _layer(p, h, dpart, b_prev[None, :], w_next)

    p = scatter(h, src, dst, zeros128)
    batchf = jnp.broadcast_to(
        batch.astype(jnp.float32)[:, None], (_N, _DEG_W)
    )
    return _final(
        p, h, dpart, b5[None, :], batchf, Wl, bl.reshape(1, 1)
    )

# --- scband reference (transcript-rebuilt; emitter-appended) ---
"""Pipeline reference for scband-gcn3-18373870092669 (READ-ONLY COPY).

The authoritative reference and input builder live on the scoring server;
editing this copy changes nothing except your own understanding.
"""

import jax, jax.numpy as jnp
import numpy as np

N = 10000
E = 320000
G = 64
D_IN = 128
H = 128


def _glorot(key, shape):
    fan_in, fan_out = shape[0], shape[1]
    scale = jnp.sqrt(6.0 / (fan_in + fan_out))
    return jax.random.uniform(key, shape, dtype=jnp.float32, minval=-scale, maxval=scale)


def setup_inputs(seed: int = 0) -> dict:
    key = jax.random.key(seed)
    ks = jax.random.split(key, 20)
    x = jax.random.normal(ks[0], (N, D_IN), dtype=jnp.float32)
    edge_index = jax.random.randint(ks[1], (2, E), 0, N, dtype=jnp.int32)
    batch = jnp.sort(jax.random.randint(ks[2], (N,), 0, G, dtype=jnp.int32))
    dims = [(D_IN, H), (H, H // 2), (H // 2, H // 4), (H // 4, H // 2), (H // 2, H)]
    inp = {"x": x, "edge_index": edge_index, "batch": batch}
    for i, (di, do) in enumerate(dims):
        inp[f"W{i+1}"] = _glorot(ks[3 + 2 * i], (di, do))
        inp[f"b{i+1}"] = jnp.zeros((do,), dtype=jnp.float32)
    inp["Wl"] = _glorot(ks[15], (H, 1))
    inp["bl"] = jnp.zeros((1,), dtype=jnp.float32)
    return inp


def gcn_conv(x, edge_index, W, b):
    n = x.shape[0]
    loops = jnp.arange(n, dtype=edge_index.dtype)
    src = jnp.concatenate([edge_index[0], loops])
    dst = jnp.concatenate([edge_index[1], loops])
    deg = jax.ops.segment_sum(jnp.ones(src.shape, dtype=x.dtype), dst, num_segments=n)
    dinv = jnp.where(deg > 0, 1.0 / jnp.sqrt(deg), 0.0)
    norm = dinv[src] * dinv[dst]
    h = x @ W
    out = jax.ops.segment_sum(h[src] * norm[:, None], dst, num_segments=n)
    return out + b


def reference(x, edge_index, batch, W1, b1, W2, b2, W3, b3, W4, b4, W5, b5, Wl, bl):
    # eval mode: dropout is identity
    x = jax.nn.relu(gcn_conv(x, edge_index, W1, b1))
    x = jax.nn.relu(gcn_conv(x, edge_index, W2, b2))
    x = jax.nn.relu(gcn_conv(x, edge_index, W3, b3))
    x = jax.nn.relu(gcn_conv(x, edge_index, W4, b4))
    x = jax.nn.relu(gcn_conv(x, edge_index, W5, b5))
    sums = jax.ops.segment_sum(x, batch, num_segments=G)
    counts = jax.ops.segment_sum(jnp.ones((x.shape[0], 1), dtype=x.dtype), batch, num_segments=G)
    pooled = sums / jnp.maximum(counts, 1.0)
    mu = pooled.mean(axis=-1, keepdims=True)
    var = pooled.var(axis=-1, keepdims=True)
    xn = (pooled - mu) / jnp.sqrt(var + 1e-5)
    return xn @ Wl + bl

if __name__ == "__main__":
    import jax
    _d = setup_inputs()
    print(jax.jit(kernel)(*tuple(_d.values())))

</pallas_src>

<mosaic_0001>
#map = affine_map<(d0, d1) -> (0, 0, 0)>
#map1 = affine_map<(d0, d1) -> (0, 0)>
module attributes {stable_mosaic.version = 14 : i64} {
  func.func @k(%arg0: i32, %arg1: i32, %arg2: memref<32x80x128xi32, #tpu.memory_space<hbm>>, %arg3: memref<128x128xf32, #tpu.memory_space<hbm>>, %arg4: memref<128x128xf32, #tpu.memory_space<hbm>>, %arg5: memref<2x10240x128xf32, #tpu.memory_space<hbm>>, %arg6: memref<80x128xi32, #tpu.memory_space<vmem>>, %arg7: memref<128x128xf32, #tpu.memory_space<vmem>>, %arg8: memref<10240x128xf32, #tpu.memory_space<vmem_shared>>, %arg9: memref<!tpu.dma_semaphore, #tpu.memory_space<semaphore_mem>>) attributes {dimension_semantics = [#tpu.dimension_semantics<core_parallel>, #tpu.dimension_semantics<subcore_parallel>], iteration_bounds = array<i64: 2, 16>, scalar_prefetch = 0 : i64, scratch_operands = 4 : i64, tpu.core_type = #tpu.core_type<sc_vector_subcore>, window_params = [{transform_indices = #map}, {transform_indices = #map1}, {transform_indices = #map1}, {transform_indices = #map}]} {
    %mul3A = arith.constant 16 : i32
    %mul3A_0 = arith.muli %arg0, %mul3A : i32
    %add3A = arith.addi %mul3A_0, %arg1 : i32
    "tpu.region"() ({
      %run_scoped3A = tpu.sem_alloc : memref<!tpu.dma_semaphore, #tpu.memory_space<semaphore_mem>>
      %dma_start3A = arith.constant 0 : i32
      %dma_start3A_13 = arith.constant 0 : i32
      %dma_start3A_14 = tpu.memref_slice %arg2[%add3A, %dma_start3A, %dma_start3A_13] : memref<32x80x128xi32, #tpu.memory_space<hbm>> -> memref<1x80x128xi32, #tpu.memory_space<hbm>>
      %dma_start3A_15 = tpu.memref_squeeze %dma_start3A_14 : memref<1x80x128xi32, #tpu.memory_space<hbm>> -> memref<80x128xi32, #tpu.memory_space<hbm>>
      %dma_start3A_16 = arith.constant 0 : i32
      %dma_start3A_17 = arith.constant 0 : i32
      %dma_start3A_18 = tpu.memref_slice %arg2[%add3A, %dma_start3A_16, %dma_start3A_17] : memref<32x80x128xi32, #tpu.memory_space<hbm>> -> memref<1x80x128xi32, #tpu.memory_space<hbm>>
      %dma_start3A_19 = tpu.memref_squeeze %dma_start3A_18 : memref<1x80x128xi32, #tpu.memory_space<hbm>> -> memref<80x128xi32, #tpu.memory_space<hbm>>
      tpu.enqueue_dma source(%dma_start3A_19 : memref<80x128xi32, #tpu.memory_space<hbm>>) target(%arg6 : memref<80x128xi32, #tpu.memory_space<vmem>>) target_semaphore(%run_scoped3A : memref<!tpu.dma_semaphore, #tpu.memory_space<semaphore_mem>>)
      %dma_wait3A = arith.constant 0 : i32
      %dma_wait3A_20 = arith.constant 0 : i32
      %dma_wait3A_21 = tpu.memref_slice %arg2[%add3A, %dma_wait3A, %dma_wait3A_20] : memref<32x80x128xi32, #tpu.memory_space<hbm>> -> memref<1x80x128xi32, #tpu.memory_space<hbm>>
      %dma_wait3A_22 = tpu.memref_squeeze %dma_wait3A_21 : memref<1x80x128xi32, #tpu.memory_space<hbm>> -> memref<80x128xi32, #tpu.memory_space<hbm>>
      %dma_wait3A_23 = arith.constant 0 : i32
      %dma_wait3A_24 = arith.constant 0 : i32
      %dma_wait3A_25 = tpu.memref_slice %arg2[%add3A, %dma_wait3A_23, %dma_wait3A_24] : memref<32x80x128xi32, #tpu.memory_space<hbm>> -> memref<1x80x128xi32, #tpu.memory_space<hbm>>
      %dma_wait3A_26 = tpu.memref_squeeze %dma_wait3A_25 : memref<1x80x128xi32, #tpu.memory_space<hbm>> -> memref<80x128xi32, #tpu.memory_space<hbm>>
      tpu.wait_dma2 semaphore(%run_scoped3A : memref<!tpu.dma_semaphore, #tpu.memory_space<semaphore_mem>>) src(%dma_wait3A_26 : memref<80x128xi32, #tpu.memory_space<hbm>>) dst(%arg6 : memref<80x128xi32, #tpu.memory_space<vmem>>)
      tpu.yield
    }) : () -> ()
    "tpu.region"() ({
      %run_scoped3A = tpu.sem_alloc : memref<!tpu.dma_semaphore, #tpu.memory_space<semaphore_mem>>
      tpu.enqueue_dma source(%arg3 : memref<128x128xf32, #tpu.memory_space<hbm>>) target(%arg7 : memref<128x128xf32, #tpu.memory_space<vmem>>) target_semaphore(%run_scoped3A : memref<!tpu.dma_semaphore, #tpu.memory_space<semaphore_mem>>)
      tpu.wait_dma2 semaphore(%run_scoped3A : memref<!tpu.dma_semaphore, #tpu.memory_space<semaphore_mem>>) src(%arg3 : memref<128x128xf32, #tpu.memory_space<hbm>>) dst(%arg7 : memref<128x128xf32, #tpu.memory_space<vmem>>)
      tpu.yield
    }) : () -> ()
    %mul3A_1 = arith.constant 640 : i32
    %mul3A_2 = arith.muli %arg1, %mul3A_1 : i32
    %scan3A = arith.constant 0 : i32
    %scan3A_3 = arith.constant 5 : i32
    %scan3A_4 = arith.addi %scan3A, %scan3A_3 : i32
    %scan3A_5 = arith.constant 1 : i32
    scf.for %scan3A_13 = %scan3A to %scan3A_4 step %scan3A_5  : i32 {
      %mul3A_14 = arith.constant 1 : i32
      %mul3A_15 = arith.muli %scan3A_13, %mul3A_14 : i32
      %add3A_16 = arith.constant 0 : i32
      %add3A_17 = arith.addi %add3A_16, %mul3A_15 : i32
      %mul3A_18 = arith.constant 128 : i32
      %mul3A_19 = arith.muli %add3A_17, %mul3A_18 : i32
      %add3A_20 = arith.addi %mul3A_2, %mul3A_19 : i32
      "tpu.region"() ({
        %run_scoped3A = tpu.sem_alloc : memref<!tpu.dma_semaphore, #tpu.memory_space<semaphore_mem>>
        %dma_start3A = arith.constant 0 : i32
        %dma_start3A_21 = tpu.memref_slice %arg8[%add3A_20, %dma_start3A] : memref<10240x128xf32, #tpu.memory_space<vmem_shared>> -> memref<128x128xf32, #tpu.memory_space<vmem_shared>>
        tpu.enqueue_dma source(%arg4 : memref<128x128xf32, #tpu.memory_space<hbm>>) target(%dma_start3A_21 : memref<128x128xf32, #tpu.memory_space<vmem_shared>>) target_semaphore(%run_scoped3A : memref<!tpu.dma_semaphore, #tpu.memory_space<semaphore_mem>>)
        %dma_wait3A = arith.constant 0 : i32
        %dma_wait3A_22 = tpu.memref_slice %arg8[%add3A_20, %dma_wait3A] : memref<10240x128xf32, #tpu.memory_space<vmem_shared>> -> memref<128x128xf32, #tpu.memory_space<vmem_shared>>
        tpu.wait_dma2 semaphore(%run_scoped3A : memref<!tpu.dma_semaphore, #tpu.memory_space<semaphore_mem>>) src(%arg4 : memref<128x128xf32, #tpu.memory_space<hbm>>) dst(%dma_wait3A_22 : memref<128x128xf32, #tpu.memory_space<vmem_shared>>)
        tpu.yield
      }) : () -> ()
    }
    %scan3A_6 = arith.constant 5 : i32
    %barrier3A = arith.constant 0 : index
    tpu.barrier barrier_id(%barrier3A)
    %scan3A_7 = arith.constant 0 : i32
    %scan3A_8 = arith.constant 5 : i32
    %scan3A_9 = arith.addi %scan3A_7, %scan3A_8 : i32
    %scan3A_10 = arith.constant 1 : i32
    scf.for %scan3A_13 = %scan3A_7 to %scan3A_9 step %scan3A_10  : i32 {
      %mul3A_14 = arith.constant 16 : i32
      %mul3A_15 = arith.muli %scan3A_13, %mul3A_14 : i32
      %add3A_16 = arith.constant 0 : i32
      %add3A_17 = arith.addi %add3A_16, %mul3A_15 : i32
      %add3A_18 = arith.constant 0 : i32
      %add3A_19 = arith.addi %add3A_17, %add3A_18 : i32
      %dma_start3A = arith.constant 0 : i32
      %dma_start3A_20 = tpu.memref_slice %arg6[%add3A_19, %dma_start3A] : memref<80x128xi32, #tpu.memory_space<vmem>> -> memref<1x128xi32, #tpu.memory_space<vmem>>
      %dma_start3A_21 = tpu.memref_squeeze %dma_start3A_20 : memref<1x128xi32, #tpu.memory_space<vmem>> -> memref<128xi32, #tpu.memory_space<vmem>>
      %dma_start3A_22 = arith.constant 0 : i32
      %dma_start3A_23 = arith.constant 0 : i32
      %dma_start3A_24 = tpu.memref_slice %arg8[%dma_start3A_22, %dma_start3A_23] : memref<10240x128xf32, #tpu.memory_space<vmem_shared>> -> memref<10240x128xf32, #tpu.memory_space<vmem_shared>>
      tpu.enqueue_indirect_dma source(%arg7 : memref<128x128xf32, #tpu.memory_space<vmem>>) target(%dma_start3A_24 : memref<10240x128xf32, #tpu.memory_space<vmem_shared>>) offsets(%dma_start3A_21 : memref<128xi32, #tpu.memory_space<vmem>>) semaphore(%arg9 : memref<!tpu.dma_semaphore, #tpu.memory_space<semaphore_mem>>) {add = true}
      %add3A_25 = arith.constant 1 : i32
      %add3A_26 = arith.addi %add3A_17, %add3A_25 : i32
      %dma_start3A_27 = arith.constant 0 : i32
      %dma_start3A_28 = tpu.memref_slice %arg6[%add3A_26, %dma_start3A_27] : memref<80x128xi32, #tpu.memory_space<vmem>> -> memref<1x128xi32, #tpu.memory_space<vmem>>
      %dma_start3A_29 = tpu.memref_squeeze %dma_start3A_28 : memref<1x128xi32, #tpu.memory_space<vmem>> -> memref<128xi32, #tpu.memory_space<vmem>>
      %dma_start3A_30 = arith.constant 0 : i32
      %dma_start3A_31 = arith.constant 0 : i32
      %dma_start3A_32 = tpu.memref_slice %arg8[%dma_start3A_30, %dma_start3A_31] : memref<10240x128xf32, #tpu.memory_space<vmem_shared>> -> memref<10240x128xf32, #tpu.memory_space<vmem_shared>>
      tpu.enqueue_indirect_dma source(%arg7 : memref<128x128xf32, #tpu.memory_space<vmem>>) target(%dma_start3A_32 : memref<10240x128xf32, #tpu.memory_space<vmem_shared>>) offsets(%dma_start3A_29 : memref<128xi32, #tpu.memory_space<vmem>>) semaphore(%arg9 : memref<!tpu.dma_semaphore, #tpu.memory_space<semaphore_mem>>) {add = true}
      %add3A_33 = arith.constant 2 : i32
      %add3A_34 = arith.addi %add3A_17, %add3A_33 : i32
      %dma_start3A_35 = arith.constant 0 : i32
      %dma_start3A_36 = tpu.memref_slice %arg6[%add3A_34, %dma_start3A_35] : memref<80x128xi32, #tpu.memory_space<vmem>> -> memref<1x128xi32, #tpu.memory_space<vmem>>
      %dma_start3A_37 = tpu.memref_squeeze %dma_start3A_36 : memref<1x128xi32, #tpu.memory_space<vmem>> -> memref<128xi32, #tpu.memory_space<vmem>>
      %dma_start3A_38 = arith.constant 0 : i32
      %dma_start3A_39 = arith.constant 0 : i32
      %dma_start3A_40 = tpu.memref_slice %arg8[%dma_start3A_38, %dma_start3A_39] : memref<10240x128xf32, #tpu.memory_space<vmem_shared>> -> memref<10240x128xf32, #tpu.memory_space<vmem_shared>>
      tpu.enqueue_indirect_dma source(%arg7 : memref<128x128xf32, #tpu.memory_space<vmem>>) target(%dma_start3A_40 : memref<10240x128xf32, #tpu.memory_space<vmem_shared>>) offsets(%dma_start3A_37 : memref<128xi32, #tpu.memory_space<vmem>>) semaphore(%arg9 : memref<!tpu.dma_semaphore, #tpu.memory_space<semaphore_mem>>) {add = true}
      %add3A_41 = arith.constant 3 : i32
      %add3A_42 = arith.addi %add3A_17, %add3A_41 : i32
      %dma_start3A_43 = arith.constant 0 : i32
      %dma_start3A_44 = tpu.memref_slice %arg6[%add3A_42, %dma_start3A_43] : memref<80x128xi32, #tpu.memory_space<vmem>> -> memref<1x128xi32, #tpu.memory_space<vmem>>
      %dma_start3A_45 = tpu.memref_squeeze %dma_start3A_44 : memref<1x128xi32, #tpu.memory_space<vmem>> -> memref<128xi32, #tpu.memory_space<vmem>>
      %dma_start3A_46 = arith.constant 0 : i32
      %dma_start3A_47 = arith.constant 0 : i32
      %dma_start3A_48 = tpu.memref_slice %arg8[%dma_start3A_46, %dma_start3A_47] : memref<10240x128xf32, #tpu.memory_space<vmem_shared>> -> memref<10240x128xf32, #tpu.memory_space<vmem_shared>>
      tpu.enqueue_indirect_dma source(%arg7 : memref<128x128xf32, #tpu.memory_space<vmem>>) target(%dma_start3A_48 : memref<10240x128xf32, #tpu.memory_space<vmem_shared>>) offsets(%dma_start3A_45 : memref<128xi32, #tpu.memory_space<vmem>>) semaphore(%arg9 : memref<!tpu.dma_semaphore, #tpu.memory_space<semaphore_mem>>) {add = true}
      %add3A_49 = arith.constant 4 : i32
      %add3A_50 = arith.addi %add3A_17, %add3A_49 : i32
      %dma_start3A_51 = arith.constant 0 : i32
      %dma_start3A_52 = tpu.memref_slice %arg6[%add3A_50, %dma_start3A_51] : memref<80x128xi32, #tpu.memory_space<vmem>> -> memref<1x128xi32, #tpu.memory_space<vmem>>
      %dma_start3A_53 = tpu.memref_squeeze %dma_start3A_52 : memref<1x128xi32, #tpu.memory_space<vmem>> -> memref<128xi32, #tpu.memory_space<vmem>>
      %dma_start3A_54 = arith.constant 0 : i32
      %dma_start3A_55 = arith.constant 0 : i32
      %dma_start3A_56 = tpu.memref_slice %arg8[%dma_start3A_54, %dma_start3A_55] : memref<10240x128xf32, #tpu.memory_space<vmem_shared>> -> memref<10240x128xf32, #tpu.memory_space<vmem_shared>>
      tpu.enqueue_indirect_dma source(%arg7 : memref<128x128xf32, #tpu.memory_space<vmem>>) target(%dma_start3A_56 : memref<10240x128xf32, #tpu.memory_space<vmem_shared>>) offsets(%dma_start3A_53 : memref<128xi32, #tpu.memory_space<vmem>>) semaphore(%arg9 : memref<!tpu.dma_semaphore, #tpu.memory_space<semaphore_mem>>) {add = true}
      %add3A_57 = arith.constant 5 : i32
      %add3A_58 = arith.addi %add3A_17, %add3A_57 : i32
      %dma_start3A_59 = arith.constant 0 : i32
      %dma_start3A_60 = tpu.memref_slice %arg6[%add3A_58, %dma_start3A_59] : memref<80x128xi32, #tpu.memory_space<vmem>> -> memref<1x128xi32, #tpu.memory_space<vmem>>
      %dma_start3A_61 = tpu.memref_squeeze %dma_start3A_60 : memref<1x128xi32, #tpu.memory_space<vmem>> -> memref<128xi32, #tpu.memory_space<vmem>>
      %dma_start3A_62 = arith.constant 0 : i32
      %dma_start3A_63 = arith.constant 0 : i32
      %dma_start3A_64 = tpu.memref_slice %arg8[%dma_start3A_62, %dma_start3A_63] : memref<10240x128xf32, #tpu.memory_space<vmem_shared>> -> memref<10240x128xf32, #tpu.memory_space<vmem_shared>>
      tpu.enqueue_indirect_dma source(%arg7 : memref<128x128xf32, #tpu.memory_space<vmem>>) target(%dma_start3A_64 : memref<10240x128xf32, #tpu.memory_space<vmem_shared>>) offsets(%dma_start3A_61 : memref<128xi32, #tpu.memory_space<vmem>>) semaphore(%arg9 : memref<!tpu.dma_semaphore, #tpu.memory_space<semaphore_mem>>) {add = true}
      %add3A_65 = arith.constant 6 : i32
      %add3A_66 = arith.addi %add3A_17, %add3A_65 : i32
      %dma_start3A_67 = arith.constant 0 : i32
      %dma_start3A_68 = tpu.memref_slice %arg6[%add3A_66, %dma_start3A_67] : memref<80x128xi32, #tpu.memory_space<vmem>> -> memref<1x128xi32, #tpu.memory_space<vmem>>
      %dma_start3A_69 = tpu.memref_squeeze %dma_start3A_68 : memref<1x128xi32, #tpu.memory_space<vmem>> -> memref<128xi32, #tpu.memory_space<vmem>>
      %dma_start3A_70 = arith.constant 0 : i32
      %dma_start3A_71 = arith.constant 0 : i32
      %dma_start3A_72 = tpu.memref_slice %arg8[%dma_start3A_70, %dma_start3A_71] : memref<10240x128xf32, #tpu.memory_space<vmem_shared>> -> memref<10240x128xf32, #tpu.memory_space<vmem_shared>>
      tpu.enqueue_indirect_dma source(%arg7 : memref<128x128xf32, #tpu.memory_space<vmem>>) target(%dma_start3A_72 : memref<10240x128xf32, #tpu.memory_space<vmem_shared>>) offsets(%dma_start3A_69 : memref<128xi32, #tpu.memory_space<vmem>>) semaphore(%arg9 : memref<!tpu.dma_semaphore, #tpu.memory_space<semaphore_mem>>) {add = true}
      %add3A_73 = arith.constant 7 : i32
      %add3A_74 = arith.addi %add3A_17, %add3A_73 : i32
      %dma_start3A_75 = arith.constant 0 : i32
      %dma_start3A_76 = tpu.memref_slice %arg6[%add3A_74, %dma_start3A_75] : memref<80x128xi32, #tpu.memory_space<vmem>> -> memref<1x128xi32, #tpu.memory_space<vmem>>
      %dma_start3A_77 = tpu.memref_squeeze %dma_start3A_76 : memref<1x128xi32, #tpu.memory_space<vmem>> -> memref<128xi32, #tpu.memory_space<vmem>>
      %dma_start3A_78 = arith.constant 0 : i32
      %dma_start3A_79 = arith.constant 0 : i32
      %dma_start3A_80 = tpu.memref_slice %arg8[%dma_start3A_78, %dma_start3A_79] : memref<10240x128xf32, #tpu.memory_space<vmem_shared>> -> memref<10240x128xf32, #tpu.memory_space<vmem_shared>>
      tpu.enqueue_indirect_dma source(%arg7 : memref<128x128xf32, #tpu.memory_space<vmem>>) target(%dma_start3A_80 : memref<10240x128xf32, #tpu.memory_space<vmem_shared>>) offsets(%dma_start3A_77 : memref<128xi32, #tpu.memory_space<vmem>>) semaphore(%arg9 : memref<!tpu.dma_semaphore, #tpu.memory_space<semaphore_mem>>) {add = true}
      %add3A_81 = arith.constant 8 : i32
      %add3A_82 = arith.addi %add3A_17, %add3A_81 : i32
      %dma_start3A_83 = arith.constant 0 : i32
      %dma_start3A_84 = tpu.memref_slice %arg6[%add3A_82, %dma_start3A_83] : memref<80x128xi32, #tpu.memory_space<vmem>> -> memref<1x128xi32, #tpu.memory_space<vmem>>
      %dma_start3A_85 = tpu.memref_squeeze %dma_start3A_84 : memref<1x128xi32, #tpu.memory_space<vmem>> -> memref<128xi32, #tpu.memory_space<vmem>>
      %dma_start3A_86 = arith.constant 0 : i32
      %dma_start3A_87 = arith.constant 0 : i32
      %dma_start3A_88 = tpu.memref_slice %arg8[%dma_start3A_86, %dma_start3A_87] : memref<10240x128xf32, #tpu.memory_space<vmem_shared>> -> memref<10240x128xf32, #tpu.memory_space<vmem_shared>>
      tpu.enqueue_indirect_dma source(%arg7 : memref<128x128xf32, #tpu.memory_space<vmem>>) target(%dma_start3A_88 : memref<10240x128xf32, #tpu.memory_space<vmem_shared>>) offsets(%dma_start3A_85 : memref<128xi32, #tpu.memory_space<vmem>>) semaphore(%arg9 : memref<!tpu.dma_semaphore, #tpu.memory_space<semaphore_mem>>) {add = true}
      %add3A_89 = arith.constant 9 : i32
      %add3A_90 = arith.addi %add3A_17, %add3A_89 : i32
      %dma_start3A_91 = arith.constant 0 : i32
      %dma_start3A_92 = tpu.memref_slice %arg6[%add3A_90, %dma_start3A_91] : memref<80x128xi32, #tpu.memory_space<vmem>> -> memref<1x128xi32, #tpu.memory_space<vmem>>
      %dma_start3A_93 = tpu.memref_squeeze %dma_start3A_92 : memref<1x128xi32, #tpu.memory_space<vmem>> -> memref<128xi32, #tpu.memory_space<vmem>>
      %dma_start3A_94 = arith.constant 0 : i32
      %dma_start3A_95 = arith.constant 0 : i32
      %dma_start3A_96 = tpu.memref_slice %arg8[%dma_start3A_94, %dma_start3A_95] : memref<10240x128xf32, #tpu.memory_space<vmem_shared>> -> memref<10240x128xf32, #tpu.memory_space<vmem_shared>>
      tpu.enqueue_indirect_dma source(%arg7 : memref<128x128xf32, #tpu.memory_space<vmem>>) target(%dma_start3A_96 : memref<10240x128xf32, #tpu.memory_space<vmem_shared>>) offsets(%dma_start3A_93 : memref<128xi32, #tpu.memory_space<vmem>>) semaphore(%arg9 : memref<!tpu.dma_semaphore, #tpu.memory_space<semaphore_mem>>) {add = true}
      %add3A_97 = arith.constant 10 : i32
      %add3A_98 = arith.addi %add3A_17, %add3A_97 : i32
      %dma_start3A_99 = arith.constant 0 : i32
      %dma_start3A_100 = tpu.memref_slice %arg6[%add3A_98, %dma_start3A_99] : memref<80x128xi32, #tpu.memory_space<vmem>> -> memref<1x128xi32, #tpu.memory_space<vmem>>
      %dma_start3A_101 = tpu.memref_squeeze %dma_start3A_100 : memref<1x128xi32, #tpu.memory_space<vmem>> -> memref<128xi32, #tpu.memory_space<vmem>>
      %dma_start3A_102 = arith.constant 0 : i32
      %dma_start3A_103 = arith.constant 0 : i32
      %dma_start3A_104 = tpu.memref_slice %arg8[%dma_start3A_102, %dma_start3A_103] : memref<10240x128xf32, #tpu.memory_space<vmem_shared>> -> memref<10240x128xf32, #tpu.memory_space<vmem_shared>>
      tpu.enqueue_indirect_dma source(%arg7 : memref<128x128xf32, #tpu.memory_space<vmem>>) target(%dma_start3A_104 : memref<10240x128xf32, #tpu.memory_space<vmem_shared>>) offsets(%dma_start3A_101 : memref<128xi32, #tpu.memory_space<vmem>>) semaphore(%arg9 : memref<!tpu.dma_semaphore, #tpu.memory_space<semaphore_mem>>) {add = true}
      %add3A_105 = arith.constant 11 : i32
      %add3A_106 = arith.addi %add3A_17, %add3A_105 : i32
      %dma_start3A_107 = arith.constant 0 : i32
      %dma_start3A_108 = tpu.memref_slice %arg6[%add3A_106, %dma_start3A_107] : memref<80x128xi32, #tpu.memory_space<vmem>> -> memref<1x128xi32, #tpu.memory_space<vmem>>
      %dma_start3A_109 = tpu.memref_squeeze %dma_start3A_108 : memref<1x128xi32, #tpu.memory_space<vmem>> -> memref<128xi32, #tpu.memory_space<vmem>>
      %dma_start3A_110 = arith.constant 0 : i32
      %dma_start3A_111 = arith.constant 0 : i32
      %dma_start3A_112 = tpu.memref_slice %arg8[%dma_start3A_110, %dma_start3A_111] : memref<10240x128xf32, #tpu.memory_space<vmem_shared>> -> memref<10240x128xf32, #tpu.memory_space<vmem_shared>>
      tpu.enqueue_indirect_dma source(%arg7 : memref<128x128xf32, #tpu.memory_space<vmem>>) target(%dma_start3A_112 : memref<10240x128xf32, #tpu.memory_space<vmem_shared>>) offsets(%dma_start3A_109 : memref<128xi32, #tpu.memory_space<vmem>>) semaphore(%arg9 : memref<!tpu.dma_semaphore, #tpu.memory_space<semaphore_mem>>) {add = true}
      %add3A_113 = arith.constant 12 : i32
      %add3A_114 = arith.addi %add3A_17, %add3A_113 : i32
      %dma_start3A_115 = arith.constant 0 : i32
      %dma_start3A_116 = tpu.memref_slice %arg6[%add3A_114, %dma_start3A_115] : memref<80x128xi32, #tpu.memory_space<vmem>> -> memref<1x128xi32, #tpu.memory_space<vmem>>
      %dma_start3A_117 = tpu.memref_squeeze %dma_start3A_116 : memref<1x128xi32, #tpu.memory_space<vmem>> -> memref<128xi32, #tpu.memory_space<vmem>>
      %dma_start3A_118 = arith.constant 0 : i32
      %dma_start3A_119 = arith.constant 0 : i32
      %dma_start3A_120 = tpu.memref_slice %arg8[%dma_start3A_118, %dma_start3A_119] : memref<10240x128xf32, #tpu.memory_space<vmem_shared>> -> memref<10240x128xf32, #tpu.memory_space<vmem_shared>>
      tpu.enqueue_indirect_dma source(%arg7 : memref<128x128xf32, #tpu.memory_space<vmem>>) target(%dma_start3A_120 : memref<10240x128xf32, #tpu.memory_space<vmem_shared>>) offsets(%dma_start3A_117 : memref<128xi32, #tpu.memory_space<vmem>>) semaphore(%arg9 : memref<!tpu.dma_semaphore, #tpu.memory_space<semaphore_mem>>) {add = true}
      %add3A_121 = arith.constant 13 : i32
      %add3A_122 = arith.addi %add3A_17, %add3A_121 : i32
      %dma_start3A_123 = arith.constant 0 : i32
      %dma_start3A_124 = tpu.memref_slice %arg6[%add3A_122, %dma_start3A_123] : memref<80x128xi32, #tpu.memory_space<vmem>> -> memref<1x128xi32, #tpu.memory_space<vmem>>
      %dma_start3A_125 = tpu.memref_squeeze %dma_start3A_124 : memref<1x128xi32, #tpu.memory_space<vmem>> -> memref<128xi32, #tpu.memory_space<vmem>>
      %dma_start3A_126 = arith.constant 0 : i32
      %dma_start3A_127 = arith.constant 0 : i32
      %dma_start3A_128 = tpu.memref_slice %arg8[%dma_start3A_126, %dma_start3A_127] : memref<10240x128xf32, #tpu.memory_space<vmem_shared>> -> memref<10240x128xf32, #tpu.memory_space<vmem_shared>>
      tpu.enqueue_indirect_dma source(%arg7 : memref<128x128xf32, #tpu.memory_space<vmem>>) target(%dma_start3A_128 : memref<10240x128xf32, #tpu.memory_space<vmem_shared>>) offsets(%dma_start3A_125 : memref<128xi32, #tpu.memory_space<vmem>>) semaphore(%arg9 : memref<!tpu.dma_semaphore, #tpu.memory_space<semaphore_mem>>) {add = true}
      %add3A_129 = arith.constant 14 : i32
      %add3A_130 = arith.addi %add3A_17, %add3A_129 : i32
      %dma_start3A_131 = arith.constant 0 : i32
      %dma_start3A_132 = tpu.memref_slice %arg6[%add3A_130, %dma_start3A_131] : memref<80x128xi32, #tpu.memory_space<vmem>> -> memref<1x128xi32, #tpu.memory_space<vmem>>
      %dma_start3A_133 = tpu.memref_squeeze %dma_start3A_132 : memref<1x128xi32, #tpu.memory_space<vmem>> -> memref<128xi32, #tpu.memory_space<vmem>>
      %dma_start3A_134 = arith.constant 0 : i32
      %dma_start3A_135 = arith.constant 0 : i32
      %dma_start3A_136 = tpu.memref_slice %arg8[%dma_start3A_134, %dma_start3A_135] : memref<10240x128xf32, #tpu.memory_space<vmem_shared>> -> memref<10240x128xf32, #tpu.memory_space<vmem_shared>>
      tpu.enqueue_indirect_dma source(%arg7 : memref<128x128xf32, #tpu.memory_space<vmem>>) target(%dma_start3A_136 : memref<10240x128xf32, #tpu.memory_space<vmem_shared>>) offsets(%dma_start3A_133 : memref<128xi32, #tpu.memory_space<vmem>>) semaphore(%arg9 : memref<!tpu.dma_semaphore, #tpu.memory_space<semaphore_mem>>) {add = true}
      %add3A_137 = arith.constant 15 : i32
      %add3A_138 = arith.addi %add3A_17, %add3A_137 : i32
      %dma_start3A_139 = arith.constant 0 : i32
      %dma_start3A_140 = tpu.memref_slice %arg6[%add3A_138, %dma_start3A_139] : memref<80x128xi32, #tpu.memory_space<vmem>> -> memref<1x128xi32, #tpu.memory_space<vmem>>
      %dma_start3A_141 = tpu.memref_squeeze %dma_start3A_140 : memref<1x128xi32, #tpu.memory_space<vmem>> -> memref<128xi32, #tpu.memory_space<vmem>>
      %dma_start3A_142 = arith.constant 0 : i32
      %dma_start3A_143 = arith.constant 0 : i32
      %dma_start3A_144 = tpu.memref_slice %arg8[%dma_start3A_142, %dma_start3A_143] : memref<10240x128xf32, #tpu.memory_space<vmem_shared>> -> memref<10240x128xf32, #tpu.memory_space<vmem_shared>>
      tpu.enqueue_indirect_dma source(%arg7 : memref<128x128xf32, #tpu.memory_space<vmem>>) target(%dma_start3A_144 : memref<10240x128xf32, #tpu.memory_space<vmem_shared>>) offsets(%dma_start3A_141 : memref<128xi32, #tpu.memory_space<vmem>>) semaphore(%arg9 : memref<!tpu.dma_semaphore, #tpu.memory_space<semaphore_mem>>) {add = true}
      %add3A_145 = arith.constant 0 : i32
      %add3A_146 = arith.addi %add3A_17, %add3A_145 : i32
      %dma_wait3A = arith.constant 0 : i32
      %dma_wait3A_147 = tpu.memref_slice %arg6[%add3A_146, %dma_wait3A] : memref<80x128xi32, #tpu.memory_space<vmem>> -> memref<1x128xi32, #tpu.memory_space<vmem>>
      %dma_wait3A_148 = tpu.memref_squeeze %dma_wait3A_147 : memref<1x128xi32, #tpu.memory_space<vmem>> -> memref<128xi32, #tpu.memory_space<vmem>>
      %dma_wait3A_149 = arith.constant 0 : i32
      %dma_wait3A_150 = arith.constant 0 : i32
      %dma_wait3A_151 = tpu.memref_slice %arg8[%dma_wait3A_149, %dma_wait3A_150] : memref<10240x128xf32, #tpu.memory_space<vmem_shared>> -> memref<10240x128xf32, #tpu.memory_space<vmem_shared>>
      tpu.wait_indirect_dma semaphore(%arg9 : memref<!tpu.dma_semaphore, #tpu.memory_space<semaphore_mem>>) src(%arg7 : memref<128x128xf32, #tpu.memory_space<vmem>>) dst(%dma_wait3A_151 : memref<10240x128xf32, #tpu.memory_space<vmem_shared>>)
      %add3A_152 = arith.constant 1 : i32
      %add3A_153 = arith.addi %add3A_17, %add3A_152 : i32
      %dma_wait3A_154 = arith.constant 0 : i32
      %dma_wait3A_155 = tpu.memref_slice %arg6[%add3A_153, %dma_wait3A_154] : memref<80x128xi32, #tpu.memory_space<vmem>> -> memref<1x128xi32, #tpu.memory_space<vmem>>
      %dma_wait3A_156 = tpu.memref_squeeze %dma_wait3A_155 : memref<1x128xi32, #tpu.memory_space<vmem>> -> memref<128xi32, #tpu.memory_space<vmem>>
      %dma_wait3A_157 = arith.constant 0 : i32
      %dma_wait3A_158 = arith.constant 0 : i32
      %dma_wait3A_159 = tpu.memref_slice %arg8[%dma_wait3A_157, %dma_wait3A_158] : memref<10240x128xf32, #tpu.memory_space<vmem_shared>> -> memref<10240x128xf32, #tpu.memory_space<vmem_shared>>
      tpu.wait_indirect_dma semaphore(%arg9 : memref<!tpu.dma_semaphore, #tpu.memory_space<semaphore_mem>>) src(%arg7 : memref<128x128xf32, #tpu.memory_space<vmem>>) dst(%dma_wait3A_159 : memref<10240x128xf32, #tpu.memory_space<vmem_shared>>)
      %add3A_160 = arith.constant 2 : i32
      %add3A_161 = arith.addi %add3A_17, %add3A_160 : i32
      %dma_wait3A_162 = arith.constant 0 : i32
      %dma_wait3A_163 = tpu.memref_slice %arg6[%add3A_161, %dma_wait3A_162] : memref<80x128xi32, #tpu.memory_space<vmem>> -> memref<1x128xi32, #tpu.memory_space<vmem>>
      %dma_wait3A_164 = tpu.memref_squeeze %dma_wait3A_163 : memref<1x128xi32, #tpu.memory_space<vmem>> -> memref<128xi32, #tpu.memory_space<vmem>>
      %dma_wait3A_165 = arith.constant 0 : i32
      %dma_wait3A_166 = arith.constant 0 : i32
      %dma_wait3A_167 = tpu.memref_slice %arg8[%dma_wait3A_165, %dma_wait3A_166] : memref<10240x128xf32, #tpu.memory_space<vmem_shared>> -> memref<10240x128xf32, #tpu.memory_space<vmem_shared>>
      tpu.wait_indirect_dma semaphore(%arg9 : memref<!tpu.dma_semaphore, #tpu.memory_space<semaphore_mem>>) src(%arg7 : memref<128x128xf32, #tpu.memory_space<vmem>>) dst(%dma_wait3A_167 : memref<10240x128xf32, #tpu.memory_space<vmem_shared>>)
      %add3A_168 = arith.constant 3 : i32
      %add3A_169 = arith.addi %add3A_17, %add3A_168 : i32
      %dma_wait3A_170 = arith.constant 0 : i32
      %dma_wait3A_171 = tpu.memref_slice %arg6[%add3A_169, %dma_wait3A_170] : memref<80x128xi32, #tpu.memory_space<vmem>> -> memref<1x128xi32, #tpu.memory_space<vmem>>
      %dma_wait3A_172 = tpu.memref_squeeze %dma_wait3A_171 : memref<1x128xi32, #tpu.memory_space<vmem>> -> memref<128xi32, #tpu.memory_space<vmem>>
      %dma_wait3A_173 = arith.constant 0 : i32
      %dma_wait3A_174 = arith.constant 0 : i32
      %dma_wait3A_175 = tpu.memref_slice %arg8[%dma_wait3A_173, %dma_wait3A_174] : memref<10240x128xf32, #tpu.memory_space<vmem_shared>> -> memref<10240x128xf32, #tpu.memory_space<vmem_shared>>
      tpu.wait_indirect_dma semaphore(%arg9 : memref<!tpu.dma_semaphore, #tpu.memory_space<semaphore_mem>>) src(%arg7 : memref<128x128xf32, #tpu.memory_space<vmem>>) dst(%dma_wait3A_175 : memref<10240x128xf32, #tpu.memory_space<vmem_shared>>)
      %add3A_176 = arith.constant 4 : i32
      %add3A_177 = arith.addi %add3A_17, %add3A_176 : i32
      %dma_wait3A_178 = arith.constant 0 : i32
      %dma_wait3A_179 = tpu.memref_slice %arg6[%add3A_177, %dma_wait3A_178] : memref<80x128xi32, #tpu.memory_space<vmem>> -> memref<1x128xi32, #tpu.memory_space<vmem>>
      %dma_wait3A_180 = tpu.memref_squeeze %dma_wait3A_179 : memref<1x128xi32, #tpu.memory_space<vmem>> -> memref<128xi32, #tpu.memory_space<vmem>>
      %dma_wait3A_181 = arith.constant 0 : i32
      %dma_wait3A_182 = arith.constant 0 : i32
      %dma_wait3A_183 = tpu.memref_slice %arg8[%dma_wait3A_181, %dma_wait3A_182] : memref<10240x128xf32, #tpu.memory_space<vmem_shared>> -> memref<10240x128xf32, #tpu.memory_space<vmem_shared>>
      tpu.wait_indirect_dma semaphore(%arg9 : memref<!tpu.dma_semaphore, #tpu.memory_space<semaphore_mem>>) src(%arg7 : memref<128x128xf32, #tpu.memory_space<vmem>>) dst(%dma_wait3A_183 : memref<10240x128xf32, #tpu.memory_space<vmem_shared>>)
      %add3A_184 = arith.constant 5 : i32
      %add3A_185 = arith.addi %add3A_17, %add3A_184 : i32
      %dma_wait3A_186 = arith.constant 0 : i32
      %dma_wait3A_187 = tpu.memref_slice %arg6[%add3A_185, %dma_wait3A_186] : memref<80x128xi32, #tpu.memory_space<vmem>> -> memref<1x128xi32, #tpu.memory_space<vmem>>
      %dma_wait3A_188 = tpu.memref_squeeze %dma_wait3A_187 : memref<1x128xi32, #tpu.memory_space<vmem>> -> memref<128xi32, #tpu.memory_space<vmem>>
      %dma_wait3A_189 = arith.constant 0 : i32
      %dma_wait3A_190 = arith.constant 0 : i32
      %dma_wait3A_191 = tpu.memref_slice %arg8[%dma_wait3A_189, %dma_wait3A_190] : memref<10240x128xf32, #tpu.memory_space<vmem_shared>> -> memref<10240x128xf32, #tpu.memory_space<vmem_shared>>
      tpu.wait_indirect_dma semaphore(%arg9 : memref<!tpu.dma_semaphore, #tpu.memory_space<semaphore_mem>>) src(%arg7 : memref<128x128xf32, #tpu.memory_space<vmem>>) dst(%dma_wait3A_191 : memref<10240x128xf32, #tpu.memory_space<vmem_shared>>)
      %add3A_192 = arith.constant 6 : i32
      %add3A_193 = arith.addi %add3A_17, %add3A_192 : i32
      %dma_wait3A_194 = arith.constant 0 : i32
      %dma_wait3A_195 = tpu.memref_slice %arg6[%add3A_193, %dma_wait3A_194] : memref<80x128xi32, #tpu.memory_space<vmem>> -> memref<1x128xi32, #tpu.memory_space<vmem>>
      %dma_wait3A_196 = tpu.memref_squeeze %dma_wait3A_195 : memref<1x128xi32, #tpu.memory_space<vmem>> -> memref<128xi32, #tpu.memory_space<vmem>>
      %dma_wait3A_197 = arith.constant 0 : i32
      %dma_wait3A_198 = arith.constant 0 : i32
      %dma_wait3A_199 = tpu.memref_slice %arg8[%dma_wait3A_197, %dma_wait3A_198] : memref<10240x128xf32, #tpu.memory_space<vmem_shared>> -> memref<10240x128xf32, #tpu.memory_space<vmem_shared>>
      tpu.wait_indirect_dma semaphore(%arg9 : memref<!tpu.dma_semaphore, #tpu.memory_space<semaphore_mem>>) src(%arg7 : memref<128x128xf32, #tpu.memory_space<vmem>>) dst(%dma_wait3A_199 : memref<10240x128xf32, #tpu.memory_space<vmem_shared>>)
      %add3A_200 = arith.constant 7 : i32
      %add3A_201 = arith.addi %add3A_17, %add3A_200 : i32
      %dma_wait3A_202 = arith.constant 0 : i32
      %dma_wait3A_203 = tpu.memref_slice %arg6[%add3A_201, %dma_wait3A_202] : memref<80x128xi32, #tpu.memory_space<vmem>> -> memref<1x128xi32, #tpu.memory_space<vmem>>
      %dma_wait3A_204 = tpu.memref_squeeze %dma_wait3A_203 : memref<1x128xi32, #tpu.memory_space<vmem>> -> memref<128xi32, #tpu.memory_space<vmem>>
      %dma_wait3A_205 = arith.constant 0 : i32
      %dma_wait3A_206 = arith.constant 0 : i32
      %dma_wait3A_207 = tpu.memref_slice %arg8[%dma_wait3A_205, %dma_wait3A_206] : memref<10240x128xf32, #tpu.memory_space<vmem_shared>> -> memref<10240x128xf32, #tpu.memory_space<vmem_shared>>
      tpu.wait_indirect_dma semaphore(%arg9 : memref<!tpu.dma_semaphore, #tpu.memory_space<semaphore_mem>>) src(%arg7 : memref<128x128xf32, #tpu.memory_space<vmem>>) dst(%dma_wait3A_207 : memref<10240x128xf32, #tpu.memory_space<vmem_shared>>)
      %add3A_208 = arith.constant 8 : i32
      %add3A_209 = arith.addi %add3A_17, %add3A_208 : i32
      %dma_wait3A_210 = arith.constant 0 : i32
      %dma_wait3A_211 = tpu.memref_slice %arg6[%add3A_209, %dma_wait3A_210] : memref<80x128xi32, #tpu.memory_space<vmem>> -> memref<1x128xi32, #tpu.memory_space<vmem>>
      %dma_wait3A_212 = tpu.memref_squeeze %dma_wait3A_211 : memref<1x128xi32, #tpu.memory_space<vmem>> -> memref<128xi32, #tpu.memory_space<vmem>>
      %dma_wait3A_213 = arith.constant 0 : i32
      %dma_wait3A_214 = arith.constant 0 : i32
      %dma_wait3A_215 = tpu.memref_slice %arg8[%dma_wait3A_213, %dma_wait3A_214] : memref<10240x128xf32, #tpu.memory_space<vmem_shared>> -> memref<10240x128xf32, #tpu.memory_space<vmem_shared>>
      tpu.wait_indirect_dma semaphore(%arg9 : memref<!tpu.dma_semaphore, #tpu.memory_space<semaphore_mem>>) src(%arg7 : memref<128x128xf32, #tpu.memory_space<vmem>>) dst(%dma_wait3A_215 : memref<10240x128xf32, #tpu.memory_space<vmem_shared>>)
      %add3A_216 = arith.constant 9 : i32
      %add3A_217 = arith.addi %add3A_17, %add3A_216 : i32
      %dma_wait3A_218 = arith.constant 0 : i32
      %dma_wait3A_219 = tpu.memref_slice %arg6[%add3A_217, %dma_wait3A_218] : memref<80x128xi32, #tpu.memory_space<vmem>> -> memref<1x128xi32, #tpu.memory_space<vmem>>
      %dma_wait3A_220 = tpu.memref_squeeze %dma_wait3A_219 : memref<1x128xi32, #tpu.memory_space<vmem>> -> memref<128xi32, #tpu.memory_space<vmem>>
      %dma_wait3A_221 = arith.constant 0 : i32
      %dma_wait3A_222 = arith.constant 0 : i32
      %dma_wait3A_223 = tpu.memref_slice %arg8[%dma_wait3A_221, %dma_wait3A_222] : memref<10240x128xf32, #tpu.memory_space<vmem_shared>> -> memref<10240x128xf32, #tpu.memory_space<vmem_shared>>
      tpu.wait_indirect_dma semaphore(%arg9 : memref<!tpu.dma_semaphore, #tpu.memory_space<semaphore_mem>>) src(%arg7 : memref<128x128xf32, #tpu.memory_space<vmem>>) dst(%dma_wait3A_223 : memref<10240x128xf32, #tpu.memory_space<vmem_shared>>)
      %add3A_224 = arith.constant 10 : i32
      %add3A_225 = arith.addi %add3A_17, %add3A_224 : i32
      %dma_wait3A_226 = arith.constant 0 : i32
      %dma_wait3A_227 = tpu.memref_slice %arg6[%add3A_225, %dma_wait3A_226] : memref<80x128xi32, #tpu.memory_space<vmem>> -> memref<1x128xi32, #tpu.memory_space<vmem>>
      %dma_wait3A_228 = tpu.memref_squeeze %dma_wait3A_227 : memref<1x128xi32, #tpu.memory_space<vmem>> -> memref<128xi32, #tpu.memory_space<vmem>>
      %dma_wait3A_229 = arith.constant 0 : i32
      %dma_wait3A_230 = arith.constant 0 : i32
      %dma_wait3A_231 = tpu.memref_slice %arg8[%dma_wait3A_229, %dma_wait3A_230] : memref<10240x128xf32, #tpu.memory_space<vmem_shared>> -> memref<10240x128xf32, #tpu.memory_space<vmem_shared>>
      tpu.wait_indirect_dma semaphore(%arg9 : memref<!tpu.dma_semaphore, #tpu.memory_space<semaphore_mem>>) src(%arg7 : memref<128x128xf32, #tpu.memory_space<vmem>>) dst(%dma_wait3A_231 : memref<10240x128xf32, #tpu.memory_space<vmem_shared>>)
      %add3A_232 = arith.constant 11 : i32
      %add3A_233 = arith.addi %add3A_17, %add3A_232 : i32
      %dma_wait3A_234 = arith.constant 0 : i32
      %dma_wait3A_235 = tpu.memref_slice %arg6[%add3A_233, %dma_wait3A_234] : memref<80x128xi32, #tpu.memory_space<vmem>> -> memref<1x128xi32, #tpu.memory_space<vmem>>
      %dma_wait3A_236 = tpu.memref_squeeze %dma_wait3A_235 : memref<1x128xi32, #tpu.memory_space<vmem>> -> memref<128xi32, #tpu.memory_space<vmem>>
      %dma_wait3A_237 = arith.constant 0 : i32
      %dma_wait3A_238 = arith.constant 0 : i32
      %dma_wait3A_239 = tpu.memref_slice %arg8[%dma_wait3A_237, %dma_wait3A_238] : memref<10240x128xf32, #tpu.memory_space<vmem_shared>> -> memref<10240x128xf32, #tpu.memory_space<vmem_shared>>
      tpu.wait_indirect_dma semaphore(%arg9 : memref<!tpu.dma_semaphore, #tpu.memory_space<semaphore_mem>>) src(%arg7 : memref<128x128xf32, #tpu.memory_space<vmem>>) dst(%dma_wait3A_239 : memref<10240x128xf32, #tpu.memory_space<vmem_shared>>)
      %add3A_240 = arith.constant 12 : i32
      %add3A_241 = arith.addi %add3A_17, %add3A_240 : i32
      %dma_wait3A_242 = arith.constant 0 : i32
      %dma_wait3A_243 = tpu.memref_slice %arg6[%add3A_241, %dma_wait3A_242] : memref<80x128xi32, #tpu.memory_space<vmem>> -> memref<1x128xi32, #tpu.memory_space<vmem>>
      %dma_wait3A_244 = tpu.memref_squeeze %dma_wait3A_243 : memref<1x128xi32, #tpu.memory_space<vmem>> -> memref<128xi32, #tpu.memory_space<vmem>>
      %dma_wait3A_245 = arith.constant 0 : i32
      %dma_wait3A_246 = arith.constant 0 : i32
      %dma_wait3A_247 = tpu.memref_slice %arg8[%dma_wait3A_245, %dma_wait3A_246] : memref<10240x128xf32, #tpu.memory_space<vmem_shared>> -> memref<10240x128xf32, #tpu.memory_space<vmem_shared>>
      tpu.wait_indirect_dma semaphore(%arg9 : memref<!tpu.dma_semaphore, #tpu.memory_space<semaphore_mem>>) src(%arg7 : memref<128x128xf32, #tpu.memory_space<vmem>>) dst(%dma_wait3A_247 : memref<10240x128xf32, #tpu.memory_space<vmem_shared>>)
      %add3A_248 = arith.constant 13 : i32
      %add3A_249 = arith.addi %add3A_17, %add3A_248 : i32
      %dma_wait3A_250 = arith.constant 0 : i32
      %dma_wait3A_251 = tpu.memref_slice %arg6[%add3A_249, %dma_wait3A_250] : memref<80x128xi32, #tpu.memory_space<vmem>> -> memref<1x128xi32, #tpu.memory_space<vmem>>
      %dma_wait3A_252 = tpu.memref_squeeze %dma_wait3A_251 : memref<1x128xi32, #tpu.memory_space<vmem>> -> memref<128xi32, #tpu.memory_space<vmem>>
      %dma_wait3A_253 = arith.constant 0 : i32
      %dma_wait3A_254 = arith.constant 0 : i32
      %dma_wait3A_255 = tpu.memref_slice %arg8[%dma_wait3A_253, %dma_wait3A_254] : memref<10240x128xf32, #tpu.memory_space<vmem_shared>> -> memref<10240x128xf32, #tpu.memory_space<vmem_shared>>
      tpu.wait_indirect_dma semaphore(%arg9 : memref<!tpu.dma_semaphore, #tpu.memory_space<semaphore_mem>>) src(%arg7 : memref<128x128xf32, #tpu.memory_space<vmem>>) dst(%dma_wait3A_255 : memref<10240x128xf32, #tpu.memory_space<vmem_shared>>)
      %add3A_256 = arith.constant 14 : i32
      %add3A_257 = arith.addi %add3A_17, %add3A_256 : i32
      %dma_wait3A_258 = arith.constant 0 : i32
      %dma_wait3A_259 = tpu.memref_slice %arg6[%add3A_257, %dma_wait3A_258] : memref<80x128xi32, #tpu.memory_space<vmem>> -> memref<1x128xi32, #tpu.memory_space<vmem>>
      %dma_wait3A_260 = tpu.memref_squeeze %dma_wait3A_259 : memref<1x128xi32, #tpu.memory_space<vmem>> -> memref<128xi32, #tpu.memory_space<vmem>>
      %dma_wait3A_261 = arith.constant 0 : i32
      %dma_wait3A_262 = arith.constant 0 : i32
      %dma_wait3A_263 = tpu.memref_slice %arg8[%dma_wait3A_261, %dma_wait3A_262] : memref<10240x128xf32, #tpu.memory_space<vmem_shared>> -> memref<10240x128xf32, #tpu.memory_space<vmem_shared>>
      tpu.wait_indirect_dma semaphore(%arg9 : memref<!tpu.dma_semaphore, #tpu.memory_space<semaphore_mem>>) src(%arg7 : memref<128x128xf32, #tpu.memory_space<vmem>>) dst(%dma_wait3A_263 : memref<10240x128xf32, #tpu.memory_space<vmem_shared>>)
      %add3A_264 = arith.constant 15 : i32
      %add3A_265 = arith.addi %add3A_17, %add3A_264 : i32
      %dma_wait3A_266 = arith.constant 0 : i32
      %dma_wait3A_267 = tpu.memref_slice %arg6[%add3A_265, %dma_wait3A_266] : memref<80x128xi32, #tpu.memory_space<vmem>> -> memref<1x128xi32, #tpu.memory_space<vmem>>
      %dma_wait3A_268 = tpu.memref_squeeze %dma_wait3A_267 : memref<1x128xi32, #tpu.memory_space<vmem>> -> memref<128xi32, #tpu.memory_space<vmem>>
      %dma_wait3A_269 = arith.constant 0 : i32
      %dma_wait3A_270 = arith.constant 0 : i32
      %dma_wait3A_271 = tpu.memref_slice %arg8[%dma_wait3A_269, %dma_wait3A_270] : memref<10240x128xf32, #tpu.memory_space<vmem_shared>> -> memref<10240x128xf32, #tpu.memory_space<vmem_shared>>
      tpu.wait_indirect_dma semaphore(%arg9 : memref<!tpu.dma_semaphore, #tpu.memory_space<semaphore_mem>>) src(%arg7 : memref<128x128xf32, #tpu.memory_space<vmem>>) dst(%dma_wait3A_271 : memref<10240x128xf32, #tpu.memory_space<vmem_shared>>)
    }
    %scan3A_11 = arith.constant 5 : i32
    %barrier3A_12 = arith.constant 0 : index
    tpu.barrier barrier_id(%barrier3A_12)
    "tpu.region"() ({
      %run_scoped3A = tpu.sem_alloc : memref<!tpu.dma_semaphore, #tpu.memory_space<semaphore_mem>>
      %dma_start3A = arith.constant 0 : i32
      %dma_start3A_13 = tpu.memref_slice %arg5[%arg0, %mul3A_2, %dma_start3A] : memref<2x10240x128xf32, #tpu.memory_space<hbm>> -> memref<1x640x128xf32, #tpu.memory_space<hbm>>
      %dma_start3A_14 = tpu.memref_squeeze %dma_start3A_13 : memref<1x640x128xf32, #tpu.memory_space<hbm>> -> memref<640x128xf32, #tpu.memory_space<hbm>>
      %dma_start3A_15 = arith.constant 0 : i32
      %dma_start3A_16 = tpu.memref_slice %arg8[%mul3A_2, %dma_start3A_15] : memref<10240x128xf32, #tpu.memory_space<vmem_shared>> -> memref<640x128xf32, #tpu.memory_space<vmem_shared>>
      tpu.enqueue_dma source(%dma_start3A_16 : memref<640x128xf32, #tpu.memory_space<vmem_shared>>) target(%dma_start3A_14 : memref<640x128xf32, #tpu.memory_space<hbm>>) target_semaphore(%run_scoped3A : memref<!tpu.dma_semaphore, #tpu.memory_space<semaphore_mem>>)
      %dma_wait3A = arith.constant 0 : i32
      %dma_wait3A_17 = tpu.memref_slice %arg5[%arg0, %mul3A_2, %dma_wait3A] : memref<2x10240x128xf32, #tpu.memory_space<hbm>> -> memref<1x640x128xf32, #tpu.memory_space<hbm>>
      %dma_wait3A_18 = tpu.memref_squeeze %dma_wait3A_17 : memref<1x640x128xf32, #tpu.memory_space<hbm>> -> memref<640x128xf32, #tpu.memory_space<hbm>>
      %dma_wait3A_19 = arith.constant 0 : i32
      %dma_wait3A_20 = tpu.memref_slice %arg8[%mul3A_2, %dma_wait3A_19] : memref<10240x128xf32, #tpu.memory_space<vmem_shared>> -> memref<640x128xf32, #tpu.memory_space<vmem_shared>>
      tpu.wait_dma2 semaphore(%run_scoped3A : memref<!tpu.dma_semaphore, #tpu.memory_space<semaphore_mem>>) src(%dma_wait3A_20 : memref<640x128xf32, #tpu.memory_space<vmem_shared>>) dst(%dma_wait3A_18 : memref<640x128xf32, #tpu.memory_space<hbm>>)
      tpu.yield
    }) : () -> ()
    return
  }
}

#map = affine_map<(d0, d1) -> (0, 0)>
#map1 = affine_map<(d0, d1) -> (0, 0, 0)>
module attributes {stable_mosaic.version = 14 : i64} {
  func.func @k(%arg0: i32, %arg1: i32, %arg2: memref<10000x128xf32, #tpu.memory_space<hbm>>, %arg3: memref<32x80x128xi32, #tpu.memory_space<hbm>>, %arg4: memref<32x80x128xi32, #tpu.memory_space<hbm>>, %arg5: memref<128x128xf32, #tpu.memory_space<hbm>>, %arg6: memref<2x10240x128xf32, #tpu.memory_space<hbm>>, %arg7: memref<40x128xi32, #tpu.memory_space<vmem>>, %arg8: memref<40x128xi32, #tpu.memory_space<vmem>>, %arg9: memref<128x128xf32, #tpu.memory_space<vmem>>, %arg10: memref<128x128xf32, #tpu.memory_space<vmem>>, %arg11: memref<10240x128xf32, #tpu.memory_space<vmem_shared>>, %arg12: memref<!tpu.dma_semaphore, #tpu.memory_space<semaphore_mem>>, %arg13: memref<!tpu.dma_semaphore, #tpu.memory_space<semaphore_mem>>, %arg14: memref<!tpu.dma_semaphore, #tpu.memory_space<semaphore_mem>>, %arg15: memref<!tpu.dma_semaphore, #tpu.memory_space<semaphore_mem>>) attributes {dimension_semantics = [#tpu.dimension_semantics<core_parallel>, #tpu.dimension_semantics<subcore_parallel>], iteration_bounds = array<i64: 2, 16>, scalar_prefetch = 0 : i64, scratch_operands = 9 : i64, tpu.core_type = #tpu.core_type<sc_vector_subcore>, window_params = [{transform_indices = #map}, {transform_indices = #map1}, {transform_indices = #map1}, {transform_indices = #map}, {transform_indices = #map1}]} {
    %mul3A = arith.constant 16 : i32
    %mul3A_0 = arith.muli %arg0, %mul3A : i32
    %add3A = arith.addi %mul3A_0, %arg1 : i32
    %mul3A_1 = arith.constant 640 : i32
    %mul3A_2 = arith.muli %arg1, %mul3A_1 : i32
    %scan3A = arith.constant 0 : i32
    %scan3A_3 = arith.constant 5 : i32
    %scan3A_4 = arith.addi %scan3A, %scan3A_3 : i32
    %scan3A_5 = arith.constant 1 : i32
    scf.for %scan3A_75 = %scan3A to %scan3A_4 step %scan3A_5  : i32 {
      %mul3A_76 = arith.constant 1 : i32
      %mul3A_77 = arith.muli %scan3A_75, %mul3A_76 : i32
      %add3A_78 = arith.constant 0 : i32
      %add3A_79 = arith.addi %add3A_78, %mul3A_77 : i32
      %mul3A_80 = arith.constant 128 : i32
      %mul3A_81 = arith.muli %add3A_79, %mul3A_80 : i32
      %add3A_82 = arith.addi %mul3A_2, %mul3A_81 : i32
      "tpu.region"() ({
        %run_scoped3A_83 = tpu.sem_alloc : memref<!tpu.dma_semaphore, #tpu.memory_space<semaphore_mem>>
        %dma_start3A_84 = arith.constant 0 : i32
        %dma_start3A_85 = tpu.memref_slice %arg11[%add3A_82, %dma_start3A_84] : memref<10240x128xf32, #tpu.memory_space<vmem_shared>> -> memref<128x128xf32, #tpu.memory_space<vmem_shared>>
        tpu.enqueue_dma source(%arg5 : memref<128x128xf32, #tpu.memory_space<hbm>>) target(%dma_start3A_85 : memref<128x128xf32, #tpu.memory_space<vmem_shared>>) target_semaphore(%run_scoped3A_83 : memref<!tpu.dma_semaphore, #tpu.memory_space<semaphore_mem>>)
        %dma_wait3A_86 = arith.constant 0 : i32
        %dma_wait3A_87 = tpu.memref_slice %arg11[%add3A_82, %dma_wait3A_86] : memref<10240x128xf32, #tpu.memory_space<vmem_shared>> -> memref<128x128xf32, #tpu.memory_space<vmem_shared>>
        tpu.wait_dma2 semaphore(%run_scoped3A_83 : memref<!tpu.dma_semaphore, #tpu.memory_space<semaphore_mem>>) src(%arg5 : memref<128x128xf32, #tpu.memory_space<hbm>>) dst(%dma_wait3A_87 : memref<128x128xf32, #tpu.memory_space<vmem_shared>>)
        tpu.yield
      }) : () -> ()
    }
    %scan3A_6 = arith.constant 5 : i32
    %barrier3A = arith.constant 0 : index
    tpu.barrier barrier_id(%barrier3A)
    "tpu.region"() ({
      %run_scoped3A_75 = tpu.sem_alloc : memref<!tpu.dma_semaphore, #tpu.memory_space<semaphore_mem>>
      %dma_start3A_76 = arith.constant 0 : i32
      %dma_start3A_77 = arith.constant 0 : i32
      %dma_start3A_78 = tpu.memref_slice %arg3[%add3A, %dma_start3A_76, %dma_start3A_77] : memref<32x80x128xi32, #tpu.memory_space<hbm>> -> memref<1x40x128xi32, #tpu.memory_space<hbm>>
      %dma_start3A_79 = tpu.memref_squeeze %dma_start3A_78 : memref<1x40x128xi32, #tpu.memory_space<hbm>> -> memref<40x128xi32, #tpu.memory_space<hbm>>
      %dma_start3A_80 = arith.constant 0 : i32
      %dma_start3A_81 = arith.constant 0 : i32
      %dma_start3A_82 = tpu.memref_slice %arg3[%add3A, %dma_start3A_80, %dma_start3A_81] : memref<32x80x128xi32, #tpu.memory_space<hbm>> -> memref<1x40x128xi32, #tpu.memory_space<hbm>>
      %dma_start3A_83 = tpu.memref_squeeze %dma_start3A_82 : memref<1x40x128xi32, #tpu.memory_space<hbm>> -> memref<40x128xi32, #tpu.memory_space<hbm>>
      tpu.enqueue_dma source(%dma_start3A_83 : memref<40x128xi32, #tpu.memory_space<hbm>>) target(%arg7 : memref<40x128xi32, #tpu.memory_space<vmem>>) target_semaphore(%run_scoped3A_75 : memref<!tpu.dma_semaphore, #tpu.memory_space<semaphore_mem>>)
      %dma_wait3A_84 = arith.constant 0 : i32
      %dma_wait3A_85 = arith.constant 0 : i32
      %dma_wait3A_86 = tpu.memref_slice %arg3[%add3A, %dma_wait3A_84, %dma_wait3A_85] : memref<32x80x128xi32, #tpu.memory_space<hbm>> -> memref<1x40x128xi32, #tpu.memory_space<hbm>>
      %dma_wait3A_87 = tpu.memref_squeeze %dma_wait3A_86 : memref<1x40x128xi32, #tpu.memory_space<hbm>> -> memref<40x128xi32, #tpu.memory_space<hbm>>
      %dma_wait3A_88 = arith.constant 0 : i32
      %dma_wait3A_89 = arith.constant 0 : i32
      %dma_wait3A_90 = tpu.memref_slice %arg3[%add3A, %dma_wait3A_88, %dma_wait3A_89] : memref<32x80x128xi32, #tpu.memory_space<hbm>> -> memref<1x40x128xi32, #tpu.memory_space<hbm>>
      %dma_wait3A_91 = tpu.memref_squeeze %dma_wait3A_90 : memref<1x40x128xi32, #tpu.memory_space<hbm>> -> memref<40x128xi32, #tpu.memory_space<hbm>>
      tpu.wait_dma2 semaphore(%run_scoped3A_75 : memref<!tpu.dma_semaphore, #tpu.memory_space<semaphore_mem>>) src(%dma_wait3A_91 : memref<40x128xi32, #tpu.memory_space<hbm>>) dst(%arg7 : memref<40x128xi32, #tpu.memory_space<vmem>>)
      tpu.yield
    }) : () -> ()
    "tpu.region"() ({
      %run_scoped3A_75 = tpu.sem_alloc : memref<!tpu.dma_semaphore, #tpu.memory_space<semaphore_mem>>
      %dma_start3A_76 = arith.constant 0 : i32
      %dma_start3A_77 = arith.constant 0 : i32
      %dma_start3A_78 = tpu.memref_slice %arg4[%add3A, %dma_start3A_76, %dma_start3A_77] : memref<32x80x128xi32, #tpu.memory_space<hbm>> -> memref<1x40x128xi32, #tpu.memory_space<hbm>>
      %dma_start3A_79 = tpu.memref_squeeze %dma_start3A_78 : memref<1x40x128xi32, #tpu.memory_space<hbm>> -> memref<40x128xi32, #tpu.memory_space<hbm>>
      %dma_start3A_80 = arith.constant 0 : i32
      %dma_start3A_81 = arith.constant 0 : i32
      %dma_start3A_82 = tpu.memref_slice %arg4[%add3A, %dma_start3A_80, %dma_start3A_81] : memref<32x80x128xi32, #tpu.memory_space<hbm>> -> memref<1x40x128xi32, #tpu.memory_space<hbm>>
      %dma_start3A_83 = tpu.memref_squeeze %dma_start3A_82 : memref<1x40x128xi32, #tpu.memory_space<hbm>> -> memref<40x128xi32, #tpu.memory_space<hbm>>
      tpu.enqueue_dma source(%dma_start3A_83 : memref<40x128xi32, #tpu.memory_space<hbm>>) target(%arg8 : memref<40x128xi32, #tpu.memory_space<vmem>>) target_semaphore(%run_scoped3A_75 : memref<!tpu.dma_semaphore, #tpu.memory_space<semaphore_mem>>)
      %dma_wait3A_84 = arith.constant 0 : i32
      %dma_wait3A_85 = arith.constant 0 : i32
      %dma_wait3A_86 = tpu.memref_slice %arg4[%add3A, %dma_wait3A_84, %dma_wait3A_85] : memref<32x80x128xi32, #tpu.memory_space<hbm>> -> memref<1x40x128xi32, #tpu.memory_space<hbm>>
      %dma_wait3A_87 = tpu.memref_squeeze %dma_wait3A_86 : memref<1x40x128xi32, #tpu.memory_space<hbm>> -> memref<40x128xi32, #tpu.memory_space<hbm>>
      %dma_wait3A_88 = arith.constant 0 : i32
      %dma_wait3A_89 = arith.constant 0 : i32
      %dma_wait3A_90 = tpu.memref_slice %arg4[%add3A, %dma_wait3A_88, %dma_wait3A_89] : memref<32x80x128xi32, #tpu.memory_space<hbm>> -> memref<1x40x128xi32, #tpu.memory_space<hbm>>
      %dma_wait3A_91 = tpu.memref_squeeze %dma_wait3A_90 : memref<1x40x128xi32, #tpu.memory_space<hbm>> -> memref<40x128xi32, #tpu.memory_space<hbm>>
      tpu.wait_dma2 semaphore(%run_scoped3A_75 : memref<!tpu.dma_semaphore, #tpu.memory_space<semaphore_mem>>) src(%dma_wait3A_91 : memref<40x128xi32, #tpu.memory_space<hbm>>) dst(%arg8 : memref<40x128xi32, #tpu.memory_space<vmem>>)
      tpu.yield
    }) : () -> ()
    %dma_start3A = arith.constant 0 : i32
    %dma_start3A_7 = arith.constant 0 : i32
    %dma_start3A_8 = tpu.memref_slice %arg7[%dma_start3A, %dma_start3A_7] : memref<40x128xi32, #tpu.memory_space<vmem>> -> memref<1x128xi32, #tpu.memory_space<vmem>>
    %dma_start3A_9 = tpu.memref_squeeze %dma_start3A_8 : memref<1x128xi32, #tpu.memory_space<vmem>> -> memref<128xi32, #tpu.memory_space<vmem>>
    %dma_start3A_10 = arith.constant 0 : i32
    %dma_start3A_11 = arith.constant 0 : i32
    %dma_start3A_12 = tpu.memref_slice %arg2[%dma_start3A_10, %dma_start3A_11] : memref<10000x128xf32, #tpu.memory_space<hbm>> -> memref<10000x128xf32, #tpu.memory_space<hbm>>
    tpu.enqueue_indirect_dma source(%dma_start3A_12 : memref<10000x128xf32, #tpu.memory_space<hbm>>) target(%arg9 : memref<128x128xf32, #tpu.memory_space<vmem>>) offsets(%dma_start3A_9 : memref<128xi32, #tpu.memory_space<vmem>>) semaphore(%arg12 : memref<!tpu.dma_semaphore, #tpu.memory_space<semaphore_mem>>)
    %scan3A_13 = arith.constant 0 : i32
    %scan3A_14 = arith.constant 19 : i32
    %scan3A_15 = arith.addi %scan3A_13, %scan3A_14 : i32
    %scan3A_16 = arith.constant 1 : i32
    scf.for %scan3A_75 = %scan3A_13 to %scan3A_15 step %scan3A_16  : i32 {
      %mul3A_76 = arith.constant 2 : i32
      %mul3A_77 = arith.muli %scan3A_75, %mul3A_76 : i32
      %add3A_78 = arith.constant 0 : i32
      %add3A_79 = arith.addi %add3A_78, %mul3A_77 : i32
      %add3A_80 = arith.constant 1 : i32
      %add3A_81 = arith.addi %add3A_79, %add3A_80 : i32
      %dma_start3A_82 = arith.constant 0 : i32
      %dma_start3A_83 = tpu.memref_slice %arg7[%add3A_81, %dma_start3A_82] : memref<40x128xi32, #tpu.memory_space<vmem>> -> memref<1x128xi32, #tpu.memory_space<vmem>>
      %dma_start3A_84 = tpu.memref_squeeze %dma_start3A_83 : memref<1x128xi32, #tpu.memory_space<vmem>> -> memref<128xi32, #tpu.memory_space<vmem>>
      %dma_start3A_85 = arith.constant 0 : i32
      %dma_start3A_86 = arith.constant 0 : i32
      %dma_start3A_87 = tpu.memref_slice %arg2[%dma_start3A_85, %dma_start3A_86] : memref<10000x128xf32, #tpu.memory_space<hbm>> -> memref<10000x128xf32, #tpu.memory_space<hbm>>
      tpu.enqueue_indirect_dma source(%dma_start3A_87 : memref<10000x128xf32, #tpu.memory_space<hbm>>) target(%arg10 : memref<128x128xf32, #tpu.memory_space<vmem>>) offsets(%dma_start3A_84 : memref<128xi32, #tpu.memory_space<vmem>>) semaphore(%arg13 : memref<!tpu.dma_semaphore, #tpu.memory_space<semaphore_mem>>)
      %dma_wait3A_88 = arith.constant 0 : i32
      %dma_wait3A_89 = tpu.memref_slice %arg7[%add3A_79, %dma_wait3A_88] : memref<40x128xi32, #tpu.memory_space<vmem>> -> memref<1x128xi32, #tpu.memory_space<vmem>>
      %dma_wait3A_90 = tpu.memref_squeeze %dma_wait3A_89 : memref<1x128xi32, #tpu.memory_space<vmem>> -> memref<128xi32, #tpu.memory_space<vmem>>
      %dma_wait3A_91 = arith.constant 0 : i32
      %dma_wait3A_92 = arith.constant 0 : i32
      %dma_wait3A_93 = tpu.memref_slice %arg2[%dma_wait3A_91, %dma_wait3A_92] : memref<10000x128xf32, #tpu.memory_space<hbm>> -> memref<10000x128xf32, #tpu.memory_space<hbm>>
      tpu.wait_indirect_dma semaphore(%arg12 : memref<!tpu.dma_semaphore, #tpu.memory_space<semaphore_mem>>) src(%dma_wait3A_93 : memref<10000x128xf32, #tpu.memory_space<hbm>>) dst(%arg9 : memref<128x128xf32, #tpu.memory_space<vmem>>)
      "tpu.region"() ({
        %run_scoped3A_112 = tpu.sem_alloc : memref<!tpu.dma_semaphore, #tpu.memory_space<semaphore_mem>>
        %dma_start3A_113 = arith.constant 0 : i32
        %dma_start3A_114 = tpu.memref_slice %arg8[%add3A_79, %dma_start3A_113] : memref<40x128xi32, #tpu.memory_space<vmem>> -> memref<1x128xi32, #tpu.memory_space<vmem>>
        %dma_start3A_115 = tpu.memref_squeeze %dma_start3A_114 : memref<1x128xi32, #tpu.memory_space<vmem>> -> memref<128xi32, #tpu.memory_space<vmem>>
        %dma_start3A_116 = arith.constant 0 : i32
        %dma_start3A_117 = arith.constant 0 : i32
        %dma_start3A_118 = tpu.memref_slice %arg11[%dma_start3A_116, %dma_start3A_117] : memref<10240x128xf32, #tpu.memory_space<vmem_shared>> -> memref<10240x128xf32, #tpu.memory_space<vmem_shared>>
        tpu.enqueue_indirect_dma source(%arg9 : memref<128x128xf32, #tpu.memory_space<vmem>>) target(%dma_start3A_118 : memref<10240x128xf32, #tpu.memory_space<vmem_shared>>) offsets(%dma_start3A_115 : memref<128xi32, #tpu.memory_space<vmem>>) semaphore(%run_scoped3A_112 : memref<!tpu.dma_semaphore, #tpu.memory_space<semaphore_mem>>) {add = true}
        %dma_wait3A_119 = arith.constant 0 : i32
        %dma_wait3A_120 = tpu.memref_slice %arg8[%add3A_79, %dma_wait3A_119] : memref<40x128xi32, #tpu.memory_space<vmem>> -> memref<1x128xi32, #tpu.memory_space<vmem>>
        %dma_wait3A_121 = tpu.memref_squeeze %dma_wait3A_120 : memref<1x128xi32, #tpu.memory_space<vmem>> -> memref<128xi32, #tpu.memory_space<vmem>>
        %dma_wait3A_122 = arith.constant 0 : i32
        %dma_wait3A_123 = arith.constant 0 : i32
        %dma_wait3A_124 = tpu.memref_slice %arg11[%dma_wait3A_122, %dma_wait3A_123] : memref<10240x128xf32, #tpu.memory_space<vmem_shared>> -> memref<10240x128xf32, #tpu.memory_space<vmem_shared>>
        tpu.wait_indirect_dma semaphore(%run_scoped3A_112 : memref<!tpu.dma_semaphore, #tpu.memory_space<semaphore_mem>>) src(%arg9 : memref<128x128xf32, #tpu.memory_space<vmem>>) dst(%dma_wait3A_124 : memref<10240x128xf32, #tpu.memory_space<vmem_shared>>)
        tpu.yield
      }) : () -> ()
      %add3A_94 = arith.constant 2 : i32
      %add3A_95 = arith.addi %add3A_79, %add3A_94 : i32
      %dma_start3A_96 = arith.constant 0 : i32
      %dma_start3A_97 = tpu.memref_slice %arg7[%add3A_95, %dma_start3A_96] : memref<40x128xi32, #tpu.memory_space<vmem>> -> memref<1x128xi32, #tpu.memory_space<vmem>>
      %dma_start3A_98 = tpu.memref_squeeze %dma_start3A_97 : memref<1x128xi32, #tpu.memory_space<vmem>> -> memref<128xi32, #tpu.memory_space<vmem>>
      %dma_start3A_99 = arith.constant 0 : i32
      %dma_start3A_100 = arith.constant 0 : i32
      %dma_start3A_101 = tpu.memref_slice %arg2[%dma_start3A_99, %dma_start3A_100] : memref<10000x128xf32, #tpu.memory_space<hbm>> -> memref<10000x128xf32, #tpu.memory_space<hbm>>
      tpu.enqueue_indirect_dma source(%dma_start3A_101 : memref<10000x128xf32, #tpu.memory_space<hbm>>) target(%arg9 : memref<128x128xf32, #tpu.memory_space<vmem>>) offsets(%dma_start3A_98 : memref<128xi32, #tpu.memory_space<vmem>>) semaphore(%arg12 : memref<!tpu.dma_semaphore, #tpu.memory_space<semaphore_mem>>)
      %add3A_102 = arith.constant 1 : i32
      %add3A_103 = arith.addi %add3A_79, %add3A_102 : i32
      %dma_wait3A_104 = arith.constant 0 : i32
      %dma_wait3A_105 = tpu.memref_slice %arg7[%add3A_103, %dma_wait3A_104] : memref<40x128xi32, #tpu.memory_space<vmem>> -> memref<1x128xi32, #tpu.memory_space<vmem>>
      %dma_wait3A_106 = tpu.memref_squeeze %dma_wait3A_105 : memref<1x128xi32, #tpu.memory_space<vmem>> -> memref<128xi32, #tpu.memory_space<vmem>>
      %dma_wait3A_107 = arith.constant 0 : i32
      %dma_wait3A_108 = arith.constant 0 : i32
      %dma_wait3A_109 = tpu.memref_slice %arg2[%dma_wait3A_107, %dma_wait3A_108] : memref<10000x128xf32, #tpu.memory_space<hbm>> -> memref<10000x128xf32, #tpu.memory_space<hbm>>
      tpu.wait_indirect_dma semaphore(%arg13 : memref<!tpu.dma_semaphore, #tpu.memory_space<semaphore_mem>>) src(%dma_wait3A_109 : memref<10000x128xf32, #tpu.memory_space<hbm>>) dst(%arg10 : memref<128x128xf32, #tpu.memory_space<vmem>>)
      %add3A_110 = arith.constant 1 : i32
      %add3A_111 = arith.addi %add3A_79, %add3A_110 : i32
      "tpu.region"() ({
        %run_scoped3A_112 = tpu.sem_alloc : memref<!tpu.dma_semaphore, #tpu.memory_space<semaphore_mem>>
        %dma_start3A_113 = arith.constant 0 : i32
        %dma_start3A_114 = tpu.memref_slice %arg8[%add3A_111, %dma_start3A_113] : memref<40x128xi32, #tpu.memory_space<vmem>> -> memref<1x128xi32, #tpu.memory_space<vmem>>
        %dma_start3A_115 = tpu.memref_squeeze %dma_start3A_114 : memref<1x128xi32, #tpu.memory_space<vmem>> -> memref<128xi32, #tpu.memory_space<vmem>>
        %dma_start3A_116 = arith.constant 0 : i32
        %dma_start3A_117 = arith.constant 0 : i32
        %dma_start3A_118 = tpu.memref_slice %arg11[%dma_start3A_116, %dma_start3A_117] : memref<10240x128xf32, #tpu.memory_space<vmem_shared>> -> memref<10240x128xf32, #tpu.memory_space<vmem_shared>>
        tpu.enqueue_indirect_dma source(%arg10 : memref<128x128xf32, #tpu.memory_space<vmem>>) target(%dma_start3A_118 : memref<10240x128xf32, #tpu.memory_space<vmem_shared>>) offsets(%dma_start3A_115 : memref<128xi32, #tpu.memory_space<vmem>>) semaphore(%run_scoped3A_112 : memref<!tpu.dma_semaphore, #tpu.memory_space<semaphore_mem>>) {add = true}
        %dma_wait3A_119 = arith.constant 0 : i32
        %dma_wait3A_120 = tpu.memref_slice %arg8[%add3A_111, %dma_wait3A_119] : memref<40x128xi32, #tpu.memory_space<vmem>> -> memref<1x128xi32, #tpu.memory_space<vmem>>
        %dma_wait3A_121 = tpu.memref_squeeze %dma_wait3A_120 : memref<1x128xi32, #tpu.memory_space<vmem>> -> memref<128xi32, #tpu.memory_space<vmem>>
        %dma_wait3A_122 = arith.constant 0 : i32
        %dma_wait3A_123 = arith.constant 0 : i32
        %dma_wait3A_124 = tpu.memref_slice %arg11[%dma_wait3A_122, %dma_wait3A_123] : memref<10240x128xf32, #tpu.memory_space<vmem_shared>> -> memref<10240x128xf32, #tpu.memory_space<vmem_shared>>
        tpu.wait_indirect_dma semaphore(%run_scoped3A_112 : memref<!tpu.dma_semaphore, #tpu.memory_space<semaphore_mem>>) src(%arg10 : memref<128x128xf32, #tpu.memory_space<vmem>>) dst(%dma_wait3A_124 : memref<10240x128xf32, #tpu.memory_space<vmem_shared>>)
        tpu.yield
      }) : () -> ()
    }
    %scan3A_17 = arith.constant 19 : i32
    %dma_start3A_18 = arith.constant 39 : i32
    %dma_start3A_19 = arith.constant 0 : i32
    %dma_start3A_20 = tpu.memref_slice %arg7[%dma_start3A_18, %dma_start3A_19] : memref<40x128xi32, #tpu.memory_space<vmem>> -> memref<1x128xi32, #tpu.memory_space<vmem>>
    %dma_start3A_21 = tpu.memref_squeeze %dma_start3A_20 : memref<1x128xi32, #tpu.memory_space<vmem>> -> memref<128xi32, #tpu.memory_space<vmem>>
    %dma_start3A_22 = arith.constant 0 : i32
    %dma_start3A_23 = arith.constant 0 : i32
    %dma_start3A_24 = tpu.memref_slice %arg2[%dma_start3A_22, %dma_start3A_23] : memref<10000x128xf32, #tpu.memory_space<hbm>> -> memref<10000x128xf32, #tpu.memory_space<hbm>>
    tpu.enqueue_indirect_dma source(%dma_start3A_24 : memref<10000x128xf32, #tpu.memory_space<hbm>>) target(%arg10 : memref<128x128xf32, #tpu.memory_space<vmem>>) offsets(%dma_start3A_21 : memref<128xi32, #tpu.memory_space<vmem>>) semaphore(%arg13 : memref<!tpu.dma_semaphore, #tpu.memory_space<semaphore_mem>>)
    %dma_wait3A = arith.constant 38 : i32
    %dma_wait3A_25 = arith.constant 0 : i32
    %dma_wait3A_26 = tpu.memref_slice %arg7[%dma_wait3A, %dma_wait3A_25] : memref<40x128xi32, #tpu.memory_space<vmem>> -> memref<1x128xi32, #tpu.memory_space<vmem>>
    %dma_wait3A_27 = tpu.memref_squeeze %dma_wait3A_26 : memref<1x128xi32, #tpu.memory_space<vmem>> -> memref<128xi32, #tpu.memory_space<vmem>>
    %dma_wait3A_28 = arith.constant 0 : i32
    %dma_wait3A_29 = arith.constant 0 : i32
    %dma_wait3A_30 = tpu.memref_slice %arg2[%dma_wait3A_28, %dma_wait3A_29] : memref<10000x128xf32, #tpu.memory_space<hbm>> -> memref<10000x128xf32, #tpu.memory_space<hbm>>
    tpu.wait_indirect_dma semaphore(%arg12 : memref<!tpu.dma_semaphore, #tpu.memory_space<semaphore_mem>>) src(%dma_wait3A_30 : memref<10000x128xf32, #tpu.memory_space<hbm>>) dst(%arg9 : memref<128x128xf32, #tpu.memory_space<vmem>>)
    %run_scoped3A = arith.constant 38 : i32
    "tpu.region"() ({
      %run_scoped3A_75 = tpu.sem_alloc : memref<!tpu.dma_semaphore, #tpu.memory_space<semaphore_mem>>
      %dma_start3A_76 = arith.constant 0 : i32
      %dma_start3A_77 = tpu.memref_slice %arg8[%run_scoped3A, %dma_start3A_76] : memref<40x128xi32, #tpu.memory_space<vmem>> -> memref<1x128xi32, #tpu.memory_space<vmem>>
      %dma_start3A_78 = tpu.memref_squeeze %dma_start3A_77 : memref<1x128xi32, #tpu.memory_space<vmem>> -> memref<128xi32, #tpu.memory_space<vmem>>
      %dma_start3A_79 = arith.constant 0 : i32
      %dma_start3A_80 = arith.constant 0 : i32
      %dma_start3A_81 = tpu.memref_slice %arg11[%dma_start3A_79, %dma_start3A_80] : memref<10240x128xf32, #tpu.memory_space<vmem_shared>> -> memref<10240x128xf32, #tpu.memory_space<vmem_shared>>
      tpu.enqueue_indirect_dma source(%arg9 : memref<128x128xf32, #tpu.memory_space<vmem>>) target(%dma_start3A_81 : memref<10240x128xf32, #tpu.memory_space<vmem_shared>>) offsets(%dma_start3A_78 : memref<128xi32, #tpu.memory_space<vmem>>) semaphore(%run_scoped3A_75 : memref<!tpu.dma_semaphore, #tpu.memory_space<semaphore_mem>>) {add = true}
      %dma_wait3A_82 = arith.constant 0 : i32
      %dma_wait3A_83 = tpu.memref_slice %arg8[%run_scoped3A, %dma_wait3A_82] : memref<40x128xi32, #tpu.memory_space<vmem>> -> memref<1x128xi32, #tpu.memory_space<vmem>>
      %dma_wait3A_84 = tpu.memref_squeeze %dma_wait3A_83 : memref<1x128xi32, #tpu.memory_space<vmem>> -> memref<128xi32, #tpu.memory_space<vmem>>
      %dma_wait3A_85 = arith.constant 0 : i32
      %dma_wait3A_86 = arith.constant 0 : i32
      %dma_wait3A_87 = tpu.memref_slice %arg11[%dma_wait3A_85, %dma_wait3A_86] : memref<10240x128xf32, #tpu.memory_space<vmem_shared>> -> memref<10240x128xf32, #tpu.memory_space<vmem_shared>>
      tpu.wait_indirect_dma semaphore(%run_scoped3A_75 : memref<!tpu.dma_semaphore, #tpu.memory_space<semaphore_mem>>) src(%arg9 : memref<128x128xf32, #tpu.memory_space<vmem>>) dst(%dma_wait3A_87 : memref<10240x128xf32, #tpu.memory_space<vmem_shared>>)
      tpu.yield
    }) : () -> ()
    %dma_wait3A_31 = arith.constant 39 : i32
    %dma_wait3A_32 = arith.constant 0 : i32
    %dma_wait3A_33 = tpu.memref_slice %arg7[%dma_wait3A_31, %dma_wait3A_32] : memref<40x128xi32, #tpu.memory_space<vmem>> -> memref<1x128xi32, #tpu.memory_space<vmem>>
    %dma_wait3A_34 = tpu.memref_squeeze %dma_wait3A_33 : memref<1x128xi32, #tpu.memory_space<vmem>> -> memref<128xi32, #tpu.memory_space<vmem>>
    %dma_wait3A_35 = arith.constant 0 : i32
    %dma_wait3A_36 = arith.constant 0 : i32
    %dma_wait3A_37 = tpu.memref_slice %arg2[%dma_wait3A_35, %dma_wait3A_36] : memref<10000x128xf32, #tpu.memory_space<hbm>> -> memref<10000x128xf32, #tpu.memory_space<hbm>>
    tpu.wait_indirect_dma semaphore(%arg13 : memref<!tpu.dma_semaphore, #tpu.memory_space<semaphore_mem>>) src(%dma_wait3A_37 : memref<10000x128xf32, #tpu.memory_space<hbm>>) dst(%arg10 : memref<128x128xf32, #tpu.memory_space<vmem>>)
    %run_scoped3A_38 = arith.constant 39 : i32
    "tpu.region"() ({
      %run_scoped3A_75 = tpu.sem_alloc : memref<!tpu.dma_semaphore, #tpu.memory_space<semaphore_mem>>
      %dma_start3A_76 = arith.constant 0 : i32
      %dma_start3A_77 = tpu.memref_slice %arg8[%run_scoped3A_38, %dma_start3A_76] : memref<40x128xi32, #tpu.memory_space<vmem>> -> memref<1x128xi32, #tpu.memory_space<vmem>>
      %dma_start3A_78 = tpu.memref_squeeze %dma_start3A_77 : memref<1x128xi32, #tpu.memory_space<vmem>> -> memref<128xi32, #tpu.memory_space<vmem>>
      %dma_start3A_79 = arith.constant 0 : i32
      %dma_start3A_80 = arith.constant 0 : i32
      %dma_start3A_81 = tpu.memref_slice %arg11[%dma_start3A_79, %dma_start3A_80] : memref<10240x128xf32, #tpu.memory_space<vmem_shared>> -> memref<10240x128xf32, #tpu.memory_space<vmem_shared>>
      tpu.enqueue_indirect_dma source(%arg10 : memref<128x128xf32, #tpu.memory_space<vmem>>) target(%dma_start3A_81 : memref<10240x128xf32, #tpu.memory_space<vmem_shared>>) offsets(%dma_start3A_78 : memref<128xi32, #tpu.memory_space<vmem>>) semaphore(%run_scoped3A_75 : memref<!tpu.dma_semaphore, #tpu.memory_space<semaphore_mem>>) {add = true}
      %dma_wait3A_82 = arith.constant 0 : i32
      %dma_wait3A_83 = tpu.memref_slice %arg8[%run_scoped3A_38, %dma_wait3A_82] : memref<40x128xi32, #tpu.memory_space<vmem>> -> memref<1x128xi32, #tpu.memory_space<vmem>>
      %dma_wait3A_84 = tpu.memref_squeeze %dma_wait3A_83 : memref<1x128xi32, #tpu.memory_space<vmem>> -> memref<128xi32, #tpu.memory_space<vmem>>
      %dma_wait3A_85 = arith.constant 0 : i32
      %dma_wait3A_86 = arith.constant 0 : i32
      %dma_wait3A_87 = tpu.memref_slice %arg11[%dma_wait3A_85, %dma_wait3A_86] : memref<10240x128xf32, #tpu.memory_space<vmem_shared>> -> memref<10240x128xf32, #tpu.memory_space<vmem_shared>>
      tpu.wait_indirect_dma semaphore(%run_scoped3A_75 : memref<!tpu.dma_semaphore, #tpu.memory_space<semaphore_mem>>) src(%arg10 : memref<128x128xf32, #tpu.memory_space<vmem>>) dst(%dma_wait3A_87 : memref<10240x128xf32, #tpu.memory_space<vmem_shared>>)
      tpu.yield
    }) : () -> ()
    "tpu.region"() ({
      %run_scoped3A_75 = tpu.sem_alloc : memref<!tpu.dma_semaphore, #tpu.memory_space<semaphore_mem>>
      %dma_start3A_76 = arith.constant 40 : i32
      %dma_start3A_77 = arith.constant 0 : i32
      %dma_start3A_78 = tpu.memref_slice %arg3[%add3A, %dma_start3A_76, %dma_start3A_77] : memref<32x80x128xi32, #tpu.memory_space<hbm>> -> memref<1x40x128xi32, #tpu.memory_space<hbm>>
      %dma_start3A_79 = tpu.memref_squeeze %dma_start3A_78 : memref<1x40x128xi32, #tpu.memory_space<hbm>> -> memref<40x128xi32, #tpu.memory_space<hbm>>
      %dma_start3A_80 = arith.constant 40 : i32
      %dma_start3A_81 = arith.constant 0 : i32
      %dma_start3A_82 = tpu.memref_slice %arg3[%add3A, %dma_start3A_80, %dma_start3A_81] : memref<32x80x128xi32, #tpu.memory_space<hbm>> -> memref<1x40x128xi32, #tpu.memory_space<hbm>>
      %dma_start3A_83 = tpu.memref_squeeze %dma_start3A_82 : memref<1x40x128xi32, #tpu.memory_space<hbm>> -> memref<40x128xi32, #tpu.memory_space<hbm>>
      tpu.enqueue_dma source(%dma_start3A_83 : memref<40x128xi32, #tpu.memory_space<hbm>>) target(%arg7 : memref<40x128xi32, #tpu.memory_space<vmem>>) target_semaphore(%run_scoped3A_75 : memref<!tpu.dma_semaphore, #tpu.memory_space<semaphore_mem>>)
      %dma_wait3A_84 = arith.constant 40 : i32
      %dma_wait3A_85 = arith.constant 0 : i32
      %dma_wait3A_86 = tpu.memref_slice %arg3[%add3A, %dma_wait3A_84, %dma_wait3A_85] : memref<32x80x128xi32, #tpu.memory_space<hbm>> -> memref<1x40x128xi32, #tpu.memory_space<hbm>>
      %dma_wait3A_87 = tpu.memref_squeeze %dma_wait3A_86 : memref<1x40x128xi32, #tpu.memory_space<hbm>> -> memref<40x128xi32, #tpu.memory_space<hbm>>
      %dma_wait3A_88 = arith.constant 40 : i32
      %dma_wait3A_89 = arith.constant 0 : i32
      %dma_wait3A_90 = tpu.memref_slice %arg3[%add3A, %dma_wait3A_88, %dma_wait3A_89] : memref<32x80x128xi32, #tpu.memory_space<hbm>> -> memref<1x40x128xi32, #tpu.memory_space<hbm>>
      %dma_wait3A_91 = tpu.memref_squeeze %dma_wait3A_90 : memref<1x40x128xi32, #tpu.memory_space<hbm>> -> memref<40x128xi32, #tpu.memory_space<hbm>>
      tpu.wait_dma2 semaphore(%run_scoped3A_75 : memref<!tpu.dma_semaphore, #tpu.memory_space<semaphore_mem>>) src(%dma_wait3A_91 : memref<40x128xi32, #tpu.memory_space<hbm>>) dst(%arg7 : memref<40x128xi32, #tpu.memory_space<vmem>>)
      tpu.yield
    }) : () -> ()
    "tpu.region"() ({
      %run_scoped3A_75 = tpu.sem_alloc : memref<!tpu.dma_semaphore, #tpu.memory_space<semaphore_mem>>
      %dma_start3A_76 = arith.constant 40 : i32
      %dma_start3A_77 = arith.constant 0 : i32
      %dma_start3A_78 = tpu.memref_slice %arg4[%add3A, %dma_start3A_76, %dma_start3A_77] : memref<32x80x128xi32, #tpu.memory_space<hbm>> -> memref<1x40x128xi32, #tpu.memory_space<hbm>>
      %dma_start3A_79 = tpu.memref_squeeze %dma_start3A_78 : memref<1x40x128xi32, #tpu.memory_space<hbm>> -> memref<40x128xi32, #tpu.memory_space<hbm>>
      %dma_start3A_80 = arith.constant 40 : i32
      %dma_start3A_81 = arith.constant 0 : i32
      %dma_start3A_82 = tpu.memref_slice %arg4[%add3A, %dma_start3A_80, %dma_start3A_81] : memref<32x80x128xi32, #tpu.memory_space<hbm>> -> memref<1x40x128xi32, #tpu.memory_space<hbm>>
      %dma_start3A_83 = tpu.memref_squeeze %dma_start3A_82 : memref<1x40x128xi32, #tpu.memory_space<hbm>> -> memref<40x128xi32, #tpu.memory_space<hbm>>
      tpu.enqueue_dma source(%dma_start3A_83 : memref<40x128xi32, #tpu.memory_space<hbm>>) target(%arg8 : memref<40x128xi32, #tpu.memory_space<vmem>>) target_semaphore(%run_scoped3A_75 : memref<!tpu.dma_semaphore, #tpu.memory_space<semaphore_mem>>)
      %dma_wait3A_84 = arith.constant 40 : i32
      %dma_wait3A_85 = arith.constant 0 : i32
      %dma_wait3A_86 = tpu.memref_slice %arg4[%add3A, %dma_wait3A_84, %dma_wait3A_85] : memref<32x80x128xi32, #tpu.memory_space<hbm>> -> memref<1x40x128xi32, #tpu.memory_space<hbm>>
      %dma_wait3A_87 = tpu.memref_squeeze %dma_wait3A_86 : memref<1x40x128xi32, #tpu.memory_space<hbm>> -> memref<40x128xi32, #tpu.memory_space<hbm>>
      %dma_wait3A_88 = arith.constant 40 : i32
      %dma_wait3A_89 = arith.constant 0 : i32
      %dma_wait3A_90 = tpu.memref_slice %arg4[%add3A, %dma_wait3A_88, %dma_wait3A_89] : memref<32x80x128xi32, #tpu.memory_space<hbm>> -> memref<1x40x128xi32, #tpu.memory_space<hbm>>
      %dma_wait3A_91 = tpu.memref_squeeze %dma_wait3A_90 : memref<1x40x128xi32, #tpu.memory_space<hbm>> -> memref<40x128xi32, #tpu.memory_space<hbm>>
      tpu.wait_dma2 semaphore(%run_scoped3A_75 : memref<!tpu.dma_semaphore, #tpu.memory_space<semaphore_mem>>) src(%dma_wait3A_91 : memref<40x128xi32, #tpu.memory_space<hbm>>) dst(%arg8 : memref<40x128xi32, #tpu.memory_space<vmem>>)
      tpu.yield
    }) : () -> ()
    %dma_start3A_39 = arith.constant 0 : i32
    %dma_start3A_40 = arith.constant 0 : i32
    %dma_start3A_41 = tpu.memref_slice %arg7[%dma_start3A_39, %dma_start3A_40] : memref<40x128xi32, #tpu.memory_space<vmem>> -> memref<1x128xi32, #tpu.memory_space<vmem>>
    %dma_start3A_42 = tpu.memref_squeeze %dma_start3A_41 : memref<1x128xi32, #tpu.memory_space<vmem>> -> memref<128xi32, #tpu.memory_space<vmem>>
    %dma_start3A_43 = arith.constant 0 : i32
    %dma_start3A_44 = arith.constant 0 : i32
    %dma_start3A_45 = tpu.memref_slice %arg2[%dma_start3A_43, %dma_start3A_44] : memref<10000x128xf32, #tpu.memory_space<hbm>> -> memref<10000x128xf32, #tpu.memory_space<hbm>>
    tpu.enqueue_indirect_dma source(%dma_start3A_45 : memref<10000x128xf32, #tpu.memory_space<hbm>>) target(%arg9 : memref<128x128xf32, #tpu.memory_space<vmem>>) offsets(%dma_start3A_42 : memref<128xi32, #tpu.memory_space<vmem>>) semaphore(%arg12 : memref<!tpu.dma_semaphore, #tpu.memory_space<semaphore_mem>>)
    %scan3A_46 = arith.constant 0 : i32
    %scan3A_47 = arith.constant 19 : i32
    %scan3A_48 = arith.addi %scan3A_46, %scan3A_47 : i32
    %scan3A_49 = arith.constant 1 : i32
    scf.for %scan3A_75 = %scan3A_46 to %scan3A_48 step %scan3A_49  : i32 {
      %mul3A_76 = arith.constant 2 : i32
      %mul3A_77 = arith.muli %scan3A_75, %mul3A_76 : i32
      %add3A_78 = arith.constant 0 : i32
      %add3A_79 = arith.addi %add3A_78, %mul3A_77 : i32
      %add3A_80 = arith.constant 1 : i32
      %add3A_81 = arith.addi %add3A_79, %add3A_80 : i32
      %dma_start3A_82 = arith.constant 0 : i32
      %dma_start3A_83 = tpu.memref_slice %arg7[%add3A_81, %dma_start3A_82] : memref<40x128xi32, #tpu.memory_space<vmem>> -> memref<1x128xi32, #tpu.memory_space<vmem>>
      %dma_start3A_84 = tpu.memref_squeeze %dma_start3A_83 : memref<1x128xi32, #tpu.memory_space<vmem>> -> memref<128xi32, #tpu.memory_space<vmem>>
      %dma_start3A_85 = arith.constant 0 : i32
      %dma_start3A_86 = arith.constant 0 : i32
      %dma_start3A_87 = tpu.memref_slice %arg2[%dma_start3A_85, %dma_start3A_86] : memref<10000x128xf32, #tpu.memory_space<hbm>> -> memref<10000x128xf32, #tpu.memory_space<hbm>>
      tpu.enqueue_indirect_dma source(%dma_start3A_87 : memref<10000x128xf32, #tpu.memory_space<hbm>>) target(%arg10 : memref<128x128xf32, #tpu.memory_space<vmem>>) offsets(%dma_start3A_84 : memref<128xi32, #tpu.memory_space<vmem>>) semaphore(%arg13 : memref<!tpu.dma_semaphore, #tpu.memory_space<semaphore_mem>>)
      %dma_wait3A_88 = arith.constant 0 : i32
      %dma_wait3A_89 = tpu.memref_slice %arg7[%add3A_79, %dma_wait3A_88] : memref<40x128xi32, #tpu.memory_space<vmem>> -> memref<1x128xi32, #tpu.memory_space<vmem>>
      %dma_wait3A_90 = tpu.memref_squeeze %dma_wait3A_89 : memref<1x128xi32, #tpu.memory_space<vmem>> -> memref<128xi32, #tpu.memory_space<vmem>>
      %dma_wait3A_91 = arith.constant 0 : i32
      %dma_wait3A_92 = arith.constant 0 : i32
      %dma_wait3A_93 = tpu.memref_slice %arg2[%dma_wait3A_91, %dma_wait3A_92] : memref<10000x128xf32, #tpu.memory_space<hbm>> -> memref<10000x128xf32, #tpu.memory_space<hbm>>
      tpu.wait_indirect_dma semaphore(%arg12 : memref<!tpu.dma_semaphore, #tpu.memory_space<semaphore_mem>>) src(%dma_wait3A_93 : memref<10000x128xf32, #tpu.memory_space<hbm>>) dst(%arg9 : memref<128x128xf32, #tpu.memory_space<vmem>>)
      "tpu.region"() ({
        %run_scoped3A_112 = tpu.sem_alloc : memref<!tpu.dma_semaphore, #tpu.memory_space<semaphore_mem>>
        %dma_start3A_113 = arith.constant 0 : i32
        %dma_start3A_114 = tpu.memref_slice %arg8[%add3A_79, %dma_start3A_113] : memref<40x128xi32, #tpu.memory_space<vmem>> -> memref<1x128xi32, #tpu.memory_space<vmem>>
        %dma_start3A_115 = tpu.memref_squeeze %dma_start3A_114 : memref<1x128xi32, #tpu.memory_space<vmem>> -> memref<128xi32, #tpu.memory_space<vmem>>
        %dma_start3A_116 = arith.constant 0 : i32
        %dma_start3A_117 = arith.constant 0 : i32
        %dma_start3A_118 = tpu.memref_slice %arg11[%dma_start3A_116, %dma_start3A_117] : memref<10240x128xf32, #tpu.memory_space<vmem_shared>> -> memref<10240x128xf32, #tpu.memory_space<vmem_shared>>
        tpu.enqueue_indirect_dma source(%arg9 : memref<128x128xf32, #tpu.memory_space<vmem>>) target(%dma_start3A_118 : memref<10240x128xf32, #tpu.memory_space<vmem_shared>>) offsets(%dma_start3A_115 : memref<128xi32, #tpu.memory_space<vmem>>) semaphore(%run_scoped3A_112 : memref<!tpu.dma_semaphore, #tpu.memory_space<semaphore_mem>>) {add = true}
        %dma_wait3A_119 = arith.constant 0 : i32
        %dma_wait3A_120 = tpu.memref_slice %arg8[%add3A_79, %dma_wait3A_119] : memref<40x128xi32, #tpu.memory_space<vmem>> -> memref<1x128xi32, #tpu.memory_space<vmem>>
        %dma_wait3A_121 = tpu.memref_squeeze %dma_wait3A_120 : memref<1x128xi32, #tpu.memory_space<vmem>> -> memref<128xi32, #tpu.memory_space<vmem>>
        %dma_wait3A_122 = arith.constant 0 : i32
        %dma_wait3A_123 = arith.constant 0 : i32
        %dma_wait3A_124 = tpu.memref_slice %arg11[%dma_wait3A_122, %dma_wait3A_123] : memref<10240x128xf32, #tpu.memory_space<vmem_shared>> -> memref<10240x128xf32, #tpu.memory_space<vmem_shared>>
        tpu.wait_indirect_dma semaphore(%run_scoped3A_112 : memref<!tpu.dma_semaphore, #tpu.memory_space<semaphore_mem>>) src(%arg9 : memref<128x128xf32, #tpu.memory_space<vmem>>) dst(%dma_wait3A_124 : memref<10240x128xf32, #tpu.memory_space<vmem_shared>>)
        tpu.yield
      }) : () -> ()
      %add3A_94 = arith.constant 2 : i32
      %add3A_95 = arith.addi %add3A_79, %add3A_94 : i32
      %dma_start3A_96 = arith.constant 0 : i32
      %dma_start3A_97 = tpu.memref_slice %arg7[%add3A_95, %dma_start3A_96] : memref<40x128xi32, #tpu.memory_space<vmem>> -> memref<1x128xi32, #tpu.memory_space<vmem>>
      %dma_start3A_98 = tpu.memref_squeeze %dma_start3A_97 : memref<1x128xi32, #tpu.memory_space<vmem>> -> memref<128xi32, #tpu.memory_space<vmem>>
      %dma_start3A_99 = arith.constant 0 : i32
      %dma_start3A_100 = arith.constant 0 : i32
      %dma_start3A_101 = tpu.memref_slice %arg2[%dma_start3A_99, %dma_start3A_100] : memref<10000x128xf32, #tpu.memory_space<hbm>> -> memref<10000x128xf32, #tpu.memory_space<hbm>>
      tpu.enqueue_indirect_dma source(%dma_start3A_101 : memref<10000x128xf32, #tpu.memory_space<hbm>>) target(%arg9 : memref<128x128xf32, #tpu.memory_space<vmem>>) offsets(%dma_start3A_98 : memref<128xi32, #tpu.memory_space<vmem>>) semaphore(%arg12 : memref<!tpu.dma_semaphore, #tpu.memory_space<semaphore_mem>>)
      %add3A_102 = arith.constant 1 : i32
      %add3A_103 = arith.addi %add3A_79, %add3A_102 : i32
      %dma_wait3A_104 = arith.constant 0 : i32
      %dma_wait3A_105 = tpu.memref_slice %arg7[%add3A_103, %dma_wait3A_104] : memref<40x128xi32, #tpu.memory_space<vmem>> -> memref<1x128xi32, #tpu.memory_space<vmem>>
      %dma_wait3A_106 = tpu.memref_squeeze %dma_wait3A_105 : memref<1x128xi32, #tpu.memory_space<vmem>> -> memref<128xi32, #tpu.memory_space<vmem>>
      %dma_wait3A_107 = arith.constant 0 : i32
      %dma_wait3A_108 = arith.constant 0 : i32
      %dma_wait3A_109 = tpu.memref_slice %arg2[%dma_wait3A_107, %dma_wait3A_108] : memref<10000x128xf32, #tpu.memory_space<hbm>> -> memref<10000x128xf32, #tpu.memory_space<hbm>>
      tpu.wait_indirect_dma semaphore(%arg13 : memref<!tpu.dma_semaphore, #tpu.memory_space<semaphore_mem>>) src(%dma_wait3A_109 : memref<10000x128xf32, #tpu.memory_space<hbm>>) dst(%arg10 : memref<128x128xf32, #tpu.memory_space<vmem>>)
      %add3A_110 = arith.constant 1 : i32
      %add3A_111 = arith.addi %add3A_79, %add3A_110 : i32
      "tpu.region"() ({
        %run_scoped3A_112 = tpu.sem_alloc : memref<!tpu.dma_semaphore, #tpu.memory_space<semaphore_mem>>
        %dma_start3A_113 = arith.constant 0 : i32
        %dma_start3A_114 = tpu.memref_slice %arg8[%add3A_111, %dma_start3A_113] : memref<40x128xi32, #tpu.memory_space<vmem>> -> memref<1x128xi32, #tpu.memory_space<vmem>>
        %dma_start3A_115 = tpu.memref_squeeze %dma_start3A_114 : memref<1x128xi32, #tpu.memory_space<vmem>> -> memref<128xi32, #tpu.memory_space<vmem>>
        %dma_start3A_116 = arith.constant 0 : i32
        %dma_start3A_117 = arith.constant 0 : i32
        %dma_start3A_118 = tpu.memref_slice %arg11[%dma_start3A_116, %dma_start3A_117] : memref<10240x128xf32, #tpu.memory_space<vmem_shared>> -> memref<10240x128xf32, #tpu.memory_space<vmem_shared>>
        tpu.enqueue_indirect_dma source(%arg10 : memref<128x128xf32, #tpu.memory_space<vmem>>) target(%dma_start3A_118 : memref<10240x128xf32, #tpu.memory_space<vmem_shared>>) offsets(%dma_start3A_115 : memref<128xi32, #tpu.memory_space<vmem>>) semaphore(%run_scoped3A_112 : memref<!tpu.dma_semaphore, #tpu.memory_space<semaphore_mem>>) {add = true}
        %dma_wait3A_119 = arith.constant 0 : i32
        %dma_wait3A_120 = tpu.memref_slice %arg8[%add3A_111, %dma_wait3A_119] : memref<40x128xi32, #tpu.memory_space<vmem>> -> memref<1x128xi32, #tpu.memory_space<vmem>>
        %dma_wait3A_121 = tpu.memref_squeeze %dma_wait3A_120 : memref<1x128xi32, #tpu.memory_space<vmem>> -> memref<128xi32, #tpu.memory_space<vmem>>
        %dma_wait3A_122 = arith.constant 0 : i32
        %dma_wait3A_123 = arith.constant 0 : i32
        %dma_wait3A_124 = tpu.memref_slice %arg11[%dma_wait3A_122, %dma_wait3A_123] : memref<10240x128xf32, #tpu.memory_space<vmem_shared>> -> memref<10240x128xf32, #tpu.memory_space<vmem_shared>>
        tpu.wait_indirect_dma semaphore(%run_scoped3A_112 : memref<!tpu.dma_semaphore, #tpu.memory_space<semaphore_mem>>) src(%arg10 : memref<128x128xf32, #tpu.memory_space<vmem>>) dst(%dma_wait3A_124 : memref<10240x128xf32, #tpu.memory_space<vmem_shared>>)
        tpu.yield
      }) : () -> ()
    }
    %scan3A_50 = arith.constant 19 : i32
    %dma_start3A_51 = arith.constant 39 : i32
    %dma_start3A_52 = arith.constant 0 : i32
    %dma_start3A_53 = tpu.memref_slice %arg7[%dma_start3A_51, %dma_start3A_52] : memref<40x128xi32, #tpu.memory_space<vmem>> -> memref<1x128xi32, #tpu.memory_space<vmem>>
    %dma_start3A_54 = tpu.memref_squeeze %dma_start3A_53 : memref<1x128xi32, #tpu.memory_space<vmem>> -> memref<128xi32, #tpu.memory_space<vmem>>
    %dma_start3A_55 = arith.constant 0 : i32
    %dma_start3A_56 = arith.constant 0 : i32
    %dma_start3A_57 = tpu.memref_slice %arg2[%dma_start3A_55, %dma_start3A_56] : memref<10000x128xf32, #tpu.memory_space<hbm>> -> memref<10000x128xf32, #tpu.memory_space<hbm>>
    tpu.enqueue_indirect_dma source(%dma_start3A_57 : memref<10000x128xf32, #tpu.memory_space<hbm>>) target(%arg10 : memref<128x128xf32, #tpu.memory_space<vmem>>) offsets(%dma_start3A_54 : memref<128xi32, #tpu.memory_space<vmem>>) semaphore(%arg13 : memref<!tpu.dma_semaphore, #tpu.memory_space<semaphore_mem>>)
    %dma_wait3A_58 = arith.constant 38 : i32
    %dma_wait3A_59 = arith.constant 0 : i32
    %dma_wait3A_60 = tpu.memref_slice %arg7[%dma_wait3A_58, %dma_wait3A_59] : memref<40x128xi32, #tpu.memory_space<vmem>> -> memref<1x128xi32, #tpu.memory_space<vmem>>
    %dma_wait3A_61 = tpu.memref_squeeze %dma_wait3A_60 : memref<1x128xi32, #tpu.memory_space<vmem>> -> memref<128xi32, #tpu.memory_space<vmem>>
    %dma_wait3A_62 = arith.constant 0 : i32
    %dma_wait3A_63 = arith.constant 0 : i32
    %dma_wait3A_64 = tpu.memref_slice %arg2[%dma_wait3A_62, %dma_wait3A_63] : memref<10000x128xf32, #tpu.memory_space<hbm>> -> memref<10000x128xf32, #tpu.memory_space<hbm>>
    tpu.wait_indirect_dma semaphore(%arg12 : memref<!tpu.dma_semaphore, #tpu.memory_space<semaphore_mem>>) src(%dma_wait3A_64 : memref<10000x128xf32, #tpu.memory_space<hbm>>) dst(%arg9 : memref<128x128xf32, #tpu.memory_space<vmem>>)
    %run_scoped3A_65 = arith.constant 38 : i32
    "tpu.region"() ({
      %run_scoped3A_75 = tpu.sem_alloc : memref<!tpu.dma_semaphore, #tpu.memory_space<semaphore_mem>>
      %dma_start3A_76 = arith.constant 0 : i32
      %dma_start3A_77 = tpu.memref_slice %arg8[%run_scoped3A_65, %dma_start3A_76] : memref<40x128xi32, #tpu.memory_space<vmem>> -> memref<1x128xi32, #tpu.memory_space<vmem>>
      %dma_start3A_78 = tpu.memref_squeeze %dma_start3A_77 : memref<1x128xi32, #tpu.memory_space<vmem>> -> memref<128xi32, #tpu.memory_space<vmem>>
      %dma_start3A_79 = arith.constant 0 : i32
      %dma_start3A_80 = arith.constant 0 : i32
      %dma_start3A_81 = tpu.memref_slice %arg11[%dma_start3A_79, %dma_start3A_80] : memref<10240x128xf32, #tpu.memory_space<vmem_shared>> -> memref<10240x128xf32, #tpu.memory_space<vmem_shared>>
      tpu.enqueue_indirect_dma source(%arg9 : memref<128x128xf32, #tpu.memory_space<vmem>>) target(%dma_start3A_81 : memref<10240x128xf32, #tpu.memory_space<vmem_shared>>) offsets(%dma_start3A_78 : memref<128xi32, #tpu.memory_space<vmem>>) semaphore(%run_scoped3A_75 : memref<!tpu.dma_semaphore, #tpu.memory_space<semaphore_mem>>) {add = true}
      %dma_wait3A_82 = arith.constant 0 : i32
      %dma_wait3A_83 = tpu.memref_slice %arg8[%run_scoped3A_65, %dma_wait3A_82] : memref<40x128xi32, #tpu.memory_space<vmem>> -> memref<1x128xi32, #tpu.memory_space<vmem>>
      %dma_wait3A_84 = tpu.memref_squeeze %dma_wait3A_83 : memref<1x128xi32, #tpu.memory_space<vmem>> -> memref<128xi32, #tpu.memory_space<vmem>>
      %dma_wait3A_85 = arith.constant 0 : i32
      %dma_wait3A_86 = arith.constant 0 : i32
      %dma_wait3A_87 = tpu.memref_slice %arg11[%dma_wait3A_85, %dma_wait3A_86] : memref<10240x128xf32, #tpu.memory_space<vmem_shared>> -> memref<10240x128xf32, #tpu.memory_space<vmem_shared>>
      tpu.wait_indirect_dma semaphore(%run_scoped3A_75 : memref<!tpu.dma_semaphore, #tpu.memory_space<semaphore_mem>>) src(%arg9 : memref<128x128xf32, #tpu.memory_space<vmem>>) dst(%dma_wait3A_87 : memref<10240x128xf32, #tpu.memory_space<vmem_shared>>)
      tpu.yield
    }) : () -> ()
    %dma_wait3A_66 = arith.constant 39 : i32
    %dma_wait3A_67 = arith.constant 0 : i32
    %dma_wait3A_68 = tpu.memref_slice %arg7[%dma_wait3A_66, %dma_wait3A_67] : memref<40x128xi32, #tpu.memory_space<vmem>> -> memref<1x128xi32, #tpu.memory_space<vmem>>
    %dma_wait3A_69 = tpu.memref_squeeze %dma_wait3A_68 : memref<1x128xi32, #tpu.memory_space<vmem>> -> memref<128xi32, #tpu.memory_space<vmem>>
    %dma_wait3A_70 = arith.constant 0 : i32
    %dma_wait3A_71 = arith.constant 0 : i32
    %dma_wait3A_72 = tpu.memref_slice %arg2[%dma_wait3A_70, %dma_wait3A_71] : memref<10000x128xf32, #tpu.memory_space<hbm>> -> memref<10000x128xf32, #tpu.memory_space<hbm>>
    tpu.wait_indirect_dma semaphore(%arg13 : memref<!tpu.dma_semaphore, #tpu.memory_space<semaphore_mem>>) src(%dma_wait3A_72 : memref<10000x128xf32, #tpu.memory_space<hbm>>) dst(%arg10 : memref<128x128xf32, #tpu.memory_space<vmem>>)
    %run_scoped3A_73 = arith.constant 39 : i32
    "tpu.region"() ({
      %run_scoped3A_75 = tpu.sem_alloc : memref<!tpu.dma_semaphore, #tpu.memory_space<semaphore_mem>>
      %dma_start3A_76 = arith.constant 0 : i32
      %dma_start3A_77 = tpu.memref_slice %arg8[%run_scoped3A_73, %dma_start3A_76] : memref<40x128xi32, #tpu.memory_space<vmem>> -> memref<1x128xi32, #tpu.memory_space<vmem>>
      %dma_start3A_78 = tpu.memref_squeeze %dma_start3A_77 : memref<1x128xi32, #tpu.memory_space<vmem>> -> memref<128xi32, #tpu.memory_space<vmem>>
      %dma_start3A_79 = arith.constant 0 : i32
      %dma_start3A_80 = arith.constant 0 : i32
      %dma_start3A_81 = tpu.memref_slice %arg11[%dma_start3A_79, %dma_start3A_80] : memref<10240x128xf32, #tpu.memory_space<vmem_shared>> -> memref<10240x128xf32, #tpu.memory_space<vmem_shared>>
      tpu.enqueue_indirect_dma source(%arg10 : memref<128x128xf32, #tpu.memory_space<vmem>>) target(%dma_start3A_81 : memref<10240x128xf32, #tpu.memory_space<vmem_shared>>) offsets(%dma_start3A_78 : memref<128xi32, #tpu.memory_space<vmem>>) semaphore(%run_scoped3A_75 : memref<!tpu.dma_semaphore, #tpu.memory_space<semaphore_mem>>) {add = true}
      %dma_wait3A_82 = arith.constant 0 : i32
      %dma_wait3A_83 = tpu.memref_slice %arg8[%run_scoped3A_73, %dma_wait3A_82] : memref<40x128xi32, #tpu.memory_space<vmem>> -> memref<1x128xi32, #tpu.memory_space<vmem>>
      %dma_wait3A_84 = tpu.memref_squeeze %dma_wait3A_83 : memref<1x128xi32, #tpu.memory_space<vmem>> -> memref<128xi32, #tpu.memory_space<vmem>>
      %dma_wait3A_85 = arith.constant 0 : i32
      %dma_wait3A_86 = arith.constant 0 : i32
      %dma_wait3A_87 = tpu.memref_slice %arg11[%dma_wait3A_85, %dma_wait3A_86] : memref<10240x128xf32, #tpu.memory_space<vmem_shared>> -> memref<10240x128xf32, #tpu.memory_space<vmem_shared>>
      tpu.wait_indirect_dma semaphore(%run_scoped3A_75 : memref<!tpu.dma_semaphore, #tpu.memory_space<semaphore_mem>>) src(%arg10 : memref<128x128xf32, #tpu.memory_space<vmem>>) dst(%dma_wait3A_87 : memref<10240x128xf32, #tpu.memory_space<vmem_shared>>)
      tpu.yield
    }) : () -> ()
    %barrier3A_74 = arith.constant 0 : index
    tpu.barrier barrier_id(%barrier3A_74)
    "tpu.region"() ({
      %run_scoped3A_75 = tpu.sem_alloc : memref<!tpu.dma_semaphore, #tpu.memory_space<semaphore_mem>>
      %dma_start3A_76 = arith.constant 0 : i32
      %dma_start3A_77 = tpu.memref_slice %arg6[%arg0, %mul3A_2, %dma_start3A_76] : memref<2x10240x128xf32, #tpu.memory_space<hbm>> -> memref<1x640x128xf32, #tpu.memory_space<hbm>>
      %dma_start3A_78 = tpu.memref_squeeze %dma_start3A_77 : memref<1x640x128xf32, #tpu.memory_space<hbm>> -> memref<640x128xf32, #tpu.memory_space<hbm>>
      %dma_start3A_79 = arith.constant 0 : i32
      %dma_start3A_80 = tpu.memref_slice %arg11[%mul3A_2, %dma_start3A_79] : memref<10240x128xf32, #tpu.memory_space<vmem_shared>> -> memref<640x128xf32, #tpu.memory_space<vmem_shared>>
      tpu.enqueue_dma source(%dma_start3A_80 : memref<640x128xf32, #tpu.memory_space<vmem_shared>>) target(%dma_start3A_78 : memref<640x128xf32, #tpu.memory_space<hbm>>) target_semaphore(%run_scoped3A_75 : memref<!tpu.dma_semaphore, #tpu.memory_space<semaphore_mem>>)
      %dma_wait3A_81 = arith.constant 0 : i32
      %dma_wait3A_82 = tpu.memref_slice %arg6[%arg0, %mul3A_2, %dma_wait3A_81] : memref<2x10240x128xf32, #tpu.memory_space<hbm>> -> memref<1x640x128xf32, #tpu.memory_space<hbm>>
      %dma_wait3A_83 = tpu.memref_squeeze %dma_wait3A_82 : memref<1x640x128xf32, #tpu.memory_space<hbm>> -> memref<640x128xf32, #tpu.memory_space<hbm>>
      %dma_wait3A_84 = arith.constant 0 : i32
      %dma_wait3A_85 = tpu.memref_slice %arg11[%mul3A_2, %dma_wait3A_84] : memref<10240x128xf32, #tpu.memory_space<vmem_shared>> -> memref<640x128xf32, #tpu.memory_space<vmem_shared>>
      tpu.wait_dma2 semaphore(%run_scoped3A_75 : memref<!tpu.dma_semaphore, #tpu.memory_space<semaphore_mem>>) src(%dma_wait3A_85 : memref<640x128xf32, #tpu.memory_space<vmem_shared>>) dst(%dma_wait3A_83 : memref<640x128xf32, #tpu.memory_space<hbm>>)
      tpu.yield
    }) : () -> ()
    return
  }
}

#map = affine_map<(d0, d1) -> (0, 0)>
#map1 = affine_map<(d0, d1) -> (0, 0, 0)>
module attributes {stable_mosaic.version = 14 : i64} {
  func.func @k(%arg0: i32, %arg1: i32, %arg2: memref<10000x128xf32, #tpu.memory_space<hbm>>, %arg3: memref<32x80x128xi32, #tpu.memory_space<hbm>>, %arg4: memref<32x80x128xi32, #tpu.memory_space<hbm>>, %arg5: memref<128x128xf32, #tpu.memory_space<hbm>>, %arg6: memref<2x10240x128xf32, #tpu.memory_space<hbm>>, %arg7: memref<40x128xi32, #tpu.memory_space<vmem>>, %arg8: memref<40x128xi32, #tpu.memory_space<vmem>>, %arg9: memref<128x128xf32, #tpu.memory_space<vmem>>, %arg10: memref<128x128xf32, #tpu.memory_space<vmem>>, %arg11: memref<10240x128xf32, #tpu.memory_space<vmem_shared>>, %arg12: memref<!tpu.dma_semaphore, #tpu.memory_space<semaphore_mem>>, %arg13: memref<!tpu.dma_semaphore, #tpu.memory_space<semaphore_mem>>, %arg14: memref<!tpu.dma_semaphore, #tpu.memory_space<semaphore_mem>>, %arg15: memref<!tpu.dma_semaphore, #tpu.memory_space<semaphore_mem>>) attributes {dimension_semantics = [#tpu.dimension_semantics<core_parallel>, #tpu.dimension_semantics<subcore_parallel>], iteration_bounds = array<i64: 2, 16>, scalar_prefetch = 0 : i64, scratch_operands = 9 : i64, tpu.core_type = #tpu.core_type<sc_vector_subcore>, window_params = [{transform_indices = #map}, {transform_indices = #map1}, {transform_indices = #map1}, {transform_indices = #map}, {transform_indices = #map1}]} {
    %mul3A = arith.constant 16 : i32
    %mul3A_0 = arith.muli %arg0, %mul3A : i32
    %add3A = arith.addi %mul3A_0, %arg1 : i32
    %mul3A_1 = arith.constant 640 : i32
    %mul3A_2 = arith.muli %arg1, %mul3A_1 : i32
    %scan3A = arith.constant 0 : i32
    %scan3A_3 = arith.constant 5 : i32
    %scan3A_4 = arith.addi %scan3A, %scan3A_3 : i32
    %scan3A_5 = arith.constant 1 : i32
    scf.for %scan3A_75 = %scan3A to %scan3A_4 step %scan3A_5  : i32 {
      %mul3A_76 = arith.constant 1 : i32
      %mul3A_77 = arith.muli %scan3A_75, %mul3A_76 : i32
      %add3A_78 = arith.constant 0 : i32
      %add3A_79 = arith.addi %add3A_78, %mul3A_77 : i32
      %mul3A_80 = arith.constant 128 : i32
      %mul3A_81 = arith.muli %add3A_79, %mul3A_80 : i32
      %add3A_82 = arith.addi %mul3A_2, %mul3A_81 : i32
      "tpu.region"() ({
        %run_scoped3A_83 = tpu.sem_alloc : memref<!tpu.dma_semaphore, #tpu.memory_space<semaphore_mem>>
        %dma_start3A_84 = arith.constant 0 : i32
        %dma_start3A_85 = tpu.memref_slice %arg11[%add3A_82, %dma_start3A_84] : memref<10240x128xf32, #tpu.memory_space<vmem_shared>> -> memref<128x128xf32, #tpu.memory_space<vmem_shared>>
        tpu.enqueue_dma source(%arg5 : memref<128x128xf32, #tpu.memory_space<hbm>>) target(%dma_start3A_85 : memref<128x128xf32, #tpu.memory_space<vmem_shared>>) target_semaphore(%run_scoped3A_83 : memref<!tpu.dma_semaphore, #tpu.memory_space<semaphore_mem>>)
        %dma_wait3A_86 = arith.constant 0 : i32
        %dma_wait3A_87 = tpu.memref_slice %arg11[%add3A_82, %dma_wait3A_86] : memref<10240x128xf32, #tpu.memory_space<vmem_shared>> -> memref<128x128xf32, #tpu.memory_space<vmem_shared>>
        tpu.wait_dma2 semaphore(%run_scoped3A_83 : memref<!tpu.dma_semaphore, #tpu.memory_space<semaphore_mem>>) src(%arg5 : memref<128x128xf32, #tpu.memory_space<hbm>>) dst(%dma_wait3A_87 : memref<128x128xf32, #tpu.memory_space<vmem_shared>>)
        tpu.yield
      }) : () -> ()
    }
    %scan3A_6 = arith.constant 5 : i32
    %barrier3A = arith.constant 0 : index
    tpu.barrier barrier_id(%barrier3A)
    "tpu.region"() ({
      %run_scoped3A_75 = tpu.sem_alloc : memref<!tpu.dma_semaphore, #tpu.memory_space<semaphore_mem>>
      %dma_start3A_76 = arith.constant 0 : i32
      %dma_start3A_77 = arith.constant 0 : i32
      %dma_start3A_78 = tpu.memref_slice %arg3[%add3A, %dma_start3A_76, %dma_start3A_77] : memref<32x80x128xi32, #tpu.memory_space<hbm>> -> memref<1x40x128xi32, #tpu.memory_space<hbm>>
      %dma_start3A_79 = tpu.memref_squeeze %dma_start3A_78 : memref<1x40x128xi32, #tpu.memory_space<hbm>> -> memref<40x128xi32, #tpu.memory_space<hbm>>
      %dma_start3A_80 = arith.constant 0 : i32
      %dma_start3A_81 = arith.constant 0 : i32
      %dma_start3A_82 = tpu.memref_slice %arg3[%add3A, %dma_start3A_80, %dma_start3A_81] : memref<32x80x128xi32, #tpu.memory_space<hbm>> -> memref<1x40x128xi32, #tpu.memory_space<hbm>>
      %dma_start3A_83 = tpu.memref_squeeze %dma_start3A_82 : memref<1x40x128xi32, #tpu.memory_space<hbm>> -> memref<40x128xi32, #tpu.memory_space<hbm>>
      tpu.enqueue_dma source(%dma_start3A_83 : memref<40x128xi32, #tpu.memory_space<hbm>>) target(%arg7 : memref<40x128xi32, #tpu.memory_space<vmem>>) target_semaphore(%run_scoped3A_75 : memref<!tpu.dma_semaphore, #tpu.memory_space<semaphore_mem>>)
      %dma_wait3A_84 = arith.constant 0 : i32
      %dma_wait3A_85 = arith.constant 0 : i32
      %dma_wait3A_86 = tpu.memref_slice %arg3[%add3A, %dma_wait3A_84, %dma_wait3A_85] : memref<32x80x128xi32, #tpu.memory_space<hbm>> -> memref<1x40x128xi32, #tpu.memory_space<hbm>>
      %dma_wait3A_87 = tpu.memref_squeeze %dma_wait3A_86 : memref<1x40x128xi32, #tpu.memory_space<hbm>> -> memref<40x128xi32, #tpu.memory_space<hbm>>
      %dma_wait3A_88 = arith.constant 0 : i32
      %dma_wait3A_89 = arith.constant 0 : i32
      %dma_wait3A_90 = tpu.memref_slice %arg3[%add3A, %dma_wait3A_88, %dma_wait3A_89] : memref<32x80x128xi32, #tpu.memory_space<hbm>> -> memref<1x40x128xi32, #tpu.memory_space<hbm>>
      %dma_wait3A_91 = tpu.memref_squeeze %dma_wait3A_90 : memref<1x40x128xi32, #tpu.memory_space<hbm>> -> memref<40x128xi32, #tpu.memory_space<hbm>>
      tpu.wait_dma2 semaphore(%run_scoped3A_75 : memref<!tpu.dma_semaphore, #tpu.memory_space<semaphore_mem>>) src(%dma_wait3A_91 : memref<40x128xi32, #tpu.memory_space<hbm>>) dst(%arg7 : memref<40x128xi32, #tpu.memory_space<vmem>>)
      tpu.yield
    }) : () -> ()
    "tpu.region"() ({
      %run_scoped3A_75 = tpu.sem_alloc : memref<!tpu.dma_semaphore, #tpu.memory_space<semaphore_mem>>
      %dma_start3A_76 = arith.constant 0 : i32
      %dma_start3A_77 = arith.constant 0 : i32
      %dma_start3A_78 = tpu.memref_slice %arg4[%add3A, %dma_start3A_76, %dma_start3A_77] : memref<32x80x128xi32, #tpu.memory_space<hbm>> -> memref<1x40x128xi32, #tpu.memory_space<hbm>>
      %dma_start3A_79 = tpu.memref_squeeze %dma_start3A_78 : memref<1x40x128xi32, #tpu.memory_space<hbm>> -> memref<40x128xi32, #tpu.memory_space<hbm>>
      %dma_start3A_80 = arith.constant 0 : i32
      %dma_start3A_81 = arith.constant 0 : i32
      %dma_start3A_82 = tpu.memref_slice %arg4[%add3A, %dma_start3A_80, %dma_start3A_81] : memref<32x80x128xi32, #tpu.memory_space<hbm>> -> memref<1x40x128xi32, #tpu.memory_space<hbm>>
      %dma_start3A_83 = tpu.memref_squeeze %dma_start3A_82 : memref<1x40x128xi32, #tpu.memory_space<hbm>> -> memref<40x128xi32, #tpu.memory_space<hbm>>
      tpu.enqueue_dma source(%dma_start3A_83 : memref<40x128xi32, #tpu.memory_space<hbm>>) target(%arg8 : memref<40x128xi32, #tpu.memory_space<vmem>>) target_semaphore(%run_scoped3A_75 : memref<!tpu.dma_semaphore, #tpu.memory_space<semaphore_mem>>)
      %dma_wait3A_84 = arith.constant 0 : i32
      %dma_wait3A_85 = arith.constant 0 : i32
      %dma_wait3A_86 = tpu.memref_slice %arg4[%add3A, %dma_wait3A_84, %dma_wait3A_85] : memref<32x80x128xi32, #tpu.memory_space<hbm>> -> memref<1x40x128xi32, #tpu.memory_space<hbm>>
      %dma_wait3A_87 = tpu.memref_squeeze %dma_wait3A_86 : memref<1x40x128xi32, #tpu.memory_space<hbm>> -> memref<40x128xi32, #tpu.memory_space<hbm>>
      %dma_wait3A_88 = arith.constant 0 : i32
      %dma_wait3A_89 = arith.constant 0 : i32
      %dma_wait3A_90 = tpu.memref_slice %arg4[%add3A, %dma_wait3A_88, %dma_wait3A_89] : memref<32x80x128xi32, #tpu.memory_space<hbm>> -> memref<1x40x128xi32, #tpu.memory_space<hbm>>
      %dma_wait3A_91 = tpu.memref_squeeze %dma_wait3A_90 : memref<1x40x128xi32, #tpu.memory_space<hbm>> -> memref<40x128xi32, #tpu.memory_space<hbm>>
      tpu.wait_dma2 semaphore(%run_scoped3A_75 : memref<!tpu.dma_semaphore, #tpu.memory_space<semaphore_mem>>) src(%dma_wait3A_91 : memref<40x128xi32, #tpu.memory_space<hbm>>) dst(%arg8 : memref<40x128xi32, #tpu.memory_space<vmem>>)
      tpu.yield
    }) : () -> ()
    %dma_start3A = arith.constant 0 : i32
    %dma_start3A_7 = arith.constant 0 : i32
    %dma_start3A_8 = tpu.memref_slice %arg7[%dma_start3A, %dma_start3A_7] : memref<40x128xi32, #tpu.memory_space<vmem>> -> memref<1x128xi32, #tpu.memory_space<vmem>>
    %dma_start3A_9 = tpu.memref_squeeze %dma_start3A_8 : memref<1x128xi32, #tpu.memory_space<vmem>> -> memref<128xi32, #tpu.memory_space<vmem>>
    %dma_start3A_10 = arith.constant 0 : i32
    %dma_start3A_11 = arith.constant 0 : i32
    %dma_start3A_12 = tpu.memref_slice %arg2[%dma_start3A_10, %dma_start3A_11] : memref<10000x128xf32, #tpu.memory_space<hbm>> -> memref<10000x128xf32, #tpu.memory_space<hbm>>
    tpu.enqueue_indirect_dma source(%dma_start3A_12 : memref<10000x128xf32, #tpu.memory_space<hbm>>) target(%arg9 : memref<128x128xf32, #tpu.memory_space<vmem>>) offsets(%dma_start3A_9 : memref<128xi32, #tpu.memory_space<vmem>>) semaphore(%arg12 : memref<!tpu.dma_semaphore, #tpu.memory_space<semaphore_mem>>)
    %scan3A_13 = arith.constant 0 : i32
    %scan3A_14 = arith.constant 19 : i32
    %scan3A_15 = arith.addi %scan3A_13, %scan3A_14 : i32
    %scan3A_16 = arith.constant 1 : i32
    scf.for %scan3A_75 = %scan3A_13 to %scan3A_15 step %scan3A_16  : i32 {
      %mul3A_76 = arith.constant 2 : i32
      %mul3A_77 = arith.muli %scan3A_75, %mul3A_76 : i32
      %add3A_78 = arith.constant 0 : i32
      %add3A_79 = arith.addi %add3A_78, %mul3A_77 : i32
      %add3A_80 = arith.constant 1 : i32
      %add3A_81 = arith.addi %add3A_79, %add3A_80 : i32
      %dma_start3A_82 = arith.constant 0 : i32
      %dma_start3A_83 = tpu.memref_slice %arg7[%add3A_81, %dma_start3A_82] : memref<40x128xi32, #tpu.memory_space<vmem>> -> memref<1x128xi32, #tpu.memory_space<vmem>>
      %dma_start3A_84 = tpu.memref_squeeze %dma_start3A_83 : memref<1x128xi32, #tpu.memory_space<vmem>> -> memref<128xi32, #tpu.memory_space<vmem>>
      %dma_start3A_85 = arith.constant 0 : i32
      %dma_start3A_86 = arith.constant 0 : i32
      %dma_start3A_87 = tpu.memref_slice %arg2[%dma_start3A_85, %dma_start3A_86] : memref<10000x128xf32, #tpu.memory_space<hbm>> -> memref<10000x128xf32, #tpu.memory_space<hbm>>
      tpu.enqueue_indirect_dma source(%dma_start3A_87 : memref<10000x128xf32, #tpu.memory_space<hbm>>) target(%arg10 : memref<128x128xf32, #tpu.memory_space<vmem>>) offsets(%dma_start3A_84 : memref<128xi32, #tpu.memory_space<vmem>>) semaphore(%arg13 : memref<!tpu.dma_semaphore, #tpu.memory_space<semaphore_mem>>)
      %dma_wait3A_88 = arith.constant 0 : i32
      %dma_wait3A_89 = tpu.memref_slice %arg7[%add3A_79, %dma_wait3A_88] : memref<40x128xi32, #tpu.memory_space<vmem>> -> memref<1x128xi32, #tpu.memory_space<vmem>>
      %dma_wait3A_90 = tpu.memref_squeeze %dma_wait3A_89 : memref<1x128xi32, #tpu.memory_space<vmem>> -> memref<128xi32, #tpu.memory_space<vmem>>
      %dma_wait3A_91 = arith.constant 0 : i32
      %dma_wait3A_92 = arith.constant 0 : i32
      %dma_wait3A_93 = tpu.memref_slice %arg2[%dma_wait3A_91, %dma_wait3A_92] : memref<10000x128xf32, #tpu.memory_space<hbm>> -> memref<10000x128xf32, #tpu.memory_space<hbm>>
      tpu.wait_indirect_dma semaphore(%arg12 : memref<!tpu.dma_semaphore, #tpu.memory_space<semaphore_mem>>) src(%dma_wait3A_93 : memref<10000x128xf32, #tpu.memory_space<hbm>>) dst(%arg9 : memref<128x128xf32, #tpu.memory_space<vmem>>)
      "tpu.region"() ({
        %run_scoped3A_112 = tpu.sem_alloc : memref<!tpu.dma_semaphore, #tpu.memory_space<semaphore_mem>>
        %dma_start3A_113 = arith.constant 0 : i32
        %dma_start3A_114 = tpu.memref_slice %arg8[%add3A_79, %dma_start3A_113] : memref<40x128xi32, #tpu.memory_space<vmem>> -> memref<1x128xi32, #tpu.memory_space<vmem>>
        %dma_start3A_115 = tpu.memref_squeeze %dma_start3A_114 : memref<1x128xi32, #tpu.memory_space<vmem>> -> memref<128xi32, #tpu.memory_space<vmem>>
        %dma_start3A_116 = arith.constant 0 : i32
        %dma_start3A_117 = arith.constant 0 : i32
        %dma_start3A_118 = tpu.memref_slice %arg11[%dma_start3A_116, %dma_start3A_117] : memref<10240x128xf32, #tpu.memory_space<vmem_shared>> -> memref<10240x128xf32, #tpu.memory_space<vmem_shared>>
        tpu.enqueue_indirect_dma source(%arg9 : memref<128x128xf32, #tpu.memory_space<vmem>>) target(%dma_start3A_118 : memref<10240x128xf32, #tpu.memory_space<vmem_shared>>) offsets(%dma_start3A_115 : memref<128xi32, #tpu.memory_space<vmem>>) semaphore(%run_scoped3A_112 : memref<!tpu.dma_semaphore, #tpu.memory_space<semaphore_mem>>) {add = true}
        %dma_wait3A_119 = arith.constant 0 : i32
        %dma_wait3A_120 = tpu.memref_slice %arg8[%add3A_79, %dma_wait3A_119] : memref<40x128xi32, #tpu.memory_space<vmem>> -> memref<1x128xi32, #tpu.memory_space<vmem>>
        %dma_wait3A_121 = tpu.memref_squeeze %dma_wait3A_120 : memref<1x128xi32, #tpu.memory_space<vmem>> -> memref<128xi32, #tpu.memory_space<vmem>>
        %dma_wait3A_122 = arith.constant 0 : i32
        %dma_wait3A_123 = arith.constant 0 : i32
        %dma_wait3A_124 = tpu.memref_slice %arg11[%dma_wait3A_122, %dma_wait3A_123] : memref<10240x128xf32, #tpu.memory_space<vmem_shared>> -> memref<10240x128xf32, #tpu.memory_space<vmem_shared>>
        tpu.wait_indirect_dma semaphore(%run_scoped3A_112 : memref<!tpu.dma_semaphore, #tpu.memory_space<semaphore_mem>>) src(%arg9 : memref<128x128xf32, #tpu.memory_space<vmem>>) dst(%dma_wait3A_124 : memref<10240x128xf32, #tpu.memory_space<vmem_shared>>)
        tpu.yield
      }) : () -> ()
      %add3A_94 = arith.constant 2 : i32
      %add3A_95 = arith.addi %add3A_79, %add3A_94 : i32
      %dma_start3A_96 = arith.constant 0 : i32
      %dma_start3A_97 = tpu.memref_slice %arg7[%add3A_95, %dma_start3A_96] : memref<40x128xi32, #tpu.memory_space<vmem>> -> memref<1x128xi32, #tpu.memory_space<vmem>>
      %dma_start3A_98 = tpu.memref_squeeze %dma_start3A_97 : memref<1x128xi32, #tpu.memory_space<vmem>> -> memref<128xi32, #tpu.memory_space<vmem>>
      %dma_start3A_99 = arith.constant 0 : i32
      %dma_start3A_100 = arith.constant 0 : i32
      %dma_start3A_101 = tpu.memref_slice %arg2[%dma_start3A_99, %dma_start3A_100] : memref<10000x128xf32, #tpu.memory_space<hbm>> -> memref<10000x128xf32, #tpu.memory_space<hbm>>
      tpu.enqueue_indirect_dma source(%dma_start3A_101 : memref<10000x128xf32, #tpu.memory_space<hbm>>) target(%arg9 : memref<128x128xf32, #tpu.memory_space<vmem>>) offsets(%dma_start3A_98 : memref<128xi32, #tpu.memory_space<vmem>>) semaphore(%arg12 : memref<!tpu.dma_semaphore, #tpu.memory_space<semaphore_mem>>)
      %add3A_102 = arith.constant 1 : i32
      %add3A_103 = arith.addi %add3A_79, %add3A_102 : i32
      %dma_wait3A_104 = arith.constant 0 : i32
      %dma_wait3A_105 = tpu.memref_slice %arg7[%add3A_103, %dma_wait3A_104] : memref<40x128xi32, #tpu.memory_space<vmem>> -> memref<1x128xi32, #tpu.memory_space<vmem>>
      %dma_wait3A_106 = tpu.memref_squeeze %dma_wait3A_105 : memref<1x128xi32, #tpu.memory_space<vmem>> -> memref<128xi32, #tpu.memory_space<vmem>>
      %dma_wait3A_107 = arith.constant 0 : i32
      %dma_wait3A_108 = arith.constant 0 : i32
      %dma_wait3A_109 = tpu.memref_slice %arg2[%dma_wait3A_107, %dma_wait3A_108] : memref<10000x128xf32, #tpu.memory_space<hbm>> -> memref<10000x128xf32, #tpu.memory_space<hbm>>
      tpu.wait_indirect_dma semaphore(%arg13 : memref<!tpu.dma_semaphore, #tpu.memory_space<semaphore_mem>>) src(%dma_wait3A_109 : memref<10000x128xf32, #tpu.memory_space<hbm>>) dst(%arg10 : memref<128x128xf32, #tpu.memory_space<vmem>>)
      %add3A_110 = arith.constant 1 : i32
      %add3A_111 = arith.addi %add3A_79, %add3A_110 : i32
      "tpu.region"() ({
        %run_scoped3A_112 = tpu.sem_alloc : memref<!tpu.dma_semaphore, #tpu.memory_space<semaphore_mem>>
        %dma_start3A_113 = arith.constant 0 : i32
        %dma_start3A_114 = tpu.memref_slice %arg8[%add3A_111, %dma_start3A_113] : memref<40x128xi32, #tpu.memory_space<vmem>> -> memref<1x128xi32, #tpu.memory_space<vmem>>
        %dma_start3A_115 = tpu.memref_squeeze %dma_start3A_114 : memref<1x128xi32, #tpu.memory_space<vmem>> -> memref<128xi32, #tpu.memory_space<vmem>>
        %dma_start3A_116 = arith.constant 0 : i32
        %dma_start3A_117 = arith.constant 0 : i32
        %dma_start3A_118 = tpu.memref_slice %arg11[%dma_start3A_116, %dma_start3A_117] : memref<10240x128xf32, #tpu.memory_space<vmem_shared>> -> memref<10240x128xf32, #tpu.memory_space<vmem_shared>>
        tpu.enqueue_indirect_dma source(%arg10 : memref<128x128xf32, #tpu.memory_space<vmem>>) target(%dma_start3A_118 : memref<10240x128xf32, #tpu.memory_space<vmem_shared>>) offsets(%dma_start3A_115 : memref<128xi32, #tpu.memory_space<vmem>>) semaphore(%run_scoped3A_112 : memref<!tpu.dma_semaphore, #tpu.memory_space<semaphore_mem>>) {add = true}
        %dma_wait3A_119 = arith.constant 0 : i32
        %dma_wait3A_120 = tpu.memref_slice %arg8[%add3A_111, %dma_wait3A_119] : memref<40x128xi32, #tpu.memory_space<vmem>> -> memref<1x128xi32, #tpu.memory_space<vmem>>
        %dma_wait3A_121 = tpu.memref_squeeze %dma_wait3A_120 : memref<1x128xi32, #tpu.memory_space<vmem>> -> memref<128xi32, #tpu.memory_space<vmem>>
        %dma_wait3A_122 = arith.constant 0 : i32
        %dma_wait3A_123 = arith.constant 0 : i32
        %dma_wait3A_124 = tpu.memref_slice %arg11[%dma_wait3A_122, %dma_wait3A_123] : memref<10240x128xf32, #tpu.memory_space<vmem_shared>> -> memref<10240x128xf32, #tpu.memory_space<vmem_shared>>
        tpu.wait_indirect_dma semaphore(%run_scoped3A_112 : memref<!tpu.dma_semaphore, #tpu.memory_space<semaphore_mem>>) src(%arg10 : memref<128x128xf32, #tpu.memory_space<vmem>>) dst(%dma_wait3A_124 : memref<10240x128xf32, #tpu.memory_space<vmem_shared>>)
        tpu.yield
      }) : () -> ()
    }
    %scan3A_17 = arith.constant 19 : i32
    %dma_start3A_18 = arith.constant 39 : i32
    %dma_start3A_19 = arith.constant 0 : i32
    %dma_start3A_20 = tpu.memref_slice %arg7[%dma_start3A_18, %dma_start3A_19] : memref<40x128xi32, #tpu.memory_space<vmem>> -> memref<1x128xi32, #tpu.memory_space<vmem>>
    %dma_start3A_21 = tpu.memref_squeeze %dma_start3A_20 : memref<1x128xi32, #tpu.memory_space<vmem>> -> memref<128xi32, #tpu.memory_space<vmem>>
    %dma_start3A_22 = arith.constant 0 : i32
    %dma_start3A_23 = arith.constant 0 : i32
    %dma_start3A_24 = tpu.memref_slice %arg2[%dma_start3A_22, %dma_start3A_23] : memref<10000x128xf32, #tpu.memory_space<hbm>> -> memref<10000x128xf32, #tpu.memory_space<hbm>>
    tpu.enqueue_indirect_dma source(%dma_start3A_24 : memref<10000x128xf32, #tpu.memory_space<hbm>>) target(%arg10 : memref<128x128xf32, #tpu.memory_space<vmem>>) offsets(%dma_start3A_21 : memref<128xi32, #tpu.memory_space<vmem>>) semaphore(%arg13 : memref<!tpu.dma_semaphore, #tpu.memory_space<semaphore_mem>>)
    %dma_wait3A = arith.constant 38 : i32
    %dma_wait3A_25 = arith.constant 0 : i32
    %dma_wait3A_26 = tpu.memref_slice %arg7[%dma_wait3A, %dma_wait3A_25] : memref<40x128xi32, #tpu.memory_space<vmem>> -> memref<1x128xi32, #tpu.memory_space<vmem>>
    %dma_wait3A_27 = tpu.memref_squeeze %dma_wait3A_26 : memref<1x128xi32, #tpu.memory_space<vmem>> -> memref<128xi32, #tpu.memory_space<vmem>>
    %dma_wait3A_28 = arith.constant 0 : i32
    %dma_wait3A_29 = arith.constant 0 : i32
    %dma_wait3A_30 = tpu.memref_slice %arg2[%dma_wait3A_28, %dma_wait3A_29] : memref<10000x128xf32, #tpu.memory_space<hbm>> -> memref<10000x128xf32, #tpu.memory_space<hbm>>
    tpu.wait_indirect_dma semaphore(%arg12 : memref<!tpu.dma_semaphore, #tpu.memory_space<semaphore_mem>>) src(%dma_wait3A_30 : memref<10000x128xf32, #tpu.memory_space<hbm>>) dst(%arg9 : memref<128x128xf32, #tpu.memory_space<vmem>>)
    %run_scoped3A = arith.constant 38 : i32
    "tpu.region"() ({
      %run_scoped3A_75 = tpu.sem_alloc : memref<!tpu.dma_semaphore, #tpu.memory_space<semaphore_mem>>
      %dma_start3A_76 = arith.constant 0 : i32
      %dma_start3A_77 = tpu.memref_slice %arg8[%run_scoped3A, %dma_start3A_76] : memref<40x128xi32, #tpu.memory_space<vmem>> -> memref<1x128xi32, #tpu.memory_space<vmem>>
      %dma_start3A_78 = tpu.memref_squeeze %dma_start3A_77 : memref<1x128xi32, #tpu.memory_space<vmem>> -> memref<128xi32, #tpu.memory_space<vmem>>
      %dma_start3A_79 = arith.constant 0 : i32
      %dma_start3A_80 = arith.constant 0 : i32
      %dma_start3A_81 = tpu.memref_slice %arg11[%dma_start3A_79, %dma_start3A_80] : memref<10240x128xf32, #tpu.memory_space<vmem_shared>> -> memref<10240x128xf32, #tpu.memory_space<vmem_shared>>
      tpu.enqueue_indirect_dma source(%arg9 : memref<128x128xf32, #tpu.memory_space<vmem>>) target(%dma_start3A_81 : memref<10240x128xf32, #tpu.memory_space<vmem_shared>>) offsets(%dma_start3A_78 : memref<128xi32, #tpu.memory_space<vmem>>) semaphore(%run_scoped3A_75 : memref<!tpu.dma_semaphore, #tpu.memory_space<semaphore_mem>>) {add = true}
      %dma_wait3A_82 = arith.constant 0 : i32
      %dma_wait3A_83 = tpu.memref_slice %arg8[%run_scoped3A, %dma_wait3A_82] : memref<40x128xi32, #tpu.memory_space<vmem>> -> memref<1x128xi32, #tpu.memory_space<vmem>>
      %dma_wait3A_84 = tpu.memref_squeeze %dma_wait3A_83 : memref<1x128xi32, #tpu.memory_space<vmem>> -> memref<128xi32, #tpu.memory_space<vmem>>
      %dma_wait3A_85 = arith.constant 0 : i32
      %dma_wait3A_86 = arith.constant 0 : i32
      %dma_wait3A_87 = tpu.memref_slice %arg11[%dma_wait3A_85, %dma_wait3A_86] : memref<10240x128xf32, #tpu.memory_space<vmem_shared>> -> memref<10240x128xf32, #tpu.memory_space<vmem_shared>>
      tpu.wait_indirect_dma semaphore(%run_scoped3A_75 : memref<!tpu.dma_semaphore, #tpu.memory_space<semaphore_mem>>) src(%arg9 : memref<128x128xf32, #tpu.memory_space<vmem>>) dst(%dma_wait3A_87 : memref<10240x128xf32, #tpu.memory_space<vmem_shared>>)
      tpu.yield
    }) : () -> ()
    %dma_wait3A_31 = arith.constant 39 : i32
    %dma_wait3A_32 = arith.constant 0 : i32
    %dma_wait3A_33 = tpu.memref_slice %arg7[%dma_wait3A_31, %dma_wait3A_32] : memref<40x128xi32, #tpu.memory_space<vmem>> -> memref<1x128xi32, #tpu.memory_space<vmem>>
    %dma_wait3A_34 = tpu.memref_squeeze %dma_wait3A_33 : memref<1x128xi32, #tpu.memory_space<vmem>> -> memref<128xi32, #tpu.memory_space<vmem>>
    %dma_wait3A_35 = arith.constant 0 : i32
    %dma_wait3A_36 = arith.constant 0 : i32
    %dma_wait3A_37 = tpu.memref_slice %arg2[%dma_wait3A_35, %dma_wait3A_36] : memref<10000x128xf32, #tpu.memory_space<hbm>> -> memref<10000x128xf32, #tpu.memory_space<hbm>>
    tpu.wait_indirect_dma semaphore(%arg13 : memref<!tpu.dma_semaphore, #tpu.memory_space<semaphore_mem>>) src(%dma_wait3A_37 : memref<10000x128xf32, #tpu.memory_space<hbm>>) dst(%arg10 : memref<128x128xf32, #tpu.memory_space<vmem>>)
    %run_scoped3A_38 = arith.constant 39 : i32
    "tpu.region"() ({
      %run_scoped3A_75 = tpu.sem_alloc : memref<!tpu.dma_semaphore, #tpu.memory_space<semaphore_mem>>
      %dma_start3A_76 = arith.constant 0 : i32
      %dma_start3A_77 = tpu.memref_slice %arg8[%run_scoped3A_38, %dma_start3A_76] : memref<40x128xi32, #tpu.memory_space<vmem>> -> memref<1x128xi32, #tpu.memory_space<vmem>>
      %dma_start3A_78 = tpu.memref_squeeze %dma_start3A_77 : memref<1x128xi32, #tpu.memory_space<vmem>> -> memref<128xi32, #tpu.memory_space<vmem>>
      %dma_start3A_79 = arith.constant 0 : i32
      %dma_start3A_80 = arith.constant 0 : i32
      %dma_start3A_81 = tpu.memref_slice %arg11[%dma_start3A_79, %dma_start3A_80] : memref<10240x128xf32, #tpu.memory_space<vmem_shared>> -> memref<10240x128xf32, #tpu.memory_space<vmem_shared>>
      tpu.enqueue_indirect_dma source(%arg10 : memref<128x128xf32, #tpu.memory_space<vmem>>) target(%dma_start3A_81 : memref<10240x128xf32, #tpu.memory_space<vmem_shared>>) offsets(%dma_start3A_78 : memref<128xi32, #tpu.memory_space<vmem>>) semaphore(%run_scoped3A_75 : memref<!tpu.dma_semaphore, #tpu.memory_space<semaphore_mem>>) {add = true}
      %dma_wait3A_82 = arith.constant 0 : i32
      %dma_wait3A_83 = tpu.memref_slice %arg8[%run_scoped3A_38, %dma_wait3A_82] : memref<40x128xi32, #tpu.memory_space<vmem>> -> memref<1x128xi32, #tpu.memory_space<vmem>>
      %dma_wait3A_84 = tpu.memref_squeeze %dma_wait3A_83 : memref<1x128xi32, #tpu.memory_space<vmem>> -> memref<128xi32, #tpu.memory_space<vmem>>
      %dma_wait3A_85 = arith.constant 0 : i32
      %dma_wait3A_86 = arith.constant 0 : i32
      %dma_wait3A_87 = tpu.memref_slice %arg11[%dma_wait3A_85, %dma_wait3A_86] : memref<10240x128xf32, #tpu.memory_space<vmem_shared>> -> memref<10240x128xf32, #tpu.memory_space<vmem_shared>>
      tpu.wait_indirect_dma semaphore(%run_scoped3A_75 : memref<!tpu.dma_semaphore, #tpu.memory_space<semaphore_mem>>) src(%arg10 : memref<128x128xf32, #tpu.memory_space<vmem>>) dst(%dma_wait3A_87 : memref<10240x128xf32, #tpu.memory_space<vmem_shared>>)
      tpu.yield
    }) : () -> ()
    "tpu.region"() ({
      %run_scoped3A_75 = tpu.sem_alloc : memref<!tpu.dma_semaphore, #tpu.memory_space<semaphore_mem>>
      %dma_start3A_76 = arith.constant 40 : i32
      %dma_start3A_77 = arith.constant 0 : i32
      %dma_start3A_78 = tpu.memref_slice %arg3[%add3A, %dma_start3A_76, %dma_start3A_77] : memref<32x80x128xi32, #tpu.memory_space<hbm>> -> memref<1x40x128xi32, #tpu.memory_space<hbm>>
      %dma_start3A_79 = tpu.memref_squeeze %dma_start3A_78 : memref<1x40x128xi32, #tpu.memory_space<hbm>> -> memref<40x128xi32, #tpu.memory_space<hbm>>
      %dma_start3A_80 = arith.constant 40 : i32
      %dma_start3A_81 = arith.constant 0 : i32
      %dma_start3A_82 = tpu.memref_slice %arg3[%add3A, %dma_start3A_80, %dma_start3A_81] : memref<32x80x128xi32, #tpu.memory_space<hbm>> -> memref<1x40x128xi32, #tpu.memory_space<hbm>>
      %dma_start3A_83 = tpu.memref_squeeze %dma_start3A_82 : memref<1x40x128xi32, #tpu.memory_space<hbm>> -> memref<40x128xi32, #tpu.memory_space<hbm>>
      tpu.enqueue_dma source(%dma_start3A_83 : memref<40x128xi32, #tpu.memory_space<hbm>>) target(%arg7 : memref<40x128xi32, #tpu.memory_space<vmem>>) target_semaphore(%run_scoped3A_75 : memref<!tpu.dma_semaphore, #tpu.memory_space<semaphore_mem>>)
      %dma_wait3A_84 = arith.constant 40 : i32
      %dma_wait3A_85 = arith.constant 0 : i32
      %dma_wait3A_86 = tpu.memref_slice %arg3[%add3A, %dma_wait3A_84, %dma_wait3A_85] : memref<32x80x128xi32, #tpu.memory_space<hbm>> -> memref<1x40x128xi32, #tpu.memory_space<hbm>>
      %dma_wait3A_87 = tpu.memref_squeeze %dma_wait3A_86 : memref<1x40x128xi32, #tpu.memory_space<hbm>> -> memref<40x128xi32, #tpu.memory_space<hbm>>
      %dma_wait3A_88 = arith.constant 40 : i32
      %dma_wait3A_89 = arith.constant 0 : i32
      %dma_wait3A_90 = tpu.memref_slice %arg3[%add3A, %dma_wait3A_88, %dma_wait3A_89] : memref<32x80x128xi32, #tpu.memory_space<hbm>> -> memref<1x40x128xi32, #tpu.memory_space<hbm>>
      %dma_wait3A_91 = tpu.memref_squeeze %dma_wait3A_90 : memref<1x40x128xi32, #tpu.memory_space<hbm>> -> memref<40x128xi32, #tpu.memory_space<hbm>>
      tpu.wait_dma2 semaphore(%run_scoped3A_75 : memref<!tpu.dma_semaphore, #tpu.memory_space<semaphore_mem>>) src(%dma_wait3A_91 : memref<40x128xi32, #tpu.memory_space<hbm>>) dst(%arg7 : memref<40x128xi32, #tpu.memory_space<vmem>>)
      tpu.yield
    }) : () -> ()
    "tpu.region"() ({
      %run_scoped3A_75 = tpu.sem_alloc : memref<!tpu.dma_semaphore, #tpu.memory_space<semaphore_mem>>
      %dma_start3A_76 = arith.constant 40 : i32
      %dma_start3A_77 = arith.constant 0 : i32
      %dma_start3A_78 = tpu.memref_slice %arg4[%add3A, %dma_start3A_76, %dma_start3A_77] : memref<32x80x128xi32, #tpu.memory_space<hbm>> -> memref<1x40x128xi32, #tpu.memory_space<hbm>>
      %dma_start3A_79 = tpu.memref_squeeze %dma_start3A_78 : memref<1x40x128xi32, #tpu.memory_space<hbm>> -> memref<40x128xi32, #tpu.memory_space<hbm>>
      %dma_start3A_80 = arith.constant 40 : i32
      %dma_start3A_81 = arith.constant 0 : i32
      %dma_start3A_82 = tpu.memref_slice %arg4[%add3A, %dma_start3A_80, %dma_start3A_81] : memref<32x80x128xi32, #tpu.memory_space<hbm>> -> memref<1x40x128xi32, #tpu.memory_space<hbm>>
      %dma_start3A_83 = tpu.memref_squeeze %dma_start3A_82 : memref<1x40x128xi32, #tpu.memory_space<hbm>> -> memref<40x128xi32, #tpu.memory_space<hbm>>
      tpu.enqueue_dma source(%dma_start3A_83 : memref<40x128xi32, #tpu.memory_space<hbm>>) target(%arg8 : memref<40x128xi32, #tpu.memory_space<vmem>>) target_semaphore(%run_scoped3A_75 : memref<!tpu.dma_semaphore, #tpu.memory_space<semaphore_mem>>)
      %dma_wait3A_84 = arith.constant 40 : i32
      %dma_wait3A_85 = arith.constant 0 : i32
      %dma_wait3A_86 = tpu.memref_slice %arg4[%add3A, %dma_wait3A_84, %dma_wait3A_85] : memref<32x80x128xi32, #tpu.memory_space<hbm>> -> memref<1x40x128xi32, #tpu.memory_space<hbm>>
      %dma_wait3A_87 = tpu.memref_squeeze %dma_wait3A_86 : memref<1x40x128xi32, #tpu.memory_space<hbm>> -> memref<40x128xi32, #tpu.memory_space<hbm>>
      %dma_wait3A_88 = arith.constant 40 : i32
      %dma_wait3A_89 = arith.constant 0 : i32
      %dma_wait3A_90 = tpu.memref_slice %arg4[%add3A, %dma_wait3A_88, %dma_wait3A_89] : memref<32x80x128xi32, #tpu.memory_space<hbm>> -> memref<1x40x128xi32, #tpu.memory_space<hbm>>
      %dma_wait3A_91 = tpu.memref_squeeze %dma_wait3A_90 : memref<1x40x128xi32, #tpu.memory_space<hbm>> -> memref<40x128xi32, #tpu.memory_space<hbm>>
      tpu.wait_dma2 semaphore(%run_scoped3A_75 : memref<!tpu.dma_semaphore, #tpu.memory_space<semaphore_mem>>) src(%dma_wait3A_91 : memref<40x128xi32, #tpu.memory_space<hbm>>) dst(%arg8 : memref<40x128xi32, #tpu.memory_space<vmem>>)
      tpu.yield
    }) : () -> ()
    %dma_start3A_39 = arith.constant 0 : i32
    %dma_start3A_40 = arith.constant 0 : i32
    %dma_start3A_41 = tpu.memref_slice %arg7[%dma_start3A_39, %dma_start3A_40] : memref<40x128xi32, #tpu.memory_space<vmem>> -> memref<1x128xi32, #tpu.memory_space<vmem>>
    %dma_start3A_42 = tpu.memref_squeeze %dma_start3A_41 : memref<1x128xi32, #tpu.memory_space<vmem>> -> memref<128xi32, #tpu.memory_space<vmem>>
    %dma_start3A_43 = arith.constant 0 : i32
    %dma_start3A_44 = arith.constant 0 : i32
    %dma_start3A_45 = tpu.memref_slice %arg2[%dma_start3A_43, %dma_start3A_44] : memref<10000x128xf32, #tpu.memory_space<hbm>> -> memref<10000x128xf32, #tpu.memory_space<hbm>>
    tpu.enqueue_indirect_dma source(%dma_start3A_45 : memref<10000x128xf32, #tpu.memory_space<hbm>>) target(%arg9 : memref<128x128xf32, #tpu.memory_space<vmem>>) offsets(%dma_start3A_42 : memref<128xi32, #tpu.memory_space<vmem>>) semaphore(%arg12 : memref<!tpu.dma_semaphore, #tpu.memory_space<semaphore_mem>>)
    %scan3A_46 = arith.constant 0 : i32
    %scan3A_47 = arith.constant 19 : i32
    %scan3A_48 = arith.addi %scan3A_46, %scan3A_47 : i32
    %scan3A_49 = arith.constant 1 : i32
    scf.for %scan3A_75 = %scan3A_46 to %scan3A_48 step %scan3A_49  : i32 {
      %mul3A_76 = arith.constant 2 : i32
      %mul3A_77 = arith.muli %scan3A_75, %mul3A_76 : i32
      %add3A_78 = arith.constant 0 : i32
      %add3A_79 = arith.addi %add3A_78, %mul3A_77 : i32
      %add3A_80 = arith.constant 1 : i32
      %add3A_81 = arith.addi %add3A_79, %add3A_80 : i32
      %dma_start3A_82 = arith.constant 0 : i32
      %dma_start3A_83 = tpu.memref_slice %arg7[%add3A_81, %dma_start3A_82] : memref<40x128xi32, #tpu.memory_space<vmem>> -> memref<1x128xi32, #tpu.memory_space<vmem>>
      %dma_start3A_84 = tpu.memref_squeeze %dma_start3A_83 : memref<1x128xi32, #tpu.memory_space<vmem>> -> memref<128xi32, #tpu.memory_space<vmem>>
      %dma_start3A_85 = arith.constant 0 : i32
      %dma_start3A_86 = arith.constant 0 : i32
      %dma_start3A_87 = tpu.memref_slice %arg2[%dma_start3A_85, %dma_start3A_86] : memref<10000x128xf32, #tpu.memory_space<hbm>> -> memref<10000x128xf32, #tpu.memory_space<hbm>>
      tpu.enqueue_indirect_dma source(%dma_start3A_87 : memref<10000x128xf32, #tpu.memory_space<hbm>>) target(%arg10 : memref<128x128xf32, #tpu.memory_space<vmem>>) offsets(%dma_start3A_84 : memref<128xi32, #tpu.memory_space<vmem>>) semaphore(%arg13 : memref<!tpu.dma_semaphore, #tpu.memory_space<semaphore_mem>>)
      %dma_wait3A_88 = arith.constant 0 : i32
      %dma_wait3A_89 = tpu.memref_slice %arg7[%add3A_79, %dma_wait3A_88] : memref<40x128xi32, #tpu.memory_space<vmem>> -> memref<1x128xi32, #tpu.memory_space<vmem>>
      %dma_wait3A_90 = tpu.memref_squeeze %dma_wait3A_89 : memref<1x128xi32, #tpu.memory_space<vmem>> -> memref<128xi32, #tpu.memory_space<vmem>>
      %dma_wait3A_91 = arith.constant 0 : i32
      %dma_wait3A_92 = arith.constant 0 : i32
      %dma_wait3A_93 = tpu.memref_slice %arg2[%dma_wait3A_91, %dma_wait3A_92] : memref<10000x128xf32, #tpu.memory_space<hbm>> -> memref<10000x128xf32, #tpu.memory_space<hbm>>
      tpu.wait_indirect_dma semaphore(%arg12 : memref<!tpu.dma_semaphore, #tpu.memory_space<semaphore_mem>>) src(%dma_wait3A_93 : memref<10000x128xf32, #tpu.memory_space<hbm>>) dst(%arg9 : memref<128x128xf32, #tpu.memory_space<vmem>>)
      "tpu.region"() ({
        %run_scoped3A_112 = tpu.sem_alloc : memref<!tpu.dma_semaphore, #tpu.memory_space<semaphore_mem>>
        %dma_start3A_113 = arith.constant 0 : i32
        %dma_start3A_114 = tpu.memref_slice %arg8[%add3A_79, %dma_start3A_113] : memref<40x128xi32, #tpu.memory_space<vmem>> -> memref<1x128xi32, #tpu.memory_space<vmem>>
        %dma_start3A_115 = tpu.memref_squeeze %dma_start3A_114 : memref<1x128xi32, #tpu.memory_space<vmem>> -> memref<128xi32, #tpu.memory_space<vmem>>
        %dma_start3A_116 = arith.constant 0 : i32
        %dma_start3A_117 = arith.constant 0 : i32
        %dma_start3A_118 = tpu.memref_slice %arg11[%dma_start3A_116, %dma_start3A_117] : memref<10240x128xf32, #tpu.memory_space<vmem_shared>> -> memref<10240x128xf32, #tpu.memory_space<vmem_shared>>
        tpu.enqueue_indirect_dma source(%arg9 : memref<128x128xf32, #tpu.memory_space<vmem>>) target(%dma_start3A_118 : memref<10240x128xf32, #tpu.memory_space<vmem_shared>>) offsets(%dma_start3A_115 : memref<128xi32, #tpu.memory_space<vmem>>) semaphore(%run_scoped3A_112 : memref<!tpu.dma_semaphore, #tpu.memory_space<semaphore_mem>>) {add = true}
        %dma_wait3A_119 = arith.constant 0 : i32
        %dma_wait3A_120 = tpu.memref_slice %arg8[%add3A_79, %dma_wait3A_119] : memref<40x128xi32, #tpu.memory_space<vmem>> -> memref<1x128xi32, #tpu.memory_space<vmem>>
        %dma_wait3A_121 = tpu.memref_squeeze %dma_wait3A_120 : memref<1x128xi32, #tpu.memory_space<vmem>> -> memref<128xi32, #tpu.memory_space<vmem>>
        %dma_wait3A_122 = arith.constant 0 : i32
        %dma_wait3A_123 = arith.constant 0 : i32
        %dma_wait3A_124 = tpu.memref_slice %arg11[%dma_wait3A_122, %dma_wait3A_123] : memref<10240x128xf32, #tpu.memory_space<vmem_shared>> -> memref<10240x128xf32, #tpu.memory_space<vmem_shared>>
        tpu.wait_indirect_dma semaphore(%run_scoped3A_112 : memref<!tpu.dma_semaphore, #tpu.memory_space<semaphore_mem>>) src(%arg9 : memref<128x128xf32, #tpu.memory_space<vmem>>) dst(%dma_wait3A_124 : memref<10240x128xf32, #tpu.memory_space<vmem_shared>>)
        tpu.yield
      }) : () -> ()
      %add3A_94 = arith.constant 2 : i32
      %add3A_95 = arith.addi %add3A_79, %add3A_94 : i32
      %dma_start3A_96 = arith.constant 0 : i32
      %dma_start3A_97 = tpu.memref_slice %arg7[%add3A_95, %dma_start3A_96] : memref<40x128xi32, #tpu.memory_space<vmem>> -> memref<1x128xi32, #tpu.memory_space<vmem>>
      %dma_start3A_98 = tpu.memref_squeeze %dma_start3A_97 : memref<1x128xi32, #tpu.memory_space<vmem>> -> memref<128xi32, #tpu.memory_space<vmem>>
      %dma_start3A_99 = arith.constant 0 : i32
      %dma_start3A_100 = arith.constant 0 : i32
      %dma_start3A_101 = tpu.memref_slice %arg2[%dma_start3A_99, %dma_start3A_100] : memref<10000x128xf32, #tpu.memory_space<hbm>> -> memref<10000x128xf32, #tpu.memory_space<hbm>>
      tpu.enqueue_indirect_dma source(%dma_start3A_101 : memref<10000x128xf32, #tpu.memory_space<hbm>>) target(%arg9 : memref<128x128xf32, #tpu.memory_space<vmem>>) offsets(%dma_start3A_98 : memref<128xi32, #tpu.memory_space<vmem>>) semaphore(%arg12 : memref<!tpu.dma_semaphore, #tpu.memory_space<semaphore_mem>>)
      %add3A_102 = arith.constant 1 : i32
      %add3A_103 = arith.addi %add3A_79, %add3A_102 : i32
      %dma_wait3A_104 = arith.constant 0 : i32
      %dma_wait3A_105 = tpu.memref_slice %arg7[%add3A_103, %dma_wait3A_104] : memref<40x128xi32, #tpu.memory_space<vmem>> -> memref<1x128xi32, #tpu.memory_space<vmem>>
      %dma_wait3A_106 = tpu.memref_squeeze %dma_wait3A_105 : memref<1x128xi32, #tpu.memory_space<vmem>> -> memref<128xi32, #tpu.memory_space<vmem>>
      %dma_wait3A_107 = arith.constant 0 : i32
      %dma_wait3A_108 = arith.constant 0 : i32
      %dma_wait3A_109 = tpu.memref_slice %arg2[%dma_wait3A_107, %dma_wait3A_108] : memref<10000x128xf32, #tpu.memory_space<hbm>> -> memref<10000x128xf32, #tpu.memory_space<hbm>>
      tpu.wait_indirect_dma semaphore(%arg13 : memref<!tpu.dma_semaphore, #tpu.memory_space<semaphore_mem>>) src(%dma_wait3A_109 : memref<10000x128xf32, #tpu.memory_space<hbm>>) dst(%arg10 : memref<128x128xf32, #tpu.memory_space<vmem>>)
      %add3A_110 = arith.constant 1 : i32
      %add3A_111 = arith.addi %add3A_79, %add3A_110 : i32
      "tpu.region"() ({
        %run_scoped3A_112 = tpu.sem_alloc : memref<!tpu.dma_semaphore, #tpu.memory_space<semaphore_mem>>
        %dma_start3A_113 = arith.constant 0 : i32
        %dma_start3A_114 = tpu.memref_slice %arg8[%add3A_111, %dma_start3A_113] : memref<40x128xi32, #tpu.memory_space<vmem>> -> memref<1x128xi32, #tpu.memory_space<vmem>>
        %dma_start3A_115 = tpu.memref_squeeze %dma_start3A_114 : memref<1x128xi32, #tpu.memory_space<vmem>> -> memref<128xi32, #tpu.memory_space<vmem>>
        %dma_start3A_116 = arith.constant 0 : i32
        %dma_start3A_117 = arith.constant 0 : i32
        %dma_start3A_118 = tpu.memref_slice %arg11[%dma_start3A_116, %dma_start3A_117] : memref<10240x128xf32, #tpu.memory_space<vmem_shared>> -> memref<10240x128xf32, #tpu.memory_space<vmem_shared>>
        tpu.enqueue_indirect_dma source(%arg10 : memref<128x128xf32, #tpu.memory_space<vmem>>) target(%dma_start3A_118 : memref<10240x128xf32, #tpu.memory_space<vmem_shared>>) offsets(%dma_start3A_115 : memref<128xi32, #tpu.memory_space<vmem>>) semaphore(%run_scoped3A_112 : memref<!tpu.dma_semaphore, #tpu.memory_space<semaphore_mem>>) {add = true}
        %dma_wait3A_119 = arith.constant 0 : i32
        %dma_wait3A_120 = tpu.memref_slice %arg8[%add3A_111, %dma_wait3A_119] : memref<40x128xi32, #tpu.memory_space<vmem>> -> memref<1x128xi32, #tpu.memory_space<vmem>>
        %dma_wait3A_121 = tpu.memref_squeeze %dma_wait3A_120 : memref<1x128xi32, #tpu.memory_space<vmem>> -> memref<128xi32, #tpu.memory_space<vmem>>
        %dma_wait3A_122 = arith.constant 0 : i32
        %dma_wait3A_123 = arith.constant 0 : i32
        %dma_wait3A_124 = tpu.memref_slice %arg11[%dma_wait3A_122, %dma_wait3A_123] : memref<10240x128xf32, #tpu.memory_space<vmem_shared>> -> memref<10240x128xf32, #tpu.memory_space<vmem_shared>>
        tpu.wait_indirect_dma semaphore(%run_scoped3A_112 : memref<!tpu.dma_semaphore, #tpu.memory_space<semaphore_mem>>) src(%arg10 : memref<128x128xf32, #tpu.memory_space<vmem>>) dst(%dma_wait3A_124 : memref<10240x128xf32, #tpu.memory_space<vmem_shared>>)
        tpu.yield
      }) : () -> ()
    }
    %scan3A_50 = arith.constant 19 : i32
    %dma_start3A_51 = arith.constant 39 : i32
    %dma_start3A_52 = arith.constant 0 : i32
    %dma_start3A_53 = tpu.memref_slice %arg7[%dma_start3A_51, %dma_start3A_52] : memref<40x128xi32, #tpu.memory_space<vmem>> -> memref<1x128xi32, #tpu.memory_space<vmem>>
    %dma_start3A_54 = tpu.memref_squeeze %dma_start3A_53 : memref<1x128xi32, #tpu.memory_space<vmem>> -> memref<128xi32, #tpu.memory_space<vmem>>
    %dma_start3A_55 = arith.constant 0 : i32
    %dma_start3A_56 = arith.constant 0 : i32
    %dma_start3A_57 = tpu.memref_slice %arg2[%dma_start3A_55, %dma_start3A_56] : memref<10000x128xf32, #tpu.memory_space<hbm>> -> memref<10000x128xf32, #tpu.memory_space<hbm>>
    tpu.enqueue_indirect_dma source(%dma_start3A_57 : memref<10000x128xf32, #tpu.memory_space<hbm>>) target(%arg10 : memref<128x128xf32, #tpu.memory_space<vmem>>) offsets(%dma_start3A_54 : memref<128xi32, #tpu.memory_space<vmem>>) semaphore(%arg13 : memref<!tpu.dma_semaphore, #tpu.memory_space<semaphore_mem>>)
    %dma_wait3A_58 = arith.constant 38 : i32
    %dma_wait3A_59 = arith.constant 0 : i32
    %dma_wait3A_60 = tpu.memref_slice %arg7[%dma_wait3A_58, %dma_wait3A_59] : memref<40x128xi32, #tpu.memory_space<vmem>> -> memref<1x128xi32, #tpu.memory_space<vmem>>
    %dma_wait3A_61 = tpu.memref_squeeze %dma_wait3A_60 : memref<1x128xi32, #tpu.memory_space<vmem>> -> memref<128xi32, #tpu.memory_space<vmem>>
    %dma_wait3A_62 = arith.constant 0 : i32
    %dma_wait3A_63 = arith.constant 0 : i32
    %dma_wait3A_64 = tpu.memref_slice %arg2[%dma_wait3A_62, %dma_wait3A_63] : memref<10000x128xf32, #tpu.memory_space<hbm>> -> memref<10000x128xf32, #tpu.memory_space<hbm>>
    tpu.wait_indirect_dma semaphore(%arg12 : memref<!tpu.dma_semaphore, #tpu.memory_space<semaphore_mem>>) src(%dma_wait3A_64 : memref<10000x128xf32, #tpu.memory_space<hbm>>) dst(%arg9 : memref<128x128xf32, #tpu.memory_space<vmem>>)
    %run_scoped3A_65 = arith.constant 38 : i32
    "tpu.region"() ({
      %run_scoped3A_75 = tpu.sem_alloc : memref<!tpu.dma_semaphore, #tpu.memory_space<semaphore_mem>>
      %dma_start3A_76 = arith.constant 0 : i32
      %dma_start3A_77 = tpu.memref_slice %arg8[%run_scoped3A_65, %dma_start3A_76] : memref<40x128xi32, #tpu.memory_space<vmem>> -> memref<1x128xi32, #tpu.memory_space<vmem>>
      %dma_start3A_78 = tpu.memref_squeeze %dma_start3A_77 : memref<1x128xi32, #tpu.memory_space<vmem>> -> memref<128xi32, #tpu.memory_space<vmem>>
      %dma_start3A_79 = arith.constant 0 : i32
      %dma_start3A_80 = arith.constant 0 : i32
      %dma_start3A_81 = tpu.memref_slice %arg11[%dma_start3A_79, %dma_start3A_80] : memref<10240x128xf32, #tpu.memory_space<vmem_shared>> -> memref<10240x128xf32, #tpu.memory_space<vmem_shared>>
      tpu.enqueue_indirect_dma source(%arg9 : memref<128x128xf32, #tpu.memory_space<vmem>>) target(%dma_start3A_81 : memref<10240x128xf32, #tpu.memory_space<vmem_shared>>) offsets(%dma_start3A_78 : memref<128xi32, #tpu.memory_space<vmem>>) semaphore(%run_scoped3A_75 : memref<!tpu.dma_semaphore, #tpu.memory_space<semaphore_mem>>) {add = true}
      %dma_wait3A_82 = arith.constant 0 : i32
      %dma_wait3A_83 = tpu.memref_slice %arg8[%run_scoped3A_65, %dma_wait3A_82] : memref<40x128xi32, #tpu.memory_space<vmem>> -> memref<1x128xi32, #tpu.memory_space<vmem>>
      %dma_wait3A_84 = tpu.memref_squeeze %dma_wait3A_83 : memref<1x128xi32, #tpu.memory_space<vmem>> -> memref<128xi32, #tpu.memory_space<vmem>>
      %dma_wait3A_85 = arith.constant 0 : i32
      %dma_wait3A_86 = arith.constant 0 : i32
      %dma_wait3A_87 = tpu.memref_slice %arg11[%dma_wait3A_85, %dma_wait3A_86] : memref<10240x128xf32, #tpu.memory_space<vmem_shared>> -> memref<10240x128xf32, #tpu.memory_space<vmem_shared>>
      tpu.wait_indirect_dma semaphore(%run_scoped3A_75 : memref<!tpu.dma_semaphore, #tpu.memory_space<semaphore_mem>>) src(%arg9 : memref<128x128xf32, #tpu.memory_space<vmem>>) dst(%dma_wait3A_87 : memref<10240x128xf32, #tpu.memory_space<vmem_shared>>)
      tpu.yield
    }) : () -> ()
    %dma_wait3A_66 = arith.constant 39 : i32
    %dma_wait3A_67 = arith.constant 0 : i32
    %dma_wait3A_68 = tpu.memref_slice %arg7[%dma_wait3A_66, %dma_wait3A_67] : memref<40x128xi32, #tpu.memory_space<vmem>> -> memref<1x128xi32, #tpu.memory_space<vmem>>
    %dma_wait3A_69 = tpu.memref_squeeze %dma_wait3A_68 : memref<1x128xi32, #tpu.memory_space<vmem>> -> memref<128xi32, #tpu.memory_space<vmem>>
    %dma_wait3A_70 = arith.constant 0 : i32
    %dma_wait3A_71 = arith.constant 0 : i32
    %dma_wait3A_72 = tpu.memref_slice %arg2[%dma_wait3A_70, %dma_wait3A_71] : memref<10000x128xf32, #tpu.memory_space<hbm>> -> memref<10000x128xf32, #tpu.memory_space<hbm>>
    tpu.wait_indirect_dma semaphore(%arg13 : memref<!tpu.dma_semaphore, #tpu.memory_space<semaphore_mem>>) src(%dma_wait3A_72 : memref<10000x128xf32, #tpu.memory_space<hbm>>) dst(%arg10 : memref<128x128xf32, #tpu.memory_space<vmem>>)
    %run_scoped3A_73 = arith.constant 39 : i32
    "tpu.region"() ({
      %run_scoped3A_75 = tpu.sem_alloc : memref<!tpu.dma_semaphore, #tpu.memory_space<semaphore_mem>>
      %dma_start3A_76 = arith.constant 0 : i32
      %dma_start3A_77 = tpu.memref_slice %arg8[%run_scoped3A_73, %dma_start3A_76] : memref<40x128xi32, #tpu.memory_space<vmem>> -> memref<1x128xi32, #tpu.memory_space<vmem>>
      %dma_start3A_78 = tpu.memref_squeeze %dma_start3A_77 : memref<1x128xi32, #tpu.memory_space<vmem>> -> memref<128xi32, #tpu.memory_space<vmem>>
      %dma_start3A_79 = arith.constant 0 : i32
      %dma_start3A_80 = arith.constant 0 : i32
      %dma_start3A_81 = tpu.memref_slice %arg11[%dma_start3A_79, %dma_start3A_80] : memref<10240x128xf32, #tpu.memory_space<vmem_shared>> -> memref<10240x128xf32, #tpu.memory_space<vmem_shared>>
      tpu.enqueue_indirect_dma source(%arg10 : memref<128x128xf32, #tpu.memory_space<vmem>>) target(%dma_start3A_81 : memref<10240x128xf32, #tpu.memory_space<vmem_shared>>) offsets(%dma_start3A_78 : memref<128xi32, #tpu.memory_space<vmem>>) semaphore(%run_scoped3A_75 : memref<!tpu.dma_semaphore, #tpu.memory_space<semaphore_mem>>) {add = true}
      %dma_wait3A_82 = arith.constant 0 : i32
      %dma_wait3A_83 = tpu.memref_slice %arg8[%run_scoped3A_73, %dma_wait3A_82] : memref<40x128xi32, #tpu.memory_space<vmem>> -> memref<1x128xi32, #tpu.memory_space<vmem>>
      %dma_wait3A_84 = tpu.memref_squeeze %dma_wait3A_83 : memref<1x128xi32, #tpu.memory_space<vmem>> -> memref<128xi32, #tpu.memory_space<vmem>>
      %dma_wait3A_85 = arith.constant 0 : i32
      %dma_wait3A_86 = arith.constant 0 : i32
      %dma_wait3A_87 = tpu.memref_slice %arg11[%dma_wait3A_85, %dma_wait3A_86] : memref<10240x128xf32, #tpu.memory_space<vmem_shared>> -> memref<10240x128xf32, #tpu.memory_space<vmem_shared>>
      tpu.wait_indirect_dma semaphore(%run_scoped3A_75 : memref<!tpu.dma_semaphore, #tpu.memory_space<semaphore_mem>>) src(%arg10 : memref<128x128xf32, #tpu.memory_space<vmem>>) dst(%dma_wait3A_87 : memref<10240x128xf32, #tpu.memory_space<vmem_shared>>)
      tpu.yield
    }) : () -> ()
    %barrier3A_74 = arith.constant 0 : index
    tpu.barrier barrier_id(%barrier3A_74)
    "tpu.region"() ({
      %run_scoped3A_75 = tpu.sem_alloc : memref<!tpu.dma_semaphore, #tpu.memory_space<semaphore_mem>>
      %dma_start3A_76 = arith.constant 0 : i32
      %dma_start3A_77 = tpu.memref_slice %arg6[%arg0, %mul3A_2, %dma_start3A_76] : memref<2x10240x128xf32, #tpu.memory_space<hbm>> -> memref<1x640x128xf32, #tpu.memory_space<hbm>>
      %dma_start3A_78 = tpu.memref_squeeze %dma_start3A_77 : memref<1x640x128xf32, #tpu.memory_space<hbm>> -> memref<640x128xf32, #tpu.memory_space<hbm>>
      %dma_start3A_79 = arith.constant 0 : i32
      %dma_start3A_80 = tpu.memref_slice %arg11[%mul3A_2, %dma_start3A_79] : memref<10240x128xf32, #tpu.memory_space<vmem_shared>> -> memref<640x128xf32, #tpu.memory_space<vmem_shared>>
      tpu.enqueue_dma source(%dma_start3A_80 : memref<640x128xf32, #tpu.memory_space<vmem_shared>>) target(%dma_start3A_78 : memref<640x128xf32, #tpu.memory_space<hbm>>) target_semaphore(%run_scoped3A_75 : memref<!tpu.dma_semaphore, #tpu.memory_space<semaphore_mem>>)
      %dma_wait3A_81 = arith.constant 0 : i32
      %dma_wait3A_82 = tpu.memref_slice %arg6[%arg0, %mul3A_2, %dma_wait3A_81] : memref<2x10240x128xf32, #tpu.memory_space<hbm>> -> memref<1x640x128xf32, #tpu.memory_space<hbm>>
      %dma_wait3A_83 = tpu.memref_squeeze %dma_wait3A_82 : memref<1x640x128xf32, #tpu.memory_space<hbm>> -> memref<640x128xf32, #tpu.memory_space<hbm>>
      %dma_wait3A_84 = arith.constant 0 : i32
      %dma_wait3A_85 = tpu.memref_slice %arg11[%mul3A_2, %dma_wait3A_84] : memref<10240x128xf32, #tpu.memory_space<vmem_shared>> -> memref<640x128xf32, #tpu.memory_space<vmem_shared>>
      tpu.wait_dma2 semaphore(%run_scoped3A_75 : memref<!tpu.dma_semaphore, #tpu.memory_space<semaphore_mem>>) src(%dma_wait3A_85 : memref<640x128xf32, #tpu.memory_space<vmem_shared>>) dst(%dma_wait3A_83 : memref<640x128xf32, #tpu.memory_space<hbm>>)
      tpu.yield
    }) : () -> ()
    return
  }
}

#map = affine_map<(d0, d1) -> (0, 0)>
#map1 = affine_map<(d0, d1) -> (0, 0, 0)>
module attributes {stable_mosaic.version = 14 : i64} {
  func.func @k(%arg0: i32, %arg1: i32, %arg2: memref<10000x128xf32, #tpu.memory_space<hbm>>, %arg3: memref<32x80x128xi32, #tpu.memory_space<hbm>>, %arg4: memref<32x80x128xi32, #tpu.memory_space<hbm>>, %arg5: memref<128x128xf32, #tpu.memory_space<hbm>>, %arg6: memref<2x10240x128xf32, #tpu.memory_space<hbm>>, %arg7: memref<40x128xi32, #tpu.memory_space<vmem>>, %arg8: memref<40x128xi32, #tpu.memory_space<vmem>>, %arg9: memref<128x128xf32, #tpu.memory_space<vmem>>, %arg10: memref<128x128xf32, #tpu.memory_space<vmem>>, %arg11: memref<10240x128xf32, #tpu.memory_space<vmem_shared>>, %arg12: memref<!tpu.dma_semaphore, #tpu.memory_space<semaphore_mem>>, %arg13: memref<!tpu.dma_semaphore, #tpu.memory_space<semaphore_mem>>, %arg14: memref<!tpu.dma_semaphore, #tpu.memory_space<semaphore_mem>>, %arg15: memref<!tpu.dma_semaphore, #tpu.memory_space<semaphore_mem>>) attributes {dimension_semantics = [#tpu.dimension_semantics<core_parallel>, #tpu.dimension_semantics<subcore_parallel>], iteration_bounds = array<i64: 2, 16>, scalar_prefetch = 0 : i64, scratch_operands = 9 : i64, tpu.core_type = #tpu.core_type<sc_vector_subcore>, window_params = [{transform_indices = #map}, {transform_indices = #map1}, {transform_indices = #map1}, {transform_indices = #map}, {transform_indices = #map1}]} {
    %mul3A = arith.constant 16 : i32
    %mul3A_0 = arith.muli %arg0, %mul3A : i32
    %add3A = arith.addi %mul3A_0, %arg1 : i32
    %mul3A_1 = arith.constant 640 : i32
    %mul3A_2 = arith.muli %arg1, %mul3A_1 : i32
    %scan3A = arith.constant 0 : i32
    %scan3A_3 = arith.constant 5 : i32
    %scan3A_4 = arith.addi %scan3A, %scan3A_3 : i32
    %scan3A_5 = arith.constant 1 : i32
    scf.for %scan3A_75 = %scan3A to %scan3A_4 step %scan3A_5  : i32 {
      %mul3A_76 = arith.constant 1 : i32
      %mul3A_77 = arith.muli %scan3A_75, %mul3A_76 : i32
      %add3A_78 = arith.constant 0 : i32
      %add3A_79 = arith.addi %add3A_78, %mul3A_77 : i32
      %mul3A_80 = arith.constant 128 : i32
      %mul3A_81 = arith.muli %add3A_79, %mul3A_80 : i32
      %add3A_82 = arith.addi %mul3A_2, %mul3A_81 : i32
      "tpu.region"() ({
        %run_scoped3A_83 = tpu.sem_alloc : memref<!tpu.dma_semaphore, #tpu.memory_space<semaphore_mem>>
        %dma_start3A_84 = arith.constant 0 : i32
        %dma_start3A_85 = tpu.memref_slice %arg11[%add3A_82, %dma_start3A_84] : memref<10240x128xf32, #tpu.memory_space<vmem_shared>> -> memref<128x128xf32, #tpu.memory_space<vmem_shared>>
        tpu.enqueue_dma source(%arg5 : memref<128x128xf32, #tpu.memory_space<hbm>>) target(%dma_start3A_85 : memref<128x128xf32, #tpu.memory_space<vmem_shared>>) target_semaphore(%run_scoped3A_83 : memref<!tpu.dma_semaphore, #tpu.memory_space<semaphore_mem>>)
        %dma_wait3A_86 = arith.constant 0 : i32
        %dma_wait3A_87 = tpu.memref_slice %arg11[%add3A_82, %dma_wait3A_86] : memref<10240x128xf32, #tpu.memory_space<vmem_shared>> -> memref<128x128xf32, #tpu.memory_space<vmem_shared>>
        tpu.wait_dma2 semaphore(%run_scoped3A_83 : memref<!tpu.dma_semaphore, #tpu.memory_space<semaphore_mem>>) src(%arg5 : memref<128x128xf32, #tpu.memory_space<hbm>>) dst(%dma_wait3A_87 : memref<128x128xf32, #tpu.memory_space<vmem_shared>>)
        tpu.yield
      }) : () -> ()
    }
    %scan3A_6 = arith.constant 5 : i32
    %barrier3A = arith.constant 0 : index
    tpu.barrier barrier_id(%barrier3A)
    "tpu.region"() ({
      %run_scoped3A_75 = tpu.sem_alloc : memref<!tpu.dma_semaphore, #tpu.memory_space<semaphore_mem>>
      %dma_start3A_76 = arith.constant 0 : i32
      %dma_start3A_77 = arith.constant 0 : i32
      %dma_start3A_78 = tpu.memref_slice %arg3[%add3A, %dma_start3A_76, %dma_start3A_77] : memref<32x80x128xi32, #tpu.memory_space<hbm>> -> memref<1x40x128xi32, #tpu.memory_space<hbm>>
      %dma_start3A_79 = tpu.memref_squeeze %dma_start3A_78 : memref<1x40x128xi32, #tpu.memory_space<hbm>> -> memref<40x128xi32, #tpu.memory_space<hbm>>
      %dma_start3A_80 = arith.constant 0 : i32
      %dma_start3A_81 = arith.constant 0 : i32
      %dma_start3A_82 = tpu.memref_slice %arg3[%add3A, %dma_start3A_80, %dma_start3A_81] : memref<32x80x128xi32, #tpu.memory_space<hbm>> -> memref<1x40x128xi32, #tpu.memory_space<hbm>>
      %dma_start3A_83 = tpu.memref_squeeze %dma_start3A_82 : memref<1x40x128xi32, #tpu.memory_space<hbm>> -> memref<40x128xi32, #tpu.memory_space<hbm>>
      tpu.enqueue_dma source(%dma_start3A_83 : memref<40x128xi32, #tpu.memory_space<hbm>>) target(%arg7 : memref<40x128xi32, #tpu.memory_space<vmem>>) target_semaphore(%run_scoped3A_75 : memref<!tpu.dma_semaphore, #tpu.memory_space<semaphore_mem>>)
      %dma_wait3A_84 = arith.constant 0 : i32
      %dma_wait3A_85 = arith.constant 0 : i32
      %dma_wait3A_86 = tpu.memref_slice %arg3[%add3A, %dma_wait3A_84, %dma_wait3A_85] : memref<32x80x128xi32, #tpu.memory_space<hbm>> -> memref<1x40x128xi32, #tpu.memory_space<hbm>>
      %dma_wait3A_87 = tpu.memref_squeeze %dma_wait3A_86 : memref<1x40x128xi32, #tpu.memory_space<hbm>> -> memref<40x128xi32, #tpu.memory_space<hbm>>
      %dma_wait3A_88 = arith.constant 0 : i32
      %dma_wait3A_89 = arith.constant 0 : i32
      %dma_wait3A_90 = tpu.memref_slice %arg3[%add3A, %dma_wait3A_88, %dma_wait3A_89] : memref<32x80x128xi32, #tpu.memory_space<hbm>> -> memref<1x40x128xi32, #tpu.memory_space<hbm>>
      %dma_wait3A_91 = tpu.memref_squeeze %dma_wait3A_90 : memref<1x40x128xi32, #tpu.memory_space<hbm>> -> memref<40x128xi32, #tpu.memory_space<hbm>>
      tpu.wait_dma2 semaphore(%run_scoped3A_75 : memref<!tpu.dma_semaphore, #tpu.memory_space<semaphore_mem>>) src(%dma_wait3A_91 : memref<40x128xi32, #tpu.memory_space<hbm>>) dst(%arg7 : memref<40x128xi32, #tpu.memory_space<vmem>>)
      tpu.yield
    }) : () -> ()
    "tpu.region"() ({
      %run_scoped3A_75 = tpu.sem_alloc : memref<!tpu.dma_semaphore, #tpu.memory_space<semaphore_mem>>
      %dma_start3A_76 = arith.constant 0 : i32
      %dma_start3A_77 = arith.constant 0 : i32
      %dma_start3A_78 = tpu.memref_slice %arg4[%add3A, %dma_start3A_76, %dma_start3A_77] : memref<32x80x128xi32, #tpu.memory_space<hbm>> -> memref<1x40x128xi32, #tpu.memory_space<hbm>>
      %dma_start3A_79 = tpu.memref_squeeze %dma_start3A_78 : memref<1x40x128xi32, #tpu.memory_space<hbm>> -> memref<40x128xi32, #tpu.memory_space<hbm>>
      %dma_start3A_80 = arith.constant 0 : i32
      %dma_start3A_81 = arith.constant 0 : i32
      %dma_start3A_82 = tpu.memref_slice %arg4[%add3A, %dma_start3A_80, %dma_start3A_81] : memref<32x80x128xi32, #tpu.memory_space<hbm>> -> memref<1x40x128xi32, #tpu.memory_space<hbm>>
      %dma_start3A_83 = tpu.memref_squeeze %dma_start3A_82 : memref<1x40x128xi32, #tpu.memory_space<hbm>> -> memref<40x128xi32, #tpu.memory_space<hbm>>
      tpu.enqueue_dma source(%dma_start3A_83 : memref<40x128xi32, #tpu.memory_space<hbm>>) target(%arg8 : memref<40x128xi32, #tpu.memory_space<vmem>>) target_semaphore(%run_scoped3A_75 : memref<!tpu.dma_semaphore, #tpu.memory_space<semaphore_mem>>)
      %dma_wait3A_84 = arith.constant 0 : i32
      %dma_wait3A_85 = arith.constant 0 : i32
      %dma_wait3A_86 = tpu.memref_slice %arg4[%add3A, %dma_wait3A_84, %dma_wait3A_85] : memref<32x80x128xi32, #tpu.memory_space<hbm>> -> memref<1x40x128xi32, #tpu.memory_space<hbm>>
      %dma_wait3A_87 = tpu.memref_squeeze %dma_wait3A_86 : memref<1x40x128xi32, #tpu.memory_space<hbm>> -> memref<40x128xi32, #tpu.memory_space<hbm>>
      %dma_wait3A_88 = arith.constant 0 : i32
      %dma_wait3A_89 = arith.constant 0 : i32
      %dma_wait3A_90 = tpu.memref_slice %arg4[%add3A, %dma_wait3A_88, %dma_wait3A_89] : memref<32x80x128xi32, #tpu.memory_space<hbm>> -> memref<1x40x128xi32, #tpu.memory_space<hbm>>
      %dma_wait3A_91 = tpu.memref_squeeze %dma_wait3A_90 : memref<1x40x128xi32, #tpu.memory_space<hbm>> -> memref<40x128xi32, #tpu.memory_space<hbm>>
      tpu.wait_dma2 semaphore(%run_scoped3A_75 : memref<!tpu.dma_semaphore, #tpu.memory_space<semaphore_mem>>) src(%dma_wait3A_91 : memref<40x128xi32, #tpu.memory_space<hbm>>) dst(%arg8 : memref<40x128xi32, #tpu.memory_space<vmem>>)
      tpu.yield
    }) : () -> ()
    %dma_start3A = arith.constant 0 : i32
    %dma_start3A_7 = arith.constant 0 : i32
    %dma_start3A_8 = tpu.memref_slice %arg7[%dma_start3A, %dma_start3A_7] : memref<40x128xi32, #tpu.memory_space<vmem>> -> memref<1x128xi32, #tpu.memory_space<vmem>>
    %dma_start3A_9 = tpu.memref_squeeze %dma_start3A_8 : memref<1x128xi32, #tpu.memory_space<vmem>> -> memref<128xi32, #tpu.memory_space<vmem>>
    %dma_start3A_10 = arith.constant 0 : i32
    %dma_start3A_11 = arith.constant 0 : i32
    %dma_start3A_12 = tpu.memref_slice %arg2[%dma_start3A_10, %dma_start3A_11] : memref<10000x128xf32, #tpu.memory_space<hbm>> -> memref<10000x128xf32, #tpu.memory_space<hbm>>
    tpu.enqueue_indirect_dma source(%dma_start3A_12 : memref<10000x128xf32, #tpu.memory_space<hbm>>) target(%arg9 : memref<128x128xf32, #tpu.memory_space<vmem>>) offsets(%dma_start3A_9 : memref<128xi32, #tpu.memory_space<vmem>>) semaphore(%arg12 : memref<!tpu.dma_semaphore, #tpu.memory_space<semaphore_mem>>)
    %scan3A_13 = arith.constant 0 : i32
    %scan3A_14 = arith.constant 19 : i32
    %scan3A_15 = arith.addi %scan3A_13, %scan3A_14 : i32
    %scan3A_16 = arith.constant 1 : i32
    scf.for %scan3A_75 = %scan3A_13 to %scan3A_15 step %scan3A_16  : i32 {
      %mul3A_76 = arith.constant 2 : i32
      %mul3A_77 = arith.muli %scan3A_75, %mul3A_76 : i32
      %add3A_78 = arith.constant 0 : i32
      %add3A_79 = arith.addi %add3A_78, %mul3A_77 : i32
      %add3A_80 = arith.constant 1 : i32
      %add3A_81 = arith.addi %add3A_79, %add3A_80 : i32
      %dma_start3A_82 = arith.constant 0 : i32
      %dma_start3A_83 = tpu.memref_slice %arg7[%add3A_81, %dma_start3A_82] : memref<40x128xi32, #tpu.memory_space<vmem>> -> memref<1x128xi32, #tpu.memory_space<vmem>>
      %dma_start3A_84 = tpu.memref_squeeze %dma_start3A_83 : memref<1x128xi32, #tpu.memory_space<vmem>> -> memref<128xi32, #tpu.memory_space<vmem>>
      %dma_start3A_85 = arith.constant 0 : i32
      %dma_start3A_86 = arith.constant 0 : i32
      %dma_start3A_87 = tpu.memref_slice %arg2[%dma_start3A_85, %dma_start3A_86] : memref<10000x128xf32, #tpu.memory_space<hbm>> -> memref<10000x128xf32, #tpu.memory_space<hbm>>
      tpu.enqueue_indirect_dma source(%dma_start3A_87 : memref<10000x128xf32, #tpu.memory_space<hbm>>) target(%arg10 : memref<128x128xf32, #tpu.memory_space<vmem>>) offsets(%dma_start3A_84 : memref<128xi32, #tpu.memory_space<vmem>>) semaphore(%arg13 : memref<!tpu.dma_semaphore, #tpu.memory_space<semaphore_mem>>)
      %dma_wait3A_88 = arith.constant 0 : i32
      %dma_wait3A_89 = tpu.memref_slice %arg7[%add3A_79, %dma_wait3A_88] : memref<40x128xi32, #tpu.memory_space<vmem>> -> memref<1x128xi32, #tpu.memory_space<vmem>>
      %dma_wait3A_90 = tpu.memref_squeeze %dma_wait3A_89 : memref<1x128xi32, #tpu.memory_space<vmem>> -> memref<128xi32, #tpu.memory_space<vmem>>
      %dma_wait3A_91 = arith.constant 0 : i32
      %dma_wait3A_92 = arith.constant 0 : i32
      %dma_wait3A_93 = tpu.memref_slice %arg2[%dma_wait3A_91, %dma_wait3A_92] : memref<10000x128xf32, #tpu.memory_space<hbm>> -> memref<10000x128xf32, #tpu.memory_space<hbm>>
      tpu.wait_indirect_dma semaphore(%arg12 : memref<!tpu.dma_semaphore, #tpu.memory_space<semaphore_mem>>) src(%dma_wait3A_93 : memref<10000x128xf32, #tpu.memory_space<hbm>>) dst(%arg9 : memref<128x128xf32, #tpu.memory_space<vmem>>)
      "tpu.region"() ({
        %run_scoped3A_112 = tpu.sem_alloc : memref<!tpu.dma_semaphore, #tpu.memory_space<semaphore_mem>>
        %dma_start3A_113 = arith.constant 0 : i32
        %dma_start3A_114 = tpu.memref_slice %arg8[%add3A_79, %dma_start3A_113] : memref<40x128xi32, #tpu.memory_space<vmem>> -> memref<1x128xi32, #tpu.memory_space<vmem>>
        %dma_start3A_115 = tpu.memref_squeeze %dma_start3A_114 : memref<1x128xi32, #tpu.memory_space<vmem>> -> memref<128xi32, #tpu.memory_space<vmem>>
        %dma_start3A_116 = arith.constant 0 : i32
        %dma_start3A_117 = arith.constant 0 : i32
        %dma_start3A_118 = tpu.memref_slice %arg11[%dma_start3A_116, %dma_start3A_117] : memref<10240x128xf32, #tpu.memory_space<vmem_shared>> -> memref<10240x128xf32, #tpu.memory_space<vmem_shared>>
        tpu.enqueue_indirect_dma source(%arg9 : memref<128x128xf32, #tpu.memory_space<vmem>>) target(%dma_start3A_118 : memref<10240x128xf32, #tpu.memory_space<vmem_shared>>) offsets(%dma_start3A_115 : memref<128xi32, #tpu.memory_space<vmem>>) semaphore(%run_scoped3A_112 : memref<!tpu.dma_semaphore, #tpu.memory_space<semaphore_mem>>) {add = true}
        %dma_wait3A_119 = arith.constant 0 : i32
        %dma_wait3A_120 = tpu.memref_slice %arg8[%add3A_79, %dma_wait3A_119] : memref<40x128xi32, #tpu.memory_space<vmem>> -> memref<1x128xi32, #tpu.memory_space<vmem>>
        %dma_wait3A_121 = tpu.memref_squeeze %dma_wait3A_120 : memref<1x128xi32, #tpu.memory_space<vmem>> -> memref<128xi32, #tpu.memory_space<vmem>>
        %dma_wait3A_122 = arith.constant 0 : i32
        %dma_wait3A_123 = arith.constant 0 : i32
        %dma_wait3A_124 = tpu.memref_slice %arg11[%dma_wait3A_122, %dma_wait3A_123] : memref<10240x128xf32, #tpu.memory_space<vmem_shared>> -> memref<10240x128xf32, #tpu.memory_space<vmem_shared>>
        tpu.wait_indirect_dma semaphore(%run_scoped3A_112 : memref<!tpu.dma_semaphore, #tpu.memory_space<semaphore_mem>>) src(%arg9 : memref<128x128xf32, #tpu.memory_space<vmem>>) dst(%dma_wait3A_124 : memref<10240x128xf32, #tpu.memory_space<vmem_shared>>)
        tpu.yield
      }) : () -> ()
      %add3A_94 = arith.constant 2 : i32
      %add3A_95 = arith.addi %add3A_79, %add3A_94 : i32
      %dma_start3A_96 = arith.constant 0 : i32
      %dma_start3A_97 = tpu.memref_slice %arg7[%add3A_95, %dma_start3A_96] : memref<40x128xi32, #tpu.memory_space<vmem>> -> memref<1x128xi32, #tpu.memory_space<vmem>>
      %dma_start3A_98 = tpu.memref_squeeze %dma_start3A_97 : memref<1x128xi32, #tpu.memory_space<vmem>> -> memref<128xi32, #tpu.memory_space<vmem>>
      %dma_start3A_99 = arith.constant 0 : i32
      %dma_start3A_100 = arith.constant 0 : i32
      %dma_start3A_101 = tpu.memref_slice %arg2[%dma_start3A_99, %dma_start3A_100] : memref<10000x128xf32, #tpu.memory_space<hbm>> -> memref<10000x128xf32, #tpu.memory_space<hbm>>
      tpu.enqueue_indirect_dma source(%dma_start3A_101 : memref<10000x128xf32, #tpu.memory_space<hbm>>) target(%arg9 : memref<128x128xf32, #tpu.memory_space<vmem>>) offsets(%dma_start3A_98 : memref<128xi32, #tpu.memory_space<vmem>>) semaphore(%arg12 : memref<!tpu.dma_semaphore, #tpu.memory_space<semaphore_mem>>)
      %add3A_102 = arith.constant 1 : i32
      %add3A_103 = arith.addi %add3A_79, %add3A_102 : i32
      %dma_wait3A_104 = arith.constant 0 : i32
      %dma_wait3A_105 = tpu.memref_slice %arg7[%add3A_103, %dma_wait3A_104] : memref<40x128xi32, #tpu.memory_space<vmem>> -> memref<1x128xi32, #tpu.memory_space<vmem>>
      %dma_wait3A_106 = tpu.memref_squeeze %dma_wait3A_105 : memref<1x128xi32, #tpu.memory_space<vmem>> -> memref<128xi32, #tpu.memory_space<vmem>>
      %dma_wait3A_107 = arith.constant 0 : i32
      %dma_wait3A_108 = arith.constant 0 : i32
      %dma_wait3A_109 = tpu.memref_slice %arg2[%dma_wait3A_107, %dma_wait3A_108] : memref<10000x128xf32, #tpu.memory_space<hbm>> -> memref<10000x128xf32, #tpu.memory_space<hbm>>
      tpu.wait_indirect_dma semaphore(%arg13 : memref<!tpu.dma_semaphore, #tpu.memory_space<semaphore_mem>>) src(%dma_wait3A_109 : memref<10000x128xf32, #tpu.memory_space<hbm>>) dst(%arg10 : memref<128x128xf32, #tpu.memory_space<vmem>>)
      %add3A_110 = arith.constant 1 : i32
      %add3A_111 = arith.addi %add3A_79, %add3A_110 : i32
      "tpu.region"() ({
        %run_scoped3A_112 = tpu.sem_alloc : memref<!tpu.dma_semaphore, #tpu.memory_space<semaphore_mem>>
        %dma_start3A_113 = arith.constant 0 : i32
        %dma_start3A_114 = tpu.memref_slice %arg8[%add3A_111, %dma_start3A_113] : memref<40x128xi32, #tpu.memory_space<vmem>> -> memref<1x128xi32, #tpu.memory_space<vmem>>
        %dma_start3A_115 = tpu.memref_squeeze %dma_start3A_114 : memref<1x128xi32, #tpu.memory_space<vmem>> -> memref<128xi32, #tpu.memory_space<vmem>>
        %dma_start3A_116 = arith.constant 0 : i32
        %dma_start3A_117 = arith.constant 0 : i32
        %dma_start3A_118 = tpu.memref_slice %arg11[%dma_start3A_116, %dma_start3A_117] : memref<10240x128xf32, #tpu.memory_space<vmem_shared>> -> memref<10240x128xf32, #tpu.memory_space<vmem_shared>>
        tpu.enqueue_indirect_dma source(%arg10 : memref<128x128xf32, #tpu.memory_space<vmem>>) target(%dma_start3A_118 : memref<10240x128xf32, #tpu.memory_space<vmem_shared>>) offsets(%dma_start3A_115 : memref<128xi32, #tpu.memory_space<vmem>>) semaphore(%run_scoped3A_112 : memref<!tpu.dma_semaphore, #tpu.memory_space<semaphore_mem>>) {add = true}
        %dma_wait3A_119 = arith.constant 0 : i32
        %dma_wait3A_120 = tpu.memref_slice %arg8[%add3A_111, %dma_wait3A_119] : memref<40x128xi32, #tpu.memory_space<vmem>> -> memref<1x128xi32, #tpu.memory_space<vmem>>
        %dma_wait3A_121 = tpu.memref_squeeze %dma_wait3A_120 : memref<1x128xi32, #tpu.memory_space<vmem>> -> memref<128xi32, #tpu.memory_space<vmem>>
        %dma_wait3A_122 = arith.constant 0 : i32
        %dma_wait3A_123 = arith.constant 0 : i32
        %dma_wait3A_124 = tpu.memref_slice %arg11[%dma_wait3A_122, %dma_wait3A_123] : memref<10240x128xf32, #tpu.memory_space<vmem_shared>> -> memref<10240x128xf32, #tpu.memory_space<vmem_shared>>
        tpu.wait_indirect_dma semaphore(%run_scoped3A_112 : memref<!tpu.dma_semaphore, #tpu.memory_space<semaphore_mem>>) src(%arg10 : memref<128x128xf32, #tpu.memory_space<vmem>>) dst(%dma_wait3A_124 : memref<10240x128xf32, #tpu.memory_space<vmem_shared>>)
        tpu.yield
      }) : () -> ()
    }
    %scan3A_17 = arith.constant 19 : i32
    %dma_start3A_18 = arith.constant 39 : i32
    %dma_start3A_19 = arith.constant 0 : i32
    %dma_start3A_20 = tpu.memref_slice %arg7[%dma_start3A_18, %dma_start3A_19] : memref<40x128xi32, #tpu.memory_space<vmem>> -> memref<1x128xi32, #tpu.memory_space<vmem>>
    %dma_start3A_21 = tpu.memref_squeeze %dma_start3A_20 : memref<1x128xi32, #tpu.memory_space<vmem>> -> memref<128xi32, #tpu.memory_space<vmem>>
    %dma_start3A_22 = arith.constant 0 : i32
    %dma_start3A_23 = arith.constant 0 : i32
    %dma_start3A_24 = tpu.memref_slice %arg2[%dma_start3A_22, %dma_start3A_23] : memref<10000x128xf32, #tpu.memory_space<hbm>> -> memref<10000x128xf32, #tpu.memory_space<hbm>>
    tpu.enqueue_indirect_dma source(%dma_start3A_24 : memref<10000x128xf32, #tpu.memory_space<hbm>>) target(%arg10 : memref<128x128xf32, #tpu.memory_space<vmem>>) offsets(%dma_start3A_21 : memref<128xi32, #tpu.memory_space<vmem>>) semaphore(%arg13 : memref<!tpu.dma_semaphore, #tpu.memory_space<semaphore_mem>>)
    %dma_wait3A = arith.constant 38 : i32
    %dma_wait3A_25 = arith.constant 0 : i32
    %dma_wait3A_26 = tpu.memref_slice %arg7[%dma_wait3A, %dma_wait3A_25] : memref<40x128xi32, #tpu.memory_space<vmem>> -> memref<1x128xi32, #tpu.memory_space<vmem>>
    %dma_wait3A_27 = tpu.memref_squeeze %dma_wait3A_26 : memref<1x128xi32, #tpu.memory_space<vmem>> -> memref<128xi32, #tpu.memory_space<vmem>>
    %dma_wait3A_28 = arith.constant 0 : i32
    %dma_wait3A_29 = arith.constant 0 : i32
    %dma_wait3A_30 = tpu.memref_slice %arg2[%dma_wait3A_28, %dma_wait3A_29] : memref<10000x128xf32, #tpu.memory_space<hbm>> -> memref<10000x128xf32, #tpu.memory_space<hbm>>
    tpu.wait_indirect_dma semaphore(%arg12 : memref<!tpu.dma_semaphore, #tpu.memory_space<semaphore_mem>>) src(%dma_wait3A_30 : memref<10000x128xf32, #tpu.memory_space<hbm>>) dst(%arg9 : memref<128x128xf32, #tpu.memory_space<vmem>>)
    %run_scoped3A = arith.constant 38 : i32
    "tpu.region"() ({
      %run_scoped3A_75 = tpu.sem_alloc : memref<!tpu.dma_semaphore, #tpu.memory_space<semaphore_mem>>
      %dma_start3A_76 = arith.constant 0 : i32
      %dma_start3A_77 = tpu.memref_slice %arg8[%run_scoped3A, %dma_start3A_76] : memref<40x128xi32, #tpu.memory_space<vmem>> -> memref<1x128xi32, #tpu.memory_space<vmem>>
      %dma_start3A_78 = tpu.memref_squeeze %dma_start3A_77 : memref<1x128xi32, #tpu.memory_space<vmem>> -> memref<128xi32, #tpu.memory_space<vmem>>
      %dma_start3A_79 = arith.constant 0 : i32
      %dma_start3A_80 = arith.constant 0 : i32
      %dma_start3A_81 = tpu.memref_slice %arg11[%dma_start3A_79, %dma_start3A_80] : memref<10240x128xf32, #tpu.memory_space<vmem_shared>> -> memref<10240x128xf32, #tpu.memory_space<vmem_shared>>
      tpu.enqueue_indirect_dma source(%arg9 : memref<128x128xf32, #tpu.memory_space<vmem>>) target(%dma_start3A_81 : memref<10240x128xf32, #tpu.memory_space<vmem_shared>>) offsets(%dma_start3A_78 : memref<128xi32, #tpu.memory_space<vmem>>) semaphore(%run_scoped3A_75 : memref<!tpu.dma_semaphore, #tpu.memory_space<semaphore_mem>>) {add = true}
      %dma_wait3A_82 = arith.constant 0 : i32
      %dma_wait3A_83 = tpu.memref_slice %arg8[%run_scoped3A, %dma_wait3A_82] : memref<40x128xi32, #tpu.memory_space<vmem>> -> memref<1x128xi32, #tpu.memory_space<vmem>>
      %dma_wait3A_84 = tpu.memref_squeeze %dma_wait3A_83 : memref<1x128xi32, #tpu.memory_space<vmem>> -> memref<128xi32, #tpu.memory_space<vmem>>
      %dma_wait3A_85 = arith.constant 0 : i32
      %dma_wait3A_86 = arith.constant 0 : i32
      %dma_wait3A_87 = tpu.memref_slice %arg11[%dma_wait3A_85, %dma_wait3A_86] : memref<10240x128xf32, #tpu.memory_space<vmem_shared>> -> memref<10240x128xf32, #tpu.memory_space<vmem_shared>>
      tpu.wait_indirect_dma semaphore(%run_scoped3A_75 : memref<!tpu.dma_semaphore, #tpu.memory_space<semaphore_mem>>) src(%arg9 : memref<128x128xf32, #tpu.memory_space<vmem>>) dst(%dma_wait3A_87 : memref<10240x128xf32, #tpu.memory_space<vmem_shared>>)
      tpu.yield
    }) : () -> ()
    %dma_wait3A_31 = arith.constant 39 : i32
    %dma_wait3A_32 = arith.constant 0 : i32
    %dma_wait3A_33 = tpu.memref_slice %arg7[%dma_wait3A_31, %dma_wait3A_32] : memref<40x128xi32, #tpu.memory_space<vmem>> -> memref<1x128xi32, #tpu.memory_space<vmem>>
    %dma_wait3A_34 = tpu.memref_squeeze %dma_wait3A_33 : memref<1x128xi32, #tpu.memory_space<vmem>> -> memref<128xi32, #tpu.memory_space<vmem>>
    %dma_wait3A_35 = arith.constant 0 : i32
    %dma_wait3A_36 = arith.constant 0 : i32
    %dma_wait3A_37 = tpu.memref_slice %arg2[%dma_wait3A_35, %dma_wait3A_36] : memref<10000x128xf32, #tpu.memory_space<hbm>> -> memref<10000x128xf32, #tpu.memory_space<hbm>>
    tpu.wait_indirect_dma semaphore(%arg13 : memref<!tpu.dma_semaphore, #tpu.memory_space<semaphore_mem>>) src(%dma_wait3A_37 : memref<10000x128xf32, #tpu.memory_space<hbm>>) dst(%arg10 : memref<128x128xf32, #tpu.memory_space<vmem>>)
    %run_scoped3A_38 = arith.constant 39 : i32
    "tpu.region"() ({
      %run_scoped3A_75 = tpu.sem_alloc : memref<!tpu.dma_semaphore, #tpu.memory_space<semaphore_mem>>
      %dma_start3A_76 = arith.constant 0 : i32
      %dma_start3A_77 = tpu.memref_slice %arg8[%run_scoped3A_38, %dma_start3A_76] : memref<40x128xi32, #tpu.memory_space<vmem>> -> memref<1x128xi32, #tpu.memory_space<vmem>>
      %dma_start3A_78 = tpu.memref_squeeze %dma_start3A_77 : memref<1x128xi32, #tpu.memory_space<vmem>> -> memref<128xi32, #tpu.memory_space<vmem>>
      %dma_start3A_79 = arith.constant 0 : i32
      %dma_start3A_80 = arith.constant 0 : i32
      %dma_start3A_81 = tpu.memref_slice %arg11[%dma_start3A_79, %dma_start3A_80] : memref<10240x128xf32, #tpu.memory_space<vmem_shared>> -> memref<10240x128xf32, #tpu.memory_space<vmem_shared>>
      tpu.enqueue_indirect_dma source(%arg10 : memref<128x128xf32, #tpu.memory_space<vmem>>) target(%dma_start3A_81 : memref<10240x128xf32, #tpu.memory_space<vmem_shared>>) offsets(%dma_start3A_78 : memref<128xi32, #tpu.memory_space<vmem>>) semaphore(%run_scoped3A_75 : memref<!tpu.dma_semaphore, #tpu.memory_space<semaphore_mem>>) {add = true}
      %dma_wait3A_82 = arith.constant 0 : i32
      %dma_wait3A_83 = tpu.memref_slice %arg8[%run_scoped3A_38, %dma_wait3A_82] : memref<40x128xi32, #tpu.memory_space<vmem>> -> memref<1x128xi32, #tpu.memory_space<vmem>>
      %dma_wait3A_84 = tpu.memref_squeeze %dma_wait3A_83 : memref<1x128xi32, #tpu.memory_space<vmem>> -> memref<128xi32, #tpu.memory_space<vmem>>
      %dma_wait3A_85 = arith.constant 0 : i32
      %dma_wait3A_86 = arith.constant 0 : i32
      %dma_wait3A_87 = tpu.memref_slice %arg11[%dma_wait3A_85, %dma_wait3A_86] : memref<10240x128xf32, #tpu.memory_space<vmem_shared>> -> memref<10240x128xf32, #tpu.memory_space<vmem_shared>>
      tpu.wait_indirect_dma semaphore(%run_scoped3A_75 : memref<!tpu.dma_semaphore, #tpu.memory_space<semaphore_mem>>) src(%arg10 : memref<128x128xf32, #tpu.memory_space<vmem>>) dst(%dma_wait3A_87 : memref<10240x128xf32, #tpu.memory_space<vmem_shared>>)
      tpu.yield
    }) : () -> ()
    "tpu.region"() ({
      %run_scoped3A_75 = tpu.sem_alloc : memref<!tpu.dma_semaphore, #tpu.memory_space<semaphore_mem>>
      %dma_start3A_76 = arith.constant 40 : i32
      %dma_start3A_77 = arith.constant 0 : i32
      %dma_start3A_78 = tpu.memref_slice %arg3[%add3A, %dma_start3A_76, %dma_start3A_77] : memref<32x80x128xi32, #tpu.memory_space<hbm>> -> memref<1x40x128xi32, #tpu.memory_space<hbm>>
      %dma_start3A_79 = tpu.memref_squeeze %dma_start3A_78 : memref<1x40x128xi32, #tpu.memory_space<hbm>> -> memref<40x128xi32, #tpu.memory_space<hbm>>
      %dma_start3A_80 = arith.constant 40 : i32
      %dma_start3A_81 = arith.constant 0 : i32
      %dma_start3A_82 = tpu.memref_slice %arg3[%add3A, %dma_start3A_80, %dma_start3A_81] : memref<32x80x128xi32, #tpu.memory_space<hbm>> -> memref<1x40x128xi32, #tpu.memory_space<hbm>>
      %dma_start3A_83 = tpu.memref_squeeze %dma_start3A_82 : memref<1x40x128xi32, #tpu.memory_space<hbm>> -> memref<40x128xi32, #tpu.memory_space<hbm>>
      tpu.enqueue_dma source(%dma_start3A_83 : memref<40x128xi32, #tpu.memory_space<hbm>>) target(%arg7 : memref<40x128xi32, #tpu.memory_space<vmem>>) target_semaphore(%run_scoped3A_75 : memref<!tpu.dma_semaphore, #tpu.memory_space<semaphore_mem>>)
      %dma_wait3A_84 = arith.constant 40 : i32
      %dma_wait3A_85 = arith.constant 0 : i32
      %dma_wait3A_86 = tpu.memref_slice %arg3[%add3A, %dma_wait3A_84, %dma_wait3A_85] : memref<32x80x128xi32, #tpu.memory_space<hbm>> -> memref<1x40x128xi32, #tpu.memory_space<hbm>>
      %dma_wait3A_87 = tpu.memref_squeeze %dma_wait3A_86 : memref<1x40x128xi32, #tpu.memory_space<hbm>> -> memref<40x128xi32, #tpu.memory_space<hbm>>
      %dma_wait3A_88 = arith.constant 40 : i32
      %dma_wait3A_89 = arith.constant 0 : i32
      %dma_wait3A_90 = tpu.memref_slice %arg3[%add3A, %dma_wait3A_88, %dma_wait3A_89] : memref<32x80x128xi32, #tpu.memory_space<hbm>> -> memref<1x40x128xi32, #tpu.memory_space<hbm>>
      %dma_wait3A_91 = tpu.memref_squeeze %dma_wait3A_90 : memref<1x40x128xi32, #tpu.memory_space<hbm>> -> memref<40x128xi32, #tpu.memory_space<hbm>>
      tpu.wait_dma2 semaphore(%run_scoped3A_75 : memref<!tpu.dma_semaphore, #tpu.memory_space<semaphore_mem>>) src(%dma_wait3A_91 : memref<40x128xi32, #tpu.memory_space<hbm>>) dst(%arg7 : memref<40x128xi32, #tpu.memory_space<vmem>>)
      tpu.yield
    }) : () -> ()
    "tpu.region"() ({
      %run_scoped3A_75 = tpu.sem_alloc : memref<!tpu.dma_semaphore, #tpu.memory_space<semaphore_mem>>
      %dma_start3A_76 = arith.constant 40 : i32
      %dma_start3A_77 = arith.constant 0 : i32
      %dma_start3A_78 = tpu.memref_slice %arg4[%add3A, %dma_start3A_76, %dma_start3A_77] : memref<32x80x128xi32, #tpu.memory_space<hbm>> -> memref<1x40x128xi32, #tpu.memory_space<hbm>>
      %dma_start3A_79 = tpu.memref_squeeze %dma_start3A_78 : memref<1x40x128xi32, #tpu.memory_space<hbm>> -> memref<40x128xi32, #tpu.memory_space<hbm>>
      %dma_start3A_80 = arith.constant 40 : i32
      %dma_start3A_81 = arith.constant 0 : i32
      %dma_start3A_82 = tpu.memref_slice %arg4[%add3A, %dma_start3A_80, %dma_start3A_81] : memref<32x80x128xi32, #tpu.memory_space<hbm>> -> memref<1x40x128xi32, #tpu.memory_space<hbm>>
      %dma_start3A_83 = tpu.memref_squeeze %dma_start3A_82 : memref<1x40x128xi32, #tpu.memory_space<hbm>> -> memref<40x128xi32, #tpu.memory_space<hbm>>
      tpu.enqueue_dma source(%dma_start3A_83 : memref<40x128xi32, #tpu.memory_space<hbm>>) target(%arg8 : memref<40x128xi32, #tpu.memory_space<vmem>>) target_semaphore(%run_scoped3A_75 : memref<!tpu.dma_semaphore, #tpu.memory_space<semaphore_mem>>)
      %dma_wait3A_84 = arith.constant 40 : i32
      %dma_wait3A_85 = arith.constant 0 : i32
      %dma_wait3A_86 = tpu.memref_slice %arg4[%add3A, %dma_wait3A_84, %dma_wait3A_85] : memref<32x80x128xi32, #tpu.memory_space<hbm>> -> memref<1x40x128xi32, #tpu.memory_space<hbm>>
      %dma_wait3A_87 = tpu.memref_squeeze %dma_wait3A_86 : memref<1x40x128xi32, #tpu.memory_space<hbm>> -> memref<40x128xi32, #tpu.memory_space<hbm>>
      %dma_wait3A_88 = arith.constant 40 : i32
      %dma_wait3A_89 = arith.constant 0 : i32
      %dma_wait3A_90 = tpu.memref_slice %arg4[%add3A, %dma_wait3A_88, %dma_wait3A_89] : memref<32x80x128xi32, #tpu.memory_space<hbm>> -> memref<1x40x128xi32, #tpu.memory_space<hbm>>
      %dma_wait3A_91 = tpu.memref_squeeze %dma_wait3A_90 : memref<1x40x128xi32, #tpu.memory_space<hbm>> -> memref<40x128xi32, #tpu.memory_space<hbm>>
      tpu.wait_dma2 semaphore(%run_scoped3A_75 : memref<!tpu.dma_semaphore, #tpu.memory_space<semaphore_mem>>) src(%dma_wait3A_91 : memref<40x128xi32, #tpu.memory_space<hbm>>) dst(%arg8 : memref<40x128xi32, #tpu.memory_space<vmem>>)
      tpu.yield
    }) : () -> ()
    %dma_start3A_39 = arith.constant 0 : i32
    %dma_start3A_40 = arith.constant 0 : i32
    %dma_start3A_41 = tpu.memref_slice %arg7[%dma_start3A_39, %dma_start3A_40] : memref<40x128xi32, #tpu.memory_space<vmem>> -> memref<1x128xi32, #tpu.memory_space<vmem>>
    %dma_start3A_42 = tpu.memref_squeeze %dma_start3A_41 : memref<1x128xi32, #tpu.memory_space<vmem>> -> memref<128xi32, #tpu.memory_space<vmem>>
    %dma_start3A_43 = arith.constant 0 : i32
    %dma_start3A_44 = arith.constant 0 : i32
    %dma_start3A_45 = tpu.memref_slice %arg2[%dma_start3A_43, %dma_start3A_44] : memref<10000x128xf32, #tpu.memory_space<hbm>> -> memref<10000x128xf32, #tpu.memory_space<hbm>>
    tpu.enqueue_indirect_dma source(%dma_start3A_45 : memref<10000x128xf32, #tpu.memory_space<hbm>>) target(%arg9 : memref<128x128xf32, #tpu.memory_space<vmem>>) offsets(%dma_start3A_42 : memref<128xi32, #tpu.memory_space<vmem>>) semaphore(%arg12 : memref<!tpu.dma_semaphore, #tpu.memory_space<semaphore_mem>>)
    %scan3A_46 = arith.constant 0 : i32
    %scan3A_47 = arith.constant 19 : i32
    %scan3A_48 = arith.addi %scan3A_46, %scan3A_47 : i32
    %scan3A_49 = arith.constant 1 : i32
    scf.for %scan3A_75 = %scan3A_46 to %scan3A_48 step %scan3A_49  : i32 {
      %mul3A_76 = arith.constant 2 : i32
      %mul3A_77 = arith.muli %scan3A_75, %mul3A_76 : i32
      %add3A_78 = arith.constant 0 : i32
      %add3A_79 = arith.addi %add3A_78, %mul3A_77 : i32
      %add3A_80 = arith.constant 1 : i32
      %add3A_81 = arith.addi %add3A_79, %add3A_80 : i32
      %dma_start3A_82 = arith.constant 0 : i32
      %dma_start3A_83 = tpu.memref_slice %arg7[%add3A_81, %dma_start3A_82] : memref<40x128xi32, #tpu.memory_space<vmem>> -> memref<1x128xi32, #tpu.memory_space<vmem>>
      %dma_start3A_84 = tpu.memref_squeeze %dma_start3A_83 : memref<1x128xi32, #tpu.memory_space<vmem>> -> memref<128xi32, #tpu.memory_space<vmem>>
      %dma_start3A_85 = arith.constant 0 : i32
      %dma_start3A_86 = arith.constant 0 : i32
      %dma_start3A_87 = tpu.memref_slice %arg2[%dma_start3A_85, %dma_start3A_86] : memref<10000x128xf32, #tpu.memory_space<hbm>> -> memref<10000x128xf32, #tpu.memory_space<hbm>>
      tpu.enqueue_indirect_dma source(%dma_start3A_87 : memref<10000x128xf32, #tpu.memory_space<hbm>>) target(%arg10 : memref<128x128xf32, #tpu.memory_space<vmem>>) offsets(%dma_start3A_84 : memref<128xi32, #tpu.memory_space<vmem>>) semaphore(%arg13 : memref<!tpu.dma_semaphore, #tpu.memory_space<semaphore_mem>>)
      %dma_wait3A_88 = arith.constant 0 : i32
      %dma_wait3A_89 = tpu.memref_slice %arg7[%add3A_79, %dma_wait3A_88] : memref<40x128xi32, #tpu.memory_space<vmem>> -> memref<1x128xi32, #tpu.memory_space<vmem>>
      %dma_wait3A_90 = tpu.memref_squeeze %dma_wait3A_89 : memref<1x128xi32, #tpu.memory_space<vmem>> -> memref<128xi32, #tpu.memory_space<vmem>>
      %dma_wait3A_91 = arith.constant 0 : i32
      %dma_wait3A_92 = arith.constant 0 : i32
      %dma_wait3A_93 = tpu.memref_slice %arg2[%dma_wait3A_91, %dma_wait3A_92] : memref<10000x128xf32, #tpu.memory_space<hbm>> -> memref<10000x128xf32, #tpu.memory_space<hbm>>
      tpu.wait_indirect_dma semaphore(%arg12 : memref<!tpu.dma_semaphore, #tpu.memory_space<semaphore_mem>>) src(%dma_wait3A_93 : memref<10000x128xf32, #tpu.memory_space<hbm>>) dst(%arg9 : memref<128x128xf32, #tpu.memory_space<vmem>>)
      "tpu.region"() ({
        %run_scoped3A_112 = tpu.sem_alloc : memref<!tpu.dma_semaphore, #tpu.memory_space<semaphore_mem>>
        %dma_start3A_113 = arith.constant 0 : i32
        %dma_start3A_114 = tpu.memref_slice %arg8[%add3A_79, %dma_start3A_113] : memref<40x128xi32, #tpu.memory_space<vmem>> -> memref<1x128xi32, #tpu.memory_space<vmem>>
        %dma_start3A_115 = tpu.memref_squeeze %dma_start3A_114 : memref<1x128xi32, #tpu.memory_space<vmem>> -> memref<128xi32, #tpu.memory_space<vmem>>
        %dma_start3A_116 = arith.constant 0 : i32
        %dma_start3A_117 = arith.constant 0 : i32
        %dma_start3A_118 = tpu.memref_slice %arg11[%dma_start3A_116, %dma_start3A_117] : memref<10240x128xf32, #tpu.memory_space<vmem_shared>> -> memref<10240x128xf32, #tpu.memory_space<vmem_shared>>
        tpu.enqueue_indirect_dma source(%arg9 : memref<128x128xf32, #tpu.memory_space<vmem>>) target(%dma_start3A_118 : memref<10240x128xf32, #tpu.memory_space<vmem_shared>>) offsets(%dma_start3A_115 : memref<128xi32, #tpu.memory_space<vmem>>) semaphore(%run_scoped3A_112 : memref<!tpu.dma_semaphore, #tpu.memory_space<semaphore_mem>>) {add = true}
        %dma_wait3A_119 = arith.constant 0 : i32
        %dma_wait3A_120 = tpu.memref_slice %arg8[%add3A_79, %dma_wait3A_119] : memref<40x128xi32, #tpu.memory_space<vmem>> -> memref<1x128xi32, #tpu.memory_space<vmem>>
        %dma_wait3A_121 = tpu.memref_squeeze %dma_wait3A_120 : memref<1x128xi32, #tpu.memory_space<vmem>> -> memref<128xi32, #tpu.memory_space<vmem>>
        %dma_wait3A_122 = arith.constant 0 : i32
        %dma_wait3A_123 = arith.constant 0 : i32
        %dma_wait3A_124 = tpu.memref_slice %arg11[%dma_wait3A_122, %dma_wait3A_123] : memref<10240x128xf32, #tpu.memory_space<vmem_shared>> -> memref<10240x128xf32, #tpu.memory_space<vmem_shared>>
        tpu.wait_indirect_dma semaphore(%run_scoped3A_112 : memref<!tpu.dma_semaphore, #tpu.memory_space<semaphore_mem>>) src(%arg9 : memref<128x128xf32, #tpu.memory_space<vmem>>) dst(%dma_wait3A_124 : memref<10240x128xf32, #tpu.memory_space<vmem_shared>>)
        tpu.yield
      }) : () -> ()
      %add3A_94 = arith.constant 2 : i32
      %add3A_95 = arith.addi %add3A_79, %add3A_94 : i32
      %dma_start3A_96 = arith.constant 0 : i32
      %dma_start3A_97 = tpu.memref_slice %arg7[%add3A_95, %dma_start3A_96] : memref<40x128xi32, #tpu.memory_space<vmem>> -> memref<1x128xi32, #tpu.memory_space<vmem>>
      %dma_start3A_98 = tpu.memref_squeeze %dma_start3A_97 : memref<1x128xi32, #tpu.memory_space<vmem>> -> memref<128xi32, #tpu.memory_space<vmem>>
      %dma_start3A_99 = arith.constant 0 : i32
      %dma_start3A_100 = arith.constant 0 : i32
      %dma_start3A_101 = tpu.memref_slice %arg2[%dma_start3A_99, %dma_start3A_100] : memref<10000x128xf32, #tpu.memory_space<hbm>> -> memref<10000x128xf32, #tpu.memory_space<hbm>>
      tpu.enqueue_indirect_dma source(%dma_start3A_101 : memref<10000x128xf32, #tpu.memory_space<hbm>>) target(%arg9 : memref<128x128xf32, #tpu.memory_space<vmem>>) offsets(%dma_start3A_98 : memref<128xi32, #tpu.memory_space<vmem>>) semaphore(%arg12 : memref<!tpu.dma_semaphore, #tpu.memory_space<semaphore_mem>>)
      %add3A_102 = arith.constant 1 : i32
      %add3A_103 = arith.addi %add3A_79, %add3A_102 : i32
      %dma_wait3A_104 = arith.constant 0 : i32
      %dma_wait3A_105 = tpu.memref_slice %arg7[%add3A_103, %dma_wait3A_104] : memref<40x128xi32, #tpu.memory_space<vmem>> -> memref<1x128xi32, #tpu.memory_space<vmem>>
      %dma_wait3A_106 = tpu.memref_squeeze %dma_wait3A_105 : memref<1x128xi32, #tpu.memory_space<vmem>> -> memref<128xi32, #tpu.memory_space<vmem>>
      %dma_wait3A_107 = arith.constant 0 : i32
      %dma_wait3A_108 = arith.constant 0 : i32
      %dma_wait3A_109 = tpu.memref_slice %arg2[%dma_wait3A_107, %dma_wait3A_108] : memref<10000x128xf32, #tpu.memory_space<hbm>> -> memref<10000x128xf32, #tpu.memory_space<hbm>>
      tpu.wait_indirect_dma semaphore(%arg13 : memref<!tpu.dma_semaphore, #tpu.memory_space<semaphore_mem>>) src(%dma_wait3A_109 : memref<10000x128xf32, #tpu.memory_space<hbm>>) dst(%arg10 : memref<128x128xf32, #tpu.memory_space<vmem>>)
      %add3A_110 = arith.constant 1 : i32
      %add3A_111 = arith.addi %add3A_79, %add3A_110 : i32
      "tpu.region"() ({
        %run_scoped3A_112 = tpu.sem_alloc : memref<!tpu.dma_semaphore, #tpu.memory_space<semaphore_mem>>
        %dma_start3A_113 = arith.constant 0 : i32
        %dma_start3A_114 = tpu.memref_slice %arg8[%add3A_111, %dma_start3A_113] : memref<40x128xi32, #tpu.memory_space<vmem>> -> memref<1x128xi32, #tpu.memory_space<vmem>>
        %dma_start3A_115 = tpu.memref_squeeze %dma_start3A_114 : memref<1x128xi32, #tpu.memory_space<vmem>> -> memref<128xi32, #tpu.memory_space<vmem>>
        %dma_start3A_116 = arith.constant 0 : i32
        %dma_start3A_117 = arith.constant 0 : i32
        %dma_start3A_118 = tpu.memref_slice %arg11[%dma_start3A_116, %dma_start3A_117] : memref<10240x128xf32, #tpu.memory_space<vmem_shared>> -> memref<10240x128xf32, #tpu.memory_space<vmem_shared>>
        tpu.enqueue_indirect_dma source(%arg10 : memref<128x128xf32, #tpu.memory_space<vmem>>) target(%dma_start3A_118 : memref<10240x128xf32, #tpu.memory_space<vmem_shared>>) offsets(%dma_start3A_115 : memref<128xi32, #tpu.memory_space<vmem>>) semaphore(%run_scoped3A_112 : memref<!tpu.dma_semaphore, #tpu.memory_space<semaphore_mem>>) {add = true}
        %dma_wait3A_119 = arith.constant 0 : i32
        %dma_wait3A_120 = tpu.memref_slice %arg8[%add3A_111, %dma_wait3A_119] : memref<40x128xi32, #tpu.memory_space<vmem>> -> memref<1x128xi32, #tpu.memory_space<vmem>>
        %dma_wait3A_121 = tpu.memref_squeeze %dma_wait3A_120 : memref<1x128xi32, #tpu.memory_space<vmem>> -> memref<128xi32, #tpu.memory_space<vmem>>
        %dma_wait3A_122 = arith.constant 0 : i32
        %dma_wait3A_123 = arith.constant 0 : i32
        %dma_wait3A_124 = tpu.memref_slice %arg11[%dma_wait3A_122, %dma_wait3A_123] : memref<10240x128xf32, #tpu.memory_space<vmem_shared>> -> memref<10240x128xf32, #tpu.memory_space<vmem_shared>>
        tpu.wait_indirect_dma semaphore(%run_scoped3A_112 : memref<!tpu.dma_semaphore, #tpu.memory_space<semaphore_mem>>) src(%arg10 : memref<128x128xf32, #tpu.memory_space<vmem>>) dst(%dma_wait3A_124 : memref<10240x128xf32, #tpu.memory_space<vmem_shared>>)
        tpu.yield
      }) : () -> ()
    }
    %scan3A_50 = arith.constant 19 : i32
    %dma_start3A_51 = arith.constant 39 : i32
    %dma_start3A_52 = arith.constant 0 : i32
    %dma_start3A_53 = tpu.memref_slice %arg7[%dma_start3A_51, %dma_start3A_52] : memref<40x128xi32, #tpu.memory_space<vmem>> -> memref<1x128xi32, #tpu.memory_space<vmem>>
    %dma_start3A_54 = tpu.memref_squeeze %dma_start3A_53 : memref<1x128xi32, #tpu.memory_space<vmem>> -> memref<128xi32, #tpu.memory_space<vmem>>
    %dma_start3A_55 = arith.constant 0 : i32
    %dma_start3A_56 = arith.constant 0 : i32
    %dma_start3A_57 = tpu.memref_slice %arg2[%dma_start3A_55, %dma_start3A_56] : memref<10000x128xf32, #tpu.memory_space<hbm>> -> memref<10000x128xf32, #tpu.memory_space<hbm>>
    tpu.enqueue_indirect_dma source(%dma_start3A_57 : memref<10000x128xf32, #tpu.memory_space<hbm>>) target(%arg10 : memref<128x128xf32, #tpu.memory_space<vmem>>) offsets(%dma_start3A_54 : memref<128xi32, #tpu.memory_space<vmem>>) semaphore(%arg13 : memref<!tpu.dma_semaphore, #tpu.memory_space<semaphore_mem>>)
    %dma_wait3A_58 = arith.constant 38 : i32
    %dma_wait3A_59 = arith.constant 0 : i32
    %dma_wait3A_60 = tpu.memref_slice %arg7[%dma_wait3A_58, %dma_wait3A_59] : memref<40x128xi32, #tpu.memory_space<vmem>> -> memref<1x128xi32, #tpu.memory_space<vmem>>
    %dma_wait3A_61 = tpu.memref_squeeze %dma_wait3A_60 : memref<1x128xi32, #tpu.memory_space<vmem>> -> memref<128xi32, #tpu.memory_space<vmem>>
    %dma_wait3A_62 = arith.constant 0 : i32
    %dma_wait3A_63 = arith.constant 0 : i32
    %dma_wait3A_64 = tpu.memref_slice %arg2[%dma_wait3A_62, %dma_wait3A_63] : memref<10000x128xf32, #tpu.memory_space<hbm>> -> memref<10000x128xf32, #tpu.memory_space<hbm>>
    tpu.wait_indirect_dma semaphore(%arg12 : memref<!tpu.dma_semaphore, #tpu.memory_space<semaphore_mem>>) src(%dma_wait3A_64 : memref<10000x128xf32, #tpu.memory_space<hbm>>) dst(%arg9 : memref<128x128xf32, #tpu.memory_space<vmem>>)
    %run_scoped3A_65 = arith.constant 38 : i32
    "tpu.region"() ({
      %run_scoped3A_75 = tpu.sem_alloc : memref<!tpu.dma_semaphore, #tpu.memory_space<semaphore_mem>>
      %dma_start3A_76 = arith.constant 0 : i32
      %dma_start3A_77 = tpu.memref_slice %arg8[%run_scoped3A_65, %dma_start3A_76] : memref<40x128xi32, #tpu.memory_space<vmem>> -> memref<1x128xi32, #tpu.memory_space<vmem>>
      %dma_start3A_78 = tpu.memref_squeeze %dma_start3A_77 : memref<1x128xi32, #tpu.memory_space<vmem>> -> memref<128xi32, #tpu.memory_space<vmem>>
      %dma_start3A_79 = arith.constant 0 : i32
      %dma_start3A_80 = arith.constant 0 : i32
      %dma_start3A_81 = tpu.memref_slice %arg11[%dma_start3A_79, %dma_start3A_80] : memref<10240x128xf32, #tpu.memory_space<vmem_shared>> -> memref<10240x128xf32, #tpu.memory_space<vmem_shared>>
      tpu.enqueue_indirect_dma source(%arg9 : memref<128x128xf32, #tpu.memory_space<vmem>>) target(%dma_start3A_81 : memref<10240x128xf32, #tpu.memory_space<vmem_shared>>) offsets(%dma_start3A_78 : memref<128xi32, #tpu.memory_space<vmem>>) semaphore(%run_scoped3A_75 : memref<!tpu.dma_semaphore, #tpu.memory_space<semaphore_mem>>) {add = true}
      %dma_wait3A_82 = arith.constant 0 : i32
      %dma_wait3A_83 = tpu.memref_slice %arg8[%run_scoped3A_65, %dma_wait3A_82] : memref<40x128xi32, #tpu.memory_space<vmem>> -> memref<1x128xi32, #tpu.memory_space<vmem>>
      %dma_wait3A_84 = tpu.memref_squeeze %dma_wait3A_83 : memref<1x128xi32, #tpu.memory_space<vmem>> -> memref<128xi32, #tpu.memory_space<vmem>>
      %dma_wait3A_85 = arith.constant 0 : i32
      %dma_wait3A_86 = arith.constant 0 : i32
      %dma_wait3A_87 = tpu.memref_slice %arg11[%dma_wait3A_85, %dma_wait3A_86] : memref<10240x128xf32, #tpu.memory_space<vmem_shared>> -> memref<10240x128xf32, #tpu.memory_space<vmem_shared>>
      tpu.wait_indirect_dma semaphore(%run_scoped3A_75 : memref<!tpu.dma_semaphore, #tpu.memory_space<semaphore_mem>>) src(%arg9 : memref<128x128xf32, #tpu.memory_space<vmem>>) dst(%dma_wait3A_87 : memref<10240x128xf32, #tpu.memory_space<vmem_shared>>)
      tpu.yield
    }) : () -> ()
    %dma_wait3A_66 = arith.constant 39 : i32
    %dma_wait3A_67 = arith.constant 0 : i32
    %dma_wait3A_68 = tpu.memref_slice %arg7[%dma_wait3A_66, %dma_wait3A_67] : memref<40x128xi32, #tpu.memory_space<vmem>> -> memref<1x128xi32, #tpu.memory_space<vmem>>
    %dma_wait3A_69 = tpu.memref_squeeze %dma_wait3A_68 : memref<1x128xi32, #tpu.memory_space<vmem>> -> memref<128xi32, #tpu.memory_space<vmem>>
    %dma_wait3A_70 = arith.constant 0 : i32
    %dma_wait3A_71 = arith.constant 0 : i32
    %dma_wait3A_72 = tpu.memref_slice %arg2[%dma_wait3A_70, %dma_wait3A_71] : memref<10000x128xf32, #tpu.memory_space<hbm>> -> memref<10000x128xf32, #tpu.memory_space<hbm>>
    tpu.wait_indirect_dma semaphore(%arg13 : memref<!tpu.dma_semaphore, #tpu.memory_space<semaphore_mem>>) src(%dma_wait3A_72 : memref<10000x128xf32, #tpu.memory_space<hbm>>) dst(%arg10 : memref<128x128xf32, #tpu.memory_space<vmem>>)
    %run_scoped3A_73 = arith.constant 39 : i32
    "tpu.region"() ({
      %run_scoped3A_75 = tpu.sem_alloc : memref<!tpu.dma_semaphore, #tpu.memory_space<semaphore_mem>>
      %dma_start3A_76 = arith.constant 0 : i32
      %dma_start3A_77 = tpu.memref_slice %arg8[%run_scoped3A_73, %dma_start3A_76] : memref<40x128xi32, #tpu.memory_space<vmem>> -> memref<1x128xi32, #tpu.memory_space<vmem>>
      %dma_start3A_78 = tpu.memref_squeeze %dma_start3A_77 : memref<1x128xi32, #tpu.memory_space<vmem>> -> memref<128xi32, #tpu.memory_space<vmem>>
      %dma_start3A_79 = arith.constant 0 : i32
      %dma_start3A_80 = arith.constant 0 : i32
      %dma_start3A_81 = tpu.memref_slice %arg11[%dma_start3A_79, %dma_start3A_80] : memref<10240x128xf32, #tpu.memory_space<vmem_shared>> -> memref<10240x128xf32, #tpu.memory_space<vmem_shared>>
      tpu.enqueue_indirect_dma source(%arg10 : memref<128x128xf32, #tpu.memory_space<vmem>>) target(%dma_start3A_81 : memref<10240x128xf32, #tpu.memory_space<vmem_shared>>) offsets(%dma_start3A_78 : memref<128xi32, #tpu.memory_space<vmem>>) semaphore(%run_scoped3A_75 : memref<!tpu.dma_semaphore, #tpu.memory_space<semaphore_mem>>) {add = true}
      %dma_wait3A_82 = arith.constant 0 : i32
      %dma_wait3A_83 = tpu.memref_slice %arg8[%run_scoped3A_73, %dma_wait3A_82] : memref<40x128xi32, #tpu.memory_space<vmem>> -> memref<1x128xi32, #tpu.memory_space<vmem>>
      %dma_wait3A_84 = tpu.memref_squeeze %dma_wait3A_83 : memref<1x128xi32, #tpu.memory_space<vmem>> -> memref<128xi32, #tpu.memory_space<vmem>>
      %dma_wait3A_85 = arith.constant 0 : i32
      %dma_wait3A_86 = arith.constant 0 : i32
      %dma_wait3A_87 = tpu.memref_slice %arg11[%dma_wait3A_85, %dma_wait3A_86] : memref<10240x128xf32, #tpu.memory_space<vmem_shared>> -> memref<10240x128xf32, #tpu.memory_space<vmem_shared>>
      tpu.wait_indirect_dma semaphore(%run_scoped3A_75 : memref<!tpu.dma_semaphore, #tpu.memory_space<semaphore_mem>>) src(%arg10 : memref<128x128xf32, #tpu.memory_space<vmem>>) dst(%dma_wait3A_87 : memref<10240x128xf32, #tpu.memory_space<vmem_shared>>)
      tpu.yield
    }) : () -> ()
    %barrier3A_74 = arith.constant 0 : index
    tpu.barrier barrier_id(%barrier3A_74)
    "tpu.region"() ({
      %run_scoped3A_75 = tpu.sem_alloc : memref<!tpu.dma_semaphore, #tpu.memory_space<semaphore_mem>>
      %dma_start3A_76 = arith.constant 0 : i32
      %dma_start3A_77 = tpu.memref_slice %arg6[%arg0, %mul3A_2, %dma_start3A_76] : memref<2x10240x128xf32, #tpu.memory_space<hbm>> -> memref<1x640x128xf32, #tpu.memory_space<hbm>>
      %dma_start3A_78 = tpu.memref_squeeze %dma_start3A_77 : memref<1x640x128xf32, #tpu.memory_space<hbm>> -> memref<640x128xf32, #tpu.memory_space<hbm>>
      %dma_start3A_79 = arith.constant 0 : i32
      %dma_start3A_80 = tpu.memref_slice %arg11[%mul3A_2, %dma_start3A_79] : memref<10240x128xf32, #tpu.memory_space<vmem_shared>> -> memref<640x128xf32, #tpu.memory_space<vmem_shared>>
      tpu.enqueue_dma source(%dma_start3A_80 : memref<640x128xf32, #tpu.memory_space<vmem_shared>>) target(%dma_start3A_78 : memref<640x128xf32, #tpu.memory_space<hbm>>) target_semaphore(%run_scoped3A_75 : memref<!tpu.dma_semaphore, #tpu.memory_space<semaphore_mem>>)
      %dma_wait3A_81 = arith.constant 0 : i32
      %dma_wait3A_82 = tpu.memref_slice %arg6[%arg0, %mul3A_2, %dma_wait3A_81] : memref<2x10240x128xf32, #tpu.memory_space<hbm>> -> memref<1x640x128xf32, #tpu.memory_space<hbm>>
      %dma_wait3A_83 = tpu.memref_squeeze %dma_wait3A_82 : memref<1x640x128xf32, #tpu.memory_space<hbm>> -> memref<640x128xf32, #tpu.memory_space<hbm>>
      %dma_wait3A_84 = arith.constant 0 : i32
      %dma_wait3A_85 = tpu.memref_slice %arg11[%mul3A_2, %dma_wait3A_84] : memref<10240x128xf32, #tpu.memory_space<vmem_shared>> -> memref<640x128xf32, #tpu.memory_space<vmem_shared>>
      tpu.wait_dma2 semaphore(%run_scoped3A_75 : memref<!tpu.dma_semaphore, #tpu.memory_space<semaphore_mem>>) src(%dma_wait3A_85 : memref<640x128xf32, #tpu.memory_space<vmem_shared>>) dst(%dma_wait3A_83 : memref<640x128xf32, #tpu.memory_space<hbm>>)
      tpu.yield
    }) : () -> ()
    return
  }
}

#map = affine_map<(d0, d1) -> (0, 0)>
#map1 = affine_map<(d0, d1) -> (0, 0, 0)>
module attributes {stable_mosaic.version = 14 : i64} {
  func.func @k(%arg0: i32, %arg1: i32, %arg2: memref<10000x128xf32, #tpu.memory_space<hbm>>, %arg3: memref<32x80x128xi32, #tpu.memory_space<hbm>>, %arg4: memref<32x80x128xi32, #tpu.memory_space<hbm>>, %arg5: memref<128x128xf32, #tpu.memory_space<hbm>>, %arg6: memref<2x10240x128xf32, #tpu.memory_space<hbm>>, %arg7: memref<40x128xi32, #tpu.memory_space<vmem>>, %arg8: memref<40x128xi32, #tpu.memory_space<vmem>>, %arg9: memref<128x128xf32, #tpu.memory_space<vmem>>, %arg10: memref<128x128xf32, #tpu.memory_space<vmem>>, %arg11: memref<10240x128xf32, #tpu.memory_space<vmem_shared>>, %arg12: memref<!tpu.dma_semaphore, #tpu.memory_space<semaphore_mem>>, %arg13: memref<!tpu.dma_semaphore, #tpu.memory_space<semaphore_mem>>, %arg14: memref<!tpu.dma_semaphore, #tpu.memory_space<semaphore_mem>>, %arg15: memref<!tpu.dma_semaphore, #tpu.memory_space<semaphore_mem>>) attributes {dimension_semantics = [#tpu.dimension_semantics<core_parallel>, #tpu.dimension_semantics<subcore_parallel>], iteration_bounds = array<i64: 2, 16>, scalar_prefetch = 0 : i64, scratch_operands = 9 : i64, tpu.core_type = #tpu.core_type<sc_vector_subcore>, window_params = [{transform_indices = #map}, {transform_indices = #map1}, {transform_indices = #map1}, {transform_indices = #map}, {transform_indices = #map1}]} {
    %mul3A = arith.constant 16 : i32
    %mul3A_0 = arith.muli %arg0, %mul3A : i32
    %add3A = arith.addi %mul3A_0, %arg1 : i32
    %mul3A_1 = arith.constant 640 : i32
    %mul3A_2 = arith.muli %arg1, %mul3A_1 : i32
    %scan3A = arith.constant 0 : i32
    %scan3A_3 = arith.constant 5 : i32
    %scan3A_4 = arith.addi %scan3A, %scan3A_3 : i32
    %scan3A_5 = arith.constant 1 : i32
    scf.for %scan3A_75 = %scan3A to %scan3A_4 step %scan3A_5  : i32 {
      %mul3A_76 = arith.constant 1 : i32
      %mul3A_77 = arith.muli %scan3A_75, %mul3A_76 : i32
      %add3A_78 = arith.constant 0 : i32
      %add3A_79 = arith.addi %add3A_78, %mul3A_77 : i32
      %mul3A_80 = arith.constant 128 : i32
      %mul3A_81 = arith.muli %add3A_79, %mul3A_80 : i32
      %add3A_82 = arith.addi %mul3A_2, %mul3A_81 : i32
      "tpu.region"() ({
        %run_scoped3A_83 = tpu.sem_alloc : memref<!tpu.dma_semaphore, #tpu.memory_space<semaphore_mem>>
        %dma_start3A_84 = arith.constant 0 : i32
        %dma_start3A_85 = tpu.memref_slice %arg11[%add3A_82, %dma_start3A_84] : memref<10240x128xf32, #tpu.memory_space<vmem_shared>> -> memref<128x128xf32, #tpu.memory_space<vmem_shared>>
        tpu.enqueue_dma source(%arg5 : memref<128x128xf32, #tpu.memory_space<hbm>>) target(%dma_start3A_85 : memref<128x128xf32, #tpu.memory_space<vmem_shared>>) target_semaphore(%run_scoped3A_83 : memref<!tpu.dma_semaphore, #tpu.memory_space<semaphore_mem>>)
        %dma_wait3A_86 = arith.constant 0 : i32
        %dma_wait3A_87 = tpu.memref_slice %arg11[%add3A_82, %dma_wait3A_86] : memref<10240x128xf32, #tpu.memory_space<vmem_shared>> -> memref<128x128xf32, #tpu.memory_space<vmem_shared>>
        tpu.wait_dma2 semaphore(%run_scoped3A_83 : memref<!tpu.dma_semaphore, #tpu.memory_space<semaphore_mem>>) src(%arg5 : memref<128x128xf32, #tpu.memory_space<hbm>>) dst(%dma_wait3A_87 : memref<128x128xf32, #tpu.memory_space<vmem_shared>>)
        tpu.yield
      }) : () -> ()
    }
    %scan3A_6 = arith.constant 5 : i32
    %barrier3A = arith.constant 0 : index
    tpu.barrier barrier_id(%barrier3A)
    "tpu.region"() ({
      %run_scoped3A_75 = tpu.sem_alloc : memref<!tpu.dma_semaphore, #tpu.memory_space<semaphore_mem>>
      %dma_start3A_76 = arith.constant 0 : i32
      %dma_start3A_77 = arith.constant 0 : i32
      %dma_start3A_78 = tpu.memref_slice %arg3[%add3A, %dma_start3A_76, %dma_start3A_77] : memref<32x80x128xi32, #tpu.memory_space<hbm>> -> memref<1x40x128xi32, #tpu.memory_space<hbm>>
      %dma_start3A_79 = tpu.memref_squeeze %dma_start3A_78 : memref<1x40x128xi32, #tpu.memory_space<hbm>> -> memref<40x128xi32, #tpu.memory_space<hbm>>
      %dma_start3A_80 = arith.constant 0 : i32
      %dma_start3A_81 = arith.constant 0 : i32
      %dma_start3A_82 = tpu.memref_slice %arg3[%add3A, %dma_start3A_80, %dma_start3A_81] : memref<32x80x128xi32, #tpu.memory_space<hbm>> -> memref<1x40x128xi32, #tpu.memory_space<hbm>>
      %dma_start3A_83 = tpu.memref_squeeze %dma_start3A_82 : memref<1x40x128xi32, #tpu.memory_space<hbm>> -> memref<40x128xi32, #tpu.memory_space<hbm>>
      tpu.enqueue_dma source(%dma_start3A_83 : memref<40x128xi32, #tpu.memory_space<hbm>>) target(%arg7 : memref<40x128xi32, #tpu.memory_space<vmem>>) target_semaphore(%run_scoped3A_75 : memref<!tpu.dma_semaphore, #tpu.memory_space<semaphore_mem>>)
      %dma_wait3A_84 = arith.constant 0 : i32
      %dma_wait3A_85 = arith.constant 0 : i32
      %dma_wait3A_86 = tpu.memref_slice %arg3[%add3A, %dma_wait3A_84, %dma_wait3A_85] : memref<32x80x128xi32, #tpu.memory_space<hbm>> -> memref<1x40x128xi32, #tpu.memory_space<hbm>>
      %dma_wait3A_87 = tpu.memref_squeeze %dma_wait3A_86 : memref<1x40x128xi32, #tpu.memory_space<hbm>> -> memref<40x128xi32, #tpu.memory_space<hbm>>
      %dma_wait3A_88 = arith.constant 0 : i32
      %dma_wait3A_89 = arith.constant 0 : i32
      %dma_wait3A_90 = tpu.memref_slice %arg3[%add3A, %dma_wait3A_88, %dma_wait3A_89] : memref<32x80x128xi32, #tpu.memory_space<hbm>> -> memref<1x40x128xi32, #tpu.memory_space<hbm>>
      %dma_wait3A_91 = tpu.memref_squeeze %dma_wait3A_90 : memref<1x40x128xi32, #tpu.memory_space<hbm>> -> memref<40x128xi32, #tpu.memory_space<hbm>>
      tpu.wait_dma2 semaphore(%run_scoped3A_75 : memref<!tpu.dma_semaphore, #tpu.memory_space<semaphore_mem>>) src(%dma_wait3A_91 : memref<40x128xi32, #tpu.memory_space<hbm>>) dst(%arg7 : memref<40x128xi32, #tpu.memory_space<vmem>>)
      tpu.yield
    }) : () -> ()
    "tpu.region"() ({
      %run_scoped3A_75 = tpu.sem_alloc : memref<!tpu.dma_semaphore, #tpu.memory_space<semaphore_mem>>
      %dma_start3A_76 = arith.constant 0 : i32
      %dma_start3A_77 = arith.constant 0 : i32
      %dma_start3A_78 = tpu.memref_slice %arg4[%add3A, %dma_start3A_76, %dma_start3A_77] : memref<32x80x128xi32, #tpu.memory_space<hbm>> -> memref<1x40x128xi32, #tpu.memory_space<hbm>>
      %dma_start3A_79 = tpu.memref_squeeze %dma_start3A_78 : memref<1x40x128xi32, #tpu.memory_space<hbm>> -> memref<40x128xi32, #tpu.memory_space<hbm>>
      %dma_start3A_80 = arith.constant 0 : i32
      %dma_start3A_81 = arith.constant 0 : i32
      %dma_start3A_82 = tpu.memref_slice %arg4[%add3A, %dma_start3A_80, %dma_start3A_81] : memref<32x80x128xi32, #tpu.memory_space<hbm>> -> memref<1x40x128xi32, #tpu.memory_space<hbm>>
      %dma_start3A_83 = tpu.memref_squeeze %dma_start3A_82 : memref<1x40x128xi32, #tpu.memory_space<hbm>> -> memref<40x128xi32, #tpu.memory_space<hbm>>
      tpu.enqueue_dma source(%dma_start3A_83 : memref<40x128xi32, #tpu.memory_space<hbm>>) target(%arg8 : memref<40x128xi32, #tpu.memory_space<vmem>>) target_semaphore(%run_scoped3A_75 : memref<!tpu.dma_semaphore, #tpu.memory_space<semaphore_mem>>)
      %dma_wait3A_84 = arith.constant 0 : i32
      %dma_wait3A_85 = arith.constant 0 : i32
      %dma_wait3A_86 = tpu.memref_slice %arg4[%add3A, %dma_wait3A_84, %dma_wait3A_85] : memref<32x80x128xi32, #tpu.memory_space<hbm>> -> memref<1x40x128xi32, #tpu.memory_space<hbm>>
      %dma_wait3A_87 = tpu.memref_squeeze %dma_wait3A_86 : memref<1x40x128xi32, #tpu.memory_space<hbm>> -> memref<40x128xi32, #tpu.memory_space<hbm>>
      %dma_wait3A_88 = arith.constant 0 : i32
      %dma_wait3A_89 = arith.constant 0 : i32
      %dma_wait3A_90 = tpu.memref_slice %arg4[%add3A, %dma_wait3A_88, %dma_wait3A_89] : memref<32x80x128xi32, #tpu.memory_space<hbm>> -> memref<1x40x128xi32, #tpu.memory_space<hbm>>
      %dma_wait3A_91 = tpu.memref_squeeze %dma_wait3A_90 : memref<1x40x128xi32, #tpu.memory_space<hbm>> -> memref<40x128xi32, #tpu.memory_space<hbm>>
      tpu.wait_dma2 semaphore(%run_scoped3A_75 : memref<!tpu.dma_semaphore, #tpu.memory_space<semaphore_mem>>) src(%dma_wait3A_91 : memref<40x128xi32, #tpu.memory_space<hbm>>) dst(%arg8 : memref<40x128xi32, #tpu.memory_space<vmem>>)
      tpu.yield
    }) : () -> ()
    %dma_start3A = arith.constant 0 : i32
    %dma_start3A_7 = arith.constant 0 : i32
    %dma_start3A_8 = tpu.memref_slice %arg7[%dma_start3A, %dma_start3A_7] : memref<40x128xi32, #tpu.memory_space<vmem>> -> memref<1x128xi32, #tpu.memory_space<vmem>>
    %dma_start3A_9 = tpu.memref_squeeze %dma_start3A_8 : memref<1x128xi32, #tpu.memory_space<vmem>> -> memref<128xi32, #tpu.memory_space<vmem>>
    %dma_start3A_10 = arith.constant 0 : i32
    %dma_start3A_11 = arith.constant 0 : i32
    %dma_start3A_12 = tpu.memref_slice %arg2[%dma_start3A_10, %dma_start3A_11] : memref<10000x128xf32, #tpu.memory_space<hbm>> -> memref<10000x128xf32, #tpu.memory_space<hbm>>
    tpu.enqueue_indirect_dma source(%dma_start3A_12 : memref<10000x128xf32, #tpu.memory_space<hbm>>) target(%arg9 : memref<128x128xf32, #tpu.memory_space<vmem>>) offsets(%dma_start3A_9 : memref<128xi32, #tpu.memory_space<vmem>>) semaphore(%arg12 : memref<!tpu.dma_semaphore, #tpu.memory_space<semaphore_mem>>)
    %scan3A_13 = arith.constant 0 : i32
    %scan3A_14 = arith.constant 19 : i32
    %scan3A_15 = arith.addi %scan3A_13, %scan3A_14 : i32
    %scan3A_16 = arith.constant 1 : i32
    scf.for %scan3A_75 = %scan3A_13 to %scan3A_15 step %scan3A_16  : i32 {
      %mul3A_76 = arith.constant 2 : i32
      %mul3A_77 = arith.muli %scan3A_75, %mul3A_76 : i32
      %add3A_78 = arith.constant 0 : i32
      %add3A_79 = arith.addi %add3A_78, %mul3A_77 : i32
      %add3A_80 = arith.constant 1 : i32
      %add3A_81 = arith.addi %add3A_79, %add3A_80 : i32
      %dma_start3A_82 = arith.constant 0 : i32
      %dma_start3A_83 = tpu.memref_slice %arg7[%add3A_81, %dma_start3A_82] : memref<40x128xi32, #tpu.memory_space<vmem>> -> memref<1x128xi32, #tpu.memory_space<vmem>>
      %dma_start3A_84 = tpu.memref_squeeze %dma_start3A_83 : memref<1x128xi32, #tpu.memory_space<vmem>> -> memref<128xi32, #tpu.memory_space<vmem>>
      %dma_start3A_85 = arith.constant 0 : i32
      %dma_start3A_86 = arith.constant 0 : i32
      %dma_start3A_87 = tpu.memref_slice %arg2[%dma_start3A_85, %dma_start3A_86] : memref<10000x128xf32, #tpu.memory_space<hbm>> -> memref<10000x128xf32, #tpu.memory_space<hbm>>
      tpu.enqueue_indirect_dma source(%dma_start3A_87 : memref<10000x128xf32, #tpu.memory_space<hbm>>) target(%arg10 : memref<128x128xf32, #tpu.memory_space<vmem>>) offsets(%dma_start3A_84 : memref<128xi32, #tpu.memory_space<vmem>>) semaphore(%arg13 : memref<!tpu.dma_semaphore, #tpu.memory_space<semaphore_mem>>)
      %dma_wait3A_88 = arith.constant 0 : i32
      %dma_wait3A_89 = tpu.memref_slice %arg7[%add3A_79, %dma_wait3A_88] : memref<40x128xi32, #tpu.memory_space<vmem>> -> memref<1x128xi32, #tpu.memory_space<vmem>>
      %dma_wait3A_90 = tpu.memref_squeeze %dma_wait3A_89 : memref<1x128xi32, #tpu.memory_space<vmem>> -> memref<128xi32, #tpu.memory_space<vmem>>
      %dma_wait3A_91 = arith.constant 0 : i32
      %dma_wait3A_92 = arith.constant 0 : i32
      %dma_wait3A_93 = tpu.memref_slice %arg2[%dma_wait3A_91, %dma_wait3A_92] : memref<10000x128xf32, #tpu.memory_space<hbm>> -> memref<10000x128xf32, #tpu.memory_space<hbm>>
      tpu.wait_indirect_dma semaphore(%arg12 : memref<!tpu.dma_semaphore, #tpu.memory_space<semaphore_mem>>) src(%dma_wait3A_93 : memref<10000x128xf32, #tpu.memory_space<hbm>>) dst(%arg9 : memref<128x128xf32, #tpu.memory_space<vmem>>)
      "tpu.region"() ({
        %run_scoped3A_112 = tpu.sem_alloc : memref<!tpu.dma_semaphore, #tpu.memory_space<semaphore_mem>>
        %dma_start3A_113 = arith.constant 0 : i32
        %dma_start3A_114 = tpu.memref_slice %arg8[%add3A_79, %dma_start3A_113] : memref<40x128xi32, #tpu.memory_space<vmem>> -> memref<1x128xi32, #tpu.memory_space<vmem>>
        %dma_start3A_115 = tpu.memref_squeeze %dma_start3A_114 : memref<1x128xi32, #tpu.memory_space<vmem>> -> memref<128xi32, #tpu.memory_space<vmem>>
        %dma_start3A_116 = arith.constant 0 : i32
        %dma_start3A_117 = arith.constant 0 : i32
        %dma_start3A_118 = tpu.memref_slice %arg11[%dma_start3A_116, %dma_start3A_117] : memref<10240x128xf32, #tpu.memory_space<vmem_shared>> -> memref<10240x128xf32, #tpu.memory_space<vmem_shared>>
        tpu.enqueue_indirect_dma source(%arg9 : memref<128x128xf32, #tpu.memory_space<vmem>>) target(%dma_start3A_118 : memref<10240x128xf32, #tpu.memory_space<vmem_shared>>) offsets(%dma_start3A_115 : memref<128xi32, #tpu.memory_space<vmem>>) semaphore(%run_scoped3A_112 : memref<!tpu.dma_semaphore, #tpu.memory_space<semaphore_mem>>) {add = true}
        %dma_wait3A_119 = arith.constant 0 : i32
        %dma_wait3A_120 = tpu.memref_slice %arg8[%add3A_79, %dma_wait3A_119] : memref<40x128xi32, #tpu.memory_space<vmem>> -> memref<1x128xi32, #tpu.memory_space<vmem>>
        %dma_wait3A_121 = tpu.memref_squeeze %dma_wait3A_120 : memref<1x128xi32, #tpu.memory_space<vmem>> -> memref<128xi32, #tpu.memory_space<vmem>>
        %dma_wait3A_122 = arith.constant 0 : i32
        %dma_wait3A_123 = arith.constant 0 : i32
        %dma_wait3A_124 = tpu.memref_slice %arg11[%dma_wait3A_122, %dma_wait3A_123] : memref<10240x128xf32, #tpu.memory_space<vmem_shared>> -> memref<10240x128xf32, #tpu.memory_space<vmem_shared>>
        tpu.wait_indirect_dma semaphore(%run_scoped3A_112 : memref<!tpu.dma_semaphore, #tpu.memory_space<semaphore_mem>>) src(%arg9 : memref<128x128xf32, #tpu.memory_space<vmem>>) dst(%dma_wait3A_124 : memref<10240x128xf32, #tpu.memory_space<vmem_shared>>)
        tpu.yield
      }) : () -> ()
      %add3A_94 = arith.constant 2 : i32
      %add3A_95 = arith.addi %add3A_79, %add3A_94 : i32
      %dma_start3A_96 = arith.constant 0 : i32
      %dma_start3A_97 = tpu.memref_slice %arg7[%add3A_95, %dma_start3A_96] : memref<40x128xi32, #tpu.memory_space<vmem>> -> memref<1x128xi32, #tpu.memory_space<vmem>>
      %dma_start3A_98 = tpu.memref_squeeze %dma_start3A_97 : memref<1x128xi32, #tpu.memory_space<vmem>> -> memref<128xi32, #tpu.memory_space<vmem>>
      %dma_start3A_99 = arith.constant 0 : i32
      %dma_start3A_100 = arith.constant 0 : i32
      %dma_start3A_101 = tpu.memref_slice %arg2[%dma_start3A_99, %dma_start3A_100] : memref<10000x128xf32, #tpu.memory_space<hbm>> -> memref<10000x128xf32, #tpu.memory_space<hbm>>
      tpu.enqueue_indirect_dma source(%dma_start3A_101 : memref<10000x128xf32, #tpu.memory_space<hbm>>) target(%arg9 : memref<128x128xf32, #tpu.memory_space<vmem>>) offsets(%dma_start3A_98 : memref<128xi32, #tpu.memory_space<vmem>>) semaphore(%arg12 : memref<!tpu.dma_semaphore, #tpu.memory_space<semaphore_mem>>)
      %add3A_102 = arith.constant 1 : i32
      %add3A_103 = arith.addi %add3A_79, %add3A_102 : i32
      %dma_wait3A_104 = arith.constant 0 : i32
      %dma_wait3A_105 = tpu.memref_slice %arg7[%add3A_103, %dma_wait3A_104] : memref<40x128xi32, #tpu.memory_space<vmem>> -> memref<1x128xi32, #tpu.memory_space<vmem>>
      %dma_wait3A_106 = tpu.memref_squeeze %dma_wait3A_105 : memref<1x128xi32, #tpu.memory_space<vmem>> -> memref<128xi32, #tpu.memory_space<vmem>>
      %dma_wait3A_107 = arith.constant 0 : i32
      %dma_wait3A_108 = arith.constant 0 : i32
      %dma_wait3A_109 = tpu.memref_slice %arg2[%dma_wait3A_107, %dma_wait3A_108] : memref<10000x128xf32, #tpu.memory_space<hbm>> -> memref<10000x128xf32, #tpu.memory_space<hbm>>
      tpu.wait_indirect_dma semaphore(%arg13 : memref<!tpu.dma_semaphore, #tpu.memory_space<semaphore_mem>>) src(%dma_wait3A_109 : memref<10000x128xf32, #tpu.memory_space<hbm>>) dst(%arg10 : memref<128x128xf32, #tpu.memory_space<vmem>>)
      %add3A_110 = arith.constant 1 : i32
      %add3A_111 = arith.addi %add3A_79, %add3A_110 : i32
      "tpu.region"() ({
        %run_scoped3A_112 = tpu.sem_alloc : memref<!tpu.dma_semaphore, #tpu.memory_space<semaphore_mem>>
        %dma_start3A_113 = arith.constant 0 : i32
        %dma_start3A_114 = tpu.memref_slice %arg8[%add3A_111, %dma_start3A_113] : memref<40x128xi32, #tpu.memory_space<vmem>> -> memref<1x128xi32, #tpu.memory_space<vmem>>
        %dma_start3A_115 = tpu.memref_squeeze %dma_start3A_114 : memref<1x128xi32, #tpu.memory_space<vmem>> -> memref<128xi32, #tpu.memory_space<vmem>>
        %dma_start3A_116 = arith.constant 0 : i32
        %dma_start3A_117 = arith.constant 0 : i32
        %dma_start3A_118 = tpu.memref_slice %arg11[%dma_start3A_116, %dma_start3A_117] : memref<10240x128xf32, #tpu.memory_space<vmem_shared>> -> memref<10240x128xf32, #tpu.memory_space<vmem_shared>>
        tpu.enqueue_indirect_dma source(%arg10 : memref<128x128xf32, #tpu.memory_space<vmem>>) target(%dma_start3A_118 : memref<10240x128xf32, #tpu.memory_space<vmem_shared>>) offsets(%dma_start3A_115 : memref<128xi32, #tpu.memory_space<vmem>>) semaphore(%run_scoped3A_112 : memref<!tpu.dma_semaphore, #tpu.memory_space<semaphore_mem>>) {add = true}
        %dma_wait3A_119 = arith.constant 0 : i32
        %dma_wait3A_120 = tpu.memref_slice %arg8[%add3A_111, %dma_wait3A_119] : memref<40x128xi32, #tpu.memory_space<vmem>> -> memref<1x128xi32, #tpu.memory_space<vmem>>
        %dma_wait3A_121 = tpu.memref_squeeze %dma_wait3A_120 : memref<1x128xi32, #tpu.memory_space<vmem>> -> memref<128xi32, #tpu.memory_space<vmem>>
        %dma_wait3A_122 = arith.constant 0 : i32
        %dma_wait3A_123 = arith.constant 0 : i32
        %dma_wait3A_124 = tpu.memref_slice %arg11[%dma_wait3A_122, %dma_wait3A_123] : memref<10240x128xf32, #tpu.memory_space<vmem_shared>> -> memref<10240x128xf32, #tpu.memory_space<vmem_shared>>
        tpu.wait_indirect_dma semaphore(%run_scoped3A_112 : memref<!tpu.dma_semaphore, #tpu.memory_space<semaphore_mem>>) src(%arg10 : memref<128x128xf32, #tpu.memory_space<vmem>>) dst(%dma_wait3A_124 : memref<10240x128xf32, #tpu.memory_space<vmem_shared>>)
        tpu.yield
      }) : () -> ()
    }
    %scan3A_17 = arith.constant 19 : i32
    %dma_start3A_18 = arith.constant 39 : i32
    %dma_start3A_19 = arith.constant 0 : i32
    %dma_start3A_20 = tpu.memref_slice %arg7[%dma_start3A_18, %dma_start3A_19] : memref<40x128xi32, #tpu.memory_space<vmem>> -> memref<1x128xi32, #tpu.memory_space<vmem>>
    %dma_start3A_21 = tpu.memref_squeeze %dma_start3A_20 : memref<1x128xi32, #tpu.memory_space<vmem>> -> memref<128xi32, #tpu.memory_space<vmem>>
    %dma_start3A_22 = arith.constant 0 : i32
    %dma_start3A_23 = arith.constant 0 : i32
    %dma_start3A_24 = tpu.memref_slice %arg2[%dma_start3A_22, %dma_start3A_23] : memref<10000x128xf32, #tpu.memory_space<hbm>> -> memref<10000x128xf32, #tpu.memory_space<hbm>>
    tpu.enqueue_indirect_dma source(%dma_start3A_24 : memref<10000x128xf32, #tpu.memory_space<hbm>>) target(%arg10 : memref<128x128xf32, #tpu.memory_space<vmem>>) offsets(%dma_start3A_21 : memref<128xi32, #tpu.memory_space<vmem>>) semaphore(%arg13 : memref<!tpu.dma_semaphore, #tpu.memory_space<semaphore_mem>>)
    %dma_wait3A = arith.constant 38 : i32
    %dma_wait3A_25 = arith.constant 0 : i32
    %dma_wait3A_26 = tpu.memref_slice %arg7[%dma_wait3A, %dma_wait3A_25] : memref<40x128xi32, #tpu.memory_space<vmem>> -> memref<1x128xi32, #tpu.memory_space<vmem>>
    %dma_wait3A_27 = tpu.memref_squeeze %dma_wait3A_26 : memref<1x128xi32, #tpu.memory_space<vmem>> -> memref<128xi32, #tpu.memory_space<vmem>>
    %dma_wait3A_28 = arith.constant 0 : i32
    %dma_wait3A_29 = arith.constant 0 : i32
    %dma_wait3A_30 = tpu.memref_slice %arg2[%dma_wait3A_28, %dma_wait3A_29] : memref<10000x128xf32, #tpu.memory_space<hbm>> -> memref<10000x128xf32, #tpu.memory_space<hbm>>
    tpu.wait_indirect_dma semaphore(%arg12 : memref<!tpu.dma_semaphore, #tpu.memory_space<semaphore_mem>>) src(%dma_wait3A_30 : memref<10000x128xf32, #tpu.memory_space<hbm>>) dst(%arg9 : memref<128x128xf32, #tpu.memory_space<vmem>>)
    %run_scoped3A = arith.constant 38 : i32
    "tpu.region"() ({
      %run_scoped3A_75 = tpu.sem_alloc : memref<!tpu.dma_semaphore, #tpu.memory_space<semaphore_mem>>
      %dma_start3A_76 = arith.constant 0 : i32
      %dma_start3A_77 = tpu.memref_slice %arg8[%run_scoped3A, %dma_start3A_76] : memref<40x128xi32, #tpu.memory_space<vmem>> -> memref<1x128xi32, #tpu.memory_space<vmem>>
      %dma_start3A_78 = tpu.memref_squeeze %dma_start3A_77 : memref<1x128xi32, #tpu.memory_space<vmem>> -> memref<128xi32, #tpu.memory_space<vmem>>
      %dma_start3A_79 = arith.constant 0 : i32
      %dma_start3A_80 = arith.constant 0 : i32
      %dma_start3A_81 = tpu.memref_slice %arg11[%dma_start3A_79, %dma_start3A_80] : memref<10240x128xf32, #tpu.memory_space<vmem_shared>> -> memref<10240x128xf32, #tpu.memory_space<vmem_shared>>
      tpu.enqueue_indirect_dma source(%arg9 : memref<128x128xf32, #tpu.memory_space<vmem>>) target(%dma_start3A_81 : memref<10240x128xf32, #tpu.memory_space<vmem_shared>>) offsets(%dma_start3A_78 : memref<128xi32, #tpu.memory_space<vmem>>) semaphore(%run_scoped3A_75 : memref<!tpu.dma_semaphore, #tpu.memory_space<semaphore_mem>>) {add = true}
      %dma_wait3A_82 = arith.constant 0 : i32
      %dma_wait3A_83 = tpu.memref_slice %arg8[%run_scoped3A, %dma_wait3A_82] : memref<40x128xi32, #tpu.memory_space<vmem>> -> memref<1x128xi32, #tpu.memory_space<vmem>>
      %dma_wait3A_84 = tpu.memref_squeeze %dma_wait3A_83 : memref<1x128xi32, #tpu.memory_space<vmem>> -> memref<128xi32, #tpu.memory_space<vmem>>
      %dma_wait3A_85 = arith.constant 0 : i32
      %dma_wait3A_86 = arith.constant 0 : i32
      %dma_wait3A_87 = tpu.memref_slice %arg11[%dma_wait3A_85, %dma_wait3A_86] : memref<10240x128xf32, #tpu.memory_space<vmem_shared>> -> memref<10240x128xf32, #tpu.memory_space<vmem_shared>>
      tpu.wait_indirect_dma semaphore(%run_scoped3A_75 : memref<!tpu.dma_semaphore, #tpu.memory_space<semaphore_mem>>) src(%arg9 : memref<128x128xf32, #tpu.memory_space<vmem>>) dst(%dma_wait3A_87 : memref<10240x128xf32, #tpu.memory_space<vmem_shared>>)
      tpu.yield
    }) : () -> ()
    %dma_wait3A_31 = arith.constant 39 : i32
    %dma_wait3A_32 = arith.constant 0 : i32
    %dma_wait3A_33 = tpu.memref_slice %arg7[%dma_wait3A_31, %dma_wait3A_32] : memref<40x128xi32, #tpu.memory_space<vmem>> -> memref<1x128xi32, #tpu.memory_space<vmem>>
    %dma_wait3A_34 = tpu.memref_squeeze %dma_wait3A_33 : memref<1x128xi32, #tpu.memory_space<vmem>> -> memref<128xi32, #tpu.memory_space<vmem>>
    %dma_wait3A_35 = arith.constant 0 : i32
    %dma_wait3A_36 = arith.constant 0 : i32
    %dma_wait3A_37 = tpu.memref_slice %arg2[%dma_wait3A_35, %dma_wait3A_36] : memref<10000x128xf32, #tpu.memory_space<hbm>> -> memref<10000x128xf32, #tpu.memory_space<hbm>>
    tpu.wait_indirect_dma semaphore(%arg13 : memref<!tpu.dma_semaphore, #tpu.memory_space<semaphore_mem>>) src(%dma_wait3A_37 : memref<10000x128xf32, #tpu.memory_space<hbm>>) dst(%arg10 : memref<128x128xf32, #tpu.memory_space<vmem>>)
    %run_scoped3A_38 = arith.constant 39 : i32
    "tpu.region"() ({
      %run_scoped3A_75 = tpu.sem_alloc : memref<!tpu.dma_semaphore, #tpu.memory_space<semaphore_mem>>
      %dma_start3A_76 = arith.constant 0 : i32
      %dma_start3A_77 = tpu.memref_slice %arg8[%run_scoped3A_38, %dma_start3A_76] : memref<40x128xi32, #tpu.memory_space<vmem>> -> memref<1x128xi32, #tpu.memory_space<vmem>>
      %dma_start3A_78 = tpu.memref_squeeze %dma_start3A_77 : memref<1x128xi32, #tpu.memory_space<vmem>> -> memref<128xi32, #tpu.memory_space<vmem>>
      %dma_start3A_79 = arith.constant 0 : i32
      %dma_start3A_80 = arith.constant 0 : i32
      %dma_start3A_81 = tpu.memref_slice %arg11[%dma_start3A_79, %dma_start3A_80] : memref<10240x128xf32, #tpu.memory_space<vmem_shared>> -> memref<10240x128xf32, #tpu.memory_space<vmem_shared>>
      tpu.enqueue_indirect_dma source(%arg10 : memref<128x128xf32, #tpu.memory_space<vmem>>) target(%dma_start3A_81 : memref<10240x128xf32, #tpu.memory_space<vmem_shared>>) offsets(%dma_start3A_78 : memref<128xi32, #tpu.memory_space<vmem>>) semaphore(%run_scoped3A_75 : memref<!tpu.dma_semaphore, #tpu.memory_space<semaphore_mem>>) {add = true}
      %dma_wait3A_82 = arith.constant 0 : i32
      %dma_wait3A_83 = tpu.memref_slice %arg8[%run_scoped3A_38, %dma_wait3A_82] : memref<40x128xi32, #tpu.memory_space<vmem>> -> memref<1x128xi32, #tpu.memory_space<vmem>>
      %dma_wait3A_84 = tpu.memref_squeeze %dma_wait3A_83 : memref<1x128xi32, #tpu.memory_space<vmem>> -> memref<128xi32, #tpu.memory_space<vmem>>
      %dma_wait3A_85 = arith.constant 0 : i32
      %dma_wait3A_86 = arith.constant 0 : i32
      %dma_wait3A_87 = tpu.memref_slice %arg11[%dma_wait3A_85, %dma_wait3A_86] : memref<10240x128xf32, #tpu.memory_space<vmem_shared>> -> memref<10240x128xf32, #tpu.memory_space<vmem_shared>>
      tpu.wait_indirect_dma semaphore(%run_scoped3A_75 : memref<!tpu.dma_semaphore, #tpu.memory_space<semaphore_mem>>) src(%arg10 : memref<128x128xf32, #tpu.memory_space<vmem>>) dst(%dma_wait3A_87 : memref<10240x128xf32, #tpu.memory_space<vmem_shared>>)
      tpu.yield
    }) : () -> ()
    "tpu.region"() ({
      %run_scoped3A_75 = tpu.sem_alloc : memref<!tpu.dma_semaphore, #tpu.memory_space<semaphore_mem>>
      %dma_start3A_76 = arith.constant 40 : i32
      %dma_start3A_77 = arith.constant 0 : i32
      %dma_start3A_78 = tpu.memref_slice %arg3[%add3A, %dma_start3A_76, %dma_start3A_77] : memref<32x80x128xi32, #tpu.memory_space<hbm>> -> memref<1x40x128xi32, #tpu.memory_space<hbm>>
      %dma_start3A_79 = tpu.memref_squeeze %dma_start3A_78 : memref<1x40x128xi32, #tpu.memory_space<hbm>> -> memref<40x128xi32, #tpu.memory_space<hbm>>
      %dma_start3A_80 = arith.constant 40 : i32
      %dma_start3A_81 = arith.constant 0 : i32
      %dma_start3A_82 = tpu.memref_slice %arg3[%add3A, %dma_start3A_80, %dma_start3A_81] : memref<32x80x128xi32, #tpu.memory_space<hbm>> -> memref<1x40x128xi32, #tpu.memory_space<hbm>>
      %dma_start3A_83 = tpu.memref_squeeze %dma_start3A_82 : memref<1x40x128xi32, #tpu.memory_space<hbm>> -> memref<40x128xi32, #tpu.memory_space<hbm>>
      tpu.enqueue_dma source(%dma_start3A_83 : memref<40x128xi32, #tpu.memory_space<hbm>>) target(%arg7 : memref<40x128xi32, #tpu.memory_space<vmem>>) target_semaphore(%run_scoped3A_75 : memref<!tpu.dma_semaphore, #tpu.memory_space<semaphore_mem>>)
      %dma_wait3A_84 = arith.constant 40 : i32
      %dma_wait3A_85 = arith.constant 0 : i32
      %dma_wait3A_86 = tpu.memref_slice %arg3[%add3A, %dma_wait3A_84, %dma_wait3A_85] : memref<32x80x128xi32, #tpu.memory_space<hbm>> -> memref<1x40x128xi32, #tpu.memory_space<hbm>>
      %dma_wait3A_87 = tpu.memref_squeeze %dma_wait3A_86 : memref<1x40x128xi32, #tpu.memory_space<hbm>> -> memref<40x128xi32, #tpu.memory_space<hbm>>
      %dma_wait3A_88 = arith.constant 40 : i32
      %dma_wait3A_89 = arith.constant 0 : i32
      %dma_wait3A_90 = tpu.memref_slice %arg3[%add3A, %dma_wait3A_88, %dma_wait3A_89] : memref<32x80x128xi32, #tpu.memory_space<hbm>> -> memref<1x40x128xi32, #tpu.memory_space<hbm>>
      %dma_wait3A_91 = tpu.memref_squeeze %dma_wait3A_90 : memref<1x40x128xi32, #tpu.memory_space<hbm>> -> memref<40x128xi32, #tpu.memory_space<hbm>>
      tpu.wait_dma2 semaphore(%run_scoped3A_75 : memref<!tpu.dma_semaphore, #tpu.memory_space<semaphore_mem>>) src(%dma_wait3A_91 : memref<40x128xi32, #tpu.memory_space<hbm>>) dst(%arg7 : memref<40x128xi32, #tpu.memory_space<vmem>>)
      tpu.yield
    }) : () -> ()
    "tpu.region"() ({
      %run_scoped3A_75 = tpu.sem_alloc : memref<!tpu.dma_semaphore, #tpu.memory_space<semaphore_mem>>
      %dma_start3A_76 = arith.constant 40 : i32
      %dma_start3A_77 = arith.constant 0 : i32
      %dma_start3A_78 = tpu.memref_slice %arg4[%add3A, %dma_start3A_76, %dma_start3A_77] : memref<32x80x128xi32, #tpu.memory_space<hbm>> -> memref<1x40x128xi32, #tpu.memory_space<hbm>>
      %dma_start3A_79 = tpu.memref_squeeze %dma_start3A_78 : memref<1x40x128xi32, #tpu.memory_space<hbm>> -> memref<40x128xi32, #tpu.memory_space<hbm>>
      %dma_start3A_80 = arith.constant 40 : i32
      %dma_start3A_81 = arith.constant 0 : i32
      %dma_start3A_82 = tpu.memref_slice %arg4[%add3A, %dma_start3A_80, %dma_start3A_81] : memref<32x80x128xi32, #tpu.memory_space<hbm>> -> memref<1x40x128xi32, #tpu.memory_space<hbm>>
      %dma_start3A_83 = tpu.memref_squeeze %dma_start3A_82 : memref<1x40x128xi32, #tpu.memory_space<hbm>> -> memref<40x128xi32, #tpu.memory_space<hbm>>
      tpu.enqueue_dma source(%dma_start3A_83 : memref<40x128xi32, #tpu.memory_space<hbm>>) target(%arg8 : memref<40x128xi32, #tpu.memory_space<vmem>>) target_semaphore(%run_scoped3A_75 : memref<!tpu.dma_semaphore, #tpu.memory_space<semaphore_mem>>)
      %dma_wait3A_84 = arith.constant 40 : i32
      %dma_wait3A_85 = arith.constant 0 : i32
      %dma_wait3A_86 = tpu.memref_slice %arg4[%add3A, %dma_wait3A_84, %dma_wait3A_85] : memref<32x80x128xi32, #tpu.memory_space<hbm>> -> memref<1x40x128xi32, #tpu.memory_space<hbm>>
      %dma_wait3A_87 = tpu.memref_squeeze %dma_wait3A_86 : memref<1x40x128xi32, #tpu.memory_space<hbm>> -> memref<40x128xi32, #tpu.memory_space<hbm>>
      %dma_wait3A_88 = arith.constant 40 : i32
      %dma_wait3A_89 = arith.constant 0 : i32
      %dma_wait3A_90 = tpu.memref_slice %arg4[%add3A, %dma_wait3A_88, %dma_wait3A_89] : memref<32x80x128xi32, #tpu.memory_space<hbm>> -> memref<1x40x128xi32, #tpu.memory_space<hbm>>
      %dma_wait3A_91 = tpu.memref_squeeze %dma_wait3A_90 : memref<1x40x128xi32, #tpu.memory_space<hbm>> -> memref<40x128xi32, #tpu.memory_space<hbm>>
      tpu.wait_dma2 semaphore(%run_scoped3A_75 : memref<!tpu.dma_semaphore, #tpu.memory_space<semaphore_mem>>) src(%dma_wait3A_91 : memref<40x128xi32, #tpu.memory_space<hbm>>) dst(%arg8 : memref<40x128xi32, #tpu.memory_space<vmem>>)
      tpu.yield
    }) : () -> ()
    %dma_start3A_39 = arith.constant 0 : i32
    %dma_start3A_40 = arith.constant 0 : i32
    %dma_start3A_41 = tpu.memref_slice %arg7[%dma_start3A_39, %dma_start3A_40] : memref<40x128xi32, #tpu.memory_space<vmem>> -> memref<1x128xi32, #tpu.memory_space<vmem>>
    %dma_start3A_42 = tpu.memref_squeeze %dma_start3A_41 : memref<1x128xi32, #tpu.memory_space<vmem>> -> memref<128xi32, #tpu.memory_space<vmem>>
    %dma_start3A_43 = arith.constant 0 : i32
    %dma_start3A_44 = arith.constant 0 : i32
    %dma_start3A_45 = tpu.memref_slice %arg2[%dma_start3A_43, %dma_start3A_44] : memref<10000x128xf32, #tpu.memory_space<hbm>> -> memref<10000x128xf32, #tpu.memory_space<hbm>>
    tpu.enqueue_indirect_dma source(%dma_start3A_45 : memref<10000x128xf32, #tpu.memory_space<hbm>>) target(%arg9 : memref<128x128xf32, #tpu.memory_space<vmem>>) offsets(%dma_start3A_42 : memref<128xi32, #tpu.memory_space<vmem>>) semaphore(%arg12 : memref<!tpu.dma_semaphore, #tpu.memory_space<semaphore_mem>>)
    %scan3A_46 = arith.constant 0 : i32
    %scan3A_47 = arith.constant 19 : i32
    %scan3A_48 = arith.addi %scan3A_46, %scan3A_47 : i32
    %scan3A_49 = arith.constant 1 : i32
    scf.for %scan3A_75 = %scan3A_46 to %scan3A_48 step %scan3A_49  : i32 {
      %mul3A_76 = arith.constant 2 : i32
      %mul3A_77 = arith.muli %scan3A_75, %mul3A_76 : i32
      %add3A_78 = arith.constant 0 : i32
      %add3A_79 = arith.addi %add3A_78, %mul3A_77 : i32
      %add3A_80 = arith.constant 1 : i32
      %add3A_81 = arith.addi %add3A_79, %add3A_80 : i32
      %dma_start3A_82 = arith.constant 0 : i32
      %dma_start3A_83 = tpu.memref_slice %arg7[%add3A_81, %dma_start3A_82] : memref<40x128xi32, #tpu.memory_space<vmem>> -> memref<1x128xi32, #tpu.memory_space<vmem>>
      %dma_start3A_84 = tpu.memref_squeeze %dma_start3A_83 : memref<1x128xi32, #tpu.memory_space<vmem>> -> memref<128xi32, #tpu.memory_space<vmem>>
      %dma_start3A_85 = arith.constant 0 : i32
      %dma_start3A_86 = arith.constant 0 : i32
      %dma_start3A_87 = tpu.memref_slice %arg2[%dma_start3A_85, %dma_start3A_86] : memref<10000x128xf32, #tpu.memory_space<hbm>> -> memref<10000x128xf32, #tpu.memory_space<hbm>>
      tpu.enqueue_indirect_dma source(%dma_start3A_87 : memref<10000x128xf32, #tpu.memory_space<hbm>>) target(%arg10 : memref<128x128xf32, #tpu.memory_space<vmem>>) offsets(%dma_start3A_84 : memref<128xi32, #tpu.memory_space<vmem>>) semaphore(%arg13 : memref<!tpu.dma_semaphore, #tpu.memory_space<semaphore_mem>>)
      %dma_wait3A_88 = arith.constant 0 : i32
      %dma_wait3A_89 = tpu.memref_slice %arg7[%add3A_79, %dma_wait3A_88] : memref<40x128xi32, #tpu.memory_space<vmem>> -> memref<1x128xi32, #tpu.memory_space<vmem>>
      %dma_wait3A_90 = tpu.memref_squeeze %dma_wait3A_89 : memref<1x128xi32, #tpu.memory_space<vmem>> -> memref<128xi32, #tpu.memory_space<vmem>>
      %dma_wait3A_91 = arith.constant 0 : i32
      %dma_wait3A_92 = arith.constant 0 : i32
      %dma_wait3A_93 = tpu.memref_slice %arg2[%dma_wait3A_91, %dma_wait3A_92] : memref<10000x128xf32, #tpu.memory_space<hbm>> -> memref<10000x128xf32, #tpu.memory_space<hbm>>
      tpu.wait_indirect_dma semaphore(%arg12 : memref<!tpu.dma_semaphore, #tpu.memory_space<semaphore_mem>>) src(%dma_wait3A_93 : memref<10000x128xf32, #tpu.memory_space<hbm>>) dst(%arg9 : memref<128x128xf32, #tpu.memory_space<vmem>>)
      "tpu.region"() ({
        %run_scoped3A_112 = tpu.sem_alloc : memref<!tpu.dma_semaphore, #tpu.memory_space<semaphore_mem>>
        %dma_start3A_113 = arith.constant 0 : i32
        %dma_start3A_114 = tpu.memref_slice %arg8[%add3A_79, %dma_start3A_113] : memref<40x128xi32, #tpu.memory_space<vmem>> -> memref<1x128xi32, #tpu.memory_space<vmem>>
        %dma_start3A_115 = tpu.memref_squeeze %dma_start3A_114 : memref<1x128xi32, #tpu.memory_space<vmem>> -> memref<128xi32, #tpu.memory_space<vmem>>
        %dma_start3A_116 = arith.constant 0 : i32
        %dma_start3A_117 = arith.constant 0 : i32
        %dma_start3A_118 = tpu.memref_slice %arg11[%dma_start3A_116, %dma_start3A_117] : memref<10240x128xf32, #tpu.memory_space<vmem_shared>> -> memref<10240x128xf32, #tpu.memory_space<vmem_shared>>
        tpu.enqueue_indirect_dma source(%arg9 : memref<128x128xf32, #tpu.memory_space<vmem>>) target(%dma_start3A_118 : memref<10240x128xf32, #tpu.memory_space<vmem_shared>>) offsets(%dma_start3A_115 : memref<128xi32, #tpu.memory_space<vmem>>) semaphore(%run_scoped3A_112 : memref<!tpu.dma_semaphore, #tpu.memory_space<semaphore_mem>>) {add = true}
        %dma_wait3A_119 = arith.constant 0 : i32
        %dma_wait3A_120 = tpu.memref_slice %arg8[%add3A_79, %dma_wait3A_119] : memref<40x128xi32, #tpu.memory_space<vmem>> -> memref<1x128xi32, #tpu.memory_space<vmem>>
        %dma_wait3A_121 = tpu.memref_squeeze %dma_wait3A_120 : memref<1x128xi32, #tpu.memory_space<vmem>> -> memref<128xi32, #tpu.memory_space<vmem>>
        %dma_wait3A_122 = arith.constant 0 : i32
        %dma_wait3A_123 = arith.constant 0 : i32
        %dma_wait3A_124 = tpu.memref_slice %arg11[%dma_wait3A_122, %dma_wait3A_123] : memref<10240x128xf32, #tpu.memory_space<vmem_shared>> -> memref<10240x128xf32, #tpu.memory_space<vmem_shared>>
        tpu.wait_indirect_dma semaphore(%run_scoped3A_112 : memref<!tpu.dma_semaphore, #tpu.memory_space<semaphore_mem>>) src(%arg9 : memref<128x128xf32, #tpu.memory_space<vmem>>) dst(%dma_wait3A_124 : memref<10240x128xf32, #tpu.memory_space<vmem_shared>>)
        tpu.yield
      }) : () -> ()
      %add3A_94 = arith.constant 2 : i32
      %add3A_95 = arith.addi %add3A_79, %add3A_94 : i32
      %dma_start3A_96 = arith.constant 0 : i32
      %dma_start3A_97 = tpu.memref_slice %arg7[%add3A_95, %dma_start3A_96] : memref<40x128xi32, #tpu.memory_space<vmem>> -> memref<1x128xi32, #tpu.memory_space<vmem>>
      %dma_start3A_98 = tpu.memref_squeeze %dma_start3A_97 : memref<1x128xi32, #tpu.memory_space<vmem>> -> memref<128xi32, #tpu.memory_space<vmem>>
      %dma_start3A_99 = arith.constant 0 : i32
      %dma_start3A_100 = arith.constant 0 : i32
      %dma_start3A_101 = tpu.memref_slice %arg2[%dma_start3A_99, %dma_start3A_100] : memref<10000x128xf32, #tpu.memory_space<hbm>> -> memref<10000x128xf32, #tpu.memory_space<hbm>>
      tpu.enqueue_indirect_dma source(%dma_start3A_101 : memref<10000x128xf32, #tpu.memory_space<hbm>>) target(%arg9 : memref<128x128xf32, #tpu.memory_space<vmem>>) offsets(%dma_start3A_98 : memref<128xi32, #tpu.memory_space<vmem>>) semaphore(%arg12 : memref<!tpu.dma_semaphore, #tpu.memory_space<semaphore_mem>>)
      %add3A_102 = arith.constant 1 : i32
      %add3A_103 = arith.addi %add3A_79, %add3A_102 : i32
      %dma_wait3A_104 = arith.constant 0 : i32
      %dma_wait3A_105 = tpu.memref_slice %arg7[%add3A_103, %dma_wait3A_104] : memref<40x128xi32, #tpu.memory_space<vmem>> -> memref<1x128xi32, #tpu.memory_space<vmem>>
      %dma_wait3A_106 = tpu.memref_squeeze %dma_wait3A_105 : memref<1x128xi32, #tpu.memory_space<vmem>> -> memref<128xi32, #tpu.memory_space<vmem>>
      %dma_wait3A_107 = arith.constant 0 : i32
      %dma_wait3A_108 = arith.constant 0 : i32
      %dma_wait3A_109 = tpu.memref_slice %arg2[%dma_wait3A_107, %dma_wait3A_108] : memref<10000x128xf32, #tpu.memory_space<hbm>> -> memref<10000x128xf32, #tpu.memory_space<hbm>>
      tpu.wait_indirect_dma semaphore(%arg13 : memref<!tpu.dma_semaphore, #tpu.memory_space<semaphore_mem>>) src(%dma_wait3A_109 : memref<10000x128xf32, #tpu.memory_space<hbm>>) dst(%arg10 : memref<128x128xf32, #tpu.memory_space<vmem>>)
      %add3A_110 = arith.constant 1 : i32
      %add3A_111 = arith.addi %add3A_79, %add3A_110 : i32
      "tpu.region"() ({
        %run_scoped3A_112 = tpu.sem_alloc : memref<!tpu.dma_semaphore, #tpu.memory_space<semaphore_mem>>
        %dma_start3A_113 = arith.constant 0 : i32
        %dma_start3A_114 = tpu.memref_slice %arg8[%add3A_111, %dma_start3A_113] : memref<40x128xi32, #tpu.memory_space<vmem>> -> memref<1x128xi32, #tpu.memory_space<vmem>>
        %dma_start3A_115 = tpu.memref_squeeze %dma_start3A_114 : memref<1x128xi32, #tpu.memory_space<vmem>> -> memref<128xi32, #tpu.memory_space<vmem>>
        %dma_start3A_116 = arith.constant 0 : i32
        %dma_start3A_117 = arith.constant 0 : i32
        %dma_start3A_118 = tpu.memref_slice %arg11[%dma_start3A_116, %dma_start3A_117] : memref<10240x128xf32, #tpu.memory_space<vmem_shared>> -> memref<10240x128xf32, #tpu.memory_space<vmem_shared>>
        tpu.enqueue_indirect_dma source(%arg10 : memref<128x128xf32, #tpu.memory_space<vmem>>) target(%dma_start3A_118 : memref<10240x128xf32, #tpu.memory_space<vmem_shared>>) offsets(%dma_start3A_115 : memref<128xi32, #tpu.memory_space<vmem>>) semaphore(%run_scoped3A_112 : memref<!tpu.dma_semaphore, #tpu.memory_space<semaphore_mem>>) {add = true}
        %dma_wait3A_119 = arith.constant 0 : i32
        %dma_wait3A_120 = tpu.memref_slice %arg8[%add3A_111, %dma_wait3A_119] : memref<40x128xi32, #tpu.memory_space<vmem>> -> memref<1x128xi32, #tpu.memory_space<vmem>>
        %dma_wait3A_121 = tpu.memref_squeeze %dma_wait3A_120 : memref<1x128xi32, #tpu.memory_space<vmem>> -> memref<128xi32, #tpu.memory_space<vmem>>
        %dma_wait3A_122 = arith.constant 0 : i32
        %dma_wait3A_123 = arith.constant 0 : i32
        %dma_wait3A_124 = tpu.memref_slice %arg11[%dma_wait3A_122, %dma_wait3A_123] : memref<10240x128xf32, #tpu.memory_space<vmem_shared>> -> memref<10240x128xf32, #tpu.memory_space<vmem_shared>>
        tpu.wait_indirect_dma semaphore(%run_scoped3A_112 : memref<!tpu.dma_semaphore, #tpu.memory_space<semaphore_mem>>) src(%arg10 : memref<128x128xf32, #tpu.memory_space<vmem>>) dst(%dma_wait3A_124 : memref<10240x128xf32, #tpu.memory_space<vmem_shared>>)
        tpu.yield
      }) : () -> ()
    }
    %scan3A_50 = arith.constant 19 : i32
    %dma_start3A_51 = arith.constant 39 : i32
    %dma_start3A_52 = arith.constant 0 : i32
    %dma_start3A_53 = tpu.memref_slice %arg7[%dma_start3A_51, %dma_start3A_52] : memref<40x128xi32, #tpu.memory_space<vmem>> -> memref<1x128xi32, #tpu.memory_space<vmem>>
    %dma_start3A_54 = tpu.memref_squeeze %dma_start3A_53 : memref<1x128xi32, #tpu.memory_space<vmem>> -> memref<128xi32, #tpu.memory_space<vmem>>
    %dma_start3A_55 = arith.constant 0 : i32
    %dma_start3A_56 = arith.constant 0 : i32
    %dma_start3A_57 = tpu.memref_slice %arg2[%dma_start3A_55, %dma_start3A_56] : memref<10000x128xf32, #tpu.memory_space<hbm>> -> memref<10000x128xf32, #tpu.memory_space<hbm>>
    tpu.enqueue_indirect_dma source(%dma_start3A_57 : memref<10000x128xf32, #tpu.memory_space<hbm>>) target(%arg10 : memref<128x128xf32, #tpu.memory_space<vmem>>) offsets(%dma_start3A_54 : memref<128xi32, #tpu.memory_space<vmem>>) semaphore(%arg13 : memref<!tpu.dma_semaphore, #tpu.memory_space<semaphore_mem>>)
    %dma_wait3A_58 = arith.constant 38 : i32
    %dma_wait3A_59 = arith.constant 0 : i32
    %dma_wait3A_60 = tpu.memref_slice %arg7[%dma_wait3A_58, %dma_wait3A_59] : memref<40x128xi32, #tpu.memory_space<vmem>> -> memref<1x128xi32, #tpu.memory_space<vmem>>
    %dma_wait3A_61 = tpu.memref_squeeze %dma_wait3A_60 : memref<1x128xi32, #tpu.memory_space<vmem>> -> memref<128xi32, #tpu.memory_space<vmem>>
    %dma_wait3A_62 = arith.constant 0 : i32
    %dma_wait3A_63 = arith.constant 0 : i32
    %dma_wait3A_64 = tpu.memref_slice %arg2[%dma_wait3A_62, %dma_wait3A_63] : memref<10000x128xf32, #tpu.memory_space<hbm>> -> memref<10000x128xf32, #tpu.memory_space<hbm>>
    tpu.wait_indirect_dma semaphore(%arg12 : memref<!tpu.dma_semaphore, #tpu.memory_space<semaphore_mem>>) src(%dma_wait3A_64 : memref<10000x128xf32, #tpu.memory_space<hbm>>) dst(%arg9 : memref<128x128xf32, #tpu.memory_space<vmem>>)
    %run_scoped3A_65 = arith.constant 38 : i32
    "tpu.region"() ({
      %run_scoped3A_75 = tpu.sem_alloc : memref<!tpu.dma_semaphore, #tpu.memory_space<semaphore_mem>>
      %dma_start3A_76 = arith.constant 0 : i32
      %dma_start3A_77 = tpu.memref_slice %arg8[%run_scoped3A_65, %dma_start3A_76] : memref<40x128xi32, #tpu.memory_space<vmem>> -> memref<1x128xi32, #tpu.memory_space<vmem>>
      %dma_start3A_78 = tpu.memref_squeeze %dma_start3A_77 : memref<1x128xi32, #tpu.memory_space<vmem>> -> memref<128xi32, #tpu.memory_space<vmem>>
      %dma_start3A_79 = arith.constant 0 : i32
      %dma_start3A_80 = arith.constant 0 : i32
      %dma_start3A_81 = tpu.memref_slice %arg11[%dma_start3A_79, %dma_start3A_80] : memref<10240x128xf32, #tpu.memory_space<vmem_shared>> -> memref<10240x128xf32, #tpu.memory_space<vmem_shared>>
      tpu.enqueue_indirect_dma source(%arg9 : memref<128x128xf32, #tpu.memory_space<vmem>>) target(%dma_start3A_81 : memref<10240x128xf32, #tpu.memory_space<vmem_shared>>) offsets(%dma_start3A_78 : memref<128xi32, #tpu.memory_space<vmem>>) semaphore(%run_scoped3A_75 : memref<!tpu.dma_semaphore, #tpu.memory_space<semaphore_mem>>) {add = true}
      %dma_wait3A_82 = arith.constant 0 : i32
      %dma_wait3A_83 = tpu.memref_slice %arg8[%run_scoped3A_65, %dma_wait3A_82] : memref<40x128xi32, #tpu.memory_space<vmem>> -> memref<1x128xi32, #tpu.memory_space<vmem>>
      %dma_wait3A_84 = tpu.memref_squeeze %dma_wait3A_83 : memref<1x128xi32, #tpu.memory_space<vmem>> -> memref<128xi32, #tpu.memory_space<vmem>>
      %dma_wait3A_85 = arith.constant 0 : i32
      %dma_wait3A_86 = arith.constant 0 : i32
      %dma_wait3A_87 = tpu.memref_slice %arg11[%dma_wait3A_85, %dma_wait3A_86] : memref<10240x128xf32, #tpu.memory_space<vmem_shared>> -> memref<10240x128xf32, #tpu.memory_space<vmem_shared>>
      tpu.wait_indirect_dma semaphore(%run_scoped3A_75 : memref<!tpu.dma_semaphore, #tpu.memory_space<semaphore_mem>>) src(%arg9 : memref<128x128xf32, #tpu.memory_space<vmem>>) dst(%dma_wait3A_87 : memref<10240x128xf32, #tpu.memory_space<vmem_shared>>)
      tpu.yield
    }) : () -> ()
    %dma_wait3A_66 = arith.constant 39 : i32
    %dma_wait3A_67 = arith.constant 0 : i32
    %dma_wait3A_68 = tpu.memref_slice %arg7[%dma_wait3A_66, %dma_wait3A_67] : memref<40x128xi32, #tpu.memory_space<vmem>> -> memref<1x128xi32, #tpu.memory_space<vmem>>
    %dma_wait3A_69 = tpu.memref_squeeze %dma_wait3A_68 : memref<1x128xi32, #tpu.memory_space<vmem>> -> memref<128xi32, #tpu.memory_space<vmem>>
    %dma_wait3A_70 = arith.constant 0 : i32
    %dma_wait3A_71 = arith.constant 0 : i32
    %dma_wait3A_72 = tpu.memref_slice %arg2[%dma_wait3A_70, %dma_wait3A_71] : memref<10000x128xf32, #tpu.memory_space<hbm>> -> memref<10000x128xf32, #tpu.memory_space<hbm>>
    tpu.wait_indirect_dma semaphore(%arg13 : memref<!tpu.dma_semaphore, #tpu.memory_space<semaphore_mem>>) src(%dma_wait3A_72 : memref<10000x128xf32, #tpu.memory_space<hbm>>) dst(%arg10 : memref<128x128xf32, #tpu.memory_space<vmem>>)
    %run_scoped3A_73 = arith.constant 39 : i32
    "tpu.region"() ({
      %run_scoped3A_75 = tpu.sem_alloc : memref<!tpu.dma_semaphore, #tpu.memory_space<semaphore_mem>>
      %dma_start3A_76 = arith.constant 0 : i32
      %dma_start3A_77 = tpu.memref_slice %arg8[%run_scoped3A_73, %dma_start3A_76] : memref<40x128xi32, #tpu.memory_space<vmem>> -> memref<1x128xi32, #tpu.memory_space<vmem>>
      %dma_start3A_78 = tpu.memref_squeeze %dma_start3A_77 : memref<1x128xi32, #tpu.memory_space<vmem>> -> memref<128xi32, #tpu.memory_space<vmem>>
      %dma_start3A_79 = arith.constant 0 : i32
      %dma_start3A_80 = arith.constant 0 : i32
      %dma_start3A_81 = tpu.memref_slice %arg11[%dma_start3A_79, %dma_start3A_80] : memref<10240x128xf32, #tpu.memory_space<vmem_shared>> -> memref<10240x128xf32, #tpu.memory_space<vmem_shared>>
      tpu.enqueue_indirect_dma source(%arg10 : memref<128x128xf32, #tpu.memory_space<vmem>>) target(%dma_start3A_81 : memref<10240x128xf32, #tpu.memory_space<vmem_shared>>) offsets(%dma_start3A_78 : memref<128xi32, #tpu.memory_space<vmem>>) semaphore(%run_scoped3A_75 : memref<!tpu.dma_semaphore, #tpu.memory_space<semaphore_mem>>) {add = true}
      %dma_wait3A_82 = arith.constant 0 : i32
      %dma_wait3A_83 = tpu.memref_slice %arg8[%run_scoped3A_73, %dma_wait3A_82] : memref<40x128xi32, #tpu.memory_space<vmem>> -> memref<1x128xi32, #tpu.memory_space<vmem>>
      %dma_wait3A_84 = tpu.memref_squeeze %dma_wait3A_83 : memref<1x128xi32, #tpu.memory_space<vmem>> -> memref<128xi32, #tpu.memory_space<vmem>>
      %dma_wait3A_85 = arith.constant 0 : i32
      %dma_wait3A_86 = arith.constant 0 : i32
      %dma_wait3A_87 = tpu.memref_slice %arg11[%dma_wait3A_85, %dma_wait3A_86] : memref<10240x128xf32, #tpu.memory_space<vmem_shared>> -> memref<10240x128xf32, #tpu.memory_space<vmem_shared>>
      tpu.wait_indirect_dma semaphore(%run_scoped3A_75 : memref<!tpu.dma_semaphore, #tpu.memory_space<semaphore_mem>>) src(%arg10 : memref<128x128xf32, #tpu.memory_space<vmem>>) dst(%dma_wait3A_87 : memref<10240x128xf32, #tpu.memory_space<vmem_shared>>)
      tpu.yield
    }) : () -> ()
    %barrier3A_74 = arith.constant 0 : index
    tpu.barrier barrier_id(%barrier3A_74)
    "tpu.region"() ({
      %run_scoped3A_75 = tpu.sem_alloc : memref<!tpu.dma_semaphore, #tpu.memory_space<semaphore_mem>>
      %dma_start3A_76 = arith.constant 0 : i32
      %dma_start3A_77 = tpu.memref_slice %arg6[%arg0, %mul3A_2, %dma_start3A_76] : memref<2x10240x128xf32, #tpu.memory_space<hbm>> -> memref<1x640x128xf32, #tpu.memory_space<hbm>>
      %dma_start3A_78 = tpu.memref_squeeze %dma_start3A_77 : memref<1x640x128xf32, #tpu.memory_space<hbm>> -> memref<640x128xf32, #tpu.memory_space<hbm>>
      %dma_start3A_79 = arith.constant 0 : i32
      %dma_start3A_80 = tpu.memref_slice %arg11[%mul3A_2, %dma_start3A_79] : memref<10240x128xf32, #tpu.memory_space<vmem_shared>> -> memref<640x128xf32, #tpu.memory_space<vmem_shared>>
      tpu.enqueue_dma source(%dma_start3A_80 : memref<640x128xf32, #tpu.memory_space<vmem_shared>>) target(%dma_start3A_78 : memref<640x128xf32, #tpu.memory_space<hbm>>) target_semaphore(%run_scoped3A_75 : memref<!tpu.dma_semaphore, #tpu.memory_space<semaphore_mem>>)
      %dma_wait3A_81 = arith.constant 0 : i32
      %dma_wait3A_82 = tpu.memref_slice %arg6[%arg0, %mul3A_2, %dma_wait3A_81] : memref<2x10240x128xf32, #tpu.memory_space<hbm>> -> memref<1x640x128xf32, #tpu.memory_space<hbm>>
      %dma_wait3A_83 = tpu.memref_squeeze %dma_wait3A_82 : memref<1x640x128xf32, #tpu.memory_space<hbm>> -> memref<640x128xf32, #tpu.memory_space<hbm>>
      %dma_wait3A_84 = arith.constant 0 : i32
      %dma_wait3A_85 = tpu.memref_slice %arg11[%mul3A_2, %dma_wait3A_84] : memref<10240x128xf32, #tpu.memory_space<vmem_shared>> -> memref<640x128xf32, #tpu.memory_space<vmem_shared>>
      tpu.wait_dma2 semaphore(%run_scoped3A_75 : memref<!tpu.dma_semaphore, #tpu.memory_space<semaphore_mem>>) src(%dma_wait3A_85 : memref<640x128xf32, #tpu.memory_space<vmem_shared>>) dst(%dma_wait3A_83 : memref<640x128xf32, #tpu.memory_space<hbm>>)
      tpu.yield
    }) : () -> ()
    return
  }
}

#map = affine_map<(d0, d1) -> (0, 0)>
#map1 = affine_map<(d0, d1) -> (0, 0, 0)>
module attributes {stable_mosaic.version = 14 : i64} {
  func.func @k(%arg0: i32, %arg1: i32, %arg2: memref<10000x128xf32, #tpu.memory_space<hbm>>, %arg3: memref<32x80x128xi32, #tpu.memory_space<hbm>>, %arg4: memref<32x80x128xi32, #tpu.memory_space<hbm>>, %arg5: memref<128x128xf32, #tpu.memory_space<hbm>>, %arg6: memref<2x10240x128xf32, #tpu.memory_space<hbm>>, %arg7: memref<40x128xi32, #tpu.memory_space<vmem>>, %arg8: memref<40x128xi32, #tpu.memory_space<vmem>>, %arg9: memref<128x128xf32, #tpu.memory_space<vmem>>, %arg10: memref<128x128xf32, #tpu.memory_space<vmem>>, %arg11: memref<10240x128xf32, #tpu.memory_space<vmem_shared>>, %arg12: memref<!tpu.dma_semaphore, #tpu.memory_space<semaphore_mem>>, %arg13: memref<!tpu.dma_semaphore, #tpu.memory_space<semaphore_mem>>, %arg14: memref<!tpu.dma_semaphore, #tpu.memory_space<semaphore_mem>>, %arg15: memref<!tpu.dma_semaphore, #tpu.memory_space<semaphore_mem>>) attributes {dimension_semantics = [#tpu.dimension_semantics<core_parallel>, #tpu.dimension_semantics<subcore_parallel>], iteration_bounds = array<i64: 2, 16>, scalar_prefetch = 0 : i64, scratch_operands = 9 : i64, tpu.core_type = #tpu.core_type<sc_vector_subcore>, window_params = [{transform_indices = #map}, {transform_indices = #map1}, {transform_indices = #map1}, {transform_indices = #map}, {transform_indices = #map1}]} {
    %mul3A = arith.constant 16 : i32
    %mul3A_0 = arith.muli %arg0, %mul3A : i32
    %add3A = arith.addi %mul3A_0, %arg1 : i32
    %mul3A_1 = arith.constant 640 : i32
    %mul3A_2 = arith.muli %arg1, %mul3A_1 : i32
    %scan3A = arith.constant 0 : i32
    %scan3A_3 = arith.constant 5 : i32
    %scan3A_4 = arith.addi %scan3A, %scan3A_3 : i32
    %scan3A_5 = arith.constant 1 : i32
    scf.for %scan3A_75 = %scan3A to %scan3A_4 step %scan3A_5  : i32 {
      %mul3A_76 = arith.constant 1 : i32
      %mul3A_77 = arith.muli %scan3A_75, %mul3A_76 : i32
      %add3A_78 = arith.constant 0 : i32
      %add3A_79 = arith.addi %add3A_78, %mul3A_77 : i32
      %mul3A_80 = arith.constant 128 : i32
      %mul3A_81 = arith.muli %add3A_79, %mul3A_80 : i32
      %add3A_82 = arith.addi %mul3A_2, %mul3A_81 : i32
      "tpu.region"() ({
        %run_scoped3A_83 = tpu.sem_alloc : memref<!tpu.dma_semaphore, #tpu.memory_space<semaphore_mem>>
        %dma_start3A_84 = arith.constant 0 : i32
        %dma_start3A_85 = tpu.memref_slice %arg11[%add3A_82, %dma_start3A_84] : memref<10240x128xf32, #tpu.memory_space<vmem_shared>> -> memref<128x128xf32, #tpu.memory_space<vmem_shared>>
        tpu.enqueue_dma source(%arg5 : memref<128x128xf32, #tpu.memory_space<hbm>>) target(%dma_start3A_85 : memref<128x128xf32, #tpu.memory_space<vmem_shared>>) target_semaphore(%run_scoped3A_83 : memref<!tpu.dma_semaphore, #tpu.memory_space<semaphore_mem>>)
        %dma_wait3A_86 = arith.constant 0 : i32
        %dma_wait3A_87 = tpu.memref_slice %arg11[%add3A_82, %dma_wait3A_86] : memref<10240x128xf32, #tpu.memory_space<vmem_shared>> -> memref<128x128xf32, #tpu.memory_space<vmem_shared>>
        tpu.wait_dma2 semaphore(%run_scoped3A_83 : memref<!tpu.dma_semaphore, #tpu.memory_space<semaphore_mem>>) src(%arg5 : memref<128x128xf32, #tpu.memory_space<hbm>>) dst(%dma_wait3A_87 : memref<128x128xf32, #tpu.memory_space<vmem_shared>>)
        tpu.yield
      }) : () -> ()
    }
    %scan3A_6 = arith.constant 5 : i32
    %barrier3A = arith.constant 0 : index
    tpu.barrier barrier_id(%barrier3A)
    "tpu.region"() ({
      %run_scoped3A_75 = tpu.sem_alloc : memref<!tpu.dma_semaphore, #tpu.memory_space<semaphore_mem>>
      %dma_start3A_76 = arith.constant 0 : i32
      %dma_start3A_77 = arith.constant 0 : i32
      %dma_start3A_78 = tpu.memref_slice %arg3[%add3A, %dma_start3A_76, %dma_start3A_77] : memref<32x80x128xi32, #tpu.memory_space<hbm>> -> memref<1x40x128xi32, #tpu.memory_space<hbm>>
      %dma_start3A_79 = tpu.memref_squeeze %dma_start3A_78 : memref<1x40x128xi32, #tpu.memory_space<hbm>> -> memref<40x128xi32, #tpu.memory_space<hbm>>
      %dma_start3A_80 = arith.constant 0 : i32
      %dma_start3A_81 = arith.constant 0 : i32
      %dma_start3A_82 = tpu.memref_slice %arg3[%add3A, %dma_start3A_80, %dma_start3A_81] : memref<32x80x128xi32, #tpu.memory_space<hbm>> -> memref<1x40x128xi32, #tpu.memory_space<hbm>>
      %dma_start3A_83 = tpu.memref_squeeze %dma_start3A_82 : memref<1x40x128xi32, #tpu.memory_space<hbm>> -> memref<40x128xi32, #tpu.memory_space<hbm>>
      tpu.enqueue_dma source(%dma_start3A_83 : memref<40x128xi32, #tpu.memory_space<hbm>>) target(%arg7 : memref<40x128xi32, #tpu.memory_space<vmem>>) target_semaphore(%run_scoped3A_75 : memref<!tpu.dma_semaphore, #tpu.memory_space<semaphore_mem>>)
      %dma_wait3A_84 = arith.constant 0 : i32
      %dma_wait3A_85 = arith.constant 0 : i32
      %dma_wait3A_86 = tpu.memref_slice %arg3[%add3A, %dma_wait3A_84, %dma_wait3A_85] : memref<32x80x128xi32, #tpu.memory_space<hbm>> -> memref<1x40x128xi32, #tpu.memory_space<hbm>>
      %dma_wait3A_87 = tpu.memref_squeeze %dma_wait3A_86 : memref<1x40x128xi32, #tpu.memory_space<hbm>> -> memref<40x128xi32, #tpu.memory_space<hbm>>
      %dma_wait3A_88 = arith.constant 0 : i32
      %dma_wait3A_89 = arith.constant 0 : i32
      %dma_wait3A_90 = tpu.memref_slice %arg3[%add3A, %dma_wait3A_88, %dma_wait3A_89] : memref<32x80x128xi32, #tpu.memory_space<hbm>> -> memref<1x40x128xi32, #tpu.memory_space<hbm>>
      %dma_wait3A_91 = tpu.memref_squeeze %dma_wait3A_90 : memref<1x40x128xi32, #tpu.memory_space<hbm>> -> memref<40x128xi32, #tpu.memory_space<hbm>>
      tpu.wait_dma2 semaphore(%run_scoped3A_75 : memref<!tpu.dma_semaphore, #tpu.memory_space<semaphore_mem>>) src(%dma_wait3A_91 : memref<40x128xi32, #tpu.memory_space<hbm>>) dst(%arg7 : memref<40x128xi32, #tpu.memory_space<vmem>>)
      tpu.yield
    }) : () -> ()
    "tpu.region"() ({
      %run_scoped3A_75 = tpu.sem_alloc : memref<!tpu.dma_semaphore, #tpu.memory_space<semaphore_mem>>
      %dma_start3A_76 = arith.constant 0 : i32
      %dma_start3A_77 = arith.constant 0 : i32
      %dma_start3A_78 = tpu.memref_slice %arg4[%add3A, %dma_start3A_76, %dma_start3A_77] : memref<32x80x128xi32, #tpu.memory_space<hbm>> -> memref<1x40x128xi32, #tpu.memory_space<hbm>>
      %dma_start3A_79 = tpu.memref_squeeze %dma_start3A_78 : memref<1x40x128xi32, #tpu.memory_space<hbm>> -> memref<40x128xi32, #tpu.memory_space<hbm>>
      %dma_start3A_80 = arith.constant 0 : i32
      %dma_start3A_81 = arith.constant 0 : i32
      %dma_start3A_82 = tpu.memref_slice %arg4[%add3A, %dma_start3A_80, %dma_start3A_81] : memref<32x80x128xi32, #tpu.memory_space<hbm>> -> memref<1x40x128xi32, #tpu.memory_space<hbm>>
      %dma_start3A_83 = tpu.memref_squeeze %dma_start3A_82 : memref<1x40x128xi32, #tpu.memory_space<hbm>> -> memref<40x128xi32, #tpu.memory_space<hbm>>
      tpu.enqueue_dma source(%dma_start3A_83 : memref<40x128xi32, #tpu.memory_space<hbm>>) target(%arg8 : memref<40x128xi32, #tpu.memory_space<vmem>>) target_semaphore(%run_scoped3A_75 : memref<!tpu.dma_semaphore, #tpu.memory_space<semaphore_mem>>)
      %dma_wait3A_84 = arith.constant 0 : i32
      %dma_wait3A_85 = arith.constant 0 : i32
      %dma_wait3A_86 = tpu.memref_slice %arg4[%add3A, %dma_wait3A_84, %dma_wait3A_85] : memref<32x80x128xi32, #tpu.memory_space<hbm>> -> memref<1x40x128xi32, #tpu.memory_space<hbm>>
      %dma_wait3A_87 = tpu.memref_squeeze %dma_wait3A_86 : memref<1x40x128xi32, #tpu.memory_space<hbm>> -> memref<40x128xi32, #tpu.memory_space<hbm>>
      %dma_wait3A_88 = arith.constant 0 : i32
      %dma_wait3A_89 = arith.constant 0 : i32
      %dma_wait3A_90 = tpu.memref_slice %arg4[%add3A, %dma_wait3A_88, %dma_wait3A_89] : memref<32x80x128xi32, #tpu.memory_space<hbm>> -> memref<1x40x128xi32, #tpu.memory_space<hbm>>
      %dma_wait3A_91 = tpu.memref_squeeze %dma_wait3A_90 : memref<1x40x128xi32, #tpu.memory_space<hbm>> -> memref<40x128xi32, #tpu.memory_space<hbm>>
      tpu.wait_dma2 semaphore(%run_scoped3A_75 : memref<!tpu.dma_semaphore, #tpu.memory_space<semaphore_mem>>) src(%dma_wait3A_91 : memref<40x128xi32, #tpu.memory_space<hbm>>) dst(%arg8 : memref<40x128xi32, #tpu.memory_space<vmem>>)
      tpu.yield
    }) : () -> ()
    %dma_start3A = arith.constant 0 : i32
    %dma_start3A_7 = arith.constant 0 : i32
    %dma_start3A_8 = tpu.memref_slice %arg7[%dma_start3A, %dma_start3A_7] : memref<40x128xi32, #tpu.memory_space<vmem>> -> memref<1x128xi32, #tpu.memory_space<vmem>>
    %dma_start3A_9 = tpu.memref_squeeze %dma_start3A_8 : memref<1x128xi32, #tpu.memory_space<vmem>> -> memref<128xi32, #tpu.memory_space<vmem>>
    %dma_start3A_10 = arith.constant 0 : i32
    %dma_start3A_11 = arith.constant 0 : i32
    %dma_start3A_12 = tpu.memref_slice %arg2[%dma_start3A_10, %dma_start3A_11] : memref<10000x128xf32, #tpu.memory_space<hbm>> -> memref<10000x128xf32, #tpu.memory_space<hbm>>
    tpu.enqueue_indirect_dma source(%dma_start3A_12 : memref<10000x128xf32, #tpu.memory_space<hbm>>) target(%arg9 : memref<128x128xf32, #tpu.memory_space<vmem>>) offsets(%dma_start3A_9 : memref<128xi32, #tpu.memory_space<vmem>>) semaphore(%arg12 : memref<!tpu.dma_semaphore, #tpu.memory_space<semaphore_mem>>)
    %scan3A_13 = arith.constant 0 : i32
    %scan3A_14 = arith.constant 19 : i32
    %scan3A_15 = arith.addi %scan3A_13, %scan3A_14 : i32
    %scan3A_16 = arith.constant 1 : i32
    scf.for %scan3A_75 = %scan3A_13 to %scan3A_15 step %scan3A_16  : i32 {
      %mul3A_76 = arith.constant 2 : i32
      %mul3A_77 = arith.muli %scan3A_75, %mul3A_76 : i32
      %add3A_78 = arith.constant 0 : i32
      %add3A_79 = arith.addi %add3A_78, %mul3A_77 : i32
      %add3A_80 = arith.constant 1 : i32
      %add3A_81 = arith.addi %add3A_79, %add3A_80 : i32
      %dma_start3A_82 = arith.constant 0 : i32
      %dma_start3A_83 = tpu.memref_slice %arg7[%add3A_81, %dma_start3A_82] : memref<40x128xi32, #tpu.memory_space<vmem>> -> memref<1x128xi32, #tpu.memory_space<vmem>>
      %dma_start3A_84 = tpu.memref_squeeze %dma_start3A_83 : memref<1x128xi32, #tpu.memory_space<vmem>> -> memref<128xi32, #tpu.memory_space<vmem>>
      %dma_start3A_85 = arith.constant 0 : i32
      %dma_start3A_86 = arith.constant 0 : i32
      %dma_start3A_87 = tpu.memref_slice %arg2[%dma_start3A_85, %dma_start3A_86] : memref<10000x128xf32, #tpu.memory_space<hbm>> -> memref<10000x128xf32, #tpu.memory_space<hbm>>
      tpu.enqueue_indirect_dma source(%dma_start3A_87 : memref<10000x128xf32, #tpu.memory_space<hbm>>) target(%arg10 : memref<128x128xf32, #tpu.memory_space<vmem>>) offsets(%dma_start3A_84 : memref<128xi32, #tpu.memory_space<vmem>>) semaphore(%arg13 : memref<!tpu.dma_semaphore, #tpu.memory_space<semaphore_mem>>)
      %dma_wait3A_88 = arith.constant 0 : i32
      %dma_wait3A_89 = tpu.memref_slice %arg7[%add3A_79, %dma_wait3A_88] : memref<40x128xi32, #tpu.memory_space<vmem>> -> memref<1x128xi32, #tpu.memory_space<vmem>>
      %dma_wait3A_90 = tpu.memref_squeeze %dma_wait3A_89 : memref<1x128xi32, #tpu.memory_space<vmem>> -> memref<128xi32, #tpu.memory_space<vmem>>
      %dma_wait3A_91 = arith.constant 0 : i32
      %dma_wait3A_92 = arith.constant 0 : i32
      %dma_wait3A_93 = tpu.memref_slice %arg2[%dma_wait3A_91, %dma_wait3A_92] : memref<10000x128xf32, #tpu.memory_space<hbm>> -> memref<10000x128xf32, #tpu.memory_space<hbm>>
      tpu.wait_indirect_dma semaphore(%arg12 : memref<!tpu.dma_semaphore, #tpu.memory_space<semaphore_mem>>) src(%dma_wait3A_93 : memref<10000x128xf32, #tpu.memory_space<hbm>>) dst(%arg9 : memref<128x128xf32, #tpu.memory_space<vmem>>)
      "tpu.region"() ({
        %run_scoped3A_112 = tpu.sem_alloc : memref<!tpu.dma_semaphore, #tpu.memory_space<semaphore_mem>>
        %dma_start3A_113 = arith.constant 0 : i32
        %dma_start3A_114 = tpu.memref_slice %arg8[%add3A_79, %dma_start3A_113] : memref<40x128xi32, #tpu.memory_space<vmem>> -> memref<1x128xi32, #tpu.memory_space<vmem>>
        %dma_start3A_115 = tpu.memref_squeeze %dma_start3A_114 : memref<1x128xi32, #tpu.memory_space<vmem>> -> memref<128xi32, #tpu.memory_space<vmem>>
        %dma_start3A_116 = arith.constant 0 : i32
        %dma_start3A_117 = arith.constant 0 : i32
        %dma_start3A_118 = tpu.memref_slice %arg11[%dma_start3A_116, %dma_start3A_117] : memref<10240x128xf32, #tpu.memory_space<vmem_shared>> -> memref<10240x128xf32, #tpu.memory_space<vmem_shared>>
        tpu.enqueue_indirect_dma source(%arg9 : memref<128x128xf32, #tpu.memory_space<vmem>>) target(%dma_start3A_118 : memref<10240x128xf32, #tpu.memory_space<vmem_shared>>) offsets(%dma_start3A_115 : memref<128xi32, #tpu.memory_space<vmem>>) semaphore(%run_scoped3A_112 : memref<!tpu.dma_semaphore, #tpu.memory_space<semaphore_mem>>) {add = true}
        %dma_wait3A_119 = arith.constant 0 : i32
        %dma_wait3A_120 = tpu.memref_slice %arg8[%add3A_79, %dma_wait3A_119] : memref<40x128xi32, #tpu.memory_space<vmem>> -> memref<1x128xi32, #tpu.memory_space<vmem>>
        %dma_wait3A_121 = tpu.memref_squeeze %dma_wait3A_120 : memref<1x128xi32, #tpu.memory_space<vmem>> -> memref<128xi32, #tpu.memory_space<vmem>>
        %dma_wait3A_122 = arith.constant 0 : i32
        %dma_wait3A_123 = arith.constant 0 : i32
        %dma_wait3A_124 = tpu.memref_slice %arg11[%dma_wait3A_122, %dma_wait3A_123] : memref<10240x128xf32, #tpu.memory_space<vmem_shared>> -> memref<10240x128xf32, #tpu.memory_space<vmem_shared>>
        tpu.wait_indirect_dma semaphore(%run_scoped3A_112 : memref<!tpu.dma_semaphore, #tpu.memory_space<semaphore_mem>>) src(%arg9 : memref<128x128xf32, #tpu.memory_space<vmem>>) dst(%dma_wait3A_124 : memref<10240x128xf32, #tpu.memory_space<vmem_shared>>)
        tpu.yield
      }) : () -> ()
      %add3A_94 = arith.constant 2 : i32
      %add3A_95 = arith.addi %add3A_79, %add3A_94 : i32
      %dma_start3A_96 = arith.constant 0 : i32
      %dma_start3A_97 = tpu.memref_slice %arg7[%add3A_95, %dma_start3A_96] : memref<40x128xi32, #tpu.memory_space<vmem>> -> memref<1x128xi32, #tpu.memory_space<vmem>>
      %dma_start3A_98 = tpu.memref_squeeze %dma_start3A_97 : memref<1x128xi32, #tpu.memory_space<vmem>> -> memref<128xi32, #tpu.memory_space<vmem>>
      %dma_start3A_99 = arith.constant 0 : i32
      %dma_start3A_100 = arith.constant 0 : i32
      %dma_start3A_101 = tpu.memref_slice %arg2[%dma_start3A_99, %dma_start3A_100] : memref<10000x128xf32, #tpu.memory_space<hbm>> -> memref<10000x128xf32, #tpu.memory_space<hbm>>
      tpu.enqueue_indirect_dma source(%dma_start3A_101 : memref<10000x128xf32, #tpu.memory_space<hbm>>) target(%arg9 : memref<128x128xf32, #tpu.memory_space<vmem>>) offsets(%dma_start3A_98 : memref<128xi32, #tpu.memory_space<vmem>>) semaphore(%arg12 : memref<!tpu.dma_semaphore, #tpu.memory_space<semaphore_mem>>)
      %add3A_102 = arith.constant 1 : i32
      %add3A_103 = arith.addi %add3A_79, %add3A_102 : i32
      %dma_wait3A_104 = arith.constant 0 : i32
      %dma_wait3A_105 = tpu.memref_slice %arg7[%add3A_103, %dma_wait3A_104] : memref<40x128xi32, #tpu.memory_space<vmem>> -> memref<1x128xi32, #tpu.memory_space<vmem>>
      %dma_wait3A_106 = tpu.memref_squeeze %dma_wait3A_105 : memref<1x128xi32, #tpu.memory_space<vmem>> -> memref<128xi32, #tpu.memory_space<vmem>>
      %dma_wait3A_107 = arith.constant 0 : i32
      %dma_wait3A_108 = arith.constant 0 : i32
      %dma_wait3A_109 = tpu.memref_slice %arg2[%dma_wait3A_107, %dma_wait3A_108] : memref<10000x128xf32, #tpu.memory_space<hbm>> -> memref<10000x128xf32, #tpu.memory_space<hbm>>
      tpu.wait_indirect_dma semaphore(%arg13 : memref<!tpu.dma_semaphore, #tpu.memory_space<semaphore_mem>>) src(%dma_wait3A_109 : memref<10000x128xf32, #tpu.memory_space<hbm>>) dst(%arg10 : memref<128x128xf32, #tpu.memory_space<vmem>>)
      %add3A_110 = arith.constant 1 : i32
      %add3A_111 = arith.addi %add3A_79, %add3A_110 : i32
      "tpu.region"() ({
        %run_scoped3A_112 = tpu.sem_alloc : memref<!tpu.dma_semaphore, #tpu.memory_space<semaphore_mem>>
        %dma_start3A_113 = arith.constant 0 : i32
        %dma_start3A_114 = tpu.memref_slice %arg8[%add3A_111, %dma_start3A_113] : memref<40x128xi32, #tpu.memory_space<vmem>> -> memref<1x128xi32, #tpu.memory_space<vmem>>
        %dma_start3A_115 = tpu.memref_squeeze %dma_start3A_114 : memref<1x128xi32, #tpu.memory_space<vmem>> -> memref<128xi32, #tpu.memory_space<vmem>>
        %dma_start3A_116 = arith.constant 0 : i32
        %dma_start3A_117 = arith.constant 0 : i32
        %dma_start3A_118 = tpu.memref_slice %arg11[%dma_start3A_116, %dma_start3A_117] : memref<10240x128xf32, #tpu.memory_space<vmem_shared>> -> memref<10240x128xf32, #tpu.memory_space<vmem_shared>>
        tpu.enqueue_indirect_dma source(%arg10 : memref<128x128xf32, #tpu.memory_space<vmem>>) target(%dma_start3A_118 : memref<10240x128xf32, #tpu.memory_space<vmem_shared>>) offsets(%dma_start3A_115 : memref<128xi32, #tpu.memory_space<vmem>>) semaphore(%run_scoped3A_112 : memref<!tpu.dma_semaphore, #tpu.memory_space<semaphore_mem>>) {add = true}
        %dma_wait3A_119 = arith.constant 0 : i32
        %dma_wait3A_120 = tpu.memref_slice %arg8[%add3A_111, %dma_wait3A_119] : memref<40x128xi32, #tpu.memory_space<vmem>> -> memref<1x128xi32, #tpu.memory_space<vmem>>
        %dma_wait3A_121 = tpu.memref_squeeze %dma_wait3A_120 : memref<1x128xi32, #tpu.memory_space<vmem>> -> memref<128xi32, #tpu.memory_space<vmem>>
        %dma_wait3A_122 = arith.constant 0 : i32
        %dma_wait3A_123 = arith.constant 0 : i32
        %dma_wait3A_124 = tpu.memref_slice %arg11[%dma_wait3A_122, %dma_wait3A_123] : memref<10240x128xf32, #tpu.memory_space<vmem_shared>> -> memref<10240x128xf32, #tpu.memory_space<vmem_shared>>
        tpu.wait_indirect_dma semaphore(%run_scoped3A_112 : memref<!tpu.dma_semaphore, #tpu.memory_space<semaphore_mem>>) src(%arg10 : memref<128x128xf32, #tpu.memory_space<vmem>>) dst(%dma_wait3A_124 : memref<10240x128xf32, #tpu.memory_space<vmem_shared>>)
        tpu.yield
      }) : () -> ()
    }
    %scan3A_17 = arith.constant 19 : i32
    %dma_start3A_18 = arith.constant 39 : i32
    %dma_start3A_19 = arith.constant 0 : i32
    %dma_start3A_20 = tpu.memref_slice %arg7[%dma_start3A_18, %dma_start3A_19] : memref<40x128xi32, #tpu.memory_space<vmem>> -> memref<1x128xi32, #tpu.memory_space<vmem>>
    %dma_start3A_21 = tpu.memref_squeeze %dma_start3A_20 : memref<1x128xi32, #tpu.memory_space<vmem>> -> memref<128xi32, #tpu.memory_space<vmem>>
    %dma_start3A_22 = arith.constant 0 : i32
    %dma_start3A_23 = arith.constant 0 : i32
    %dma_start3A_24 = tpu.memref_slice %arg2[%dma_start3A_22, %dma_start3A_23] : memref<10000x128xf32, #tpu.memory_space<hbm>> -> memref<10000x128xf32, #tpu.memory_space<hbm>>
    tpu.enqueue_indirect_dma source(%dma_start3A_24 : memref<10000x128xf32, #tpu.memory_space<hbm>>) target(%arg10 : memref<128x128xf32, #tpu.memory_space<vmem>>) offsets(%dma_start3A_21 : memref<128xi32, #tpu.memory_space<vmem>>) semaphore(%arg13 : memref<!tpu.dma_semaphore, #tpu.memory_space<semaphore_mem>>)
    %dma_wait3A = arith.constant 38 : i32
    %dma_wait3A_25 = arith.constant 0 : i32
    %dma_wait3A_26 = tpu.memref_slice %arg7[%dma_wait3A, %dma_wait3A_25] : memref<40x128xi32, #tpu.memory_space<vmem>> -> memref<1x128xi32, #tpu.memory_space<vmem>>
    %dma_wait3A_27 = tpu.memref_squeeze %dma_wait3A_26 : memref<1x128xi32, #tpu.memory_space<vmem>> -> memref<128xi32, #tpu.memory_space<vmem>>
    %dma_wait3A_28 = arith.constant 0 : i32
    %dma_wait3A_29 = arith.constant 0 : i32
    %dma_wait3A_30 = tpu.memref_slice %arg2[%dma_wait3A_28, %dma_wait3A_29] : memref<10000x128xf32, #tpu.memory_space<hbm>> -> memref<10000x128xf32, #tpu.memory_space<hbm>>
    tpu.wait_indirect_dma semaphore(%arg12 : memref<!tpu.dma_semaphore, #tpu.memory_space<semaphore_mem>>) src(%dma_wait3A_30 : memref<10000x128xf32, #tpu.memory_space<hbm>>) dst(%arg9 : memref<128x128xf32, #tpu.memory_space<vmem>>)
    %run_scoped3A = arith.constant 38 : i32
    "tpu.region"() ({
      %run_scoped3A_75 = tpu.sem_alloc : memref<!tpu.dma_semaphore, #tpu.memory_space<semaphore_mem>>
      %dma_start3A_76 = arith.constant 0 : i32
      %dma_start3A_77 = tpu.memref_slice %arg8[%run_scoped3A, %dma_start3A_76] : memref<40x128xi32, #tpu.memory_space<vmem>> -> memref<1x128xi32, #tpu.memory_space<vmem>>
      %dma_start3A_78 = tpu.memref_squeeze %dma_start3A_77 : memref<1x128xi32, #tpu.memory_space<vmem>> -> memref<128xi32, #tpu.memory_space<vmem>>
      %dma_start3A_79 = arith.constant 0 : i32
      %dma_start3A_80 = arith.constant 0 : i32
      %dma_start3A_81 = tpu.memref_slice %arg11[%dma_start3A_79, %dma_start3A_80] : memref<10240x128xf32, #tpu.memory_space<vmem_shared>> -> memref<10240x128xf32, #tpu.memory_space<vmem_shared>>
      tpu.enqueue_indirect_dma source(%arg9 : memref<128x128xf32, #tpu.memory_space<vmem>>) target(%dma_start3A_81 : memref<10240x128xf32, #tpu.memory_space<vmem_shared>>) offsets(%dma_start3A_78 : memref<128xi32, #tpu.memory_space<vmem>>) semaphore(%run_scoped3A_75 : memref<!tpu.dma_semaphore, #tpu.memory_space<semaphore_mem>>) {add = true}
      %dma_wait3A_82 = arith.constant 0 : i32
      %dma_wait3A_83 = tpu.memref_slice %arg8[%run_scoped3A, %dma_wait3A_82] : memref<40x128xi32, #tpu.memory_space<vmem>> -> memref<1x128xi32, #tpu.memory_space<vmem>>
      %dma_wait3A_84 = tpu.memref_squeeze %dma_wait3A_83 : memref<1x128xi32, #tpu.memory_space<vmem>> -> memref<128xi32, #tpu.memory_space<vmem>>
      %dma_wait3A_85 = arith.constant 0 : i32
      %dma_wait3A_86 = arith.constant 0 : i32
      %dma_wait3A_87 = tpu.memref_slice %arg11[%dma_wait3A_85, %dma_wait3A_86] : memref<10240x128xf32, #tpu.memory_space<vmem_shared>> -> memref<10240x128xf32, #tpu.memory_space<vmem_shared>>
      tpu.wait_indirect_dma semaphore(%run_scoped3A_75 : memref<!tpu.dma_semaphore, #tpu.memory_space<semaphore_mem>>) src(%arg9 : memref<128x128xf32, #tpu.memory_space<vmem>>) dst(%dma_wait3A_87 : memref<10240x128xf32, #tpu.memory_space<vmem_shared>>)
      tpu.yield
    }) : () -> ()
    %dma_wait3A_31 = arith.constant 39 : i32
    %dma_wait3A_32 = arith.constant 0 : i32
    %dma_wait3A_33 = tpu.memref_slice %arg7[%dma_wait3A_31, %dma_wait3A_32] : memref<40x128xi32, #tpu.memory_space<vmem>> -> memref<1x128xi32, #tpu.memory_space<vmem>>
    %dma_wait3A_34 = tpu.memref_squeeze %dma_wait3A_33 : memref<1x128xi32, #tpu.memory_space<vmem>> -> memref<128xi32, #tpu.memory_space<vmem>>
    %dma_wait3A_35 = arith.constant 0 : i32
    %dma_wait3A_36 = arith.constant 0 : i32
    %dma_wait3A_37 = tpu.memref_slice %arg2[%dma_wait3A_35, %dma_wait3A_36] : memref<10000x128xf32, #tpu.memory_space<hbm>> -> memref<10000x128xf32, #tpu.memory_space<hbm>>
    tpu.wait_indirect_dma semaphore(%arg13 : memref<!tpu.dma_semaphore, #tpu.memory_space<semaphore_mem>>) src(%dma_wait3A_37 : memref<10000x128xf32, #tpu.memory_space<hbm>>) dst(%arg10 : memref<128x128xf32, #tpu.memory_space<vmem>>)
    %run_scoped3A_38 = arith.constant 39 : i32
    "tpu.region"() ({
      %run_scoped3A_75 = tpu.sem_alloc : memref<!tpu.dma_semaphore, #tpu.memory_space<semaphore_mem>>
      %dma_start3A_76 = arith.constant 0 : i32
      %dma_start3A_77 = tpu.memref_slice %arg8[%run_scoped3A_38, %dma_start3A_76] : memref<40x128xi32, #tpu.memory_space<vmem>> -> memref<1x128xi32, #tpu.memory_space<vmem>>
      %dma_start3A_78 = tpu.memref_squeeze %dma_start3A_77 : memref<1x128xi32, #tpu.memory_space<vmem>> -> memref<128xi32, #tpu.memory_space<vmem>>
      %dma_start3A_79 = arith.constant 0 : i32
      %dma_start3A_80 = arith.constant 0 : i32
      %dma_start3A_81 = tpu.memref_slice %arg11[%dma_start3A_79, %dma_start3A_80] : memref<10240x128xf32, #tpu.memory_space<vmem_shared>> -> memref<10240x128xf32, #tpu.memory_space<vmem_shared>>
      tpu.enqueue_indirect_dma source(%arg10 : memref<128x128xf32, #tpu.memory_space<vmem>>) target(%dma_start3A_81 : memref<10240x128xf32, #tpu.memory_space<vmem_shared>>) offsets(%dma_start3A_78 : memref<128xi32, #tpu.memory_space<vmem>>) semaphore(%run_scoped3A_75 : memref<!tpu.dma_semaphore, #tpu.memory_space<semaphore_mem>>) {add = true}
      %dma_wait3A_82 = arith.constant 0 : i32
      %dma_wait3A_83 = tpu.memref_slice %arg8[%run_scoped3A_38, %dma_wait3A_82] : memref<40x128xi32, #tpu.memory_space<vmem>> -> memref<1x128xi32, #tpu.memory_space<vmem>>
      %dma_wait3A_84 = tpu.memref_squeeze %dma_wait3A_83 : memref<1x128xi32, #tpu.memory_space<vmem>> -> memref<128xi32, #tpu.memory_space<vmem>>
      %dma_wait3A_85 = arith.constant 0 : i32
      %dma_wait3A_86 = arith.constant 0 : i32
      %dma_wait3A_87 = tpu.memref_slice %arg11[%dma_wait3A_85, %dma_wait3A_86] : memref<10240x128xf32, #tpu.memory_space<vmem_shared>> -> memref<10240x128xf32, #tpu.memory_space<vmem_shared>>
      tpu.wait_indirect_dma semaphore(%run_scoped3A_75 : memref<!tpu.dma_semaphore, #tpu.memory_space<semaphore_mem>>) src(%arg10 : memref<128x128xf32, #tpu.memory_space<vmem>>) dst(%dma_wait3A_87 : memref<10240x128xf32, #tpu.memory_space<vmem_shared>>)
      tpu.yield
    }) : () -> ()
    "tpu.region"() ({
      %run_scoped3A_75 = tpu.sem_alloc : memref<!tpu.dma_semaphore, #tpu.memory_space<semaphore_mem>>
      %dma_start3A_76 = arith.constant 40 : i32
      %dma_start3A_77 = arith.constant 0 : i32
      %dma_start3A_78 = tpu.memref_slice %arg3[%add3A, %dma_start3A_76, %dma_start3A_77] : memref<32x80x128xi32, #tpu.memory_space<hbm>> -> memref<1x40x128xi32, #tpu.memory_space<hbm>>
      %dma_start3A_79 = tpu.memref_squeeze %dma_start3A_78 : memref<1x40x128xi32, #tpu.memory_space<hbm>> -> memref<40x128xi32, #tpu.memory_space<hbm>>
      %dma_start3A_80 = arith.constant 40 : i32
      %dma_start3A_81 = arith.constant 0 : i32
      %dma_start3A_82 = tpu.memref_slice %arg3[%add3A, %dma_start3A_80, %dma_start3A_81] : memref<32x80x128xi32, #tpu.memory_space<hbm>> -> memref<1x40x128xi32, #tpu.memory_space<hbm>>
      %dma_start3A_83 = tpu.memref_squeeze %dma_start3A_82 : memref<1x40x128xi32, #tpu.memory_space<hbm>> -> memref<40x128xi32, #tpu.memory_space<hbm>>
      tpu.enqueue_dma source(%dma_start3A_83 : memref<40x128xi32, #tpu.memory_space<hbm>>) target(%arg7 : memref<40x128xi32, #tpu.memory_space<vmem>>) target_semaphore(%run_scoped3A_75 : memref<!tpu.dma_semaphore, #tpu.memory_space<semaphore_mem>>)
      %dma_wait3A_84 = arith.constant 40 : i32
      %dma_wait3A_85 = arith.constant 0 : i32
      %dma_wait3A_86 = tpu.memref_slice %arg3[%add3A, %dma_wait3A_84, %dma_wait3A_85] : memref<32x80x128xi32, #tpu.memory_space<hbm>> -> memref<1x40x128xi32, #tpu.memory_space<hbm>>
      %dma_wait3A_87 = tpu.memref_squeeze %dma_wait3A_86 : memref<1x40x128xi32, #tpu.memory_space<hbm>> -> memref<40x128xi32, #tpu.memory_space<hbm>>
      %dma_wait3A_88 = arith.constant 40 : i32
      %dma_wait3A_89 = arith.constant 0 : i32
      %dma_wait3A_90 = tpu.memref_slice %arg3[%add3A, %dma_wait3A_88, %dma_wait3A_89] : memref<32x80x128xi32, #tpu.memory_space<hbm>> -> memref<1x40x128xi32, #tpu.memory_space<hbm>>
      %dma_wait3A_91 = tpu.memref_squeeze %dma_wait3A_90 : memref<1x40x128xi32, #tpu.memory_space<hbm>> -> memref<40x128xi32, #tpu.memory_space<hbm>>
      tpu.wait_dma2 semaphore(%run_scoped3A_75 : memref<!tpu.dma_semaphore, #tpu.memory_space<semaphore_mem>>) src(%dma_wait3A_91 : memref<40x128xi32, #tpu.memory_space<hbm>>) dst(%arg7 : memref<40x128xi32, #tpu.memory_space<vmem>>)
      tpu.yield
    }) : () -> ()
    "tpu.region"() ({
      %run_scoped3A_75 = tpu.sem_alloc : memref<!tpu.dma_semaphore, #tpu.memory_space<semaphore_mem>>
      %dma_start3A_76 = arith.constant 40 : i32
      %dma_start3A_77 = arith.constant 0 : i32
      %dma_start3A_78 = tpu.memref_slice %arg4[%add3A, %dma_start3A_76, %dma_start3A_77] : memref<32x80x128xi32, #tpu.memory_space<hbm>> -> memref<1x40x128xi32, #tpu.memory_space<hbm>>
      %dma_start3A_79 = tpu.memref_squeeze %dma_start3A_78 : memref<1x40x128xi32, #tpu.memory_space<hbm>> -> memref<40x128xi32, #tpu.memory_space<hbm>>
      %dma_start3A_80 = arith.constant 40 : i32
      %dma_start3A_81 = arith.constant 0 : i32
      %dma_start3A_82 = tpu.memref_slice %arg4[%add3A, %dma_start3A_80, %dma_start3A_81] : memref<32x80x128xi32, #tpu.memory_space<hbm>> -> memref<1x40x128xi32, #tpu.memory_space<hbm>>
      %dma_start3A_83 = tpu.memref_squeeze %dma_start3A_82 : memref<1x40x128xi32, #tpu.memory_space<hbm>> -> memref<40x128xi32, #tpu.memory_space<hbm>>
      tpu.enqueue_dma source(%dma_start3A_83 : memref<40x128xi32, #tpu.memory_space<hbm>>) target(%arg8 : memref<40x128xi32, #tpu.memory_space<vmem>>) target_semaphore(%run_scoped3A_75 : memref<!tpu.dma_semaphore, #tpu.memory_space<semaphore_mem>>)
      %dma_wait3A_84 = arith.constant 40 : i32
      %dma_wait3A_85 = arith.constant 0 : i32
      %dma_wait3A_86 = tpu.memref_slice %arg4[%add3A, %dma_wait3A_84, %dma_wait3A_85] : memref<32x80x128xi32, #tpu.memory_space<hbm>> -> memref<1x40x128xi32, #tpu.memory_space<hbm>>
      %dma_wait3A_87 = tpu.memref_squeeze %dma_wait3A_86 : memref<1x40x128xi32, #tpu.memory_space<hbm>> -> memref<40x128xi32, #tpu.memory_space<hbm>>
      %dma_wait3A_88 = arith.constant 40 : i32
      %dma_wait3A_89 = arith.constant 0 : i32
      %dma_wait3A_90 = tpu.memref_slice %arg4[%add3A, %dma_wait3A_88, %dma_wait3A_89] : memref<32x80x128xi32, #tpu.memory_space<hbm>> -> memref<1x40x128xi32, #tpu.memory_space<hbm>>
      %dma_wait3A_91 = tpu.memref_squeeze %dma_wait3A_90 : memref<1x40x128xi32, #tpu.memory_space<hbm>> -> memref<40x128xi32, #tpu.memory_space<hbm>>
      tpu.wait_dma2 semaphore(%run_scoped3A_75 : memref<!tpu.dma_semaphore, #tpu.memory_space<semaphore_mem>>) src(%dma_wait3A_91 : memref<40x128xi32, #tpu.memory_space<hbm>>) dst(%arg8 : memref<40x128xi32, #tpu.memory_space<vmem>>)
      tpu.yield
    }) : () -> ()
    %dma_start3A_39 = arith.constant 0 : i32
    %dma_start3A_40 = arith.constant 0 : i32
    %dma_start3A_41 = tpu.memref_slice %arg7[%dma_start3A_39, %dma_start3A_40] : memref<40x128xi32, #tpu.memory_space<vmem>> -> memref<1x128xi32, #tpu.memory_space<vmem>>
    %dma_start3A_42 = tpu.memref_squeeze %dma_start3A_41 : memref<1x128xi32, #tpu.memory_space<vmem>> -> memref<128xi32, #tpu.memory_space<vmem>>
    %dma_start3A_43 = arith.constant 0 : i32
    %dma_start3A_44 = arith.constant 0 : i32
    %dma_start3A_45 = tpu.memref_slice %arg2[%dma_start3A_43, %dma_start3A_44] : memref<10000x128xf32, #tpu.memory_space<hbm>> -> memref<10000x128xf32, #tpu.memory_space<hbm>>
    tpu.enqueue_indirect_dma source(%dma_start3A_45 : memref<10000x128xf32, #tpu.memory_space<hbm>>) target(%arg9 : memref<128x128xf32, #tpu.memory_space<vmem>>) offsets(%dma_start3A_42 : memref<128xi32, #tpu.memory_space<vmem>>) semaphore(%arg12 : memref<!tpu.dma_semaphore, #tpu.memory_space<semaphore_mem>>)
    %scan3A_46 = arith.constant 0 : i32
    %scan3A_47 = arith.constant 19 : i32
    %scan3A_48 = arith.addi %scan3A_46, %scan3A_47 : i32
    %scan3A_49 = arith.constant 1 : i32
    scf.for %scan3A_75 = %scan3A_46 to %scan3A_48 step %scan3A_49  : i32 {
      %mul3A_76 = arith.constant 2 : i32
      %mul3A_77 = arith.muli %scan3A_75, %mul3A_76 : i32
      %add3A_78 = arith.constant 0 : i32
      %add3A_79 = arith.addi %add3A_78, %mul3A_77 : i32
      %add3A_80 = arith.constant 1 : i32
      %add3A_81 = arith.addi %add3A_79, %add3A_80 : i32
      %dma_start3A_82 = arith.constant 0 : i32
      %dma_start3A_83 = tpu.memref_slice %arg7[%add3A_81, %dma_start3A_82] : memref<40x128xi32, #tpu.memory_space<vmem>> -> memref<1x128xi32, #tpu.memory_space<vmem>>
      %dma_start3A_84 = tpu.memref_squeeze %dma_start3A_83 : memref<1x128xi32, #tpu.memory_space<vmem>> -> memref<128xi32, #tpu.memory_space<vmem>>
      %dma_start3A_85 = arith.constant 0 : i32
      %dma_start3A_86 = arith.constant 0 : i32
      %dma_start3A_87 = tpu.memref_slice %arg2[%dma_start3A_85, %dma_start3A_86] : memref<10000x128xf32, #tpu.memory_space<hbm>> -> memref<10000x128xf32, #tpu.memory_space<hbm>>
      tpu.enqueue_indirect_dma source(%dma_start3A_87 : memref<10000x128xf32, #tpu.memory_space<hbm>>) target(%arg10 : memref<128x128xf32, #tpu.memory_space<vmem>>) offsets(%dma_start3A_84 : memref<128xi32, #tpu.memory_space<vmem>>) semaphore(%arg13 : memref<!tpu.dma_semaphore, #tpu.memory_space<semaphore_mem>>)
      %dma_wait3A_88 = arith.constant 0 : i32
      %dma_wait3A_89 = tpu.memref_slice %arg7[%add3A_79, %dma_wait3A_88] : memref<40x128xi32, #tpu.memory_space<vmem>> -> memref<1x128xi32, #tpu.memory_space<vmem>>
      %dma_wait3A_90 = tpu.memref_squeeze %dma_wait3A_89 : memref<1x128xi32, #tpu.memory_space<vmem>> -> memref<128xi32, #tpu.memory_space<vmem>>
      %dma_wait3A_91 = arith.constant 0 : i32
      %dma_wait3A_92 = arith.constant 0 : i32
      %dma_wait3A_93 = tpu.memref_slice %arg2[%dma_wait3A_91, %dma_wait3A_92] : memref<10000x128xf32, #tpu.memory_space<hbm>> -> memref<10000x128xf32, #tpu.memory_space<hbm>>
      tpu.wait_indirect_dma semaphore(%arg12 : memref<!tpu.dma_semaphore, #tpu.memory_space<semaphore_mem>>) src(%dma_wait3A_93 : memref<10000x128xf32, #tpu.memory_space<hbm>>) dst(%arg9 : memref<128x128xf32, #tpu.memory_space<vmem>>)
      "tpu.region"() ({
        %run_scoped3A_112 = tpu.sem_alloc : memref<!tpu.dma_semaphore, #tpu.memory_space<semaphore_mem>>
        %dma_start3A_113 = arith.constant 0 : i32
        %dma_start3A_114 = tpu.memref_slice %arg8[%add3A_79, %dma_start3A_113] : memref<40x128xi32, #tpu.memory_space<vmem>> -> memref<1x128xi32, #tpu.memory_space<vmem>>
        %dma_start3A_115 = tpu.memref_squeeze %dma_start3A_114 : memref<1x128xi32, #tpu.memory_space<vmem>> -> memref<128xi32, #tpu.memory_space<vmem>>
        %dma_start3A_116 = arith.constant 0 : i32
        %dma_start3A_117 = arith.constant 0 : i32
        %dma_start3A_118 = tpu.memref_slice %arg11[%dma_start3A_116, %dma_start3A_117] : memref<10240x128xf32, #tpu.memory_space<vmem_shared>> -> memref<10240x128xf32, #tpu.memory_space<vmem_shared>>
        tpu.enqueue_indirect_dma source(%arg9 : memref<128x128xf32, #tpu.memory_space<vmem>>) target(%dma_start3A_118 : memref<10240x128xf32, #tpu.memory_space<vmem_shared>>) offsets(%dma_start3A_115 : memref<128xi32, #tpu.memory_space<vmem>>) semaphore(%run_scoped3A_112 : memref<!tpu.dma_semaphore, #tpu.memory_space<semaphore_mem>>) {add = true}
        %dma_wait3A_119 = arith.constant 0 : i32
        %dma_wait3A_120 = tpu.memref_slice %arg8[%add3A_79, %dma_wait3A_119] : memref<40x128xi32, #tpu.memory_space<vmem>> -> memref<1x128xi32, #tpu.memory_space<vmem>>
        %dma_wait3A_121 = tpu.memref_squeeze %dma_wait3A_120 : memref<1x128xi32, #tpu.memory_space<vmem>> -> memref<128xi32, #tpu.memory_space<vmem>>
        %dma_wait3A_122 = arith.constant 0 : i32
        %dma_wait3A_123 = arith.constant 0 : i32
        %dma_wait3A_124 = tpu.memref_slice %arg11[%dma_wait3A_122, %dma_wait3A_123] : memref<10240x128xf32, #tpu.memory_space<vmem_shared>> -> memref<10240x128xf32, #tpu.memory_space<vmem_shared>>
        tpu.wait_indirect_dma semaphore(%run_scoped3A_112 : memref<!tpu.dma_semaphore, #tpu.memory_space<semaphore_mem>>) src(%arg9 : memref<128x128xf32, #tpu.memory_space<vmem>>) dst(%dma_wait3A_124 : memref<10240x128xf32, #tpu.memory_space<vmem_shared>>)
        tpu.yield
      }) : () -> ()
      %add3A_94 = arith.constant 2 : i32
      %add3A_95 = arith.addi %add3A_79, %add3A_94 : i32
      %dma_start3A_96 = arith.constant 0 : i32
      %dma_start3A_97 = tpu.memref_slice %arg7[%add3A_95, %dma_start3A_96] : memref<40x128xi32, #tpu.memory_space<vmem>> -> memref<1x128xi32, #tpu.memory_space<vmem>>
      %dma_start3A_98 = tpu.memref_squeeze %dma_start3A_97 : memref<1x128xi32, #tpu.memory_space<vmem>> -> memref<128xi32, #tpu.memory_space<vmem>>
      %dma_start3A_99 = arith.constant 0 : i32
      %dma_start3A_100 = arith.constant 0 : i32
      %dma_start3A_101 = tpu.memref_slice %arg2[%dma_start3A_99, %dma_start3A_100] : memref<10000x128xf32, #tpu.memory_space<hbm>> -> memref<10000x128xf32, #tpu.memory_space<hbm>>
      tpu.enqueue_indirect_dma source(%dma_start3A_101 : memref<10000x128xf32, #tpu.memory_space<hbm>>) target(%arg9 : memref<128x128xf32, #tpu.memory_space<vmem>>) offsets(%dma_start3A_98 : memref<128xi32, #tpu.memory_space<vmem>>) semaphore(%arg12 : memref<!tpu.dma_semaphore, #tpu.memory_space<semaphore_mem>>)
      %add3A_102 = arith.constant 1 : i32
      %add3A_103 = arith.addi %add3A_79, %add3A_102 : i32
      %dma_wait3A_104 = arith.constant 0 : i32
      %dma_wait3A_105 = tpu.memref_slice %arg7[%add3A_103, %dma_wait3A_104] : memref<40x128xi32, #tpu.memory_space<vmem>> -> memref<1x128xi32, #tpu.memory_space<vmem>>
      %dma_wait3A_106 = tpu.memref_squeeze %dma_wait3A_105 : memref<1x128xi32, #tpu.memory_space<vmem>> -> memref<128xi32, #tpu.memory_space<vmem>>
      %dma_wait3A_107 = arith.constant 0 : i32
      %dma_wait3A_108 = arith.constant 0 : i32
      %dma_wait3A_109 = tpu.memref_slice %arg2[%dma_wait3A_107, %dma_wait3A_108] : memref<10000x128xf32, #tpu.memory_space<hbm>> -> memref<10000x128xf32, #tpu.memory_space<hbm>>
      tpu.wait_indirect_dma semaphore(%arg13 : memref<!tpu.dma_semaphore, #tpu.memory_space<semaphore_mem>>) src(%dma_wait3A_109 : memref<10000x128xf32, #tpu.memory_space<hbm>>) dst(%arg10 : memref<128x128xf32, #tpu.memory_space<vmem>>)
      %add3A_110 = arith.constant 1 : i32
      %add3A_111 = arith.addi %add3A_79, %add3A_110 : i32
      "tpu.region"() ({
        %run_scoped3A_112 = tpu.sem_alloc : memref<!tpu.dma_semaphore, #tpu.memory_space<semaphore_mem>>
        %dma_start3A_113 = arith.constant 0 : i32
        %dma_start3A_114 = tpu.memref_slice %arg8[%add3A_111, %dma_start3A_113] : memref<40x128xi32, #tpu.memory_space<vmem>> -> memref<1x128xi32, #tpu.memory_space<vmem>>
        %dma_start3A_115 = tpu.memref_squeeze %dma_start3A_114 : memref<1x128xi32, #tpu.memory_space<vmem>> -> memref<128xi32, #tpu.memory_space<vmem>>
        %dma_start3A_116 = arith.constant 0 : i32
        %dma_start3A_117 = arith.constant 0 : i32
        %dma_start3A_118 = tpu.memref_slice %arg11[%dma_start3A_116, %dma_start3A_117] : memref<10240x128xf32, #tpu.memory_space<vmem_shared>> -> memref<10240x128xf32, #tpu.memory_space<vmem_shared>>
        tpu.enqueue_indirect_dma source(%arg10 : memref<128x128xf32, #tpu.memory_space<vmem>>) target(%dma_start3A_118 : memref<10240x128xf32, #tpu.memory_space<vmem_shared>>) offsets(%dma_start3A_115 : memref<128xi32, #tpu.memory_space<vmem>>) semaphore(%run_scoped3A_112 : memref<!tpu.dma_semaphore, #tpu.memory_space<semaphore_mem>>) {add = true}
        %dma_wait3A_119 = arith.constant 0 : i32
        %dma_wait3A_120 = tpu.memref_slice %arg8[%add3A_111, %dma_wait3A_119] : memref<40x128xi32, #tpu.memory_space<vmem>> -> memref<1x128xi32, #tpu.memory_space<vmem>>
        %dma_wait3A_121 = tpu.memref_squeeze %dma_wait3A_120 : memref<1x128xi32, #tpu.memory_space<vmem>> -> memref<128xi32, #tpu.memory_space<vmem>>
        %dma_wait3A_122 = arith.constant 0 : i32
        %dma_wait3A_123 = arith.constant 0 : i32
        %dma_wait3A_124 = tpu.memref_slice %arg11[%dma_wait3A_122, %dma_wait3A_123] : memref<10240x128xf32, #tpu.memory_space<vmem_shared>> -> memref<10240x128xf32, #tpu.memory_space<vmem_shared>>
        tpu.wait_indirect_dma semaphore(%run_scoped3A_112 : memref<!tpu.dma_semaphore, #tpu.memory_space<semaphore_mem>>) src(%arg10 : memref<128x128xf32, #tpu.memory_space<vmem>>) dst(%dma_wait3A_124 : memref<10240x128xf32, #tpu.memory_space<vmem_shared>>)
        tpu.yield
      }) : () -> ()
    }
    %scan3A_50 = arith.constant 19 : i32
    %dma_start3A_51 = arith.constant 39 : i32
    %dma_start3A_52 = arith.constant 0 : i32
    %dma_start3A_53 = tpu.memref_slice %arg7[%dma_start3A_51, %dma_start3A_52] : memref<40x128xi32, #tpu.memory_space<vmem>> -> memref<1x128xi32, #tpu.memory_space<vmem>>
    %dma_start3A_54 = tpu.memref_squeeze %dma_start3A_53 : memref<1x128xi32, #tpu.memory_space<vmem>> -> memref<128xi32, #tpu.memory_space<vmem>>
    %dma_start3A_55 = arith.constant 0 : i32
    %dma_start3A_56 = arith.constant 0 : i32
    %dma_start3A_57 = tpu.memref_slice %arg2[%dma_start3A_55, %dma_start3A_56] : memref<10000x128xf32, #tpu.memory_space<hbm>> -> memref<10000x128xf32, #tpu.memory_space<hbm>>
    tpu.enqueue_indirect_dma source(%dma_start3A_57 : memref<10000x128xf32, #tpu.memory_space<hbm>>) target(%arg10 : memref<128x128xf32, #tpu.memory_space<vmem>>) offsets(%dma_start3A_54 : memref<128xi32, #tpu.memory_space<vmem>>) semaphore(%arg13 : memref<!tpu.dma_semaphore, #tpu.memory_space<semaphore_mem>>)
    %dma_wait3A_58 = arith.constant 38 : i32
    %dma_wait3A_59 = arith.constant 0 : i32
    %dma_wait3A_60 = tpu.memref_slice %arg7[%dma_wait3A_58, %dma_wait3A_59] : memref<40x128xi32, #tpu.memory_space<vmem>> -> memref<1x128xi32, #tpu.memory_space<vmem>>
    %dma_wait3A_61 = tpu.memref_squeeze %dma_wait3A_60 : memref<1x128xi32, #tpu.memory_space<vmem>> -> memref<128xi32, #tpu.memory_space<vmem>>
    %dma_wait3A_62 = arith.constant 0 : i32
    %dma_wait3A_63 = arith.constant 0 : i32
    %dma_wait3A_64 = tpu.memref_slice %arg2[%dma_wait3A_62, %dma_wait3A_63] : memref<10000x128xf32, #tpu.memory_space<hbm>> -> memref<10000x128xf32, #tpu.memory_space<hbm>>
    tpu.wait_indirect_dma semaphore(%arg12 : memref<!tpu.dma_semaphore, #tpu.memory_space<semaphore_mem>>) src(%dma_wait3A_64 : memref<10000x128xf32, #tpu.memory_space<hbm>>) dst(%arg9 : memref<128x128xf32, #tpu.memory_space<vmem>>)
    %run_scoped3A_65 = arith.constant 38 : i32
    "tpu.region"() ({
      %run_scoped3A_75 = tpu.sem_alloc : memref<!tpu.dma_semaphore, #tpu.memory_space<semaphore_mem>>
      %dma_start3A_76 = arith.constant 0 : i32
      %dma_start3A_77 = tpu.memref_slice %arg8[%run_scoped3A_65, %dma_start3A_76] : memref<40x128xi32, #tpu.memory_space<vmem>> -> memref<1x128xi32, #tpu.memory_space<vmem>>
      %dma_start3A_78 = tpu.memref_squeeze %dma_start3A_77 : memref<1x128xi32, #tpu.memory_space<vmem>> -> memref<128xi32, #tpu.memory_space<vmem>>
      %dma_start3A_79 = arith.constant 0 : i32
      %dma_start3A_80 = arith.constant 0 : i32
      %dma_start3A_81 = tpu.memref_slice %arg11[%dma_start3A_79, %dma_start3A_80] : memref<10240x128xf32, #tpu.memory_space<vmem_shared>> -> memref<10240x128xf32, #tpu.memory_space<vmem_shared>>
      tpu.enqueue_indirect_dma source(%arg9 : memref<128x128xf32, #tpu.memory_space<vmem>>) target(%dma_start3A_81 : memref<10240x128xf32, #tpu.memory_space<vmem_shared>>) offsets(%dma_start3A_78 : memref<128xi32, #tpu.memory_space<vmem>>) semaphore(%run_scoped3A_75 : memref<!tpu.dma_semaphore, #tpu.memory_space<semaphore_mem>>) {add = true}
      %dma_wait3A_82 = arith.constant 0 : i32
      %dma_wait3A_83 = tpu.memref_slice %arg8[%run_scoped3A_65, %dma_wait3A_82] : memref<40x128xi32, #tpu.memory_space<vmem>> -> memref<1x128xi32, #tpu.memory_space<vmem>>
      %dma_wait3A_84 = tpu.memref_squeeze %dma_wait3A_83 : memref<1x128xi32, #tpu.memory_space<vmem>> -> memref<128xi32, #tpu.memory_space<vmem>>
      %dma_wait3A_85 = arith.constant 0 : i32
      %dma_wait3A_86 = arith.constant 0 : i32
      %dma_wait3A_87 = tpu.memref_slice %arg11[%dma_wait3A_85, %dma_wait3A_86] : memref<10240x128xf32, #tpu.memory_space<vmem_shared>> -> memref<10240x128xf32, #tpu.memory_space<vmem_shared>>
      tpu.wait_indirect_dma semaphore(%run_scoped3A_75 : memref<!tpu.dma_semaphore, #tpu.memory_space<semaphore_mem>>) src(%arg9 : memref<128x128xf32, #tpu.memory_space<vmem>>) dst(%dma_wait3A_87 : memref<10240x128xf32, #tpu.memory_space<vmem_shared>>)
      tpu.yield
    }) : () -> ()
    %dma_wait3A_66 = arith.constant 39 : i32
    %dma_wait3A_67 = arith.constant 0 : i32
    %dma_wait3A_68 = tpu.memref_slice %arg7[%dma_wait3A_66, %dma_wait3A_67] : memref<40x128xi32, #tpu.memory_space<vmem>> -> memref<1x128xi32, #tpu.memory_space<vmem>>
    %dma_wait3A_69 = tpu.memref_squeeze %dma_wait3A_68 : memref<1x128xi32, #tpu.memory_space<vmem>> -> memref<128xi32, #tpu.memory_space<vmem>>
    %dma_wait3A_70 = arith.constant 0 : i32
    %dma_wait3A_71 = arith.constant 0 : i32
    %dma_wait3A_72 = tpu.memref_slice %arg2[%dma_wait3A_70, %dma_wait3A_71] : memref<10000x128xf32, #tpu.memory_space<hbm>> -> memref<10000x128xf32, #tpu.memory_space<hbm>>
    tpu.wait_indirect_dma semaphore(%arg13 : memref<!tpu.dma_semaphore, #tpu.memory_space<semaphore_mem>>) src(%dma_wait3A_72 : memref<10000x128xf32, #tpu.memory_space<hbm>>) dst(%arg10 : memref<128x128xf32, #tpu.memory_space<vmem>>)
    %run_scoped3A_73 = arith.constant 39 : i32
    "tpu.region"() ({
      %run_scoped3A_75 = tpu.sem_alloc : memref<!tpu.dma_semaphore, #tpu.memory_space<semaphore_mem>>
      %dma_start3A_76 = arith.constant 0 : i32
      %dma_start3A_77 = tpu.memref_slice %arg8[%run_scoped3A_73, %dma_start3A_76] : memref<40x128xi32, #tpu.memory_space<vmem>> -> memref<1x128xi32, #tpu.memory_space<vmem>>
      %dma_start3A_78 = tpu.memref_squeeze %dma_start3A_77 : memref<1x128xi32, #tpu.memory_space<vmem>> -> memref<128xi32, #tpu.memory_space<vmem>>
      %dma_start3A_79 = arith.constant 0 : i32
      %dma_start3A_80 = arith.constant 0 : i32
      %dma_start3A_81 = tpu.memref_slice %arg11[%dma_start3A_79, %dma_start3A_80] : memref<10240x128xf32, #tpu.memory_space<vmem_shared>> -> memref<10240x128xf32, #tpu.memory_space<vmem_shared>>
      tpu.enqueue_indirect_dma source(%arg10 : memref<128x128xf32, #tpu.memory_space<vmem>>) target(%dma_start3A_81 : memref<10240x128xf32, #tpu.memory_space<vmem_shared>>) offsets(%dma_start3A_78 : memref<128xi32, #tpu.memory_space<vmem>>) semaphore(%run_scoped3A_75 : memref<!tpu.dma_semaphore, #tpu.memory_space<semaphore_mem>>) {add = true}
      %dma_wait3A_82 = arith.constant 0 : i32
      %dma_wait3A_83 = tpu.memref_slice %arg8[%run_scoped3A_73, %dma_wait3A_82] : memref<40x128xi32, #tpu.memory_space<vmem>> -> memref<1x128xi32, #tpu.memory_space<vmem>>
      %dma_wait3A_84 = tpu.memref_squeeze %dma_wait3A_83 : memref<1x128xi32, #tpu.memory_space<vmem>> -> memref<128xi32, #tpu.memory_space<vmem>>
      %dma_wait3A_85 = arith.constant 0 : i32
      %dma_wait3A_86 = arith.constant 0 : i32
      %dma_wait3A_87 = tpu.memref_slice %arg11[%dma_wait3A_85, %dma_wait3A_86] : memref<10240x128xf32, #tpu.memory_space<vmem_shared>> -> memref<10240x128xf32, #tpu.memory_space<vmem_shared>>
      tpu.wait_indirect_dma semaphore(%run_scoped3A_75 : memref<!tpu.dma_semaphore, #tpu.memory_space<semaphore_mem>>) src(%arg10 : memref<128x128xf32, #tpu.memory_space<vmem>>) dst(%dma_wait3A_87 : memref<10240x128xf32, #tpu.memory_space<vmem_shared>>)
      tpu.yield
    }) : () -> ()
    %barrier3A_74 = arith.constant 0 : index
    tpu.barrier barrier_id(%barrier3A_74)
    "tpu.region"() ({
      %run_scoped3A_75 = tpu.sem_alloc : memref<!tpu.dma_semaphore, #tpu.memory_space<semaphore_mem>>
      %dma_start3A_76 = arith.constant 0 : i32
      %dma_start3A_77 = tpu.memref_slice %arg6[%arg0, %mul3A_2, %dma_start3A_76] : memref<2x10240x128xf32, #tpu.memory_space<hbm>> -> memref<1x640x128xf32, #tpu.memory_space<hbm>>
      %dma_start3A_78 = tpu.memref_squeeze %dma_start3A_77 : memref<1x640x128xf32, #tpu.memory_space<hbm>> -> memref<640x128xf32, #tpu.memory_space<hbm>>
      %dma_start3A_79 = arith.constant 0 : i32
      %dma_start3A_80 = tpu.memref_slice %arg11[%mul3A_2, %dma_start3A_79] : memref<10240x128xf32, #tpu.memory_space<vmem_shared>> -> memref<640x128xf32, #tpu.memory_space<vmem_shared>>
      tpu.enqueue_dma source(%dma_start3A_80 : memref<640x128xf32, #tpu.memory_space<vmem_shared>>) target(%dma_start3A_78 : memref<640x128xf32, #tpu.memory_space<hbm>>) target_semaphore(%run_scoped3A_75 : memref<!tpu.dma_semaphore, #tpu.memory_space<semaphore_mem>>)
      %dma_wait3A_81 = arith.constant 0 : i32
      %dma_wait3A_82 = tpu.memref_slice %arg6[%arg0, %mul3A_2, %dma_wait3A_81] : memref<2x10240x128xf32, #tpu.memory_space<hbm>> -> memref<1x640x128xf32, #tpu.memory_space<hbm>>
      %dma_wait3A_83 = tpu.memref_squeeze %dma_wait3A_82 : memref<1x640x128xf32, #tpu.memory_space<hbm>> -> memref<640x128xf32, #tpu.memory_space<hbm>>
      %dma_wait3A_84 = arith.constant 0 : i32
      %dma_wait3A_85 = tpu.memref_slice %arg11[%mul3A_2, %dma_wait3A_84] : memref<10240x128xf32, #tpu.memory_space<vmem_shared>> -> memref<640x128xf32, #tpu.memory_space<vmem_shared>>
      tpu.wait_dma2 semaphore(%run_scoped3A_75 : memref<!tpu.dma_semaphore, #tpu.memory_space<semaphore_mem>>) src(%dma_wait3A_85 : memref<640x128xf32, #tpu.memory_space<vmem_shared>>) dst(%dma_wait3A_83 : memref<640x128xf32, #tpu.memory_space<hbm>>)
      tpu.yield
    }) : () -> ()
    return
  }
}

module attributes {stable_mosaic.version = 14 : i64} {
  func.func @_mm_first_body(%arg0: i32, %arg1: memref<2000x128xf32, #tpu.memory_space<vmem>>, %arg2: memref<2x2000x128xf32, #tpu.memory_space<vmem>>, %arg3: memref<128x128xf32, #tpu.memory_space<vmem>>, %arg4: memref<2000x128xf32, #tpu.memory_space<vmem>>) attributes {dimension_semantics = [#tpu.dimension_semantics<arbitrary>], iteration_bounds = array<i64: 5>, scalar_prefetch = 0 : i64, scratch_operands = 0 : i64, tpu.core_type = #tpu.core_type<tc>, window_params = [{transform_indices = @transform_0, window_bounds = array<i64: 2000, 128>}, {transform_indices = @transform_1, window_bounds = array<i64: 2, 2000, 128>}, {pipeline_mode = #tpu.pipeline_mode<synchronous>, transform_indices = @transform_2, window_bounds = array<i64: 128, 128>}, {transform_indices = @transform_3, window_bounds = array<i64: 2000, 128>}]} {
    %get3A = arith.constant 0 : index
    %get3A_0 = arith.constant 0 : index
    %get3A_1 = arith.constant 0 : index
    %get3A_2 = vector.load %arg2[%get3A, %get3A_0, %get3A_1] : memref<2x2000x128xf32, #tpu.memory_space<vmem>>, vector<2x2000x128xf32>
    %slice3A = vector.extract_strided_slice %get3A_2 {offsets = [0, 0, 0], sizes = [1, 2000, 1], strides = [1, 1, 1]} : vector<2x2000x128xf32> to vector<1x2000x1xf32>
    %squeeze3A = vector.shape_cast %slice3A : vector<1x2000x1xf32> to vector<2000x1xf32>
    %add3A = arith.constant 1.000000e+00 : f32
    %add3A_3 = vector.broadcast %add3A : f32 to vector<2000x1xf32>
    %add3A_4 = arith.addf %add3A_3, %squeeze3A : vector<2000x1xf32>
    %slice3A_5 = vector.extract_strided_slice %get3A_2 {offsets = [1, 0, 0], sizes = [1, 2000, 1], strides = [1, 1, 1]} : vector<2x2000x128xf32> to vector<1x2000x1xf32>
    %squeeze3A_6 = vector.shape_cast %slice3A_5 : vector<1x2000x1xf32> to vector<2000x1xf32>
    %add3A_7 = arith.addf %add3A_4, %squeeze3A_6 : vector<2000x1xf32>
    %sqrt3A = math.sqrt %add3A_7 : vector<2000x1xf32>
    %div3A = arith.constant 1.000000e+00 : f32
    %div3A_8 = vector.broadcast %div3A : f32 to vector<2000x1xf32>
    %div3A_9 = arith.divf %div3A_8, %sqrt3A : vector<2000x1xf32>
    %get3A_10 = arith.constant 0 : index
    %get3A_11 = arith.constant 0 : index
    %get3A_12 = vector.load %arg1[%get3A_10, %get3A_11] : memref<2000x128xf32, #tpu.memory_space<vmem>>, vector<2000x128xf32>
    %get3A_13 = arith.constant 0 : index
    %get3A_14 = arith.constant 0 : index
    %get3A_15 = vector.load %arg3[%get3A_13, %get3A_14] : memref<128x128xf32, #tpu.memory_space<vmem>>, vector<128x128xf32>
    %dot_general3A = arith.constant dense<0.000000e+00> : vector<2000x128xf32>
    %dot_general3A_16 = tpu.matmul %get3A_12, %get3A_15, %dot_general3A {dimension_numbers = #tpu.dot_dimension_numbers<[1], [0], [0], [1], [0, 0, 1, 1], [], []>, transpose_lhs_hint = false} : vector<2000x128xf32>, vector<128x128xf32>, vector<2000x128xf32> -> vector<2000x128xf32>
    %mul3A = vector.broadcast %div3A_9 : vector<2000x1xf32> to vector<2000x128xf32>
    %mul3A_17 = arith.mulf %mul3A, %dot_general3A_16 : vector<2000x128xf32>
    %swap3A = arith.constant 0 : index
    %swap3A_18 = arith.constant 0 : index
    %swap3A_19 = vector.load %arg4[%swap3A, %swap3A_18] : memref<2000x128xf32, #tpu.memory_space<vmem>>, vector<2000x128xf32>
    tpu.vector_store %arg4[%swap3A, %swap3A_18], %mul3A_17 {strides = array<i32>} : memref<2000x128xf32, #tpu.memory_space<vmem>>, vector<2000x128xf32>,
    return
  }
  func.func @transform_0(%arg0: i32) -> (i32, i32) {
    %c0_i32 = arith.constant 0 : i32
    %c0_i32_0 = arith.constant 0 : i32
    return %arg0, %c0_i32 : i32, i32
  }
  func.func @transform_1(%arg0: i32) -> (i32, i32, i32) {
    %c0_i32 = arith.constant 0 : i32
    %c0_i32_0 = arith.constant 0 : i32
    %c0_i32_1 = arith.constant 0 : i32
    return %c0_i32, %arg0, %c0_i32_0 : i32, i32, i32
  }
  func.func @transform_2(%arg0: i32) -> (i32, i32) {
    %c0_i32 = arith.constant 0 : i32
    %c0_i32_0 = arith.constant 0 : i32
    %c0_i32_1 = arith.constant 0 : i32
    return %c0_i32, %c0_i32_0 : i32, i32
  }
  func.func @transform_3(%arg0: i32) -> (i32, i32) {
    %c0_i32 = arith.constant 0 : i32
    %c0_i32_0 = arith.constant 0 : i32
    return %arg0, %c0_i32 : i32, i32
  }
}

module attributes {stable_mosaic.version = 14 : i64} {
  func.func @_layer_body(%arg0: i32, %arg1: memref<2x2000x128xf32, #tpu.memory_space<vmem>>, %arg2: memref<2000x128xf32, #tpu.memory_space<vmem>>, %arg3: memref<2x2000x128xf32, #tpu.memory_space<vmem>>, %arg4: memref<1x128xf32, #tpu.memory_space<vmem>>, %arg5: memref<128x128xf32, #tpu.memory_space<vmem>>, %arg6: memref<2000x128xf32, #tpu.memory_space<vmem>>) attributes {dimension_semantics = [#tpu.dimension_semantics<arbitrary>], iteration_bounds = array<i64: 5>, scalar_prefetch = 0 : i64, scratch_operands = 0 : i64, tpu.core_type = #tpu.core_type<tc>, window_params = [{transform_indices = @transform_0, window_bounds = array<i64: 2, 2000, 128>}, {transform_indices = @transform_1, window_bounds = array<i64: 2000, 128>}, {transform_indices = @transform_2, window_bounds = array<i64: 2, 2000, 128>}, {pipeline_mode = #tpu.pipeline_mode<synchronous>, transform_indices = @transform_3, window_bounds = array<i64: 1, 128>}, {pipeline_mode = #tpu.pipeline_mode<synchronous>, transform_indices = @transform_4, window_bounds = array<i64: 128, 128>}, {transform_indices = @transform_5, window_bounds = array<i64: 2000, 128>}]} {
    %get3A = arith.constant 0 : index
    %get3A_0 = arith.constant 0 : index
    %get3A_1 = arith.constant 0 : index
    %get3A_2 = vector.load %arg3[%get3A, %get3A_0, %get3A_1] : memref<2x2000x128xf32, #tpu.memory_space<vmem>>, vector<2x2000x128xf32>
    %slice3A = vector.extract_strided_slice %get3A_2 {offsets = [0, 0, 0], sizes = [1, 2000, 1], strides = [1, 1, 1]} : vector<2x2000x128xf32> to vector<1x2000x1xf32>
    %squeeze3A = vector.shape_cast %slice3A : vector<1x2000x1xf32> to vector<2000x1xf32>
    %add3A = arith.constant 1.000000e+00 : f32
    %add3A_3 = vector.broadcast %add3A : f32 to vector<2000x1xf32>
    %add3A_4 = arith.addf %add3A_3, %squeeze3A : vector<2000x1xf32>
    %slice3A_5 = vector.extract_strided_slice %get3A_2 {offsets = [1, 0, 0], sizes = [1, 2000, 1], strides = [1, 1, 1]} : vector<2x2000x128xf32> to vector<1x2000x1xf32>
    %squeeze3A_6 = vector.shape_cast %slice3A_5 : vector<1x2000x1xf32> to vector<2000x1xf32>
    %add3A_7 = arith.addf %add3A_4, %squeeze3A_6 : vector<2000x1xf32>
    %sqrt3A = math.sqrt %add3A_7 : vector<2000x1xf32>
    %div3A = arith.constant 1.000000e+00 : f32
    %div3A_8 = vector.broadcast %div3A : f32 to vector<2000x1xf32>
    %div3A_9 = arith.divf %div3A_8, %sqrt3A : vector<2000x1xf32>
    %get3A_10 = arith.constant 0 : index
    %get3A_11 = arith.constant 0 : index
    %get3A_12 = arith.constant 0 : index
    %get3A_13 = vector.load %arg1[%get3A_10, %get3A_11, %get3A_12] : memref<2x2000x128xf32, #tpu.memory_space<vmem>>, vector<1x2000x128xf32>
    %get3A_14 = vector.shape_cast %get3A_13 : vector<1x2000x128xf32> to vector<2000x128xf32>
    %get3A_15 = arith.constant 1 : index
    %get3A_16 = arith.constant 0 : index
    %get3A_17 = arith.constant 0 : index
    %get3A_18 = vector.load %arg1[%get3A_15, %get3A_16, %get3A_17] : memref<2x2000x128xf32, #tpu.memory_space<vmem>>, vector<1x2000x128xf32>
    %get3A_19 = vector.shape_cast %get3A_18 : vector<1x2000x128xf32> to vector<2000x128xf32>
    %add3A_20 = arith.addf %get3A_14, %get3A_19 : vector<2000x128xf32>
    %get3A_21 = arith.constant 0 : index
    %get3A_22 = arith.constant 0 : index
    %get3A_23 = vector.load %arg2[%get3A_21, %get3A_22] : memref<2000x128xf32, #tpu.memory_space<vmem>>, vector<2000x128xf32>
    %add3A_24 = arith.addf %add3A_20, %get3A_23 : vector<2000x128xf32>
    %mul3A = vector.broadcast %div3A_9 : vector<2000x1xf32> to vector<2000x128xf32>
    %mul3A_25 = arith.mulf %mul3A, %add3A_24 : vector<2000x128xf32>
    %get3A_26 = arith.constant 0 : index
    %get3A_27 = arith.constant 0 : index
    %get3A_28 = vector.load %arg4[%get3A_26, %get3A_27] : memref<1x128xf32, #tpu.memory_space<vmem>>, vector<1x128xf32>
    %add3A_29 = vector.broadcast %get3A_28 : vector<1x128xf32> to vector<2000x128xf32>
    %add3A_30 = arith.addf %mul3A_25, %add3A_29 : vector<2000x128xf32>
    %max3A = arith.constant 0.000000e+00 : f32
    %max3A_31 = vector.broadcast %max3A : f32 to vector<2000x128xf32>
    %max3A_32 = arith.maximumf %add3A_30, %max3A_31 : vector<2000x128xf32>
    %get3A_33 = arith.constant 0 : index
    %get3A_34 = arith.constant 0 : index
    %get3A_35 = vector.load %arg5[%get3A_33, %get3A_34] : memref<128x128xf32, #tpu.memory_space<vmem>>, vector<128x128xf32>
    %dot_general3A = arith.constant dense<0.000000e+00> : vector<2000x128xf32>
    %dot_general3A_36 = tpu.matmul %max3A_32, %get3A_35, %dot_general3A {dimension_numbers = #tpu.dot_dimension_numbers<[1], [0], [0], [1], [0, 0, 1, 1], [], []>, transpose_lhs_hint = false} : vector<2000x128xf32>, vector<128x128xf32>, vector<2000x128xf32> -> vector<2000x128xf32>
    %mul3A_37 = vector.broadcast %div3A_9 : vector<2000x1xf32> to vector<2000x128xf32>
    %mul3A_38 = arith.mulf %mul3A_37, %dot_general3A_36 : vector<2000x128xf32>
    %swap3A = arith.constant 0 : index
    %swap3A_39 = arith.constant 0 : index
    %swap3A_40 = vector.load %arg6[%swap3A, %swap3A_39] : memref<2000x128xf32, #tpu.memory_space<vmem>>, vector<2000x128xf32>
    tpu.vector_store %arg6[%swap3A, %swap3A_39], %mul3A_38 {strides = array<i32>} : memref<2000x128xf32, #tpu.memory_space<vmem>>, vector<2000x128xf32>,
    return
  }
  func.func @transform_0(%arg0: i32) -> (i32, i32, i32) {
    %c0_i32 = arith.constant 0 : i32
    %c0_i32_0 = arith.constant 0 : i32
    %c0_i32_1 = arith.constant 0 : i32
    return %c0_i32, %arg0, %c0_i32_0 : i32, i32, i32
  }
  func.func @transform_1(%arg0: i32) -> (i32, i32) {
    %c0_i32 = arith.constant 0 : i32
    %c0_i32_0 = arith.constant 0 : i32
    return %arg0, %c0_i32 : i32, i32
  }
  func.func @transform_2(%arg0: i32) -> (i32, i32, i32) {
    %c0_i32 = arith.constant 0 : i32
    %c0_i32_0 = arith.constant 0 : i32
    %c0_i32_1 = arith.constant 0 : i32
    return %c0_i32, %arg0, %c0_i32_0 : i32, i32, i32
  }
  func.func @transform_3(%arg0: i32) -> (i32, i32) {
    %c0_i32 = arith.constant 0 : i32
    %c0_i32_0 = arith.constant 0 : i32
    %c0_i32_1 = arith.constant 0 : i32
    return %c0_i32, %c0_i32_0 : i32, i32
  }
  func.func @transform_4(%arg0: i32) -> (i32, i32) {
    %c0_i32 = arith.constant 0 : i32
    %c0_i32_0 = arith.constant 0 : i32
    %c0_i32_1 = arith.constant 0 : i32
    return %c0_i32, %c0_i32_0 : i32, i32
  }
  func.func @transform_5(%arg0: i32) -> (i32, i32) {
    %c0_i32 = arith.constant 0 : i32
    %c0_i32_0 = arith.constant 0 : i32
    return %arg0, %c0_i32 : i32, i32
  }
}

module attributes {stable_mosaic.version = 14 : i64} {
  func.func @_final_body(%arg0: i32, %arg1: memref<2x2000x128xf32, #tpu.memory_space<vmem>>, %arg2: memref<2000x128xf32, #tpu.memory_space<vmem>>, %arg3: memref<2x2000x128xf32, #tpu.memory_space<vmem>>, %arg4: memref<1x128xf32, #tpu.memory_space<vmem>>, %arg5: memref<2000x16xf32, #tpu.memory_space<vmem>>, %arg6: memref<128x1xf32, #tpu.memory_space<vmem>>, %arg7: memref<1x1xf32, #tpu.memory_space<vmem>>, %arg8: memref<64x1xf32, #tpu.memory_space<vmem>>, %arg9: memref<64x128xf32, #tpu.memory_space<vmem>>, %arg10: memref<64x128xf32, #tpu.memory_space<vmem>>) attributes {dimension_semantics = [#tpu.dimension_semantics<arbitrary>], iteration_bounds = array<i64: 5>, scalar_prefetch = 0 : i64, scratch_operands = 2 : i64, tpu.core_type = #tpu.core_type<tc>, window_params = [{transform_indices = @transform_0, window_bounds = array<i64: 2, 2000, 128>}, {transform_indices = @transform_1, window_bounds = array<i64: 2000, 128>}, {transform_indices = @transform_2, window_bounds = array<i64: 2, 2000, 128>}, {pipeline_mode = #tpu.pipeline_mode<synchronous>, transform_indices = @transform_3, window_bounds = array<i64: 1, 128>}, {transform_indices = @transform_4, window_bounds = array<i64: 2000, 16>}, {pipeline_mode = #tpu.pipeline_mode<synchronous>, transform_indices = @transform_5, window_bounds = array<i64: 128, 1>}, {pipeline_mode = #tpu.pipeline_mode<synchronous>, transform_indices = @transform_6, window_bounds = array<i64: 1, 1>}, {pipeline_mode = #tpu.pipeline_mode<synchronous>, transform_indices = @transform_7, window_bounds = array<i64: 64, 1>}]} {
    %get3A = arith.constant 0 : index
    %get3A_0 = arith.constant 0 : index
    %get3A_1 = arith.constant 0 : index
    %get3A_2 = vector.load %arg3[%get3A, %get3A_0, %get3A_1] : memref<2x2000x128xf32, #tpu.memory_space<vmem>>, vector<2x2000x128xf32>
    %slice3A = vector.extract_strided_slice %get3A_2 {offsets = [0, 0, 0], sizes = [1, 2000, 1], strides = [1, 1, 1]} : vector<2x2000x128xf32> to vector<1x2000x1xf32>
    %squeeze3A = vector.shape_cast %slice3A : vector<1x2000x1xf32> to vector<2000x1xf32>
    %add3A = arith.constant 1.000000e+00 : f32
    %add3A_3 = vector.broadcast %add3A : f32 to vector<2000x1xf32>
    %add3A_4 = arith.addf %add3A_3, %squeeze3A : vector<2000x1xf32>
    %slice3A_5 = vector.extract_strided_slice %get3A_2 {offsets = [1, 0, 0], sizes = [1, 2000, 1], strides = [1, 1, 1]} : vector<2x2000x128xf32> to vector<1x2000x1xf32>
    %squeeze3A_6 = vector.shape_cast %slice3A_5 : vector<1x2000x1xf32> to vector<2000x1xf32>
    %add3A_7 = arith.addf %add3A_4, %squeeze3A_6 : vector<2000x1xf32>
    %sqrt3A = math.sqrt %add3A_7 : vector<2000x1xf32>
    %div3A = arith.constant 1.000000e+00 : f32
    %div3A_8 = vector.broadcast %div3A : f32 to vector<2000x1xf32>
    %div3A_9 = arith.divf %div3A_8, %sqrt3A : vector<2000x1xf32>
    %get3A_10 = arith.constant 0 : index
    %get3A_11 = arith.constant 0 : index
    %get3A_12 = arith.constant 0 : index
    %get3A_13 = vector.load %arg1[%get3A_10, %get3A_11, %get3A_12] : memref<2x2000x128xf32, #tpu.memory_space<vmem>>, vector<1x2000x128xf32>
    %get3A_14 = vector.shape_cast %get3A_13 : vector<1x2000x128xf32> to vector<2000x128xf32>
    %get3A_15 = arith.constant 1 : index
    %get3A_16 = arith.constant 0 : index
    %get3A_17 = arith.constant 0 : index
    %get3A_18 = vector.load %arg1[%get3A_15, %get3A_16, %get3A_17] : memref<2x2000x128xf32, #tpu.memory_space<vmem>>, vector<1x2000x128xf32>
    %get3A_19 = vector.shape_cast %get3A_18 : vector<1x2000x128xf32> to vector<2000x128xf32>
    %add3A_20 = arith.addf %get3A_14, %get3A_19 : vector<2000x128xf32>
    %get3A_21 = arith.constant 0 : index
    %get3A_22 = arith.constant 0 : index
    %get3A_23 = vector.load %arg2[%get3A_21, %get3A_22] : memref<2000x128xf32, #tpu.memory_space<vmem>>, vector<2000x128xf32>
    %add3A_24 = arith.addf %add3A_20, %get3A_23 : vector<2000x128xf32>
    %mul3A = vector.broadcast %div3A_9 : vector<2000x1xf32> to vector<2000x128xf32>
    %mul3A_25 = arith.mulf %mul3A, %add3A_24 : vector<2000x128xf32>
    %get3A_26 = arith.constant 0 : index
    %get3A_27 = arith.constant 0 : index
    %get3A_28 = vector.load %arg4[%get3A_26, %get3A_27] : memref<1x128xf32, #tpu.memory_space<vmem>>, vector<1x128xf32>
    %add3A_29 = vector.broadcast %get3A_28 : vector<1x128xf32> to vector<2000x128xf32>
    %add3A_30 = arith.addf %mul3A_25, %add3A_29 : vector<2000x128xf32>
    %max3A = arith.constant 0.000000e+00 : f32
    %max3A_31 = vector.broadcast %max3A : f32 to vector<2000x128xf32>
    %max3A_32 = arith.maximumf %add3A_30, %max3A_31 : vector<2000x128xf32>
    %iota3A = tpu.iota {dimensions = array<i32: 1>} : vector<2000x64xi32>
    %convert_element_type3A = arith.sitofp %iota3A : vector<2000x64xi32> to vector<2000x64xf32>
    %get3A_33 = arith.constant 0 : index
    %get3A_34 = arith.constant 0 : index
    %get3A_35 = vector.load %arg5[%get3A_33, %get3A_34] : memref<2000x16xf32, #tpu.memory_space<vmem>>, vector<2000x16xf32>
    %slice3A_36 = vector.extract_strided_slice %get3A_35 {offsets = [0, 0], sizes = [2000, 1], strides = [1, 1]} : vector<2000x16xf32> to vector<2000x1xf32>
    %eq3A = vector.broadcast %slice3A_36 : vector<2000x1xf32> to vector<2000x64xf32>
    %eq3A_37 = arith.cmpf oeq, %eq3A, %convert_element_type3A : vector<2000x64xf32>
    %convert_element_type3A_38 = arith.extui %eq3A_37 : vector<2000x64xi1> to vector<2000x64xi32>
    %convert_element_type3A_39 = arith.sitofp %convert_element_type3A_38 : vector<2000x64xi32> to vector<2000x64xf32>
    %dot_general3A = arith.constant dense<0.000000e+00> : vector<64x128xf32>
    %dot_general3A_40 = tpu.matmul %convert_element_type3A_39, %max3A_32, %dot_general3A {dimension_numbers = #tpu.dot_dimension_numbers<[0], [0], [1], [1], [0, 1, 1, 1], [], []>, precision = #tpu.contract_precision<fp32>, transpose_lhs_hint = false} : vector<2000x64xf32>, vector<2000x128xf32>, vector<64x128xf32> -> vector<64x128xf32>
    %broadcast_in_dim3A = arith.constant 1.000000e+00 : f32
    %broadcast_in_dim3A_41 = vector.broadcast %broadcast_in_dim3A : f32 to vector<2000x128xf32>
    %dot_general3A_42 = arith.constant dense<0.000000e+00> : vector<64x128xf32>
    %dot_general3A_43 = tpu.matmul %convert_element_type3A_39, %broadcast_in_dim3A_41, %dot_general3A_42 {dimension_numbers = #tpu.dot_dimension_numbers<[0], [0], [1], [1], [0, 1, 1, 1], [], []>, precision = #tpu.contract_precision<fp32>, transpose_lhs_hint = false} : vector<2000x64xf32>, vector<2000x128xf32>, vector<64x128xf32> -> vector<64x128xf32>
    %eq3A_44 = arith.constant 0 : i32
    %eq3A_45 = arith.cmpi eq, %arg0, %eq3A_44 : i32
    %convert_element_type3A_46 = arith.extui %eq3A_45 : i1 to i32
    %cond3A = arith.constant 0 : i32
    %cond3A_47 = arith.cmpi ne, %convert_element_type3A_46, %cond3A : i32
    scf.if %cond3A_47 {
      %broadcast_in_dim3A_66 = arith.constant 0.000000e+00 : f32
      %broadcast_in_dim3A_67 = vector.broadcast %broadcast_in_dim3A_66 : f32 to vector<64x128xf32>
      %swap3A_68 = arith.constant 0 : index
      %swap3A_69 = arith.constant 0 : index
      %swap3A_70 = vector.load %arg9[%swap3A_68, %swap3A_69] : memref<64x128xf32, #tpu.memory_space<vmem>>, vector<64x128xf32>
      tpu.vector_store %arg9[%swap3A_68, %swap3A_69], %broadcast_in_dim3A_67 {strides = array<i32>} : memref<64x128xf32, #tpu.memory_space<vmem>>, vector<64x128xf32>,
      %broadcast_in_dim3A_71 = arith.constant 0.000000e+00 : f32
      %broadcast_in_dim3A_72 = vector.broadcast %broadcast_in_dim3A_71 : f32 to vector<64x128xf32>
      %swap3A_73 = arith.constant 0 : index
      %swap3A_74 = arith.constant 0 : index
      %swap3A_75 = vector.load %arg10[%swap3A_73, %swap3A_74] : memref<64x128xf32, #tpu.memory_space<vmem>>, vector<64x128xf32>
      tpu.vector_store %arg10[%swap3A_73, %swap3A_74], %broadcast_in_dim3A_72 {strides = array<i32>} : memref<64x128xf32, #tpu.memory_space<vmem>>, vector<64x128xf32>,
    } else {
    }
    %get3A_48 = arith.constant 0 : index
    %get3A_49 = arith.constant 0 : index
    %get3A_50 = vector.load %arg9[%get3A_48, %get3A_49] : memref<64x128xf32, #tpu.memory_space<vmem>>, vector<64x128xf32>
    %add3A_51 = arith.addf %get3A_50, %dot_general3A_40 : vector<64x128xf32>
    %swap3A = arith.constant 0 : index
    %swap3A_52 = arith.constant 0 : index
    %swap3A_53 = vector.load %arg9[%swap3A, %swap3A_52] : memref<64x128xf32, #tpu.memory_space<vmem>>, vector<64x128xf32>
    tpu.vector_store %arg9[%swap3A, %swap3A_52], %add3A_51 {strides = array<i32>} : memref<64x128xf32, #tpu.memory_space<vmem>>, vector<64x128xf32>,
    %get3A_54 = arith.constant 0 : index
    %get3A_55 = arith.constant 0 : index
    %get3A_56 = vector.load %arg10[%get3A_54, %get3A_55] : memref<64x128xf32, #tpu.memory_space<vmem>>, vector<64x128xf32>
    %add3A_57 = arith.addf %get3A_56, %dot_general3A_43 : vector<64x128xf32>
    %swap3A_58 = arith.constant 0 : index
    %swap3A_59 = arith.constant 0 : index
    %swap3A_60 = vector.load %arg10[%swap3A_58, %swap3A_59] : memref<64x128xf32, #tpu.memory_space<vmem>>, vector<64x128xf32>
    tpu.vector_store %arg10[%swap3A_58, %swap3A_59], %add3A_57 {strides = array<i32>} : memref<64x128xf32, #tpu.memory_space<vmem>>, vector<64x128xf32>,
    %eq3A_61 = arith.constant 4 : i32
    %eq3A_62 = arith.cmpi eq, %arg0, %eq3A_61 : i32
    %convert_element_type3A_63 = arith.extui %eq3A_62 : i1 to i32
    %cond3A_64 = arith.constant 0 : i32
    %cond3A_65 = arith.cmpi ne, %convert_element_type3A_63, %cond3A_64 : i32
    scf.if %cond3A_65 {
      %get3A_66 = arith.constant 0 : index
      %get3A_67 = arith.constant 0 : index
      %get3A_68 = vector.load %arg9[%get3A_66, %get3A_67] : memref<64x128xf32, #tpu.memory_space<vmem>>, vector<64x128xf32>
      %get3A_69 = arith.constant 0 : index
      %get3A_70 = arith.constant 0 : index
      %get3A_71 = vector.load %arg10[%get3A_69, %get3A_70] : memref<64x128xf32, #tpu.memory_space<vmem>>, vector<64x128xf32>
      %max3A_72 = arith.constant 1.000000e+00 : f32
      %max3A_73 = vector.broadcast %max3A_72 : f32 to vector<64x128xf32>
      %max3A_74 = arith.maximumf %get3A_71, %max3A_73 : vector<64x128xf32>
      %div3A_75 = arith.divf %get3A_68, %max3A_74 : vector<64x128xf32>
      %reduce_sum3A = arith.constant dense<0.000000e+00> : vector<64xf32>
      %reduce_sum3A_76 = vector.multi_reduction <add>, %div3A_75, %reduce_sum3A [1] : vector<64x128xf32> to vector<64xf32>
      %broadcast_in_dim3A_77 = vector.shape_cast %reduce_sum3A_76 : vector<64xf32> to vector<64x1xf32>
      %div3A_78 = arith.constant 1.280000e+02 : f32
      %div3A_79 = vector.broadcast %div3A_78 : f32 to vector<64x1xf32>
      %div3A_80 = arith.divf %broadcast_in_dim3A_77, %div3A_79 : vector<64x1xf32>
      %sub3A = vector.broadcast %div3A_80 : vector<64x1xf32> to vector<64x128xf32>
      %sub3A_81 = arith.subf %div3A_75, %sub3A : vector<64x128xf32>
      %integer_pow3A = arith.mulf %sub3A_81, %sub3A_81 : vector<64x128xf32>
      %reduce_sum3A_82 = arith.constant dense<0.000000e+00> : vector<64xf32>
      %reduce_sum3A_83 = vector.multi_reduction <add>, %integer_pow3A, %reduce_sum3A_82 [1] : vector<64x128xf32> to vector<64xf32>
      %broadcast_in_dim3A_84 = vector.shape_cast %reduce_sum3A_83 : vector<64xf32> to vector<64x1xf32>
      %div3A_85 = arith.constant 1.280000e+02 : f32
      %div3A_86 = vector.broadcast %div3A_85 : f32 to vector<64x1xf32>
      %div3A_87 = arith.divf %broadcast_in_dim3A_84, %div3A_86 : vector<64x1xf32>
      %sub3A_88 = vector.broadcast %div3A_80 : vector<64x1xf32> to vector<64x128xf32>
      %sub3A_89 = arith.subf %div3A_75, %sub3A_88 : vector<64x128xf32>
      %add3A_90 = arith.constant 9.99999974E-6 : f32
      %add3A_91 = vector.broadcast %add3A_90 : f32 to vector<64x1xf32>
      %add3A_92 = arith.addf %div3A_87, %add3A_91 : vector<64x1xf32>
      %sqrt3A_93 = math.sqrt %add3A_92 : vector<64x1xf32>
      %div3A_94 = vector.broadcast %sqrt3A_93 : vector<64x1xf32> to vector<64x128xf32>
      %div3A_95 = arith.divf %sub3A_89, %div3A_94 : vector<64x128xf32>
      %get3A_96 = arith.constant 0 : index
      %get3A_97 = arith.constant 0 : index
      %get3A_98 = vector.load %arg6[%get3A_96, %get3A_97] : memref<128x1xf32, #tpu.memory_space<vmem>>, vector<128x1xf32>
      %dot_general3A_99 = arith.constant dense<0.000000e+00> : vector<64x1xf32>
      %dot_general3A_100 = tpu.matmul %div3A_95, %get3A_98, %dot_general3A_99 {dimension_numbers = #tpu.dot_dimension_numbers<[1], [0], [0], [1], [0, 0, 1, 1], [], []>, transpose_lhs_hint = false} : vector<64x128xf32>, vector<128x1xf32>, vector<64x1xf32> -> vector<64x1xf32>
      %get3A_101 = arith.constant 0 : index
      %get3A_102 = arith.constant 0 : index
      %get3A_103 = vector.load %arg7[%get3A_101, %get3A_102] : memref<1x1xf32, #tpu.memory_space<vmem>>, vector<1x1xf32>
      %add3A_104 = vector.broadcast %get3A_103 : vector<1x1xf32> to vector<64x1xf32>
      %add3A_105 = arith.addf %dot_general3A_100, %add3A_104 : vector<64x1xf32>
      %swap3A_106 = arith.constant 0 : index
      %swap3A_107 = arith.constant 0 : index
      %swap3A_108 = vector.load %arg8[%swap3A_106, %swap3A_107] : memref<64x1xf32, #tpu.memory_space<vmem>>, vector<64x1xf32>
      tpu.vector_store %arg8[%swap3A_106, %swap3A_107], %add3A_105 {strides = array<i32>} : memref<64x1xf32, #tpu.memory_space<vmem>>, vector<64x1xf32>,
    } else {
    }
    return
  }
  func.func @transform_0(%arg0: i32) -> (i32, i32, i32) {
    %c0_i32 = arith.constant 0 : i32
    %c0_i32_0 = arith.constant 0 : i32
    %c0_i32_1 = arith.constant 0 : i32
    return %c0_i32, %arg0, %c0_i32_0 : i32, i32, i32
  }
  func.func @transform_1(%arg0: i32) -> (i32, i32) {
    %c0_i32 = arith.constant 0 : i32
    %c0_i32_0 = arith.constant 0 : i32
    return %arg0, %c0_i32 : i32, i32
  }
  func.func @transform_2(%arg0: i32) -> (i32, i32, i32) {
    %c0_i32 = arith.constant 0 : i32
    %c0_i32_0 = arith.constant 0 : i32
    %c0_i32_1 = arith.constant 0 : i32
    return %c0_i32, %arg0, %c0_i32_0 : i32, i32, i32
  }
  func.func @transform_3(%arg0: i32) -> (i32, i32) {
    %c0_i32 = arith.constant 0 : i32
    %c0_i32_0 = arith.constant 0 : i32
    %c0_i32_1 = arith.constant 0 : i32
    return %c0_i32, %c0_i32_0 : i32, i32
  }
  func.func @transform_4(%arg0: i32) -> (i32, i32) {
    %c0_i32 = arith.constant 0 : i32
    %c0_i32_0 = arith.constant 0 : i32
    return %arg0, %c0_i32 : i32, i32
  }
  func.func @transform_5(%arg0: i32) -> (i32, i32) {
    %c0_i32 = arith.constant 0 : i32
    %c0_i32_0 = arith.constant 0 : i32
    %c0_i32_1 = arith.constant 0 : i32
    return %c0_i32, %c0_i32_0 : i32, i32
  }
  func.func @transform_6(%arg0: i32) -> (i32, i32) {
    %c0_i32 = arith.constant 0 : i32
    %c0_i32_0 = arith.constant 0 : i32
    %c0_i32_1 = arith.constant 0 : i32
    return %c0_i32, %c0_i32_0 : i32, i32
  }
  func.func @transform_7(%arg0: i32) -> (i32, i32) {
    %c0_i32 = arith.constant 0 : i32
    %c0_i32_0 = arith.constant 0 : i32
    %c0_i32_1 = arith.constant 0 : i32
    return %c0_i32, %c0_i32_0 : i32, i32
  }
}

</mosaic_0001>

<sc_bundles>
// kernel: kernel.14.cloned.1.call-start
scs
__scs_entry_jumppad:
0x0: {  	(pc) =	sbr.rel $0x88, $3  }
0x1: {  	(tag) =	ssettag $0x0;
	lr =	simm.s32 $0x1  }
0x2: {  	[smem:$0x3F92] =	sst lr;
	_ =	strace $0xD0000000  }
0x3: {  	_ = 	snop  }
0x4: {  	_ = 	snop  }
0x5: {  	_ = 	snop  }
0x6: {  	_ = 	snop  }
0x7: {  	_ = 	snop  }
__scs_overlays_trampoline_lowered:
0x8: {  	[smem:$0x3FA1] =	sst s0  }
0x9: {  	[smem:$0x3FA2] =	sst s1  }
0xa: {  	[smem:$0x3FA3] =	sst s2  }
0xb: {  	[smem:$0x3FA4] =	sst s3  }
0xc: {  	[smem:$0x3FA5] =	sst s4  }
0xd: {  	[smem:$0x3FA6] =	sst s5  }
0xe: {  	[smem:$0x3FA7] =	sst s6  }
0xf: {  	[smem:$0x3FA8] =	sst s7  }
0x10: {  	[smem:$0x3FA9] =	sst s8  }
0x11: {  	[smem:$0x3FAA] =	sst s9;
	s0 =	simm.s32 @!p0 $0x0  }
0x12: {  	s1 =	sld [smem:$0x3F90];
	s0 =	simm.s32 @p0 $0x1  }
0x13: {  	[smem:$0x3FAB] =	sst s0;
	s0 =	simm.s32 @!p1 $0x0  }
0x14: {  	s2 =	sld [smem:$0x3F8F];
	s0 =	simm.s32 @p1 $0x1  }
0x15: {  	[smem:$0x3FAC] =	sst s0;
	s0 =	simm.s32 @!p2 $0x0  }
0x16: {  	s3 =	sld [smem:$0x3FDB];
	s0 =	simm.s32 @p2 $0x1  }
0x17: {  	s4 =	simm.s32 $0x1BF5;
	[smem:$0x3FAE] =	sst s0  }
0x18: {  	s0 =	sld [smem:$0x3F91];
	_ =	swait.ge [sflag:s4], $0x0  }
0x19: {  	s7 =	sld [smem:$0x3F92]  }
0x1a: {  	s8 =	sadd.s32 $0xFFFFE003, lr  }
0x1b: {  	s9 =	sadd.s32 $0xFFFFFEF7, lr;
	s5 =	simm.s32 $0xFFFFFFFF;
	p2 =	slt.u32 s8, $0xFFFFF086  }
0x1c: {  	p1 =	slt.u32 s9, $0xF7A;
	s5 =	simm.s32 @!p2 $0x0  }
0x1d: {  	s5 =	simm.s32 @p1 $0x1;
	p0 =	seq.s32 s7, s2  }
0x1e: {  	s7 =	smul.u32 @!p0 $0xF7A, s2;
	p2 =	seq.s32 @!p0 s5, $0x0  }
0x1f: {  	s9 =	smul.u32 $0xF7A, s1;
	s8 =	simm.s32 @!p0 $0x1BF5;
	p2 =	por !p2, p0  }
0x20: {  	[sflag:s8] =	ssyncset.s32 @!p0 $0xFFFFF086;
	s6 =	sadd.s32 @!p0 s3, s7;
	s7 =	simm.s32 @!p0 $0x108  }
0x21: {  	s3 =	sadd.s32 s3, s9;
	s6 =	sadd.s32 @!p0 $0x88, s6;
	s7 =	simm.s32 @p2 $0x1082  }
0x22: {  	[simem:s7], [sflag:s8] =	dma.local @!p0 [hbm:s6], $0xF7A  }
0x23: {  	s9 =	sor.u32 $0xD0000000, s2;
	s6 =	simm.s32 $0x108;
	_ =	swait.ge @!p0 [sflag:s8], $0x0  }
0x24: {  	s3 =	sadd.s32 $0x88, s3;
	s6 =	simm.s32 @!p1 $0x1082;
	[sflag:s4] =	ssyncset.s32 $0xFFFFF086  }
0x25: {  	[simem:s6], [sflag:s4] =	dma.local [hbm:s3], $0xF7A  }
0x26: {  	[smem:$0x3F92] =	sst s1;
	(tag) =	ssettag s2;
	_ =	strace s9  }
0x27: {  	s1 =	sld [smem:$0x3FA2]  }
0x28: {  	s2 =	sld [smem:$0x3FA3]  }
0x29: {  	s4 =	sld [smem:$0x3FA5]  }
0x2a: {  	p0 =	seq.s32 s5, $0x0;
	s5 =	sld [smem:$0x3FA6]  }
0x2b: {  	s6 =	sld [smem:$0x3FA7]  }
0x2c: {  	s7 =	sld [smem:$0x3FA8]  }
0x2d: {  	s3 =	simm.s32 $0x108;
	s8 =	sld [smem:$0x3FA9]  }
0x2e: {  	s3 =	simm.s32 @!p0 $0x1082;
	s9 =	sld [smem:$0x3FAA]  }
0x2f: {  	lr =	sadd.s32 s0, s3;
	s0 =	sld [smem:$0x3FA1]  }
0x30: {  	s3 =	sld [smem:$0x3FA4]  }
0x31: {  	[smem:$0x3FAD] =	sst s10  }
0x32: {  	s10 =	sld [smem:$0x3FAB];
	_ =	sdelay $0x3  }
0x33: {  	p0 =	seq.s32 s10, $0x1;
	s10 =	sld [smem:$0x3FAD];
	_ =	sdelay $0x3  }
0x34: {  	[smem:$0x3FAD] =	sst s10  }
0x35: {  	s10 =	sld [smem:$0x3FAC];
	_ =	sdelay $0x3  }
0x36: {  	p1 =	seq.s32 s10, $0x1;
	s10 =	sld [smem:$0x3FAD];
	_ =	sdelay $0x3  }
0x37: {  	[smem:$0x3FAD] =	sst s10  }
0x38: {  	s10 =	sld [smem:$0x3FAE]  }
0x39: {  	_ = 	snop;
	(pc) =	sbr.ind lr, $3  }
0x3a: {  	_ = 	snop  }
0x3b: {  	_ = 	snop  }
0x3c: {  	p2 =	seq.s32 s10, $0x1;
	s10 =	sld [smem:$0x3FAD]  }
0x3d: {  	_ =	shalt  }
0x3e: {  	_ =	shalt  }
0x3f: {  	_ =	shalt  }
0x40: {  	_ =	shalt  }
0x41: {  	_ =	shalt  }
0x42: {  	_ =	shalt  }
0x43: {  	_ =	shalt  }
0x44: {  	_ =	shalt  }
0x45: {  	_ =	shalt  }
0x46: {  	_ =	shalt  }
0x47: {  	_ =	shalt  }
0x48: {  	_ =	shalt  }
0x49: {  	_ =	shalt  }
0x4a: {  	_ =	shalt  }
0x4b: {  	_ =	shalt  }
0x4c: {  	_ =	shalt  }
0x4d: {  	_ =	shalt  }
0x4e: {  	_ =	shalt  }
0x4f: {  	_ =	shalt  }
0x50: {  	_ =	shalt  }
0x51: {  	_ =	shalt  }
0x52: {  	_ =	shalt  }
0x53: {  	_ =	shalt  }
0x54: {  	_ =	shalt  }
0x55: {  	_ =	shalt  }
0x56: {  	_ =	shalt  }
0x57: {  	_ =	shalt  }
0x58: {  	_ =	shalt  }
0x59: {  	_ =	shalt  }
0x5a: {  	_ =	shalt  }
0x5b: {  	_ =	shalt  }
0x5c: {  	_ =	shalt  }
0x5d: {  	_ =	shalt  }
0x5e: {  	_ =	shalt  }
0x5f: {  	_ =	shalt  }
0x60: {  	_ =	shalt  }
0x61: {  	_ =	shalt  }
0x62: {  	_ =	shalt  }
0x63: {  	_ =	shalt  }
0x64: {  	_ =	shalt  }
0x65: {  	_ =	shalt  }
0x66: {  	_ =	shalt  }
0x67: {  	_ =	shalt  }
0x68: {  	_ =	shalt  }
0x69: {  	_ =	shalt  }
0x6a: {  	_ =	shalt  }
0x6b: {  	_ =	shalt  }
0x6c: {  	_ =	shalt  }
0x6d: {  	_ =	shalt  }
0x6e: {  	_ =	shalt  }
0x6f: {  	_ =	shalt  }
0x70: {  	_ =	shalt  }
0x71: {  	_ =	shalt  }
0x72: {  	_ =	shalt  }
0x73: {  	_ =	shalt  }
0x74: {  	_ =	shalt  }
0x75: {  	_ =	shalt  }
0x76: {  	_ =	shalt  }
0x77: {  	_ =	shalt  }
0x78: {  	_ =	shalt  }
0x79: {  	_ =	shalt  }
0x7a: {  	_ =	shalt  }
0x7b: {  	_ =	shalt  }
0x7c: {  	_ =	shalt  }
0x7d: {  	_ =	shalt  }
0x7e: {  	_ =	shalt  }
0x7f: {  	_ =	shalt  }
0x80: {  	_ =	shalt  }
0x81: {  	_ =	shalt  }
0x82: {  	_ =	shalt  }
0x83: {  	_ =	shalt  }
0x84: {  	_ =	shalt  }
0x85: {  	_ =	shalt  }
0x86: {  	_ =	shalt  }
0x87: {  	_ =	shalt  }
.Lfunc_end0:
.L_simem_size_0:
called_computation_lowered:
.L_overlay_start_0:
0x88: {  	s2 =	sld [smem:$0x3FD9]  }
0x89: {  	s3 =	sld [smem:$0x3FFE];
	_ =	sdelay $0x1  }
0x8a: {  	s1 =	srdreg.scid  }
0x8b: {  	s0 =	sand.u32 $0x1, s1  }
0x8c: {  	s16 =	sshll.u32 s0, $0xA;
	s2 =	sadd.s32 s3, s2  }
0x8d: {  	s2 =	sadd.s32 s2, s16  }
0x8e: {  	[smem:$0x3FB9] =	sst s2  }
0x8f: {  	_ = 	snop  }
0x90: {  	(tm) =	ssettm $0x1  }
0x91: {  	s17 =	sld [smem:$0x3FFB];
	_ =	sdelay $0x3  }
0x92: {  	_ =	strace s17  }
0x93: {  	s2 =	sld [smem:$0x3FFC];
	_ =	sdelay $0x3  }
0x94: {  	_ =	strace s2  }
0x95: {  	s2 =	sld [smem:$0x3FFD];
	_ =	sdelay $0x3  }
0x96: {  	_ =	strace s2  }
0x97: {  	_ =	strace $0x8FFFFFFF  }
0x98: {  	s18 =	sld [smem:$0x3FDB];
	_ =	sdelay $0x1  }
0x99: {  	s19 =	simm.s32 $_scs_section_size  }
0x9a: {  	s4 =	simm.s32 $_size__tile_overlayer_lowered;
	s5 =	simm.s32 $_tile_overlayer_lowered  }
0x9b: {  	s22 =	simm.s32 $0x1BFF;
	s21 =	sshll.u32 s5, $0x1;
	s2 =	sadd.s32 s19, s18  }
0x9c: {  	s6 =	simm.s32 $0x0;
	s20 =	sshll.u32 s4, $0x1;
	s4 =	sadd.s32 s21, s2  }
0x9d: {  	[timem:s6], [sflag:s22] =	dma.local [hbm:s4], s20  }
0x9e: {  	_ =	swait.ge [sflag:s22], s20  }
0x9f: {  	s3 =	ssub.s32 $0x0, s20;
	[sflag:s22] =	ssyncset.done $0x0  }
0xa0: {  	[sflag:s22] =	ssyncadd.s32 s3;
	_ =	sdelay $0x1  }
0xa1: {  	s23 =	simm.s32 $0x1B8B  }
0xa2: {  	_ =	swait.ge [sflag:s23], $0x1  }
0xa3: {  	[sflag:s23] =	ssyncset.done $0x0  }
0xa4: {  	s25 =	simm.s32 $0x1B8E;
	s24 =	sld [smem:$0x3FFE];
	[sflag:s23] =	ssyncadd.s32 $0xFFFFFFFF  }
0xa5: {  	s26 =	simm.s32 $execute0_lowered;
	[smem:$0x3FD2] =	sst s25  }
0xa6: {  	s4 =	sshll.u32 s26, $0x1;
	_ =	strace $0x80000046;
	[dreg:$0x1] =	wrdreg $0xFFFFFFFF  }
0xa7: {  	s28 =	simm.s32 $_size_execute0_lowered;
	s2 =	sadd.s32 s2, s4;
	[dreg:$0x0] =	wrdreg $0x0  }
0xa8: {  	s4 =	sshll.u32 s28, $0x1;
	[dreg:$0x2] =	wrdreg s2  }
0xa9: {  	[dreg:$0x3] =	wrdreg s4  }
0xaa: {  	[dreg:$0x4] =	wrdreg $0xC0  }
0xab: {  	_ =	task [dreg:s6], $0x5FFFF  }
0xac: {  	[dreg:$0x1] =	wrdreg $0xFFFFFFFF  }
0xad: {  	[dreg:$0x0] =	wrdreg $0x60  }
0xae: {  	[dreg:$0x2] =	wrdreg s24  }
0xaf: {  	[dreg:$0x3] =	wrdreg $0x68000  }
0xb0: {  	[dreg:$0x4] =	wrdreg $0x9  }
0xb1: {  	_ =	task.clear_ibuf [dreg:s6], $0x5FFFF;
	_ =	strace $0x90000046  }
0xb2: {  	s29 =	simm.s32 $0x9;
	_ =	strace $0x80000048  }
0xb3: {  	_ =	swait.ge [sflag:s29], $0x1  }
0xb4: {  	[sflag:s29] =	ssyncadd.s32 $0xFFFFFFFF  }
0xb5: {  	_ =	strace $0x90000048  }
0xb6: {  	_ =	sfence  }
0xb7: {  	s30 =	sld [smem:$0x0];
	_ =	sdelay $0x2  }
0xb8: {  	s31 =	sshll.u32 s1, $0xD;
	s1 =	sshrl.u32 s1, $0x2  }
0xb9: {  	s3 =	sand.u32 $0x4000, s31;
	s1 =	sadd.s32 s1, s30  }
0xba: {  	s0 =	sor.u32 s3, s0;
	s1 =	sshll.u32 s1, $0x11  }
0xbb: {  	s0 =	sor.u32 s1, s0  }
0xbc: {  	s0 =	sadd.s32 $0x8F2B, s0  }
0xbd: {  	[sflag:s0] =	ssyncadd.remote.s32 $0x1  }
0xbe: {  	_ =	sfence.sel $0xFFFF  }
0xbf: {  	[dreg:$0x0] =	wrdreg $0xFFFFFFFF;
	(pc) =	sbr.abs _section_cstart, $3  }
0xc0: {  	[dreg:$0x1] =	wrdreg $0xFFFFFFFF  }
0xc1: {  	_ =	task.clear_ibuf [dreg:s6], $0x2FFFF;
	_ =	strace $0x9FFFFFFF  }
0xc2: {  	(tm) =	ssettm $0x7FFFFFFF  }
0xc3: {  	_ =	shalt  }
tec
execute0_lowered:
.L_overlay_start_1:
0x0: {  	(tag) =	ssettag $0x1  }
0x1: {  	s7 =	rddreg [dreg:$0x0]  }
0x2: {  	s0 =	srdreg.scid;
	s2 =	rddreg [dreg:$0x1]  }
0x3: {  	s3 =	simm.s32 $0x0;
	s17 =	simm.s32 $0x80;
	s6 =	sand.u32 $0x1, s0  }
0x4: {  	s18 =	simm.s32 $0x1;
	s0 =	stileid.u32;
	s5 =	smul.u32 $0x140000, s6  }
0x5: {  	s19 =	simm.s32 $0x0;
	[smem:$0x7FF] =	sst s3;
	s8 =	smul.u32 $0x14000, s0  }
0x6: {  	s1 =	sshll.u32 s6, $0x4;
	s10 =	smul.u32 $0x50000, s0;
	s6 =	ssub.s32 $0x2, s6  }
0x7: {  	s11 =	sshll.u32 s0, $0x6;
	s1 =	sor.u32 s0, s1;
	s31 =	sshrl.u32 s6, $0x1  }
0x8: {  	s11 =	sor.u32 $0x1C02, s11;
	s4 =	smul.u32 $0x500, s1;
	s1 =	rddreg [dreg:$0x2]  }
0x9: {  	_ =	strace $0x80000047;
	s8 =	sadd.s32 s8, s5;
	s10 =	sshrl.u32 s10, $0x2  }
0xa: {  	s5 =	sadd.s32 $0x19200, s7;
	s8 =	sshrl.u32 s8, $0x3;
	s12 =	sadd.s32 s10, s2  }
0xb: {  	s10 =	simm.s32 $0x2800;
	s9 =	sadd.s32 s4, s7;
	s4 =	sadd.s32 $0x19A00, s7  }
0xc: {  	s7 =	sadd.s32 s8, s7;
	s8 =	ssub.s32 s6, s31;
	s13 =	sadd.s32 $0x4000, s12  }
0xd: {  	s14 =	sadd.s32 $0x8000, s12;
	s15 =	sadd.s32 $0xC000, s12;
	s16 =	sadd.s32 $0x10000, s12  }
0xe: {  	s12 =	sshrl.u32 s12, $0x3;
	s6 =	sadd.s32 $0x5200, s9;
	s7 =	sadd.s32 $0x1A200, s7  }
0xf: {  	s8 =	smax.u32 s8, $0x1;
	s9 =	simm.s32 $0x2;
	s13 =	sshrl.u32 s13, $0x3  }
0x10: {  	s14 =	sshrl.u32 s14, $0x3;
	s15 =	sshrl.u32 s15, $0x3;
	s16 =	sshrl.u32 s16, $0x3  }
.LBB2_1:
0x11: {  	[tilespmem:s3], [sflag:$0x2] =	stream.linear.gather [hbm4b:s6+s3], $0x2800, $0x38;
	[tilespmem:$0x1A800] =	vst v63  }
0x12: {  	_ =	swait.ge [sflag:s9], $0x2800  }
0x13: {  	[sflag:s9] =	ssyncset.done $0x0  }
0x14: {  	[sflag:s9] =	ssyncadd.s32 $0xFFFFD800  }
0x15: {  	[tilespmem:s10], [sflag:$0x2] =	stream.linear.gather [hbm4b:s4+s3], $0x4000, $0x38;
	[tilespmem:$0x1A800] =	vst v63  }
0x16: {  	_ =	swait.ge [sflag:s9], $0x4000  }
0x17: {  	[sflag:s9] =	ssyncset.done $0x0  }
0x18: {  	[sflag:s9] =	ssyncadd.s32 $0xFFFFC000  }
0x19: {  	[spmem:s12], [sflag:s11] =	dma.local [hbm:s5], $0x800  }
0x1a: {  	_ =	swait.ge [sflag:s9], $0x800  }
0x1b: {  	[sflag:s9] =	ssyncset.done $0x0  }
0x1c: {  	[sflag:s9] =	ssyncadd.s32 $0xFFFFF800  }
0x1d: {  	[spmem:s13], [sflag:s11] =	dma.local [hbm:s5], $0x800  }
0x1e: {  	_ =	swait.ge [sflag:s9], $0x800  }
0x1f: {  	[sflag:s9] =	ssyncset.done $0x0  }
0x20: {  	[sflag:s9] =	ssyncadd.s32 $0xFFFFF800  }
0x21: {  	[spmem:s14], [sflag:s11] =	dma.local [hbm:s5], $0x800  }
0x22: {  	_ =	swait.ge [sflag:s9], $0x800  }
0x23: {  	[sflag:s9] =	ssyncset.done $0x0  }
0x24: {  	[sflag:s9] =	ssyncadd.s32 $0xFFFFF800  }
0x25: {  	[spmem:s15], [sflag:s11] =	dma.local [hbm:s5], $0x800  }
0x26: {  	_ =	swait.ge [sflag:s9], $0x800  }
0x27: {  	[sflag:s9] =	ssyncset.done $0x0  }
0x28: {  	[sflag:s9] =	ssyncadd.s32 $0xFFFFF800  }
0x29: {  	[spmem:s16], [sflag:s11] =	dma.local [hbm:s5], $0x800  }
0x2a: {  	_ =	swait.ge [sflag:s9], $0x800  }
0x2b: {  	[sflag:s9] =	ssyncset.done $0x0  }
0x2c: {  	[sflag:s9] =	ssyncadd.s32 $0xFFFFF800  }
0x2d: {  	s20 =	simm.s32 $0x0;
	[bflag:$0x0] =	sbarrier.arrive $0xFFFF  }
0x2e: {  	[spmem:s2] =	stream.indirect.scatter.add.f32 [tilespmem:s10], [sflag:$0x1], $0x80, s20, s17, $0xb8;
	[tilespmem:$0x1A800] =	vst v63  }
0x2f: {  	s26 =	simm.s32 $0x80  }
0x30: {  	[spmem:s2] =	stream.indirect.scatter.add.f32 [tilespmem:s10], [sflag:$0x1], $0x80, s26, s17, $0xb8;
	[tilespmem:$0x1A800] =	vst v63  }
0x31: {  	s28 =	simm.s32 $0x100  }
0x32: {  	[spmem:s2] =	stream.indirect.scatter.add.f32 [tilespmem:s10], [sflag:$0x1], $0x80, s28, s17, $0xb8;
	[tilespmem:$0x1A800] =	vst v63  }
0x33: {  	s29 =	simm.s32 $0x180  }
0x34: {  	[spmem:s2] =	stream.indirect.scatter.add.f32 [tilespmem:s10], [sflag:$0x1], $0x80, s29, s17, $0xb8;
	[tilespmem:$0x1A800] =	vst v63  }
0x35: {  	s30 =	simm.s32 $0x200  }
0x36: {  	[spmem:s2] =	stream.indirect.scatter.add.f32 [tilespmem:s10], [sflag:$0x1], $0x80, s30, s17, $0xb8;
	[tilespmem:$0x1A800] =	vst v63  }
0x37: {  	s31 =	simm.s32 $0x280  }
0x38: {  	[spmem:s2] =	stream.indirect.scatter.add.f32 [tilespmem:s10], [sflag:$0x1], $0x80, s31, s17, $0xb8;
	[tilespmem:$0x1A800] =	vst v63  }
0x39: {  	s21 =	simm.s32 $0x300  }
0x3a: {  	[spmem:s2] =	stream.indirect.scatter.add.f32 [tilespmem:s10], [sflag:$0x1], $0x80, s21, s17, $0xb8;
	[tilespmem:$0x1A800] =	vst v63  }
0x3b: {  	s22 =	simm.s32 $0x380  }
0x3c: {  	[spmem:s2] =	stream.indirect.scatter.add.f32 [tilespmem:s10], [sflag:$0x1], $0x80, s22, s17, $0xb8;
	[tilespmem:$0x1A800] =	vst v63  }
0x3d: {  	s23 =	simm.s32 $0x400  }
0x3e: {  	[spmem:s2] =	stream.indirect.scatter.add.f32 [tilespmem:s10], [sflag:$0x1], $0x80, s23, s17, $0xb8;
	[tilespmem:$0x1A800] =	vst v63  }
0x3f: {  	s24 =	simm.s32 $0x480  }
0x40: {  	[spmem:s2] =	stream.indirect.scatter.add.f32 [tilespmem:s10], [sflag:$0x1], $0x80, s24, s17, $0xb8;
	[tilespmem:$0x1A800] =	vst v63  }
0x41: {  	s25 =	simm.s32 $0x500  }
0x42: {  	[spmem:s2] =	stream.indirect.scatter.add.f32 [tilespmem:s10], [sflag:$0x1], $0x80, s25, s17, $0xb8;
	[tilespmem:$0x1A800] =	vst v63  }
0x43: {  	s26 =	simm.s32 $0x580  }
0x44: {  	[spmem:s2] =	stream.indirect.scatter.add.f32 [tilespmem:s10], [sflag:$0x1], $0x80, s26, s17, $0xb8;
	[tilespmem:$0x1A800] =	vst v63  }
0x45: {  	s28 =	simm.s32 $0x600  }
0x46: {  	[spmem:s2] =	stream.indirect.scatter.add.f32 [tilespmem:s10], [sflag:$0x1], $0x80, s28, s17, $0xb8;
	[tilespmem:$0x1A800] =	vst v63  }
0x47: {  	s29 =	simm.s32 $0x680  }
0x48: {  	[spmem:s2] =	stream.indirect.scatter.add.f32 [tilespmem:s10], [sflag:$0x1], $0x80, s29, s17, $0xb8;
	[tilespmem:$0x1A800] =	vst v63  }
0x49: {  	s30 =	simm.s32 $0x700  }
0x4a: {  	[spmem:s2] =	stream.indirect.scatter.add.f32 [tilespmem:s10], [sflag:$0x1], $0x80, s30, s17, $0xb8;
	[tilespmem:$0x1A800] =	vst v63  }
0x4b: {  	s31 =	simm.s32 $0x780  }
0x4c: {  	[spmem:s2] =	stream.indirect.scatter.add.f32 [tilespmem:s10], [sflag:$0x1], $0x80, s31, s17, $0xb8;
	[tilespmem:$0x1A800] =	vst v63  }
0x4d: {  	_ =	swait.ge [sflag:s18], $0x4000  }
0x4e: {  	[sflag:s18] =	ssyncset.done $0x0  }
0x4f: {  	[sflag:s18] =	ssyncadd.s32 $0xFFFFC000  }
0x50: {  	_ =	swait.ge [sflag:s18], $0x4000  }
0x51: {  	[sflag:s18] =	ssyncset.done $0x0  }
0x52: {  	[sflag:s18] =	ssyncadd.s32 $0xFFFFC000  }
0x53: {  	_ =	swait.ge [sflag:s18], $0x4000  }
0x54: {  	[sflag:s18] =	ssyncset.done $0x0  }
0x55: {  	[sflag:s18] =	ssyncadd.s32 $0xFFFFC000  }
0x56: {  	_ =	swait.ge [sflag:s18], $0x4000  }
0x57: {  	[sflag:s18] =	ssyncset.done $0x0  }
0x58: {  	[sflag:s18] =	ssyncadd.s32 $0xFFFFC000  }
0x59: {  	_ =	swait.ge [sflag:s18], $0x4000  }
0x5a: {  	[sflag:s18] =	ssyncset.done $0x0  }
0x5b: {  	[sflag:s18] =	ssyncadd.s32 $0xFFFFC000  }
0x5c: {  	_ =	swait.ge [sflag:s18], $0x4000  }
0x5d: {  	[sflag:s18] =	ssyncset.done $0x0  }
0x5e: {  	[sflag:s18] =	ssyncadd.s32 $0xFFFFC000  }
0x5f: {  	_ =	swait.ge [sflag:s18], $0x4000  }
0x60: {  	[sflag:s18] =	ssyncset.done $0x0  }
0x61: {  	[sflag:s18] =	ssyncadd.s32 $0xFFFFC000  }
0x62: {  	_ =	swait.ge [sflag:s18], $0x4000  }
0x63: {  	[sflag:s18] =	ssyncset.done $0x0  }
0x64: {  	[sflag:s18] =	ssyncadd.s32 $0xFFFFC000  }
0x65: {  	_ =	swait.ge [sflag:s18], $0x4000  }
0x66: {  	[sflag:s18] =	ssyncset.done $0x0  }
0x67: {  	[sflag:s18] =	ssyncadd.s32 $0xFFFFC000  }
0x68: {  	_ =	swait.ge [sflag:s18], $0x4000  }
0x69: {  	[sflag:s18] =	ssyncset.done $0x0  }
0x6a: {  	[sflag:s18] =	ssyncadd.s32 $0xFFFFC000  }
0x6b: {  	_ =	swait.ge [sflag:s18], $0x4000  }
0x6c: {  	[sflag:s18] =	ssyncset.done $0x0  }
0x6d: {  	[sflag:s18] =	ssyncadd.s32 $0xFFFFC000  }
0x6e: {  	_ =	swait.ge [sflag:s18], $0x4000  }
0x6f: {  	[sflag:s18] =	ssyncset.done $0x0  }
0x70: {  	[sflag:s18] =	ssyncadd.s32 $0xFFFFC000  }
0x71: {  	_ =	swait.ge [sflag:s18], $0x4000  }
0x72: {  	[sflag:s18] =	ssyncset.done $0x0  }
0x73: {  	[sflag:s18] =	ssyncadd.s32 $0xFFFFC000  }
0x74: {  	_ =	swait.ge [sflag:s18], $0x4000  }
0x75: {  	[sflag:s18] =	ssyncset.done $0x0  }
0x76: {  	[sflag:s18] =	ssyncadd.s32 $0xFFFFC000  }
0x77: {  	_ =	swait.ge [sflag:s18], $0x4000  }
0x78: {  	[sflag:s18] =	ssyncset.done $0x0  }
0x79: {  	[sflag:s18] =	ssyncadd.s32 $0xFFFFC000  }
0x7a: {  	_ =	swait.ge [sflag:s18], $0x4000  }
0x7b: {  	s20 =	simm.s32 $0x2000;
	s23 =	simm.s32 $0x4000;
	[sflag:s18] =	ssyncset.done $0x0  }
.LBB2_2:
0x7c: {  	s22 =	sshra.s32 s20, $0x2  }
0x7d: {  	[sflag:s18] =	ssyncadd.s32 $0xFFFFC000;
	s20 =	smov.u32 s23;
	s21 =	sadd.s32 $0x2000, s23  }
0x7e: {  	[spmem:s2] =	stream.indirect.scatter.add.f32 [tilespmem:s10], [sflag:$0x1], $0x80, s22, s17, $0xb8;
	[tilespmem:$0x1A800] =	vst v63  }
0x7f: {  	p0 =	sne.s32 s23, $0x8000;
	s23 =	sadd.s32 $0x80, s22  }
0x80: {  	[spmem:s2] =	stream.indirect.scatter.add.f32 [tilespmem:s10], [sflag:$0x1], $0x80, s23, s17, $0xb8;
	[tilespmem:$0x1A800] =	vst v63  }
0x81: {  	s23 =	sadd.s32 $0x100, s22  }
0x82: {  	[spmem:s2] =	stream.indirect.scatter.add.f32 [tilespmem:s10], [sflag:$0x1], $0x80, s23, s17, $0xb8;
	[tilespmem:$0x1A800] =	vst v63  }
0x83: {  	s23 =	sadd.s32 $0x180, s22  }
0x84: {  	[spmem:s2] =	stream.indirect.scatter.add.f32 [tilespmem:s10], [sflag:$0x1], $0x80, s23, s17, $0xb8;
	[tilespmem:$0x1A800] =	vst v63  }
0x85: {  	s23 =	sadd.s32 $0x200, s22  }
0x86: {  	[spmem:s2] =	stream.indirect.scatter.add.f32 [tilespmem:s10], [sflag:$0x1], $0x80, s23, s17, $0xb8;
	[tilespmem:$0x1A800] =	vst v63  }
0x87: {  	s23 =	sadd.s32 $0x280, s22  }
0x88: {  	[spmem:s2] =	stream.indirect.scatter.add.f32 [tilespmem:s10], [sflag:$0x1], $0x80, s23, s17, $0xb8;
	[tilespmem:$0x1A800] =	vst v63  }
0x89: {  	s23 =	sadd.s32 $0x300, s22  }
0x8a: {  	[spmem:s2] =	stream.indirect.scatter.add.f32 [tilespmem:s10], [sflag:$0x1], $0x80, s23, s17, $0xb8;
	[tilespmem:$0x1A800] =	vst v63  }
0x8b: {  	s23 =	sadd.s32 $0x380, s22  }
0x8c: {  	[spmem:s2] =	stream.indirect.scatter.add.f32 [tilespmem:s10], [sflag:$0x1], $0x80, s23, s17, $0xb8;
	[tilespmem:$0x1A800] =	vst v63  }
0x8d: {  	s23 =	sadd.s32 $0x400, s22  }
0x8e: {  	[spmem:s2] =	stream.indirect.scatter.add.f32 [tilespmem:s10], [sflag:$0x1], $0x80, s23, s17, $0xb8;
	[tilespmem:$0x1A800] =	vst v63  }
0x8f: {  	s23 =	sadd.s32 $0x480, s22  }
0x90: {  	[spmem:s2] =	stream.indirect.scatter.add.f32 [tilespmem:s10], [sflag:$0x1], $0x80, s23, s17, $0xb8;
	[tilespmem:$0x1A800] =	vst v63  }
0x91: {  	s23 =	sadd.s32 $0x500, s22  }
0x92: {  	[spmem:s2] =	stream.indirect.scatter.add.f32 [tilespmem:s10], [sflag:$0x1], $0x80, s23, s17, $0xb8;
	[tilespmem:$0x1A800] =	vst v63  }
0x93: {  	s23 =	sadd.s32 $0x580, s22  }
0x94: {  	[spmem:s2] =	stream.indirect.scatter.add.f32 [tilespmem:s10], [sflag:$0x1], $0x80, s23, s17, $0xb8;
	[tilespmem:$0x1A800] =	vst v63  }
0x95: {  	s23 =	sadd.s32 $0x600, s22  }
0x96: {  	[spmem:s2] =	stream.indirect.scatter.add.f32 [tilespmem:s10], [sflag:$0x1], $0x80, s23, s17, $0xb8;
	[tilespmem:$0x1A800] =	vst v63  }
0x97: {  	s23 =	sadd.s32 $0x680, s22  }
0x98: {  	[spmem:s2] =	stream.indirect.scatter.add.f32 [tilespmem:s10], [sflag:$0x1], $0x80, s23, s17, $0xb8;
	[tilespmem:$0x1A800] =	vst v63  }
0x99: {  	s23 =	sadd.s32 $0x700, s22  }
0x9a: {  	[spmem:s2] =	stream.indirect.scatter.add.f32 [tilespmem:s10], [sflag:$0x1], $0x80, s23, s17, $0xb8;
	[tilespmem:$0x1A800] =	vst v63  }
0x9b: {  	s22 =	sadd.s32 $0x780, s22  }
0x9c: {  	[spmem:s2] =	stream.indirect.scatter.add.f32 [tilespmem:s10], [sflag:$0x1], $0x80, s22, s17, $0xb8;
	[tilespmem:$0x1A800] =	vst v63  }
0x9d: {  	_ =	swait.ge [sflag:s18], $0x4000  }
0x9e: {  	[sflag:s18] =	ssyncset.done $0x0  }
0x9f: {  	[sflag:s18] =	ssyncadd.s32 $0xFFFFC000  }
0xa0: {  	_ =	swait.ge [sflag:s18], $0x4000  }
0xa1: {  	[sflag:s18] =	ssyncset.done $0x0  }
0xa2: {  	[sflag:s18] =	ssyncadd.s32 $0xFFFFC000  }
0xa3: {  	_ =	swait.ge [sflag:s18], $0x4000  }
0xa4: {  	[sflag:s18] =	ssyncset.done $0x0  }
0xa5: {  	[sflag:s18] =	ssyncadd.s32 $0xFFFFC000  }
0xa6: {  	_ =	swait.ge [sflag:s18], $0x4000  }
0xa7: {  	[sflag:s18] =	ssyncset.done $0x0  }
0xa8: {  	[sflag:s18] =	ssyncadd.s32 $0xFFFFC000  }
0xa9: {  	_ =	swait.ge [sflag:s18], $0x4000  }
0xaa: {  	[sflag:s18] =	ssyncset.done $0x0  }
0xab: {  	[sflag:s18] =	ssyncadd.s32 $0xFFFFC000  }
0xac: {  	_ =	swait.ge [sflag:s18], $0x4000  }
0xad: {  	[sflag:s18] =	ssyncset.done $0x0  }
0xae: {  	[sflag:s18] =	ssyncadd.s32 $0xFFFFC000  }
0xaf: {  	_ =	swait.ge [sflag:s18], $0x4000  }
0xb0: {  	[sflag:s18] =	ssyncset.done $0x0  }
0xb1: {  	[sflag:s18] =	ssyncadd.s32 $0xFFFFC000  }
0xb2: {  	_ =	swait.ge [sflag:s18], $0x4000  }
0xb3: {  	[sflag:s18] =	ssyncset.done $0x0  }
0xb4: {  	[sflag:s18] =	ssyncadd.s32 $0xFFFFC000  }
0xb5: {  	_ =	swait.ge [sflag:s18], $0x4000  }
0xb6: {  	[sflag:s18] =	ssyncset.done $0x0  }
0xb7: {  	[sflag:s18] =	ssyncadd.s32 $0xFFFFC000  }
0xb8: {  	_ =	swait.ge [sflag:s18], $0x4000  }
0xb9: {  	[sflag:s18] =	ssyncset.done $0x0  }
0xba: {  	[sflag:s18] =	ssyncadd.s32 $0xFFFFC000  }
0xbb: {  	_ =	swait.ge [sflag:s18], $0x4000  }
0xbc: {  	[sflag:s18] =	ssyncset.done $0x0  }
0xbd: {  	[sflag:s18] =	ssyncadd.s32 $0xFFFFC000  }
0xbe: {  	_ =	swait.ge [sflag:s18], $0x4000  }
0xbf: {  	[sflag:s18] =	ssyncset.done $0x0  }
0xc0: {  	[sflag:s18] =	ssyncadd.s32 $0xFFFFC000  }
0xc1: {  	_ =	swait.ge [sflag:s18], $0x4000  }
0xc2: {  	[sflag:s18] =	ssyncset.done $0x0  }
0xc3: {  	[sflag:s18] =	ssyncadd.s32 $0xFFFFC000  }
0xc4: {  	_ =	swait.ge [sflag:s18], $0x4000  }
0xc5: {  	[sflag:s18] =	ssyncset.done $0x0  }
0xc6: {  	[sflag:s18] =	ssyncadd.s32 $0xFFFFC000  }
.Ltmp0:
0xc7: {  	_ =	swait.ge [sflag:s18], $0x4000;
	(pc) =	sbr.rel @p0 .LBB2_2-.Ltmp0, $4  }
0xc8: {  	[sflag:s18] =	ssyncset.done $0x0  }
0xc9: {  	[sflag:s18] =	ssyncadd.s32 $0xFFFFC000  }
0xca: {  	_ =	swait.ge [sflag:s18], $0x4000  }
0xcb: {  	s23 =	smov.u32 s21;
	[sflag:s18] =	ssyncset.done $0x0  }
0xcc: {  	s20 =	sshra.s32 s20, $0x2;
	[sflag:s18] =	ssyncadd.s32 $0xFFFFC000  }
0xcd: {  	[spmem:s2] =	stream.indirect.scatter.add.f32 [tilespmem:s10], [sflag:$0x1], $0x80, s20, s17, $0xb8;
	[tilespmem:$0x1A800] =	vst v63  }
0xce: {  	s21 =	sadd.s32 $0x80, s20  }
0xcf: {  	[spmem:s2] =	stream.indirect.scatter.add.f32 [tilespmem:s10], [sflag:$0x1], $0x80, s21, s17, $0xb8;
	[tilespmem:$0x1A800] =	vst v63  }
0xd0: {  	s28 =	sadd.s32 $0x100, s20  }
0xd1: {  	[spmem:s2] =	stream.indirect.scatter.add.f32 [tilespmem:s10], [sflag:$0x1], $0x80, s28, s17, $0xb8;
	[tilespmem:$0x1A800] =	vst v63  }
0xd2: {  	s29 =	sadd.s32 $0x180, s20  }
0xd3: {  	[spmem:s2] =	stream.indirect.scatter.add.f32 [tilespmem:s10], [sflag:$0x1], $0x80, s29, s17, $0xb8;
	[tilespmem:$0x1A800] =	vst v63  }
0xd4: {  	s30 =	sadd.s32 $0x200, s20  }
0xd5: {  	[spmem:s2] =	stream.indirect.scatter.add.f32 [tilespmem:s10], [sflag:$0x1], $0x80, s30, s17, $0xb8;
	[tilespmem:$0x1A800] =	vst v63  }
0xd6: {  	s31 =	sadd.s32 $0x280, s20  }
0xd7: {  	[spmem:s2] =	stream.indirect.scatter.add.f32 [tilespmem:s10], [sflag:$0x1], $0x80, s31, s17, $0xb8;
	[tilespmem:$0x1A800] =	vst v63  }
0xd8: {  	s22 =	sadd.s32 $0x300, s20  }
0xd9: {  	[spmem:s2] =	stream.indirect.scatter.add.f32 [tilespmem:s10], [sflag:$0x1], $0x80, s22, s17, $0xb8;
	[tilespmem:$0x1A800] =	vst v63  }
0xda: {  	s23 =	sadd.s32 $0x380, s20  }
0xdb: {  	[spmem:s2] =	stream.indirect.scatter.add.f32 [tilespmem:s10], [sflag:$0x1], $0x80, s23, s17, $0xb8;
	[tilespmem:$0x1A800] =	vst v63  }
0xdc: {  	s24 =	sadd.s32 $0x400, s20  }
0xdd: {  	[spmem:s2] =	stream.indirect.scatter.add.f32 [tilespmem:s10], [sflag:$0x1], $0x80, s24, s17, $0xb8;
	[tilespmem:$0x1A800] =	vst v63  }
0xde: {  	s25 =	sadd.s32 $0x480, s20  }
0xdf: {  	[spmem:s2] =	stream.indirect.scatter.add.f32 [tilespmem:s10], [sflag:$0x1], $0x80, s25, s17, $0xb8;
	[tilespmem:$0x1A800] =	vst v63  }
0xe0: {  	s26 =	sadd.s32 $0x500, s20  }
0xe1: {  	[spmem:s2] =	stream.indirect.scatter.add.f32 [tilespmem:s10], [sflag:$0x1], $0x80, s26, s17, $0xb8;
	[tilespmem:$0x1A800] =	vst v63  }
0xe2: {  	s28 =	sadd.s32 $0x580, s20  }
0xe3: {  	[spmem:s2] =	stream.indirect.scatter.add.f32 [tilespmem:s10], [sflag:$0x1], $0x80, s28, s17, $0xb8;
	[tilespmem:$0x1A800] =	vst v63  }
0xe4: {  	s29 =	sadd.s32 $0x600, s20  }
0xe5: {  	[spmem:s2] =	stream.indirect.scatter.add.f32 [tilespmem:s10], [sflag:$0x1], $0x80, s29, s17, $0xb8;
	[tilespmem:$0x1A800] =	vst v63  }
0xe6: {  	s30 =	sadd.s32 $0x680, s20  }
0xe7: {  	[spmem:s2] =	stream.indirect.scatter.add.f32 [tilespmem:s10], [sflag:$0x1], $0x80, s30, s17, $0xb8;
	[tilespmem:$0x1A800] =	vst v63  }
0xe8: {  	s31 =	sadd.s32 $0x700, s20  }
0xe9: {  	[spmem:s2] =	stream.indirect.scatter.add.f32 [tilespmem:s10], [sflag:$0x1], $0x80, s31, s17, $0xb8;
	[tilespmem:$0x1A800] =	vst v63  }
0xea: {  	s20 =	sadd.s32 $0x780, s20  }
0xeb: {  	[spmem:s2] =	stream.indirect.scatter.add.f32 [tilespmem:s10], [sflag:$0x1], $0x80, s20, s17, $0xb8;
	[tilespmem:$0x1A800] =	vst v63  }
0xec: {  	_ =	swait.ge [sflag:s18], $0x4000  }
0xed: {  	[sflag:s18] =	ssyncset.done $0x0  }
0xee: {  	[sflag:s18] =	ssyncadd.s32 $0xFFFFC000  }
0xef: {  	_ =	swait.ge [sflag:s18], $0x4000  }
0xf0: {  	[sflag:s18] =	ssyncset.done $0x0  }
0xf1: {  	[sflag:s18] =	ssyncadd.s32 $0xFFFFC000  }
0xf2: {  	_ =	swait.ge [sflag:s18], $0x4000  }
0xf3: {  	[sflag:s18] =	ssyncset.done $0x0  }
0xf4: {  	[sflag:s18] =	ssyncadd.s32 $0xFFFFC000  }
0xf5: {  	_ =	swait.ge [sflag:s18], $0x4000  }
0xf6: {  	[sflag:s18] =	ssyncset.done $0x0  }
0xf7: {  	[sflag:s18] =	ssyncadd.s32 $0xFFFFC000  }
0xf8: {  	_ =	swait.ge [sflag:s18], $0x4000  }
0xf9: {  	[sflag:s18] =	ssyncset.done $0x0  }
0xfa: {  	[sflag:s18] =	ssyncadd.s32 $0xFFFFC000  }
0xfb: {  	_ =	swait.ge [sflag:s18], $0x4000  }
0xfc: {  	[sflag:s18] =	ssyncset.done $0x0  }
0xfd: {  	[sflag:s18] =	ssyncadd.s32 $0xFFFFC000  }
0xfe: {  	_ =	swait.ge [sflag:s18], $0x4000  }
0xff: {  	[sflag:s18] =	ssyncset.done $0x0  }
0x100: {  	[sflag:s18] =	ssyncadd.s32 $0xFFFFC000  }
0x101: {  	_ =	swait.ge [sflag:s18], $0x4000  }
0x102: {  	[sflag:s18] =	ssyncset.done $0x0  }
0x103: {  	[sflag:s18] =	ssyncadd.s32 $0xFFFFC000  }
0x104: {  	_ =	swait.ge [sflag:s18], $0x4000  }
0x105: {  	[sflag:s18] =	ssyncset.done $0x0  }
0x106: {  	[sflag:s18] =	ssyncadd.s32 $0xFFFFC000  }
0x107: {  	_ =	swait.ge [sflag:s18], $0x4000  }
0x108: {  	[sflag:s18] =	ssyncset.done $0x0  }
0x109: {  	[sflag:s18] =	ssyncadd.s32 $0xFFFFC000  }
0x10a: {  	_ =	swait.ge [sflag:s18], $0x4000  }
0x10b: {  	[sflag:s18] =	ssyncset.done $0x0  }
0x10c: {  	[sflag:s18] =	ssyncadd.s32 $0xFFFFC000  }
0x10d: {  	_ =	swait.ge [sflag:s18], $0x4000  }
0x10e: {  	[sflag:s18] =	ssyncset.done $0x0  }
0x10f: {  	[sflag:s18] =	ssyncadd.s32 $0xFFFFC000  }
0x110: {  	_ =	swait.ge [sflag:s18], $0x4000  }
0x111: {  	[sflag:s18] =	ssyncset.done $0x0  }
0x112: {  	[sflag:s18] =	ssyncadd.s32 $0xFFFFC000  }
0x113: {  	_ =	swait.ge [sflag:s18], $0x4000  }
0x114: {  	[sflag:s18] =	ssyncset.done $0x0  }
0x115: {  	[sflag:s18] =	ssyncadd.s32 $0xFFFFC000  }
0x116: {  	_ =	swait.ge [sflag:s18], $0x4000  }
0x117: {  	[sflag:s18] =	ssyncset.done $0x0  }
0x118: {  	[sflag:s18] =	ssyncadd.s32 $0xFFFFC000  }
0x119: {  	_ =	swait.ge [sflag:s18], $0x4000  }
0x11a: {  	s19 =	sadd.s32 $0x1, s19;
	[sflag:s18] =	ssyncset.done $0x0  }
0x11b: {  	p0 =	sne.s32 s19, s8;
	[sflag:s18] =	ssyncadd.s32 $0xFFFFC000  }
.Ltmp1:
0x11c: {  	[bflag:$0x0] =	sbarrier.arrive $0xFFFF;
	(pc) =	sbr.rel @p0 .LBB2_1-.Ltmp1, $4  }
0x11d: {  	[hbm:s7], [sflag:s11] =	dma.local [spmem:s12], $0x2800  }
0x11e: {  	_ =	swait.ge [sflag:s9], $0x2800  }
0x11f: {  	[sflag:s9] =	ssyncset.done $0x0  }
0x120: {  	[sflag:s9] =	ssyncadd.s32 $0xFFFFD800  }
0x121: {  	_ =	sfence.sel $0x180000  }
0x122: {  	[bflag:$0x0] =	sbarrier.arrive $0xFFFF  }
0x123: {  	p0 =	sne.s32 s0, $0x0;
	_ =	strace $0x90000047  }
0x124: {  	s0 =	sadd.s32 @!p0 $0x100000, s1;
	[bflag:$0x2] =	sbarrier.arrive $0xFFFF  }
0x125: {  	[sflag:s0] =	ssyncadd.tile.s32 @!p0 $0x1;
	_ =	shalt  }
.Lfunc_end2:
_tile_overlayer_lowered:
.L_overlay_start_2:
0x126: {  	(tag) =	ssettag $0x2  }
0x127: {  	s0 =	rddreg [dreg:$0x0];
	s2 =	stileid.u32  }
0x128: {  	s1 =	rddreg [dreg:$0x1];
	p0 =	sne.s32 s2, $0x0  }
0x129: {  	s3 =	rddreg [dreg:$0x2];
	[bflag:$0x3] =	sbarrier.arrive $0xFFFF;
	s2 =	simm.s32 @!p0 $0x1C02  }
0x12a: {  	[timem:s3], [sflag:s2] =	dma.local @!p0 [hbm:s0], s1  }
0x12b: {  	s0 =	simm.s32 @!p0 $0x2  }
0x12c: {  	_ =	swait.ge @!p0 [sflag:s0], s1  }
0x12d: {  	s1 =	ssub.s32 @!p0 $0x0, s1;
	[sflag:s0] =	ssyncset.done @!p0 $0x0  }
0x12e: {  	[sflag:s0] =	ssyncadd.s32 @!p0 s1  }
0x12f: {  	[bflag:$0x3] =	sbarrier.arrive $0xFFFF  }
0x130: {  	_ =	shalt  }

// kernel: kernel.17.cloned.1.call-start
scs
__scs_entry_jumppad:
0x0: {  	(pc) =	sbr.rel $0x88, $3  }
0x1: {  	(tag) =	ssettag $0x0;
	lr =	simm.s32 $0x1  }
0x2: {  	[smem:$0x3F92] =	sst lr;
	_ =	strace $0xD0000000  }
0x3: {  	_ = 	snop  }
0x4: {  	_ = 	snop  }
0x5: {  	_ = 	snop  }
0x6: {  	_ = 	snop  }
0x7: {  	_ = 	snop  }
__scs_overlays_trampoline_lowered:
0x8: {  	[smem:$0x3FA1] =	sst s0  }
0x9: {  	[smem:$0x3FA2] =	sst s1  }
0xa: {  	[smem:$0x3FA3] =	sst s2  }
0xb: {  	[smem:$0x3FA4] =	sst s3  }
0xc: {  	[smem:$0x3FA5] =	sst s4  }
0xd: {  	[smem:$0x3FA6] =	sst s5  }
0xe: {  	[smem:$0x3FA7] =	sst s6  }
0xf: {  	[smem:$0x3FA8] =	sst s7  }
0x10: {  	[smem:$0x3FA9] =	sst s8  }
0x11: {  	[smem:$0x3FAA] =	sst s9;
	s0 =	simm.s32 @!p0 $0x0  }
0x12: {  	s1 =	sld [smem:$0x3F90];
	s0 =	simm.s32 @p0 $0x1  }
0x13: {  	[smem:$0x3FAB] =	sst s0;
	s0 =	simm.s32 @!p1 $0x0  }
0x14: {  	s2 =	sld [smem:$0x3F8F];
	s0 =	simm.s32 @p1 $0x1  }
0x15: {  	[smem:$0x3FAC] =	sst s0;
	s0 =	simm.s32 @!p2 $0x0  }
0x16: {  	s3 =	sld [smem:$0x3FDB];
	s0 =	simm.s32 @p2 $0x1  }
0x17: {  	s4 =	simm.s32 $0x1BF5;
	[smem:$0x3FAE] =	sst s0  }
0x18: {  	s0 =	sld [smem:$0x3F91];
	_ =	swait.ge [sflag:s4], $0x0  }
0x19: {  	s7 =	sld [smem:$0x3F92]  }
0x1a: {  	s8 =	sadd.s32 $0xFFFFE003, lr  }
0x1b: {  	s9 =	sadd.s32 $0xFFFFFEF7, lr;
	s5 =	simm.s32 $0xFFFFFFFF;
	p2 =	slt.u32 s8, $0xFFFFF086  }
0x1c: {  	p1 =	slt.u32 s9, $0xF7A;
	s5 =	simm.s32 @!p2 $0x0  }
0x1d: {  	s5 =	simm.s32 @p1 $0x1;
	p0 =	seq.s32 s7, s2  }
0x1e: {  	s7 =	smul.u32 @!p0 $0xF7A, s2;
	p2 =	seq.s32 @!p0 s5, $0x0  }
0x1f: {  	s9 =	smul.u32 $0xF7A, s1;
	s8 =	simm.s32 @!p0 $0x1BF5;
	p2 =	por !p2, p0  }
0x20: {  	[sflag:s8] =	ssyncset.s32 @!p0 $0xFFFFF086;
	s6 =	sadd.s32 @!p0 s3, s7;
	s7 =	simm.s32 @!p0 $0x108  }
0x21: {  	s3 =	sadd.s32 s3, s9;
	s6 =	sadd.s32 @!p0 $0x88, s6;
	s7 =	simm.s32 @p2 $0x1082  }
0x22: {  	[simem:s7], [sflag:s8] =	dma.local @!p0 [hbm:s6], $0xF7A  }
0x23: {  	s9 =	sor.u32 $0xD0000000, s2;
	s6 =	simm.s32 $0x108;
	_ =	swait.ge @!p0 [sflag:s8], $0x0  }
0x24: {  	s3 =	sadd.s32 $0x88, s3;
	s6 =	simm.s32 @!p1 $0x1082;
	[sflag:s4] =	ssyncset.s32 $0xFFFFF086  }
0x25: {  	[simem:s6], [sflag:s4] =	dma.local [hbm:s3], $0xF7A  }
0x26: {  	[smem:$0x3F92] =	sst s1;
	(tag) =	ssettag s2;
	_ =	strace s9  }
0x27: {  	s1 =	sld [smem:$0x3FA2]  }
0x28: {  	s2 =	sld [smem:$0x3FA3]  }
0x29: {  	s4 =	sld [smem:$0x3FA5]  }
0x2a: {  	p0 =	seq.s32 s5, $0x0;
	s5 =	sld [smem:$0x3FA6]  }
0x2b: {  	s6 =	sld [smem:$0x3FA7]  }
0x2c: {  	s7 =	sld [smem:$0x3FA8]  }
0x2d: {  	s3 =	simm.s32 $0x108;
	s8 =	sld [smem:$0x3FA9]  }
0x2e: {  	s3 =	simm.s32 @!p0 $0x1082;
	s9 =	sld [smem:$0x3FAA]  }
0x2f: {  	lr =	sadd.s32 s0, s3;
	s0 =	sld [smem:$0x3FA1]  }
0x30: {  	s3 =	sld [smem:$0x3FA4]  }
0x31: {  	[smem:$0x3FAD] =	sst s10  }
0x32: {  	s10 =	sld [smem:$0x3FAB];
	_ =	sdelay $0x3  }
0x33: {  	p0 =	seq.s32 s10, $0x1;
	s10 =	sld [smem:$0x3FAD];
	_ =	sdelay $0x3  }
0x34: {  	[smem:$0x3FAD] =	sst s10  }
0x35: {  	s10 =	sld [smem:$0x3FAC];
	_ =	sdelay $0x3  }
0x36: {  	p1 =	seq.s32 s10, $0x1;
	s10 =	sld [smem:$0x3FAD];
	_ =	sdelay $0x3  }
0x37: {  	[smem:$0x3FAD] =	sst s10  }
0x38: {  	s10 =	sld [smem:$0x3FAE]  }
0x39: {  	_ = 	snop;
	(pc) =	sbr.ind lr, $3  }
0x3a: {  	_ = 	snop  }
0x3b: {  	_ = 	snop  }
0x3c: {  	p2 =	seq.s32 s10, $0x1;
	s10 =	sld [smem:$0x3FAD]  }
0x3d: {  	_ =	shalt  }
0x3e: {  	_ =	shalt  }
0x3f: {  	_ =	shalt  }
0x40: {  	_ =	shalt  }
0x41: {  	_ =	shalt  }
0x42: {  	_ =	shalt  }
0x43: {  	_ =	shalt  }
0x44: {  	_ =	shalt  }
0x45: {  	_ =	shalt  }
0x46: {  	_ =	shalt  }
0x47: {  	_ =	shalt  }
0x48: {  	_ =	shalt  }
0x49: {  	_ =	shalt  }
0x4a: {  	_ =	shalt  }
0x4b: {  	_ =	shalt  }
0x4c: {  	_ =	shalt  }
0x4d: {  	_ =	shalt  }
0x4e: {  	_ =	shalt  }
0x4f: {  	_ =	shalt  }
0x50: {  	_ =	shalt  }
0x51: {  	_ =	shalt  }
0x52: {  	_ =	shalt  }
0x53: {  	_ =	shalt  }
0x54: {  	_ =	shalt  }
0x55: {  	_ =	shalt  }
0x56: {  	_ =	shalt  }
0x57: {  	_ =	shalt  }
0x58: {  	_ =	shalt  }
0x59: {  	_ =	shalt  }
0x5a: {  	_ =	shalt  }
0x5b: {  	_ =	shalt  }
0x5c: {  	_ =	shalt  }
0x5d: {  	_ =	shalt  }
0x5e: {  	_ =	shalt  }
0x5f: {  	_ =	shalt  }
0x60: {  	_ =	shalt  }
0x61: {  	_ =	shalt  }
0x62: {  	_ =	shalt  }
0x63: {  	_ =	shalt  }
0x64: {  	_ =	shalt  }
0x65: {  	_ =	shalt  }
0x66: {  	_ =	shalt  }
0x67: {  	_ =	shalt  }
0x68: {  	_ =	shalt  }
0x69: {  	_ =	shalt  }
0x6a: {  	_ =	shalt  }
0x6b: {  	_ =	shalt  }
0x6c: {  	_ =	shalt  }
0x6d: {  	_ =	shalt  }
0x6e: {  	_ =	shalt  }
0x6f: {  	_ =	shalt  }
0x70: {  	_ =	shalt  }
0x71: {  	_ =	shalt  }
0x72: {  	_ =	shalt  }
0x73: {  	_ =	shalt  }
0x74: {  	_ =	shalt  }
0x75: {  	_ =	shalt  }
0x76: {  	_ =	shalt  }
0x77: {  	_ =	shalt  }
0x78: {  	_ =	shalt  }
0x79: {  	_ =	shalt  }
0x7a: {  	_ =	shalt  }
0x7b: {  	_ =	shalt  }
0x7c: {  	_ =	shalt  }
0x7d: {  	_ =	shalt  }
0x7e: {  	_ =	shalt  }
0x7f: {  	_ =	shalt  }
0x80: {  	_ =	shalt  }
0x81: {  	_ =	shalt  }
0x82: {  	_ =	shalt  }
0x83: {  	_ =	shalt  }
0x84: {  	_ =	shalt  }
0x85: {  	_ =	shalt  }
0x86: {  	_ =	shalt  }
0x87: {  	_ =	shalt  }
.Lfunc_end0:
.L_simem_size_0:
called_computation.1_lowered:
.L_overlay_start_0:
0x88: {  	s2 =	sld [smem:$0x3FD9]  }
0x89: {  	s3 =	sld [smem:$0x3FFE];
	_ =	sdelay $0x1  }
0x8a: {  	s1 =	srdreg.scid  }
0x8b: {  	s0 =	sand.u32 $0x1, s1  }
0x8c: {  	s16 =	sshll.u32 s0, $0xA;
	s2 =	sadd.s32 s3, s2  }
0x8d: {  	s2 =	sadd.s32 s2, s16  }
0x8e: {  	[smem:$0x3FB9] =	sst s2  }
0x8f: {  	_ = 	snop  }
0x90: {  	(tm) =	ssettm $0x1  }
0x91: {  	s17 =	sld [smem:$0x3FFB];
	_ =	sdelay $0x3  }
0x92: {  	_ =	strace s17  }
0x93: {  	s2 =	sld [smem:$0x3FFC];
	_ =	sdelay $0x3  }
0x94: {  	_ =	strace s2  }
0x95: {  	s2 =	sld [smem:$0x3FFD];
	_ =	sdelay $0x3  }
0x96: {  	_ =	strace s2  }
0x97: {  	_ =	strace $0x8FFFFFFF  }
0x98: {  	s18 =	sld [smem:$0x3FDB];
	_ =	sdelay $0x1  }
0x99: {  	s19 =	simm.s32 $_scs_section_size  }
0x9a: {  	s4 =	simm.s32 $_size__tile_overlayer_lowered;
	s5 =	simm.s32 $_tile_overlayer_lowered  }
0x9b: {  	s22 =	simm.s32 $0x1BFF;
	s21 =	sshll.u32 s5, $0x1;
	s2 =	sadd.s32 s19, s18  }
0x9c: {  	s6 =	simm.s32 $0x0;
	s20 =	sshll.u32 s4, $0x1;
	s4 =	sadd.s32 s21, s2  }
0x9d: {  	[timem:s6], [sflag:s22] =	dma.local [hbm:s4], s20  }
0x9e: {  	_ =	swait.ge [sflag:s22], s20  }
0x9f: {  	s3 =	ssub.s32 $0x0, s20;
	[sflag:s22] =	ssyncset.done $0x0  }
0xa0: {  	[sflag:s22] =	ssyncadd.s32 s3;
	_ =	sdelay $0x1  }
0xa1: {  	s23 =	simm.s32 $0x1B8B  }
0xa2: {  	_ =	swait.ge [sflag:s23], $0x1  }
0xa3: {  	[sflag:s23] =	ssyncset.done $0x0  }
0xa4: {  	s25 =	simm.s32 $0x1B8E;
	s24 =	sld [smem:$0x3FFE];
	[sflag:s23] =	ssyncadd.s32 $0xFFFFFFFF  }
0xa5: {  	s26 =	simm.s32 $execute0_lowered;
	[smem:$0x3FD2] =	sst s25  }
0xa6: {  	s4 =	sshll.u32 s26, $0x1;
	_ =	strace $0x80000049;
	[dreg:$0x1] =	wrdreg $0xFFFFFFFF  }
0xa7: {  	s28 =	simm.s32 $_size_execute0_lowered;
	s2 =	sadd.s32 s2, s4;
	[dreg:$0x0] =	wrdreg $0x0  }
0xa8: {  	s4 =	sshll.u32 s28, $0x1;
	[dreg:$0x2] =	wrdreg s2  }
0xa9: {  	[dreg:$0x3] =	wrdreg s4  }
0xaa: {  	[dreg:$0x4] =	wrdreg $0xC0  }
0xab: {  	_ =	task [dreg:s6], $0x5FFFF  }
0xac: {  	[dreg:$0x1] =	wrdreg $0xFFFFFFFF  }
0xad: {  	[dreg:$0x0] =	wrdreg $0x60  }
0xae: {  	[dreg:$0x2] =	wrdreg s24  }
0xaf: {  	[dreg:$0x3] =	wrdreg $0xA8000  }
0xb0: {  	[dreg:$0x4] =	wrdreg $0x9  }
0xb1: {  	_ =	task.clear_ibuf [dreg:s6], $0x5FFFF;
	_ =	strace $0x90000049  }
0xb2: {  	s29 =	simm.s32 $0x9;
	_ =	strace $0x8000004B  }
0xb3: {  	_ =	swait.ge [sflag:s29], $0x1  }
0xb4: {  	[sflag:s29] =	ssyncadd.s32 $0xFFFFFFFF  }
0xb5: {  	_ =	strace $0x9000004B  }
0xb6: {  	_ =	sfence  }
0xb7: {  	s30 =	sld [smem:$0x0];
	_ =	sdelay $0x2  }
0xb8: {  	s31 =	sshll.u32 s1, $0xD;
	s1 =	sshrl.u32 s1, $0x2  }
0xb9: {  	s3 =	sand.u32 $0x4000, s31;
	s1 =	sadd.s32 s1, s30  }
0xba: {  	s0 =	sor.u32 s3, s0;
	s1 =	sshll.u32 s1, $0x11  }
0xbb: {  	s0 =	sor.u32 s1, s0  }
0xbc: {  	s0 =	sadd.s32 $0x8F2B, s0  }
0xbd: {  	[sflag:s0] =	ssyncadd.remote.s32 $0x1  }
0xbe: {  	_ =	sfence.sel $0xFFFF  }
0xbf: {  	[dreg:$0x0] =	wrdreg $0xFFFFFFFF;
	(pc) =	sbr.abs _section_cstart, $3  }
0xc0: {  	[dreg:$0x1] =	wrdreg $0xFFFFFFFF  }
0xc1: {  	_ =	task.clear_ibuf [dreg:s6], $0x2FFFF;
	_ =	strace $0x9FFFFFFF  }
0xc2: {  	(tm) =	ssettm $0x7FFFFFFF  }
0xc3: {  	_ =	shalt  }
tec
execute0_lowered:
.L_overlay_start_1:
0x0: {  	(tag) =	ssettag $0x1  }
0x1: {  	s6 =	rddreg [dreg:$0x0]  }
0x2: {  	s1 =	rddreg [dreg:$0x1];
	s2 =	srdreg.scid  }
0x3: {  	s3 =	simm.s32 $0x0;
	s0 =	stileid.u32;
	s20 =	simm.s32 $0x80  }
0x4: {  	s21 =	simm.s32 $0x2800;
	s22 =	simm.s32 $0x6800;
	s23 =	simm.s32 $0x1  }
0x5: {  	s28 =	simm.s32 $0x2780;
	s29 =	simm.s32 $0x0;
	s7 =	sand.u32 $0x1, s2  }
0x6: {  	[smem:$0x7FF] =	sst s3;
	s8 =	smul.u32 $0x14000, s0;
	s4 =	sadd.s32 $0x6A200, s6  }
0x7: {  	s9 =	sadd.s32 $0xF200, s6;
	s10 =	sadd.s32 $0x5200, s6;
	s12 =	smul.u32 $0x50000, s0  }
0x8: {  	s30 =	sshll.u32 s0, $0x6;
	s5 =	smul.u32 $0x140000, s7;
	s11 =	sshll.u32 s7, $0x4  }
0x9: {  	_ =	strace $0x8000004A;
	s7 =	ssub.s32 $0x2, s7;
	s11 =	sor.u32 s0, s11  }
0xa: {  	s24 =	sshrl.u32 s7, $0x1;
	s26 =	sshrl.u32 s12, $0x2;
	s8 =	sadd.s32 s8, s5  }
0xb: {  	s5 =	sadd.s32 $0x19200, s6;
	s25 =	smul.u32 $0x2800, s11;
	s14 =	ssub.s32 s7, s24  }
0xc: {  	s15 =	sadd.s32 s26, s1;
	s24 =	simm.s32 $0x2;
	s26 =	simm.s32 $0x2700  }
0xd: {  	s8 =	sshrl.u32 s8, $0x3;
	s12 =	smax.u32 s14, $0x1;
	s16 =	sadd.s32 $0x4000, s15  }
0xe: {  	s17 =	sadd.s32 $0x8000, s15;
	s18 =	sadd.s32 $0xC000, s15;
	s19 =	sadd.s32 $0x10000, s15  }
0xf: {  	s14 =	simm.s32 $0x3;
	s13 =	sadd.s32 s8, s6;
	s11 =	sshrl.u32 s25, $0x3  }
0x10: {  	s6 =	sor.u32 $0x1C03, s30;
	s25 =	simm.s32 $0x1380;
	s31 =	sadd.s32 s9, s11  }
0x11: {  	s8 =	sadd.s32 s10, s11;
	s11 =	sadd.s32 $0x280, s11;
	[dreg:$0x3] =	wrdreg s31  }
0x12: {  	s9 =	sadd.s32 s9, s11;
	s10 =	sadd.s32 s10, s11;
	s11 =	sadd.s32 $0x91400, s13  }
0x13: {  	s13 =	sshrl.u32 s15, $0x3;
	s15 =	sshrl.u32 s16, $0x3;
	s16 =	sshrl.u32 s17, $0x3  }
0x14: {  	s17 =	sshrl.u32 s18, $0x3;
	s18 =	sshrl.u32 s19, $0x3;
	s19 =	simm.s32 $0x1400  }
.LBB2_1:
0x15: {  	[spmem:s13], [sflag:s6] =	dma.local [hbm:s5], $0x800  }
0x16: {  	_ =	swait.ge [sflag:s14], $0x800  }
0x17: {  	[sflag:s14] =	ssyncset.done $0x0  }
0x18: {  	[sflag:s14] =	ssyncadd.s32 $0xFFFFF800  }
0x19: {  	[spmem:s15], [sflag:s6] =	dma.local [hbm:s5], $0x800  }
0x1a: {  	_ =	swait.ge [sflag:s14], $0x800  }
0x1b: {  	[sflag:s14] =	ssyncset.done $0x0  }
0x1c: {  	[sflag:s14] =	ssyncadd.s32 $0xFFFFF800  }
0x1d: {  	[spmem:s16], [sflag:s6] =	dma.local [hbm:s5], $0x800  }
0x1e: {  	_ =	swait.ge [sflag:s14], $0x800  }
0x1f: {  	[sflag:s14] =	ssyncset.done $0x0  }
0x20: {  	[sflag:s14] =	ssyncadd.s32 $0xFFFFF800  }
0x21: {  	[spmem:s17], [sflag:s6] =	dma.local [hbm:s5], $0x800  }
0x22: {  	_ =	swait.ge [sflag:s14], $0x800  }
0x23: {  	[sflag:s14] =	ssyncset.done $0x0  }
0x24: {  	[sflag:s14] =	ssyncadd.s32 $0xFFFFF800  }
0x25: {  	[spmem:s18], [sflag:s6] =	dma.local [hbm:s5], $0x800  }
0x26: {  	_ =	swait.ge [sflag:s14], $0x800  }
0x27: {  	[sflag:s14] =	ssyncset.done $0x0  }
0x28: {  	[sflag:s14] =	ssyncadd.s32 $0xFFFFF800  }
0x29: {  	[bflag:$0x0] =	sbarrier.arrive $0xFFFF  }
0x2a: {  	s0 =	rddreg [dreg:$0x3]  }
0x2b: {  	[tilespmem:s3], [sflag:$0x3] =	stream.linear.gather [hbm4b:s0+s3], $0x1400, $0x38;
	[tilespmem:$0x1E800] =	vst v63  }
0x2c: {  	_ =	swait.ge [sflag:s14], $0x1400  }
0x2d: {  	[sflag:s14] =	ssyncset.done $0x0  }
0x2e: {  	[sflag:s14] =	ssyncadd.s32 $0xFFFFEC00  }
0x2f: {  	[tilespmem:s19], [sflag:$0x3] =	stream.linear.gather [hbm4b:s8+s3], $0x1400, $0x38;
	[tilespmem:$0x1E800] =	vst v63  }
0x30: {  	_ =	swait.ge [sflag:s14], $0x1400  }
0x31: {  	[sflag:s14] =	ssyncset.done $0x0  }
0x32: {  	[sflag:s14] =	ssyncadd.s32 $0xFFFFEC00  }
0x33: {  	[tilespmem:s21], [sflag:$0x1] =	stream.indirect.gather [hbm4b:s4+s20], $0x80, s3, s20, $0xb8;
	[tilespmem:$0x1E800] =	vst v63  }
0x34: {  	s30 =	simm.s32 $0x80  }
0x35: {  	[tilespmem:s22], [sflag:$0x2] =	stream.indirect.gather [hbm4b:s4+s20], $0x80, s30, s20, $0xb8;
	[tilespmem:$0x1E800] =	vst v63  }
0x36: {  	_ =	swait.ge [sflag:s23], $0x4000  }
0x37: {  	[sflag:s23] =	ssyncset.done $0x0  }
0x38: {  	s30 =	simm.s32 $0x1400;
	[sflag:s23] =	ssyncadd.s32 $0xFFFFC000  }
0x39: {  	[spmem:s1] =	stream.indirect.scatter.add.f32 [tilespmem:s21], [sflag:$0x3], $0x80, s30, s20, $0xb8;
	[tilespmem:$0x1E800] =	vst v63  }
0x3a: {  	_ =	swait.ge [sflag:s14], $0x4000  }
0x3b: {  	[sflag:s14] =	ssyncset.done $0x0  }
0x3c: {  	s30 =	simm.s32 $0x100;
	[sflag:s14] =	ssyncadd.s32 $0xFFFFC000  }
0x3d: {  	[tilespmem:s21], [sflag:$0x1] =	stream.indirect.gather [hbm4b:s4+s20], $0x80, s30, s20, $0xb8;
	[tilespmem:$0x1E800] =	vst v63  }
0x3e: {  	_ =	swait.ge [sflag:s24], $0x4000  }
0x3f: {  	[sflag:s24] =	ssyncset.done $0x0  }
0x40: {  	s30 =	simm.s32 $0x1480;
	[sflag:s24] =	ssyncadd.s32 $0xFFFFC000  }
0x41: {  	[spmem:s1] =	stream.indirect.scatter.add.f32 [tilespmem:s22], [sflag:$0x3], $0x80, s30, s20, $0xb8;
	[tilespmem:$0x1E800] =	vst v63  }
0x42: {  	_ =	swait.ge [sflag:s14], $0x4000  }
0x43: {  	s31 =	simm.s32 $0x800;
	s30 =	simm.s32 $0x100;
	[sflag:s14] =	ssyncset.done $0x0  }
.LBB2_2:
0x44: {  	s0 =	sadd.s32 $0x80, s30  }
0x45: {  	[sflag:s14] =	ssyncadd.s32 $0xFFFFC000;
	s2 =	smov.u32 s31;
	s7 =	sadd.s32 $0x400, s31  }
0x46: {  	[tilespmem:s22], [sflag:$0x2] =	stream.indirect.gather [hbm4b:s4+s20], $0x80, s0, s20, $0xb8;
	[tilespmem:$0x1E800] =	vst v63  }
0x47: {  	p0 =	sne.s32 s31, $0x4800;
	_ =	swait.ge [sflag:s23], $0x4000  }
0x48: {  	[sflag:s23] =	ssyncset.done $0x0  }
0x49: {  	s0 =	sadd.s32 $0x1400, s30;
	[sflag:s23] =	ssyncadd.s32 $0xFFFFC000  }
0x4a: {  	[spmem:s1] =	stream.indirect.scatter.add.f32 [tilespmem:s21], [sflag:$0x3], $0x80, s0, s20, $0xb8;
	[tilespmem:$0x1E800] =	vst v63  }
0x4b: {  	_ =	swait.ge [sflag:s14], $0x4000  }
0x4c: {  	[sflag:s14] =	ssyncset.done $0x0  }
0x4d: {  	s0 =	sadd.s32 $0x100, s30;
	[sflag:s14] =	ssyncadd.s32 $0xFFFFC000  }
0x4e: {  	[tilespmem:s21], [sflag:$0x1] =	stream.indirect.gather [hbm4b:s4+s20], $0x80, s0, s20, $0xb8;
	[tilespmem:$0x1E800] =	vst v63  }
0x4f: {  	_ =	swait.ge [sflag:s24], $0x4000  }
.Ltmp0:
0x50: {  	[sflag:s24] =	ssyncset.done $0x0;
	(pc) =	sbr.rel @p0 .LBB2_2-.Ltmp0, $4  }
0x51: {  	s0 =	sadd.s32 $0x1480, s30;
	[sflag:s24] =	ssyncadd.s32 $0xFFFFC000  }
0x52: {  	[spmem:s1] =	stream.indirect.scatter.add.f32 [tilespmem:s22], [sflag:$0x3], $0x80, s0, s20, $0xb8;
	[tilespmem:$0x1E800] =	vst v63  }
0x53: {  	_ =	swait.ge [sflag:s14], $0x4000  }
0x54: {  	s31 =	smov.u32 s7;
	s30 =	sshra.s32 s2, $0x2;
	[sflag:s14] =	ssyncset.done $0x0  }
0x55: {  	s0 =	sadd.s32 $0x80, s30;
	[sflag:s14] =	ssyncadd.s32 $0xFFFFC000  }
0x56: {  	[tilespmem:s22], [sflag:$0x2] =	stream.indirect.gather [hbm4b:s4+s20], $0x80, s0, s20, $0xb8;
	[tilespmem:$0x1E800] =	vst v63  }
0x57: {  	_ =	swait.ge [sflag:s23], $0x4000  }
0x58: {  	[sflag:s23] =	ssyncset.done $0x0  }
0x59: {  	s2 =	sadd.s32 $0x1400, s30;
	[sflag:s23] =	ssyncadd.s32 $0xFFFFC000  }
0x5a: {  	[spmem:s1] =	stream.indirect.scatter.add.f32 [tilespmem:s21], [sflag:$0x3], $0x80, s2, s20, $0xb8;
	[tilespmem:$0x1E800] =	vst v63  }
0x5b: {  	_ =	swait.ge [sflag:s14], $0x4000  }
0x5c: {  	[sflag:s14] =	ssyncset.done $0x0  }
0x5d: {  	s7 =	sadd.s32 $0x100, s30;
	[sflag:s14] =	ssyncadd.s32 $0xFFFFC000  }
0x5e: {  	[tilespmem:s21], [sflag:$0x1] =	stream.indirect.gather [hbm4b:s4+s20], $0x80, s7, s20, $0xb8;
	[tilespmem:$0x1E800] =	vst v63  }
0x5f: {  	_ =	swait.ge [sflag:s24], $0x4000  }
0x60: {  	[sflag:s24] =	ssyncset.done $0x0  }
0x61: {  	s2 =	sadd.s32 $0x1480, s30;
	[sflag:s24] =	ssyncadd.s32 $0xFFFFC000  }
0x62: {  	[spmem:s1] =	stream.indirect.scatter.add.f32 [tilespmem:s22], [sflag:$0x3], $0x80, s2, s20, $0xb8;
	[tilespmem:$0x1E800] =	vst v63  }
0x63: {  	_ =	swait.ge [sflag:s14], $0x4000  }
0x64: {  	[sflag:s14] =	ssyncset.done $0x0  }
0x65: {  	[sflag:s14] =	ssyncadd.s32 $0xFFFFC000  }
0x66: {  	[tilespmem:s22], [sflag:$0x2] =	stream.indirect.gather [hbm4b:s4+s20], $0x80, s25, s20, $0xb8;
	[tilespmem:$0x1E800] =	vst v63  }
0x67: {  	_ =	swait.ge [sflag:s23], $0x4000  }
0x68: {  	[sflag:s23] =	ssyncset.done $0x0  }
0x69: {  	[sflag:s23] =	ssyncadd.s32 $0xFFFFC000  }
0x6a: {  	[spmem:s1] =	stream.indirect.scatter.add.f32 [tilespmem:s21], [sflag:$0x3], $0x80, s26, s20, $0xb8;
	[tilespmem:$0x1E800] =	vst v63  }
0x6b: {  	_ =	swait.ge [sflag:s14], $0x4000  }
0x6c: {  	[sflag:s14] =	ssyncset.done $0x0  }
0x6d: {  	[sflag:s14] =	ssyncadd.s32 $0xFFFFC000  }
0x6e: {  	_ =	swait.ge [sflag:s24], $0x4000  }
0x6f: {  	[sflag:s24] =	ssyncset.done $0x0  }
0x70: {  	[sflag:s24] =	ssyncadd.s32 $0xFFFFC000  }
0x71: {  	[spmem:s1] =	stream.indirect.scatter.add.f32 [tilespmem:s22], [sflag:$0x3], $0x80, s28, s20, $0xb8;
	[tilespmem:$0x1E800] =	vst v63  }
0x72: {  	_ =	swait.ge [sflag:s14], $0x4000  }
0x73: {  	[sflag:s14] =	ssyncset.done $0x0  }
0x74: {  	s7 =	simm.s32 $0x0;
	[sflag:s14] =	ssyncadd.s32 $0xFFFFC000  }
0x75: {  	[tilespmem:s7], [sflag:$0x3] =	stream.linear.gather [hbm4b:s9+s7], $0x1400, $0x38;
	[tilespmem:$0x1E800] =	vst v63  }
0x76: {  	_ =	swait.ge [sflag:s14], $0x1400  }
0x77: {  	[sflag:s14] =	ssyncset.done $0x0  }
0x78: {  	[sflag:s14] =	ssyncadd.s32 $0xFFFFEC00  }
0x79: {  	[tilespmem:s19], [sflag:$0x3] =	stream.linear.gather [hbm4b:s10+s7], $0x1400, $0x38;
	[tilespmem:$0x1E800] =	vst v63  }
0x7a: {  	_ =	swait.ge [sflag:s14], $0x1400  }
0x7b: {  	[sflag:s14] =	ssyncset.done $0x0  }
0x7c: {  	[sflag:s14] =	ssyncadd.s32 $0xFFFFEC00  }
0x7d: {  	[tilespmem:s21], [sflag:$0x1] =	stream.indirect.gather [hbm4b:s4+s20], $0x80, s7, s20, $0xb8;
	[tilespmem:$0x1E800] =	vst v63  }
0x7e: {  	s2 =	simm.s32 $0x80  }
0x7f: {  	[tilespmem:s22], [sflag:$0x2] =	stream.indirect.gather [hbm4b:s4+s20], $0x80, s2, s20, $0xb8;
	[tilespmem:$0x1E800] =	vst v63  }
0x80: {  	_ =	swait.ge [sflag:s23], $0x4000  }
0x81: {  	[sflag:s23] =	ssyncset.done $0x0  }
0x82: {  	s7 =	simm.s32 $0x1400;
	[sflag:s23] =	ssyncadd.s32 $0xFFFFC000  }
0x83: {  	[spmem:s1] =	stream.indirect.scatter.add.f32 [tilespmem:s21], [sflag:$0x3], $0x80, s7, s20, $0xb8;
	[tilespmem:$0x1E800] =	vst v63  }
0x84: {  	_ =	swait.ge [sflag:s14], $0x4000  }
0x85: {  	[sflag:s14] =	ssyncset.done $0x0  }
0x86: {  	s2 =	simm.s32 $0x100;
	[sflag:s14] =	ssyncadd.s32 $0xFFFFC000  }
0x87: {  	[tilespmem:s21], [sflag:$0x1] =	stream.indirect.gather [hbm4b:s4+s20], $0x80, s2, s20, $0xb8;
	[tilespmem:$0x1E800] =	vst v63  }
0x88: {  	_ =	swait.ge [sflag:s24], $0x4000  }
0x89: {  	[sflag:s24] =	ssyncset.done $0x0  }
0x8a: {  	s7 =	simm.s32 $0x1480;
	[sflag:s24] =	ssyncadd.s32 $0xFFFFC000  }
0x8b: {  	[spmem:s1] =	stream.indirect.scatter.add.f32 [tilespmem:s22], [sflag:$0x3], $0x80, s7, s20, $0xb8;
	[tilespmem:$0x1E800] =	vst v63  }
0x8c: {  	_ =	swait.ge [sflag:s14], $0x4000  }
0x8d: {  	s31 =	simm.s32 $0x800;
	s30 =	simm.s32 $0x100;
	[sflag:s14] =	ssyncset.done $0x0  }
.LBB2_4:
0x8e: {  	s0 =	sadd.s32 $0x80, s30  }
0x8f: {  	[sflag:s14] =	ssyncadd.s32 $0xFFFFC000;
	s2 =	smov.u32 s31;
	s7 =	sadd.s32 $0x400, s31  }
0x90: {  	[tilespmem:s22], [sflag:$0x2] =	stream.indirect.gather [hbm4b:s4+s20], $0x80, s0, s20, $0xb8;
	[tilespmem:$0x1E800] =	vst v63  }
0x91: {  	p0 =	sne.s32 s31, $0x4800;
	_ =	swait.ge [sflag:s23], $0x4000  }
0x92: {  	[sflag:s23] =	ssyncset.done $0x0  }
0x93: {  	s0 =	sadd.s32 $0x1400, s30;
	[sflag:s23] =	ssyncadd.s32 $0xFFFFC000  }
0x94: {  	[spmem:s1] =	stream.indirect.scatter.add.f32 [tilespmem:s21], [sflag:$0x3], $0x80, s0, s20, $0xb8;
	[tilespmem:$0x1E800] =	vst v63  }
0x95: {  	_ =	swait.ge [sflag:s14], $0x4000  }
0x96: {  	[sflag:s14] =	ssyncset.done $0x0  }
0x97: {  	s0 =	sadd.s32 $0x100, s30;
	[sflag:s14] =	ssyncadd.s32 $0xFFFFC000  }
0x98: {  	[tilespmem:s21], [sflag:$0x1] =	stream.indirect.gather [hbm4b:s4+s20], $0x80, s0, s20, $0xb8;
	[tilespmem:$0x1E800] =	vst v63  }
0x99: {  	_ =	swait.ge [sflag:s24], $0x4000  }
.Ltmp1:
0x9a: {  	[sflag:s24] =	ssyncset.done $0x0;
	(pc) =	sbr.rel @p0 .LBB2_4-.Ltmp1, $4  }
0x9b: {  	s0 =	sadd.s32 $0x1480, s30;
	[sflag:s24] =	ssyncadd.s32 $0xFFFFC000  }
0x9c: {  	[spmem:s1] =	stream.indirect.scatter.add.f32 [tilespmem:s22], [sflag:$0x3], $0x80, s0, s20, $0xb8;
	[tilespmem:$0x1E800] =	vst v63  }
0x9d: {  	_ =	swait.ge [sflag:s14], $0x4000  }
0x9e: {  	s31 =	smov.u32 s7;
	s30 =	sshra.s32 s2, $0x2;
	[sflag:s14] =	ssyncset.done $0x0  }
0x9f: {  	s0 =	sadd.s32 $0x80, s30;
	[sflag:s14] =	ssyncadd.s32 $0xFFFFC000  }
0xa0: {  	[tilespmem:s22], [sflag:$0x2] =	stream.indirect.gather [hbm4b:s4+s20], $0x80, s0, s20, $0xb8;
	[tilespmem:$0x1E800] =	vst v63  }
0xa1: {  	_ =	swait.ge [sflag:s23], $0x4000  }
0xa2: {  	[sflag:s23] =	ssyncset.done $0x0  }
0xa3: {  	s2 =	sadd.s32 $0x1400, s30;
	[sflag:s23] =	ssyncadd.s32 $0xFFFFC000  }
0xa4: {  	[spmem:s1] =	stream.indirect.scatter.add.f32 [tilespmem:s21], [sflag:$0x3], $0x80, s2, s20, $0xb8;
	[tilespmem:$0x1E800] =	vst v63  }
0xa5: {  	_ =	swait.ge [sflag:s14], $0x4000  }
0xa6: {  	[sflag:s14] =	ssyncset.done $0x0  }
0xa7: {  	s7 =	sadd.s32 $0x100, s30;
	[sflag:s14] =	ssyncadd.s32 $0xFFFFC000  }
0xa8: {  	[tilespmem:s21], [sflag:$0x1] =	stream.indirect.gather [hbm4b:s4+s20], $0x80, s7, s20, $0xb8;
	[tilespmem:$0x1E800] =	vst v63  }
0xa9: {  	_ =	swait.ge [sflag:s24], $0x4000  }
0xaa: {  	[sflag:s24] =	ssyncset.done $0x0  }
0xab: {  	s31 =	sadd.s32 $0x1480, s30;
	[sflag:s24] =	ssyncadd.s32 $0xFFFFC000  }
0xac: {  	[spmem:s1] =	stream.indirect.scatter.add.f32 [tilespmem:s22], [sflag:$0x3], $0x80, s31, s20, $0xb8;
	[tilespmem:$0x1E800] =	vst v63  }
0xad: {  	_ =	swait.ge [sflag:s14], $0x4000  }
0xae: {  	[sflag:s14] =	ssyncset.done $0x0  }
0xaf: {  	[sflag:s14] =	ssyncadd.s32 $0xFFFFC000  }
0xb0: {  	[tilespmem:s22], [sflag:$0x2] =	stream.indirect.gather [hbm4b:s4+s20], $0x80, s25, s20, $0xb8;
	[tilespmem:$0x1E800] =	vst v63  }
0xb1: {  	_ =	swait.ge [sflag:s23], $0x4000  }
0xb2: {  	[sflag:s23] =	ssyncset.done $0x0  }
0xb3: {  	[sflag:s23] =	ssyncadd.s32 $0xFFFFC000  }
0xb4: {  	[spmem:s1] =	stream.indirect.scatter.add.f32 [tilespmem:s21], [sflag:$0x3], $0x80, s26, s20, $0xb8;
	[tilespmem:$0x1E800] =	vst v63  }
0xb5: {  	_ =	swait.ge [sflag:s14], $0x4000  }
0xb6: {  	[sflag:s14] =	ssyncset.done $0x0  }
0xb7: {  	[sflag:s14] =	ssyncadd.s32 $0xFFFFC000  }
0xb8: {  	_ =	swait.ge [sflag:s24], $0x4000  }
0xb9: {  	[sflag:s24] =	ssyncset.done $0x0  }
0xba: {  	[sflag:s24] =	ssyncadd.s32 $0xFFFFC000  }
0xbb: {  	[spmem:s1] =	stream.indirect.scatter.add.f32 [tilespmem:s22], [sflag:$0x3], $0x80, s28, s20, $0xb8;
	[tilespmem:$0x1E800] =	vst v63  }
0xbc: {  	_ =	swait.ge [sflag:s14], $0x4000  }
0xbd: {  	s29 =	sadd.s32 $0x1, s29;
	[sflag:s14] =	ssyncset.done $0x0  }
0xbe: {  	p0 =	sne.s32 s29, s12;
	[sflag:s14] =	ssyncadd.s32 $0xFFFFC000  }
.Ltmp2:
0xbf: {  	[bflag:$0x0] =	sbarrier.arrive $0xFFFF;
	(pc) =	sbr.rel @p0 .LBB2_1-.Ltmp2, $4  }
0xc0: {  	[hbm:s11], [sflag:s6] =	dma.local [spmem:s13], $0x2800  }
0xc1: {  	_ =	swait.ge [sflag:s14], $0x2800  }
0xc2: {  	[sflag:s14] =	ssyncset.done $0x0  }
0xc3: {  	[sflag:s14] =	ssyncadd.s32 $0xFFFFD800  }
0xc4: {  	_ =	sfence.sel $0x180000  }
0xc5: {  	[bflag:$0x0] =	sbarrier.arrive $0xFFFF  }
0xc6: {  	_ =	strace $0x9000004A  }
0xc7: {  	s0 =	stileid.u32;
	[bflag:$0x2] =	sbarrier.arrive $0xFFFF  }
0xc8: {  	p0 =	sne.s32 s0, $0x0;
	s0 =	rddreg [dreg:$0x2]  }
0xc9: {  	s0 =	sadd.s32 @!p0 $0x100000, s0  }
0xca: {  	[sflag:s0] =	ssyncadd.tile.s32 @!p0 $0x1;
	_ =	shalt  }
.Lfunc_end2:
_tile_overlayer_lowered:
.L_overlay_start_2:
0xcb: {  	(tag) =	ssettag $0x2  }
0xcc: {  	s0 =	rddreg [dreg:$0x0];
	s2 =	stileid.u32  }
0xcd: {  	s1 =	rddreg [dreg:$0x1];
	p0 =	sne.s32 s2, $0x0  }
0xce: {  	s3 =	rddreg [dreg:$0x2];
	[bflag:$0x3] =	sbarrier.arrive $0xFFFF;
	s2 =	simm.s32 @!p0 $0x1C03  }
0xcf: {  	[timem:s3], [sflag:s2] =	dma.local @!p0 [hbm:s0], s1  }
0xd0: {  	s0 =	simm.s32 @!p0 $0x3  }
0xd1: {  	_ =	swait.ge @!p0 [sflag:s0], s1  }
0xd2: {  	s1 =	ssub.s32 @!p0 $0x0, s1;
	[sflag:s0] =	ssyncset.done @!p0 $0x0  }
0xd3: {  	[sflag:s0] =	ssyncadd.s32 @!p0 s1  }
0xd4: {  	[bflag:$0x3] =	sbarrier.arrive $0xFFFF  }
0xd5: {  	_ =	shalt  }

// kernel: kernel.20.cloned.1.call-start
scs
__scs_entry_jumppad:
0x0: {  	(pc) =	sbr.rel $0x88, $3  }
0x1: {  	(tag) =	ssettag $0x0;
	lr =	simm.s32 $0x1  }
0x2: {  	[smem:$0x3F92] =	sst lr;
	_ =	strace $0xD0000000  }
0x3: {  	_ = 	snop  }
0x4: {  	_ = 	snop  }
0x5: {  	_ = 	snop  }
0x6: {  	_ = 	snop  }
0x7: {  	_ = 	snop  }
__scs_overlays_trampoline_lowered:
0x8: {  	[smem:$0x3FA1] =	sst s0  }
0x9: {  	[smem:$0x3FA2] =	sst s1  }
0xa: {  	[smem:$0x3FA3] =	sst s2  }
0xb: {  	[smem:$0x3FA4] =	sst s3  }
0xc: {  	[smem:$0x3FA5] =	sst s4  }
0xd: {  	[smem:$0x3FA6] =	sst s5  }
0xe: {  	[smem:$0x3FA7] =	sst s6  }
0xf: {  	[smem:$0x3FA8] =	sst s7  }
0x10: {  	[smem:$0x3FA9] =	sst s8  }
0x11: {  	[smem:$0x3FAA] =	sst s9;
	s0 =	simm.s32 @!p0 $0x0  }
0x12: {  	s1 =	sld [smem:$0x3F90];
	s0 =	simm.s32 @p0 $0x1  }
0x13: {  	[smem:$0x3FAB] =	sst s0;
	s0 =	simm.s32 @!p1 $0x0  }
0x14: {  	s2 =	sld [smem:$0x3F8F];
	s0 =	simm.s32 @p1 $0x1  }
0x15: {  	[smem:$0x3FAC] =	sst s0;
	s0 =	simm.s32 @!p2 $0x0  }
0x16: {  	s3 =	sld [smem:$0x3FDB];
	s0 =	simm.s32 @p2 $0x1  }
0x17: {  	s4 =	simm.s32 $0x1BF5;
	[smem:$0x3FAE] =	sst s0  }
0x18: {  	s0 =	sld [smem:$0x3F91];
	_ =	swait.ge [sflag:s4], $0x0  }
0x19: {  	s7 =	sld [smem:$0x3F92]  }
0x1a: {  	s8 =	sadd.s32 $0xFFFFE003, lr  }
0x1b: {  	s9 =	sadd.s32 $0xFFFFFEF7, lr;
	s5 =	simm.s32 $0xFFFFFFFF;
	p2 =	slt.u32 s8, $0xFFFFF086  }
0x1c: {  	p1 =	slt.u32 s9, $0xF7A;
	s5 =	simm.s32 @!p2 $0x0  }
0x1d: {  	s5 =	simm.s32 @p1 $0x1;
	p0 =	seq.s32 s7, s2  }
0x1e: {  	s7 =	smul.u32 @!p0 $0xF7A, s2;
	p2 =	seq.s32 @!p0 s5, $0x0  }
0x1f: {  	s9 =	smul.u32 $0xF7A, s1;
	s8 =	simm.s32 @!p0 $0x1BF5;
	p2 =	por !p2, p0  }
0x20: {  	[sflag:s8] =	ssyncset.s32 @!p0 $0xFFFFF086;
	s6 =	sadd.s32 @!p0 s3, s7;
	s7 =	simm.s32 @!p0 $0x108  }
0x21: {  	s3 =	sadd.s32 s3, s9;
	s6 =	sadd.s32 @!p0 $0x88, s6;
	s7 =	simm.s32 @p2 $0x1082  }
0x22: {  	[simem:s7], [sflag:s8] =	dma.local @!p0 [hbm:s6], $0xF7A  }
0x23: {  	s9 =	sor.u32 $0xD0000000, s2;
	s6 =	simm.s32 $0x108;
	_ =	swait.ge @!p0 [sflag:s8], $0x0  }
0x24: {  	s3 =	sadd.s32 $0x88, s3;
	s6 =	simm.s32 @!p1 $0x1082;
	[sflag:s4] =	ssyncset.s32 $0xFFFFF086  }
0x25: {  	[simem:s6], [sflag:s4] =	dma.local [hbm:s3], $0xF7A  }
0x26: {  	[smem:$0x3F92] =	sst s1;
	(tag) =	ssettag s2;
	_ =	strace s9  }
0x27: {  	s1 =	sld [smem:$0x3FA2]  }
0x28: {  	s2 =	sld [smem:$0x3FA3]  }
0x29: {  	s4 =	sld [smem:$0x3FA5]  }
0x2a: {  	p0 =	seq.s32 s5, $0x0;
	s5 =	sld [smem:$0x3FA6]  }
0x2b: {  	s6 =	sld [smem:$0x3FA7]  }
0x2c: {  	s7 =	sld [smem:$0x3FA8]  }
0x2d: {  	s3 =	simm.s32 $0x108;
	s8 =	sld [smem:$0x3FA9]  }
0x2e: {  	s3 =	simm.s32 @!p0 $0x1082;
	s9 =	sld [smem:$0x3FAA]  }
0x2f: {  	lr =	sadd.s32 s0, s3;
	s0 =	sld [smem:$0x3FA1]  }
0x30: {  	s3 =	sld [smem:$0x3FA4]  }
0x31: {  	[smem:$0x3FAD] =	sst s10  }
0x32: {  	s10 =	sld [smem:$0x3FAB];
	_ =	sdelay $0x3  }
0x33: {  	p0 =	seq.s32 s10, $0x1;
	s10 =	sld [smem:$0x3FAD];
	_ =	sdelay $0x3  }
0x34: {  	[smem:$0x3FAD] =	sst s10  }
0x35: {  	s10 =	sld [smem:$0x3FAC];
	_ =	sdelay $0x3  }
0x36: {  	p1 =	seq.s32 s10, $0x1;
	s10 =	sld [smem:$0x3FAD];
	_ =	sdelay $0x3  }
0x37: {  	[smem:$0x3FAD] =	sst s10  }
0x38: {  	s10 =	sld [smem:$0x3FAE]  }
0x39: {  	_ = 	snop;
	(pc) =	sbr.ind lr, $3  }
0x3a: {  	_ = 	snop  }
0x3b: {  	_ = 	snop  }
0x3c: {  	p2 =	seq.s32 s10, $0x1;
	s10 =	sld [smem:$0x3FAD]  }
0x3d: {  	_ =	shalt  }
0x3e: {  	_ =	shalt  }
0x3f: {  	_ =	shalt  }
0x40: {  	_ =	shalt  }
0x41: {  	_ =	shalt  }
0x42: {  	_ =	shalt  }
0x43: {  	_ =	shalt  }
0x44: {  	_ =	shalt  }
0x45: {  	_ =	shalt  }
0x46: {  	_ =	shalt  }
0x47: {  	_ =	shalt  }
0x48: {  	_ =	shalt  }
0x49: {  	_ =	shalt  }
0x4a: {  	_ =	shalt  }
0x4b: {  	_ =	shalt  }
0x4c: {  	_ =	shalt  }
0x4d: {  	_ =	shalt  }
0x4e: {  	_ =	shalt  }
0x4f: {  	_ =	shalt  }
0x50: {  	_ =	shalt  }
0x51: {  	_ =	shalt  }
0x52: {  	_ =	shalt  }
0x53: {  	_ =	shalt  }
0x54: {  	_ =	shalt  }
0x55: {  	_ =	shalt  }
0x56: {  	_ =	shalt  }
0x57: {  	_ =	shalt  }
0x58: {  	_ =	shalt  }
0x59: {  	_ =	shalt  }
0x5a: {  	_ =	shalt  }
0x5b: {  	_ =	shalt  }
0x5c: {  	_ =	shalt  }
0x5d: {  	_ =	shalt  }
0x5e: {  	_ =	shalt  }
0x5f: {  	_ =	shalt  }
0x60: {  	_ =	shalt  }
0x61: {  	_ =	shalt  }
0x62: {  	_ =	shalt  }
0x63: {  	_ =	shalt  }
0x64: {  	_ =	shalt  }
0x65: {  	_ =	shalt  }
0x66: {  	_ =	shalt  }
0x67: {  	_ =	shalt  }
0x68: {  	_ =	shalt  }
0x69: {  	_ =	shalt  }
0x6a: {  	_ =	shalt  }
0x6b: {  	_ =	shalt  }
0x6c: {  	_ =	shalt  }
0x6d: {  	_ =	shalt  }
0x6e: {  	_ =	shalt  }
0x6f: {  	_ =	shalt  }
0x70: {  	_ =	shalt  }
0x71: {  	_ =	shalt  }
0x72: {  	_ =	shalt  }
0x73: {  	_ =	shalt  }
0x74: {  	_ =	shalt  }
0x75: {  	_ =	shalt  }
0x76: {  	_ =	shalt  }
0x77: {  	_ =	shalt  }
0x78: {  	_ =	shalt  }
0x79: {  	_ =	shalt  }
0x7a: {  	_ =	shalt  }
0x7b: {  	_ =	shalt  }
0x7c: {  	_ =	shalt  }
0x7d: {  	_ =	shalt  }
0x7e: {  	_ =	shalt  }
0x7f: {  	_ =	shalt  }
0x80: {  	_ =	shalt  }
0x81: {  	_ =	shalt  }
0x82: {  	_ =	shalt  }
0x83: {  	_ =	shalt  }
0x84: {  	_ =	shalt  }
0x85: {  	_ =	shalt  }
0x86: {  	_ =	shalt  }
0x87: {  	_ =	shalt  }
.Lfunc_end0:
.L_simem_size_0:
called_computation.2_lowered:
.L_overlay_start_0:
0x88: {  	s2 =	sld [smem:$0x3FD9]  }
0x89: {  	s3 =	sld [smem:$0x3FFE];
	_ =	sdelay $0x1  }
0x8a: {  	s1 =	srdreg.scid  }
0x8b: {  	s0 =	sand.u32 $0x1, s1  }
0x8c: {  	s16 =	sshll.u32 s0, $0xA;
	s2 =	sadd.s32 s3, s2  }
0x8d: {  	s2 =	sadd.s32 s2, s16  }
0x8e: {  	[smem:$0x3FB9] =	sst s2  }
0x8f: {  	_ = 	snop  }
0x90: {  	(tm) =	ssettm $0x1  }
0x91: {  	s17 =	sld [smem:$0x3FFB];
	_ =	sdelay $0x3  }
0x92: {  	_ =	strace s17  }
0x93: {  	s2 =	sld [smem:$0x3FFC];
	_ =	sdelay $0x3  }
0x94: {  	_ =	strace s2  }
0x95: {  	s2 =	sld [smem:$0x3FFD];
	_ =	sdelay $0x3  }
0x96: {  	_ =	strace s2  }
0x97: {  	_ =	strace $0x8FFFFFFF  }
0x98: {  	s18 =	sld [smem:$0x3FDB];
	_ =	sdelay $0x1  }
0x99: {  	s19 =	simm.s32 $_scs_section_size  }
0x9a: {  	s4 =	simm.s32 $_size__tile_overlayer_lowered;
	s5 =	simm.s32 $_tile_overlayer_lowered  }
0x9b: {  	s22 =	simm.s32 $0x1BFF;
	s21 =	sshll.u32 s5, $0x1;
	s2 =	sadd.s32 s19, s18  }
0x9c: {  	s6 =	simm.s32 $0x0;
	s20 =	sshll.u32 s4, $0x1;
	s4 =	sadd.s32 s21, s2  }
0x9d: {  	[timem:s6], [sflag:s22] =	dma.local [hbm:s4], s20  }
0x9e: {  	_ =	swait.ge [sflag:s22], s20  }
0x9f: {  	s3 =	ssub.s32 $0x0, s20;
	[sflag:s22] =	ssyncset.done $0x0  }
0xa0: {  	[sflag:s22] =	ssyncadd.s32 s3;
	_ =	sdelay $0x1  }
0xa1: {  	s23 =	simm.s32 $0x1B8B  }
0xa2: {  	_ =	swait.ge [sflag:s23], $0x1  }
0xa3: {  	[sflag:s23] =	ssyncset.done $0x0  }
0xa4: {  	s25 =	simm.s32 $0x1B8E;
	s24 =	sld [smem:$0x3FFE];
	[sflag:s23] =	ssyncadd.s32 $0xFFFFFFFF  }
0xa5: {  	s26 =	simm.s32 $execute0_lowered;
	[smem:$0x3FD2] =	sst s25  }
0xa6: {  	s4 =	sshll.u32 s26, $0x1;
	_ =	strace $0x8000004C;
	[dreg:$0x1] =	wrdreg $0xFFFFFFFF  }
0xa7: {  	s28 =	simm.s32 $_size_execute0_lowered;
	s2 =	sadd.s32 s2, s4;
	[dreg:$0x0] =	wrdreg $0x0  }
0xa8: {  	s4 =	sshll.u32 s28, $0x1;
	[dreg:$0x2] =	wrdreg s2  }
0xa9: {  	[dreg:$0x3] =	wrdreg s4  }
0xaa: {  	[dreg:$0x4] =	wrdreg $0xC0  }
0xab: {  	_ =	task [dreg:s6], $0x5FFFF  }
0xac: {  	[dreg:$0x1] =	wrdreg $0xFFFFFFFF  }
0xad: {  	[dreg:$0x0] =	wrdreg $0x60  }
0xae: {  	[dreg:$0x2] =	wrdreg s24  }
0xaf: {  	[dreg:$0x3] =	wrdreg $0xA8000  }
0xb0: {  	[dreg:$0x4] =	wrdreg $0x9  }
0xb1: {  	_ =	task.clear_ibuf [dreg:s6], $0x5FFFF;
	_ =	strace $0x9000004C  }
0xb2: {  	s29 =	simm.s32 $0x9;
	_ =	strace $0x8000004E  }
0xb3: {  	_ =	swait.ge [sflag:s29], $0x1  }
0xb4: {  	[sflag:s29] =	ssyncadd.s32 $0xFFFFFFFF  }
0xb5: {  	_ =	strace $0x9000004E  }
0xb6: {  	_ =	sfence  }
0xb7: {  	s30 =	sld [smem:$0x0];
	_ =	sdelay $0x2  }
0xb8: {  	s31 =	sshll.u32 s1, $0xD;
	s1 =	sshrl.u32 s1, $0x2  }
0xb9: {  	s3 =	sand.u32 $0x4000, s31;
	s1 =	sadd.s32 s1, s30  }
0xba: {  	s0 =	sor.u32 s3, s0;
	s1 =	sshll.u32 s1, $0x11  }
0xbb: {  	s0 =	sor.u32 s1, s0  }
0xbc: {  	s0 =	sadd.s32 $0x8F2B, s0  }
0xbd: {  	[sflag:s0] =	ssyncadd.remote.s32 $0x1  }
0xbe: {  	_ =	sfence.sel $0xFFFF  }
0xbf: {  	[dreg:$0x0] =	wrdreg $0xFFFFFFFF;
	(pc) =	sbr.abs _section_cstart, $3  }
0xc0: {  	[dreg:$0x1] =	wrdreg $0xFFFFFFFF  }
0xc1: {  	_ =	task.clear_ibuf [dreg:s6], $0x2FFFF;
	_ =	strace $0x9FFFFFFF  }
0xc2: {  	(tm) =	ssettm $0x7FFFFFFF  }
0xc3: {  	_ =	shalt  }
tec
execute0_lowered:
.L_overlay_start_1:
0x0: {  	(tag) =	ssettag $0x1  }
0x1: {  	s6 =	rddreg [dreg:$0x0]  }
0x2: {  	s1 =	rddreg [dreg:$0x1];
	s2 =	srdreg.scid  }
0x3: {  	s3 =	simm.s32 $0x0;
	s0 =	stileid.u32;
	s20 =	simm.s32 $0x80  }
0x4: {  	s21 =	simm.s32 $0x2800;
	s22 =	simm.s32 $0x6800;
	s23 =	simm.s32 $0x1  }
0x5: {  	s28 =	simm.s32 $0x2780;
	s29 =	simm.s32 $0x0;
	s7 =	sand.u32 $0x1, s2  }
0x6: {  	[smem:$0x7FF] =	sst s3;
	s8 =	smul.u32 $0x14000, s0;
	s4 =	sadd.s32 $0x6A200, s6  }
0x7: {  	s9 =	sadd.s32 $0xF200, s6;
	s10 =	sadd.s32 $0x5200, s6;
	s12 =	smul.u32 $0x50000, s0  }
0x8: {  	s30 =	sshll.u32 s0, $0x6;
	s5 =	smul.u32 $0x140000, s7;
	s11 =	sshll.u32 s7, $0x4  }
0x9: {  	_ =	strace $0x8000004D;
	s7 =	ssub.s32 $0x2, s7;
	s11 =	sor.u32 s0, s11  }
0xa: {  	s24 =	sshrl.u32 s7, $0x1;
	s26 =	sshrl.u32 s12, $0x2;
	s8 =	sadd.s32 s8, s5  }
0xb: {  	s5 =	sadd.s32 $0x19200, s6;
	s25 =	smul.u32 $0x2800, s11;
	s14 =	ssub.s32 s7, s24  }
0xc: {  	s15 =	sadd.s32 s26, s1;
	s24 =	simm.s32 $0x2;
	s26 =	simm.s32 $0x2700  }
0xd: {  	s8 =	sshrl.u32 s8, $0x3;
	s12 =	smax.u32 s14, $0x1;
	s16 =	sadd.s32 $0x4000, s15  }
0xe: {  	s17 =	sadd.s32 $0x8000, s15;
	s18 =	sadd.s32 $0xC000, s15;
	s19 =	sadd.s32 $0x10000, s15  }
0xf: {  	s14 =	simm.s32 $0x3;
	s13 =	sadd.s32 s8, s6;
	s11 =	sshrl.u32 s25, $0x3  }
0x10: {  	s6 =	sor.u32 $0x1C03, s30;
	s25 =	simm.s32 $0x1380;
	s31 =	sadd.s32 s9, s11  }
0x11: {  	s8 =	sadd.s32 s10, s11;
	s11 =	sadd.s32 $0x280, s11;
	[dreg:$0x3] =	wrdreg s31  }
0x12: {  	s9 =	sadd.s32 s9, s11;
	s10 =	sadd.s32 s10, s11;
	s11 =	sadd.s32 $0x91400, s13  }
0x13: {  	s13 =	sshrl.u32 s15, $0x3;
	s15 =	sshrl.u32 s16, $0x3;
	s16 =	sshrl.u32 s17, $0x3  }
0x14: {  	s17 =	sshrl.u32 s18, $0x3;
	s18 =	sshrl.u32 s19, $0x3;
	s19 =	simm.s32 $0x1400  }
.LBB2_1:
0x15: {  	[spmem:s13], [sflag:s6] =	dma.local [hbm:s5], $0x800  }
0x16: {  	_ =	swait.ge [sflag:s14], $0x800  }
0x17: {  	[sflag:s14] =	ssyncset.done $0x0  }
0x18: {  	[sflag:s14] =	ssyncadd.s32 $0xFFFFF800  }
0x19: {  	[spmem:s15], [sflag:s6] =	dma.local [hbm:s5], $0x800  }
0x1a: {  	_ =	swait.ge [sflag:s14], $0x800  }
0x1b: {  	[sflag:s14] =	ssyncset.done $0x0  }
0x1c: {  	[sflag:s14] =	ssyncadd.s32 $0xFFFFF800  }
0x1d: {  	[spmem:s16], [sflag:s6] =	dma.local [hbm:s5], $0x800  }
0x1e: {  	_ =	swait.ge [sflag:s14], $0x800  }
0x1f: {  	[sflag:s14] =	ssyncset.done $0x0  }
0x20: {  	[sflag:s14] =	ssyncadd.s32 $0xFFFFF800  }
0x21: {  	[spmem:s17], [sflag:s6] =	dma.local [hbm:s5], $0x800  }
0x22: {  	_ =	swait.ge [sflag:s14], $0x800  }
0x23: {  	[sflag:s14] =	ssyncset.done $0x0  }
0x24: {  	[sflag:s14] =	ssyncadd.s32 $0xFFFFF800  }
0x25: {  	[spmem:s18], [sflag:s6] =	dma.local [hbm:s5], $0x800  }
0x26: {  	_ =	swait.ge [sflag:s14], $0x800  }
0x27: {  	[sflag:s14] =	ssyncset.done $0x0  }
0x28: {  	[sflag:s14] =	ssyncadd.s32 $0xFFFFF800  }
0x29: {  	[bflag:$0x0] =	sbarrier.arrive $0xFFFF  }
0x2a: {  	s0 =	rddreg [dreg:$0x3]  }
0x2b: {  	[tilespmem:s3], [sflag:$0x3] =	stream.linear.gather [hbm4b:s0+s3], $0x1400, $0x38;
	[tilespmem:$0x1E800] =	vst v63  }
0x2c: {  	_ =	swait.ge [sflag:s14], $0x1400  }
0x2d: {  	[sflag:s14] =	ssyncset.done $0x0  }
0x2e: {  	[sflag:s14] =	ssyncadd.s32 $0xFFFFEC00  }
0x2f: {  	[tilespmem:s19], [sflag:$0x3] =	stream.linear.gather [hbm4b:s8+s3], $0x1400, $0x38;
	[tilespmem:$0x1E800] =	vst v63  }
0x30: {  	_ =	swait.ge [sflag:s14], $0x1400  }
0x31: {  	[sflag:s14] =	ssyncset.done $0x0  }
0x32: {  	[sflag:s14] =	ssyncadd.s32 $0xFFFFEC00  }
0x33: {  	[tilespmem:s21], [sflag:$0x1] =	stream.indirect.gather [hbm4b:s4+s20], $0x80, s3, s20, $0xb8;
	[tilespmem:$0x1E800] =	vst v63  }
0x34: {  	s30 =	simm.s32 $0x80  }
0x35: {  	[tilespmem:s22], [sflag:$0x2] =	stream.indirect.gather [hbm4b:s4+s20], $0x80, s30, s20, $0xb8;
	[tilespmem:$0x1E800] =	vst v63  }
0x36: {  	_ =	swait.ge [sflag:s23], $0x4000  }
0x37: {  	[sflag:s23] =	ssyncset.done $0x0  }
0x38: {  	s30 =	simm.s32 $0x1400;
	[sflag:s23] =	ssyncadd.s32 $0xFFFFC000  }
0x39: {  	[spmem:s1] =	stream.indirect.scatter.add.f32 [tilespmem:s21], [sflag:$0x3], $0x80, s30, s20, $0xb8;
	[tilespmem:$0x1E800] =	vst v63  }
0x3a: {  	_ =	swait.ge [sflag:s14], $0x4000  }
0x3b: {  	[sflag:s14] =	ssyncset.done $0x0  }
0x3c: {  	s30 =	simm.s32 $0x100;
	[sflag:s14] =	ssyncadd.s32 $0xFFFFC000  }
0x3d: {  	[tilespmem:s21], [sflag:$0x1] =	stream.indirect.gather [hbm4b:s4+s20], $0x80, s30, s20, $0xb8;
	[tilespmem:$0x1E800] =	vst v63  }
0x3e: {  	_ =	swait.ge [sflag:s24], $0x4000  }
0x3f: {  	[sflag:s24] =	ssyncset.done $0x0  }
0x40: {  	s30 =	simm.s32 $0x1480;
	[sflag:s24] =	ssyncadd.s32 $0xFFFFC000  }
0x41: {  	[spmem:s1] =	stream.indirect.scatter.add.f32 [tilespmem:s22], [sflag:$0x3], $0x80, s30, s20, $0xb8;
	[tilespmem:$0x1E800] =	vst v63  }
0x42: {  	_ =	swait.ge [sflag:s14], $0x4000  }
0x43: {  	s31 =	simm.s32 $0x800;
	s30 =	simm.s32 $0x100;
	[sflag:s14] =	ssyncset.done $0x0  }
.LBB2_2:
0x44: {  	s0 =	sadd.s32 $0x80, s30  }
0x45: {  	[sflag:s14] =	ssyncadd.s32 $0xFFFFC000;
	s2 =	smov.u32 s31;
	s7 =	sadd.s32 $0x400, s31  }
0x46: {  	[tilespmem:s22], [sflag:$0x2] =	stream.indirect.gather [hbm4b:s4+s20], $0x80, s0, s20, $0xb8;
	[tilespmem:$0x1E800] =	vst v63  }
0x47: {  	p0 =	sne.s32 s31, $0x4800;
	_ =	swait.ge [sflag:s23], $0x4000  }
0x48: {  	[sflag:s23] =	ssyncset.done $0x0  }
0x49: {  	s0 =	sadd.s32 $0x1400, s30;
	[sflag:s23] =	ssyncadd.s32 $0xFFFFC000  }
0x4a: {  	[spmem:s1] =	stream.indirect.scatter.add.f32 [tilespmem:s21], [sflag:$0x3], $0x80, s0, s20, $0xb8;
	[tilespmem:$0x1E800] =	vst v63  }
0x4b: {  	_ =	swait.ge [sflag:s14], $0x4000  }
0x4c: {  	[sflag:s14] =	ssyncset.done $0x0  }
0x4d: {  	s0 =	sadd.s32 $0x100, s30;
	[sflag:s14] =	ssyncadd.s32 $0xFFFFC000  }
0x4e: {  	[tilespmem:s21], [sflag:$0x1] =	stream.indirect.gather [hbm4b:s4+s20], $0x80, s0, s20, $0xb8;
	[tilespmem:$0x1E800] =	vst v63  }
0x4f: {  	_ =	swait.ge [sflag:s24], $0x4000  }
.Ltmp0:
0x50: {  	[sflag:s24] =	ssyncset.done $0x0;
	(pc) =	sbr.rel @p0 .LBB2_2-.Ltmp0, $4  }
0x51: {  	s0 =	sadd.s32 $0x1480, s30;
	[sflag:s24] =	ssyncadd.s32 $0xFFFFC000  }
0x52: {  	[spmem:s1] =	stream.indirect.scatter.add.f32 [tilespmem:s22], [sflag:$0x3], $0x80, s0, s20, $0xb8;
	[tilespmem:$0x1E800] =	vst v63  }
0x53: {  	_ =	swait.ge [sflag:s14], $0x4000  }
0x54: {  	s31 =	smov.u32 s7;
	s30 =	sshra.s32 s2, $0x2;
	[sflag:s14] =	ssyncset.done $0x0  }
0x55: {  	s0 =	sadd.s32 $0x80, s30;
	[sflag:s14] =	ssyncadd.s32 $0xFFFFC000  }
0x56: {  	[tilespmem:s22], [sflag:$0x2] =	stream.indirect.gather [hbm4b:s4+s20], $0x80, s0, s20, $0xb8;
	[tilespmem:$0x1E800] =	vst v63  }
0x57: {  	_ =	swait.ge [sflag:s23], $0x4000  }
0x58: {  	[sflag:s23] =	ssyncset.done $0x0  }
0x59: {  	s2 =	sadd.s32 $0x1400, s30;
	[sflag:s23] =	ssyncadd.s32 $0xFFFFC000  }
0x5a: {  	[spmem:s1] =	stream.indirect.scatter.add.f32 [tilespmem:s21], [sflag:$0x3], $0x80, s2, s20, $0xb8;
	[tilespmem:$0x1E800] =	vst v63  }
0x5b: {  	_ =	swait.ge [sflag:s14], $0x4000  }
0x5c: {  	[sflag:s14] =	ssyncset.done $0x0  }
0x5d: {  	s7 =	sadd.s32 $0x100, s30;
	[sflag:s14] =	ssyncadd.s32 $0xFFFFC000  }
0x5e: {  	[tilespmem:s21], [sflag:$0x1] =	stream.indirect.gather [hbm4b:s4+s20], $0x80, s7, s20, $0xb8;
	[tilespmem:$0x1E800] =	vst v63  }
0x5f: {  	_ =	swait.ge [sflag:s24], $0x4000  }
0x60: {  	[sflag:s24] =	ssyncset.done $0x0  }
0x61: {  	s2 =	sadd.s32 $0x1480, s30;
	[sflag:s24] =	ssyncadd.s32 $0xFFFFC000  }
0x62: {  	[spmem:s1] =	stream.indirect.scatter.add.f32 [tilespmem:s22], [sflag:$0x3], $0x80, s2, s20, $0xb8;
	[tilespmem:$0x1E800] =	vst v63  }
0x63: {  	_ =	swait.ge [sflag:s14], $0x4000  }
0x64: {  	[sflag:s14] =	ssyncset.done $0x0  }
0x65: {  	[sflag:s14] =	ssyncadd.s32 $0xFFFFC000  }
0x66: {  	[tilespmem:s22], [sflag:$0x2] =	stream.indirect.gather [hbm4b:s4+s20], $0x80, s25, s20, $0xb8;
	[tilespmem:$0x1E800] =	vst v63  }
0x67: {  	_ =	swait.ge [sflag:s23], $0x4000  }
0x68: {  	[sflag:s23] =	ssyncset.done $0x0  }
0x69: {  	[sflag:s23] =	ssyncadd.s32 $0xFFFFC000  }
0x6a: {  	[spmem:s1] =	stream.indirect.scatter.add.f32 [tilespmem:s21], [sflag:$0x3], $0x80, s26, s20, $0xb8;
	[tilespmem:$0x1E800] =	vst v63  }
0x6b: {  	_ =	swait.ge [sflag:s14], $0x4000  }
0x6c: {  	[sflag:s14] =	ssyncset.done $0x0  }
0x6d: {  	[sflag:s14] =	ssyncadd.s32 $0xFFFFC000  }
0x6e: {  	_ =	swait.ge [sflag:s24], $0x4000  }
0x6f: {  	[sflag:s24] =	ssyncset.done $0x0  }
0x70: {  	[sflag:s24] =	ssyncadd.s32 $0xFFFFC000  }
0x71: {  	[spmem:s1] =	stream.indirect.scatter.add.f32 [tilespmem:s22], [sflag:$0x3], $0x80, s28, s20, $0xb8;
	[tilespmem:$0x1E800] =	vst v63  }
0x72: {  	_ =	swait.ge [sflag:s14], $0x4000  }
0x73: {  	[sflag:s14] =	ssyncset.done $0x0  }
0x74: {  	s7 =	simm.s32 $0x0;
	[sflag:s14] =	ssyncadd.s32 $0xFFFFC000  }
0x75: {  	[tilespmem:s7], [sflag:$0x3] =	stream.linear.gather [hbm4b:s9+s7], $0x1400, $0x38;
	[tilespmem:$0x1E800] =	vst v63  }
0x76: {  	_ =	swait.ge [sflag:s14], $0x1400  }
0x77: {  	[sflag:s14] =	ssyncset.done $0x0  }
0x78: {  	[sflag:s14] =	ssyncadd.s32 $0xFFFFEC00  }
0x79: {  	[tilespmem:s19], [sflag:$0x3] =	stream.linear.gather [hbm4b:s10+s7], $0x1400, $0x38;
	[tilespmem:$0x1E800] =	vst v63  }
0x7a: {  	_ =	swait.ge [sflag:s14], $0x1400  }
0x7b: {  	[sflag:s14] =	ssyncset.done $0x0  }
0x7c: {  	[sflag:s14] =	ssyncadd.s32 $0xFFFFEC00  }
0x7d: {  	[tilespmem:s21], [sflag:$0x1] =	stream.indirect.gather [hbm4b:s4+s20], $0x80, s7, s20, $0xb8;
	[tilespmem:$0x1E800] =	vst v63  }
0x7e: {  	s2 =	simm.s32 $0x80  }
0x7f: {  	[tilespmem:s22], [sflag:$0x2] =	stream.indirect.gather [hbm4b:s4+s20], $0x80, s2, s20, $0xb8;
	[tilespmem:$0x1E800] =	vst v63  }
0x80: {  	_ =	swait.ge [sflag:s23], $0x4000  }
0x81: {  	[sflag:s23] =	ssyncset.done $0x0  }
0x82: {  	s7 =	simm.s32 $0x1400;
	[sflag:s23] =	ssyncadd.s32 $0xFFFFC000  }
0x83: {  	[spmem:s1] =	stream.indirect.scatter.add.f32 [tilespmem:s21], [sflag:$0x3], $0x80, s7, s20, $0xb8;
	[tilespmem:$0x1E800] =	vst v63  }
0x84: {  	_ =	swait.ge [sflag:s14], $0x4000  }
0x85: {  	[sflag:s14] =	ssyncset.done $0x0  }
0x86: {  	s2 =	simm.s32 $0x100;
	[sflag:s14] =	ssyncadd.s32 $0xFFFFC000  }
0x87: {  	[tilespmem:s21], [sflag:$0x1] =	stream.indirect.gather [hbm4b:s4+s20], $0x80, s2, s20, $0xb8;
	[tilespmem:$0x1E800] =	vst v63  }
0x88: {  	_ =	swait.ge [sflag:s24], $0x4000  }
0x89: {  	[sflag:s24] =	ssyncset.done $0x0  }
0x8a: {  	s7 =	simm.s32 $0x1480;
	[sflag:s24] =	ssyncadd.s32 $0xFFFFC000  }
0x8b: {  	[spmem:s1] =	stream.indirect.scatter.add.f32 [tilespmem:s22], [sflag:$0x3], $0x80, s7, s20, $0xb8;
	[tilespmem:$0x1E800] =	vst v63  }
0x8c: {  	_ =	swait.ge [sflag:s14], $0x4000  }
0x8d: {  	s31 =	simm.s32 $0x800;
	s30 =	simm.s32 $0x100;
	[sflag:s14] =	ssyncset.done $0x0  }
.LBB2_4:
0x8e: {  	s0 =	sadd.s32 $0x80, s30  }
0x8f: {  	[sflag:s14] =	ssyncadd.s32 $0xFFFFC000;
	s2 =	smov.u32 s31;
	s7 =	sadd.s32 $0x400, s31  }
0x90: {  	[tilespmem:s22], [sflag:$0x2] =	stream.indirect.gather [hbm4b:s4+s20], $0x80, s0, s20, $0xb8;
	[tilespmem:$0x1E800] =	vst v63  }
0x91: {  	p0 =	sne.s32 s31, $0x4800;
	_ =	swait.ge [sflag:s23], $0x4000  }
0x92: {  	[sflag:s23] =	ssyncset.done $0x0  }
0x93: {  	s0 =	sadd.s32 $0x1400, s30;
	[sflag:s23] =	ssyncadd.s32 $0xFFFFC000  }
0x94: {  	[spmem:s1] =	stream.indirect.scatter.add.f32 [tilespmem:s21], [sflag:$0x3], $0x80, s0, s20, $0xb8;
	[tilespmem:$0x1E800] =	vst v63  }
0x95: {  	_ =	swait.ge [sflag:s14], $0x4000  }
0x96: {  	[sflag:s14] =	ssyncset.done $0x0  }
0x97: {  	s0 =	sadd.s32 $0x100, s30;
	[sflag:s14] =	ssyncadd.s32 $0xFFFFC000  }
0x98: {  	[tilespmem:s21], [sflag:$0x1] =	stream.indirect.gather [hbm4b:s4+s20], $0x80, s0, s20, $0xb8;
	[tilespmem:$0x1E800] =	vst v63  }
0x99: {  	_ =	swait.ge [sflag:s24], $0x4000  }
.Ltmp1:
0x9a: {  	[sflag:s24] =	ssyncset.done $0x0;
	(pc) =	sbr.rel @p0 .LBB2_4-.Ltmp1, $4  }
0x9b: {  	s0 =	sadd.s32 $0x1480, s30;
	[sflag:s24] =	ssyncadd.s32 $0xFFFFC000  }
0x9c: {  	[spmem:s1] =	stream.indirect.scatter.add.f32 [tilespmem:s22], [sflag:$0x3], $0x80, s0, s20, $0xb8;
	[tilespmem:$0x1E800] =	vst v63  }
0x9d: {  	_ =	swait.ge [sflag:s14], $0x4000  }
0x9e: {  	s31 =	smov.u32 s7;
	s30 =	sshra.s32 s2, $0x2;
	[sflag:s14] =	ssyncset.done $0x0  }
0x9f: {  	s0 =	sadd.s32 $0x80, s30;
	[sflag:s14] =	ssyncadd.s32 $0xFFFFC000  }
0xa0: {  	[tilespmem:s22], [sflag:$0x2] =	stream.indirect.gather [hbm4b:s4+s20], $0x80, s0, s20, $0xb8;
	[tilespmem:$0x1E800] =	vst v63  }
0xa1: {  	_ =	swait.ge [sflag:s23], $0x4000  }
0xa2: {  	[sflag:s23] =	ssyncset.done $0x0  }
0xa3: {  	s2 =	sadd.s32 $0x1400, s30;
	[sflag:s23] =	ssyncadd.s32 $0xFFFFC000  }
0xa4: {  	[spmem:s1] =	stream.indirect.scatter.add.f32 [tilespmem:s21], [sflag:$0x3], $0x80, s2, s20, $0xb8;
	[tilespmem:$0x1E800] =	vst v63  }
0xa5: {  	_ =	swait.ge [sflag:s14], $0x4000  }
0xa6: {  	[sflag:s14] =	ssyncset.done $0x0  }
0xa7: {  	s7 =	sadd.s32 $0x100, s30;
	[sflag:s14] =	ssyncadd.s32 $0xFFFFC000  }
0xa8: {  	[tilespmem:s21], [sflag:$0x1] =	stream.indirect.gather [hbm4b:s4+s20], $0x80, s7, s20, $0xb8;
	[tilespmem:$0x1E800] =	vst v63  }
0xa9: {  	_ =	swait.ge [sflag:s24], $0x4000  }
0xaa: {  	[sflag:s24] =	ssyncset.done $0x0  }
0xab: {  	s31 =	sadd.s32 $0x1480, s30;
	[sflag:s24] =	ssyncadd.s32 $0xFFFFC000  }
0xac: {  	[spmem:s1] =	stream.indirect.scatter.add.f32 [tilespmem:s22], [sflag:$0x3], $0x80, s31, s20, $0xb8;
	[tilespmem:$0x1E800] =	vst v63  }
0xad: {  	_ =	swait.ge [sflag:s14], $0x4000  }
0xae: {  	[sflag:s14] =	ssyncset.done $0x0  }
0xaf: {  	[sflag:s14] =	ssyncadd.s32 $0xFFFFC000  }
0xb0: {  	[tilespmem:s22], [sflag:$0x2] =	stream.indirect.gather [hbm4b:s4+s20], $0x80, s25, s20, $0xb8;
	[tilespmem:$0x1E800] =	vst v63  }
0xb1: {  	_ =	swait.ge [sflag:s23], $0x4000  }
0xb2: {  	[sflag:s23] =	ssyncset.done $0x0  }
0xb3: {  	[sflag:s23] =	ssyncadd.s32 $0xFFFFC000  }
0xb4: {  	[spmem:s1] =	stream.indirect.scatter.add.f32 [tilespmem:s21], [sflag:$0x3], $0x80, s26, s20, $0xb8;
	[tilespmem:$0x1E800] =	vst v63  }
0xb5: {  	_ =	swait.ge [sflag:s14], $0x4000  }
0xb6: {  	[sflag:s14] =	ssyncset.done $0x0  }
0xb7: {  	[sflag:s14] =	ssyncadd.s32 $0xFFFFC000  }
0xb8: {  	_ =	swait.ge [sflag:s24], $0x4000  }
0xb9: {  	[sflag:s24] =	ssyncset.done $0x0  }
0xba: {  	[sflag:s24] =	ssyncadd.s32 $0xFFFFC000  }
0xbb: {  	[spmem:s1] =	stream.indirect.scatter.add.f32 [tilespmem:s22], [sflag:$0x3], $0x80, s28, s20, $0xb8;
	[tilespmem:$0x1E800] =	vst v63  }
0xbc: {  	_ =	swait.ge [sflag:s14], $0x4000  }
0xbd: {  	s29 =	sadd.s32 $0x1, s29;
	[sflag:s14] =	ssyncset.done $0x0  }
0xbe: {  	p0 =	sne.s32 s29, s12;
	[sflag:s14] =	ssyncadd.s32 $0xFFFFC000  }
.Ltmp2:
0xbf: {  	[bflag:$0x0] =	sbarrier.arrive $0xFFFF;
	(pc) =	sbr.rel @p0 .LBB2_1-.Ltmp2, $4  }
0xc0: {  	[hbm:s11], [sflag:s6] =	dma.local [spmem:s13], $0x2800  }
0xc1: {  	_ =	swait.ge [sflag:s14], $0x2800  }
0xc2: {  	[sflag:s14] =	ssyncset.done $0x0  }
0xc3: {  	[sflag:s14] =	ssyncadd.s32 $0xFFFFD800  }
0xc4: {  	_ =	sfence.sel $0x180000  }
0xc5: {  	[bflag:$0x0] =	sbarrier.arrive $0xFFFF  }
0xc6: {  	_ =	strace $0x9000004D  }
0xc7: {  	s0 =	stileid.u32;
	[bflag:$0x2] =	sbarrier.arrive $0xFFFF  }
0xc8: {  	p0 =	sne.s32 s0, $0x0;
	s0 =	rddreg [dreg:$0x2]  }
0xc9: {  	s0 =	sadd.s32 @!p0 $0x100000, s0  }
0xca: {  	[sflag:s0] =	ssyncadd.tile.s32 @!p0 $0x1;
	_ =	shalt  }
.Lfunc_end2:
_tile_overlayer_lowered:
.L_overlay_start_2:
0xcb: {  	(tag) =	ssettag $0x2  }
0xcc: {  	s0 =	rddreg [dreg:$0x0];
	s2 =	stileid.u32  }
0xcd: {  	s1 =	rddreg [dreg:$0x1];
	p0 =	sne.s32 s2, $0x0  }
0xce: {  	s3 =	rddreg [dreg:$0x2];
	[bflag:$0x3] =	sbarrier.arrive $0xFFFF;
	s2 =	simm.s32 @!p0 $0x1C03  }
0xcf: {  	[timem:s3], [sflag:s2] =	dma.local @!p0 [hbm:s0], s1  }
0xd0: {  	s0 =	simm.s32 @!p0 $0x3  }
0xd1: {  	_ =	swait.ge @!p0 [sflag:s0], s1  }
0xd2: {  	s1 =	ssub.s32 @!p0 $0x0, s1;
	[sflag:s0] =	ssyncset.done @!p0 $0x0  }
0xd3: {  	[sflag:s0] =	ssyncadd.s32 @!p0 s1  }
0xd4: {  	[bflag:$0x3] =	sbarrier.arrive $0xFFFF  }
0xd5: {  	_ =	shalt  }

// kernel: kernel.23.cloned.1.call-start
scs
__scs_entry_jumppad:
0x0: {  	(pc) =	sbr.rel $0x88, $3  }
0x1: {  	(tag) =	ssettag $0x0;
	lr =	simm.s32 $0x1  }
0x2: {  	[smem:$0x3F92] =	sst lr;
	_ =	strace $0xD0000000  }
0x3: {  	_ = 	snop  }
0x4: {  	_ = 	snop  }
0x5: {  	_ = 	snop  }
0x6: {  	_ = 	snop  }
0x7: {  	_ = 	snop  }
__scs_overlays_trampoline_lowered:
0x8: {  	[smem:$0x3FA1] =	sst s0  }
0x9: {  	[smem:$0x3FA2] =	sst s1  }
0xa: {  	[smem:$0x3FA3] =	sst s2  }
0xb: {  	[smem:$0x3FA4] =	sst s3  }
0xc: {  	[smem:$0x3FA5] =	sst s4  }
0xd: {  	[smem:$0x3FA6] =	sst s5  }
0xe: {  	[smem:$0x3FA7] =	sst s6  }
0xf: {  	[smem:$0x3FA8] =	sst s7  }
0x10: {  	[smem:$0x3FA9] =	sst s8  }
0x11: {  	[smem:$0x3FAA] =	sst s9;
	s0 =	simm.s32 @!p0 $0x0  }
0x12: {  	s1 =	sld [smem:$0x3F90];
	s0 =	simm.s32 @p0 $0x1  }
0x13: {  	[smem:$0x3FAB] =	sst s0;
	s0 =	simm.s32 @!p1 $0x0  }
0x14: {  	s2 =	sld [smem:$0x3F8F];
	s0 =	simm.s32 @p1 $0x1  }
0x15: {  	[smem:$0x3FAC] =	sst s0;
	s0 =	simm.s32 @!p2 $0x0  }
0x16: {  	s3 =	sld [smem:$0x3FDB];
	s0 =	simm.s32 @p2 $0x1  }
0x17: {  	s4 =	simm.s32 $0x1BF5;
	[smem:$0x3FAE] =	sst s0  }
0x18: {  	s0 =	sld [smem:$0x3F91];
	_ =	swait.ge [sflag:s4], $0x0  }
0x19: {  	s7 =	sld [smem:$0x3F92]  }
0x1a: {  	s8 =	sadd.s32 $0xFFFFE003, lr  }
0x1b: {  	s9 =	sadd.s32 $0xFFFFFEF7, lr;
	s5 =	simm.s32 $0xFFFFFFFF;
	p2 =	slt.u32 s8, $0xFFFFF086  }
0x1c: {  	p1 =	slt.u32 s9, $0xF7A;
	s5 =	simm.s32 @!p2 $0x0  }
0x1d: {  	s5 =	simm.s32 @p1 $0x1;
	p0 =	seq.s32 s7, s2  }
0x1e: {  	s7 =	smul.u32 @!p0 $0xF7A, s2;
	p2 =	seq.s32 @!p0 s5, $0x0  }
0x1f: {  	s9 =	smul.u32 $0xF7A, s1;
	s8 =	simm.s32 @!p0 $0x1BF5;
	p2 =	por !p2, p0  }
0x20: {  	[sflag:s8] =	ssyncset.s32 @!p0 $0xFFFFF086;
	s6 =	sadd.s32 @!p0 s3, s7;
	s7 =	simm.s32 @!p0 $0x108  }
0x21: {  	s3 =	sadd.s32 s3, s9;
	s6 =	sadd.s32 @!p0 $0x88, s6;
	s7 =	simm.s32 @p2 $0x1082  }
0x22: {  	[simem:s7], [sflag:s8] =	dma.local @!p0 [hbm:s6], $0xF7A  }
0x23: {  	s9 =	sor.u32 $0xD0000000, s2;
	s6 =	simm.s32 $0x108;
	_ =	swait.ge @!p0 [sflag:s8], $0x0  }
0x24: {  	s3 =	sadd.s32 $0x88, s3;
	s6 =	simm.s32 @!p1 $0x1082;
	[sflag:s4] =	ssyncset.s32 $0xFFFFF086  }
0x25: {  	[simem:s6], [sflag:s4] =	dma.local [hbm:s3], $0xF7A  }
0x26: {  	[smem:$0x3F92] =	sst s1;
	(tag) =	ssettag s2;
	_ =	strace s9  }
0x27: {  	s1 =	sld [smem:$0x3FA2]  }
0x28: {  	s2 =	sld [smem:$0x3FA3]  }
0x29: {  	s4 =	sld [smem:$0x3FA5]  }
0x2a: {  	p0 =	seq.s32 s5, $0x0;
	s5 =	sld [smem:$0x3FA6]  }
0x2b: {  	s6 =	sld [smem:$0x3FA7]  }
0x2c: {  	s7 =	sld [smem:$0x3FA8]  }
0x2d: {  	s3 =	simm.s32 $0x108;
	s8 =	sld [smem:$0x3FA9]  }
0x2e: {  	s3 =	simm.s32 @!p0 $0x1082;
	s9 =	sld [smem:$0x3FAA]  }
0x2f: {  	lr =	sadd.s32 s0, s3;
	s0 =	sld [smem:$0x3FA1]  }
0x30: {  	s3 =	sld [smem:$0x3FA4]  }
0x31: {  	[smem:$0x3FAD] =	sst s10  }
0x32: {  	s10 =	sld [smem:$0x3FAB];
	_ =	sdelay $0x3  }
0x33: {  	p0 =	seq.s32 s10, $0x1;
	s10 =	sld [smem:$0x3FAD];
	_ =	sdelay $0x3  }
0x34: {  	[smem:$0x3FAD] =	sst s10  }
0x35: {  	s10 =	sld [smem:$0x3FAC];
	_ =	sdelay $0x3  }
0x36: {  	p1 =	seq.s32 s10, $0x1;
	s10 =	sld [smem:$0x3FAD];
	_ =	sdelay $0x3  }
0x37: {  	[smem:$0x3FAD] =	sst s10  }
0x38: {  	s10 =	sld [smem:$0x3FAE]  }
0x39: {  	_ = 	snop;
	(pc) =	sbr.ind lr, $3  }
0x3a: {  	_ = 	snop  }
0x3b: {  	_ = 	snop  }
0x3c: {  	p2 =	seq.s32 s10, $0x1;
	s10 =	sld [smem:$0x3FAD]  }
0x3d: {  	_ =	shalt  }
0x3e: {  	_ =	shalt  }
0x3f: {  	_ =	shalt  }
0x40: {  	_ =	shalt  }
0x41: {  	_ =	shalt  }
0x42: {  	_ =	shalt  }
0x43: {  	_ =	shalt  }
0x44: {  	_ =	shalt  }
0x45: {  	_ =	shalt  }
0x46: {  	_ =	shalt  }
0x47: {  	_ =	shalt  }
0x48: {  	_ =	shalt  }
0x49: {  	_ =	shalt  }
0x4a: {  	_ =	shalt  }
0x4b: {  	_ =	shalt  }
0x4c: {  	_ =	shalt  }
0x4d: {  	_ =	shalt  }
0x4e: {  	_ =	shalt  }
0x4f: {  	_ =	shalt  }
0x50: {  	_ =	shalt  }
0x51: {  	_ =	shalt  }
0x52: {  	_ =	shalt  }
0x53: {  	_ =	shalt  }
0x54: {  	_ =	shalt  }
0x55: {  	_ =	shalt  }
0x56: {  	_ =	shalt  }
0x57: {  	_ =	shalt  }
0x58: {  	_ =	shalt  }
0x59: {  	_ =	shalt  }
0x5a: {  	_ =	shalt  }
0x5b: {  	_ =	shalt  }
0x5c: {  	_ =	shalt  }
0x5d: {  	_ =	shalt  }
0x5e: {  	_ =	shalt  }
0x5f: {  	_ =	shalt  }
0x60: {  	_ =	shalt  }
0x61: {  	_ =	shalt  }
0x62: {  	_ =	shalt  }
0x63: {  	_ =	shalt  }
0x64: {  	_ =	shalt  }
0x65: {  	_ =	shalt  }
0x66: {  	_ =	shalt  }
0x67: {  	_ =	shalt  }
0x68: {  	_ =	shalt  }
0x69: {  	_ =	shalt  }
0x6a: {  	_ =	shalt  }
0x6b: {  	_ =	shalt  }
0x6c: {  	_ =	shalt  }
0x6d: {  	_ =	shalt  }
0x6e: {  	_ =	shalt  }
0x6f: {  	_ =	shalt  }
0x70: {  	_ =	shalt  }
0x71: {  	_ =	shalt  }
0x72: {  	_ =	shalt  }
0x73: {  	_ =	shalt  }
0x74: {  	_ =	shalt  }
0x75: {  	_ =	shalt  }
0x76: {  	_ =	shalt  }
0x77: {  	_ =	shalt  }
0x78: {  	_ =	shalt  }
0x79: {  	_ =	shalt  }
0x7a: {  	_ =	shalt  }
0x7b: {  	_ =	shalt  }
0x7c: {  	_ =	shalt  }
0x7d: {  	_ =	shalt  }
0x7e: {  	_ =	shalt  }
0x7f: {  	_ =	shalt  }
0x80: {  	_ =	shalt  }
0x81: {  	_ =	shalt  }
0x82: {  	_ =	shalt  }
0x83: {  	_ =	shalt  }
0x84: {  	_ =	shalt  }
0x85: {  	_ =	shalt  }
0x86: {  	_ =	shalt  }
0x87: {  	_ =	shalt  }
.Lfunc_end0:
.L_simem_size_0:
called_computation.3_lowered:
.L_overlay_start_0:
0x88: {  	s2 =	sld [smem:$0x3FD9]  }
0x89: {  	s3 =	sld [smem:$0x3FFE];
	_ =	sdelay $0x1  }
0x8a: {  	s1 =	srdreg.scid  }
0x8b: {  	s0 =	sand.u32 $0x1, s1  }
0x8c: {  	s16 =	sshll.u32 s0, $0xA;
	s2 =	sadd.s32 s3, s2  }
0x8d: {  	s2 =	sadd.s32 s2, s16  }
0x8e: {  	[smem:$0x3FB9] =	sst s2  }
0x8f: {  	_ = 	snop  }
0x90: {  	(tm) =	ssettm $0x1  }
0x91: {  	s17 =	sld [smem:$0x3FFB];
	_ =	sdelay $0x3  }
0x92: {  	_ =	strace s17  }
0x93: {  	s2 =	sld [smem:$0x3FFC];
	_ =	sdelay $0x3  }
0x94: {  	_ =	strace s2  }
0x95: {  	s2 =	sld [smem:$0x3FFD];
	_ =	sdelay $0x3  }
0x96: {  	_ =	strace s2  }
0x97: {  	_ =	strace $0x8FFFFFFF  }
0x98: {  	s18 =	sld [smem:$0x3FDB];
	_ =	sdelay $0x1  }
0x99: {  	s19 =	simm.s32 $_scs_section_size  }
0x9a: {  	s4 =	simm.s32 $_size__tile_overlayer_lowered;
	s5 =	simm.s32 $_tile_overlayer_lowered  }
0x9b: {  	s22 =	simm.s32 $0x1BFF;
	s21 =	sshll.u32 s5, $0x1;
	s2 =	sadd.s32 s19, s18  }
0x9c: {  	s6 =	simm.s32 $0x0;
	s20 =	sshll.u32 s4, $0x1;
	s4 =	sadd.s32 s21, s2  }
0x9d: {  	[timem:s6], [sflag:s22] =	dma.local [hbm:s4], s20  }
0x9e: {  	_ =	swait.ge [sflag:s22], s20  }
0x9f: {  	s3 =	ssub.s32 $0x0, s20;
	[sflag:s22] =	ssyncset.done $0x0  }
0xa0: {  	[sflag:s22] =	ssyncadd.s32 s3;
	_ =	sdelay $0x1  }
0xa1: {  	s23 =	simm.s32 $0x1B8B  }
0xa2: {  	_ =	swait.ge [sflag:s23], $0x1  }
0xa3: {  	[sflag:s23] =	ssyncset.done $0x0  }
0xa4: {  	s25 =	simm.s32 $0x1B8E;
	s24 =	sld [smem:$0x3FFE];
	[sflag:s23] =	ssyncadd.s32 $0xFFFFFFFF  }
0xa5: {  	s26 =	simm.s32 $execute0_lowered;
	[smem:$0x3FD2] =	sst s25  }
0xa6: {  	s4 =	sshll.u32 s26, $0x1;
	_ =	strace $0x8000004F;
	[dreg:$0x1] =	wrdreg $0xFFFFFFFF  }
0xa7: {  	s28 =	simm.s32 $_size_execute0_lowered;
	s2 =	sadd.s32 s2, s4;
	[dreg:$0x0] =	wrdreg $0x0  }
0xa8: {  	s4 =	sshll.u32 s28, $0x1;
	[dreg:$0x2] =	wrdreg s2  }
0xa9: {  	[dreg:$0x3] =	wrdreg s4  }
0xaa: {  	[dreg:$0x4] =	wrdreg $0xC0  }
0xab: {  	_ =	task [dreg:s6], $0x5FFFF  }
0xac: {  	[dreg:$0x1] =	wrdreg $0xFFFFFFFF  }
0xad: {  	[dreg:$0x0] =	wrdreg $0x60  }
0xae: {  	[dreg:$0x2] =	wrdreg s24  }
0xaf: {  	[dreg:$0x3] =	wrdreg $0xA8000  }
0xb0: {  	[dreg:$0x4] =	wrdreg $0x9  }
0xb1: {  	_ =	task.clear_ibuf [dreg:s6], $0x5FFFF;
	_ =	strace $0x9000004F  }
0xb2: {  	s29 =	simm.s32 $0x9;
	_ =	strace $0x80000051  }
0xb3: {  	_ =	swait.ge [sflag:s29], $0x1  }
0xb4: {  	[sflag:s29] =	ssyncadd.s32 $0xFFFFFFFF  }
0xb5: {  	_ =	strace $0x90000051  }
0xb6: {  	_ =	sfence  }
0xb7: {  	s30 =	sld [smem:$0x0];
	_ =	sdelay $0x2  }
0xb8: {  	s31 =	sshll.u32 s1, $0xD;
	s1 =	sshrl.u32 s1, $0x2  }
0xb9: {  	s3 =	sand.u32 $0x4000, s31;
	s1 =	sadd.s32 s1, s30  }
0xba: {  	s0 =	sor.u32 s3, s0;
	s1 =	sshll.u32 s1, $0x11  }
0xbb: {  	s0 =	sor.u32 s1, s0  }
0xbc: {  	s0 =	sadd.s32 $0x8F2B, s0  }
0xbd: {  	[sflag:s0] =	ssyncadd.remote.s32 $0x1  }
0xbe: {  	_ =	sfence.sel $0xFFFF  }
0xbf: {  	[dreg:$0x0] =	wrdreg $0xFFFFFFFF;
	(pc) =	sbr.abs _section_cstart, $3  }
0xc0: {  	[dreg:$0x1] =	wrdreg $0xFFFFFFFF  }
0xc1: {  	_ =	task.clear_ibuf [dreg:s6], $0x2FFFF;
	_ =	strace $0x9FFFFFFF  }
0xc2: {  	(tm) =	ssettm $0x7FFFFFFF  }
0xc3: {  	_ =	shalt  }
tec
execute0_lowered:
.L_overlay_start_1:
0x0: {  	(tag) =	ssettag $0x1  }
0x1: {  	s6 =	rddreg [dreg:$0x0]  }
0x2: {  	s1 =	rddreg [dreg:$0x1];
	s2 =	srdreg.scid  }
0x3: {  	s3 =	simm.s32 $0x0;
	s0 =	stileid.u32;
	s20 =	simm.s32 $0x80  }
0x4: {  	s21 =	simm.s32 $0x2800;
	s22 =	simm.s32 $0x6800;
	s23 =	simm.s32 $0x1  }
0x5: {  	s28 =	simm.s32 $0x2780;
	s29 =	simm.s32 $0x0;
	s7 =	sand.u32 $0x1, s2  }
0x6: {  	[smem:$0x7FF] =	sst s3;
	s8 =	smul.u32 $0x14000, s0;
	s4 =	sadd.s32 $0x6A200, s6  }
0x7: {  	s9 =	sadd.s32 $0xF200, s6;
	s10 =	sadd.s32 $0x5200, s6;
	s12 =	smul.u32 $0x50000, s0  }
0x8: {  	s30 =	sshll.u32 s0, $0x6;
	s5 =	smul.u32 $0x140000, s7;
	s11 =	sshll.u32 s7, $0x4  }
0x9: {  	_ =	strace $0x80000050;
	s7 =	ssub.s32 $0x2, s7;
	s11 =	sor.u32 s0, s11  }
0xa: {  	s24 =	sshrl.u32 s7, $0x1;
	s26 =	sshrl.u32 s12, $0x2;
	s8 =	sadd.s32 s8, s5  }
0xb: {  	s5 =	sadd.s32 $0x19200, s6;
	s25 =	smul.u32 $0x2800, s11;
	s14 =	ssub.s32 s7, s24  }
0xc: {  	s15 =	sadd.s32 s26, s1;
	s24 =	simm.s32 $0x2;
	s26 =	simm.s32 $0x2700  }
0xd: {  	s8 =	sshrl.u32 s8, $0x3;
	s12 =	smax.u32 s14, $0x1;
	s16 =	sadd.s32 $0x4000, s15  }
0xe: {  	s17 =	sadd.s32 $0x8000, s15;
	s18 =	sadd.s32 $0xC000, s15;
	s19 =	sadd.s32 $0x10000, s15  }
0xf: {  	s14 =	simm.s32 $0x3;
	s13 =	sadd.s32 s8, s6;
	s11 =	sshrl.u32 s25, $0x3  }
0x10: {  	s6 =	sor.u32 $0x1C03, s30;
	s25 =	simm.s32 $0x1380;
	s31 =	sadd.s32 s9, s11  }
0x11: {  	s8 =	sadd.s32 s10, s11;
	s11 =	sadd.s32 $0x280, s11;
	[dreg:$0x3] =	wrdreg s31  }
0x12: {  	s9 =	sadd.s32 s9, s11;
	s10 =	sadd.s32 s10, s11;
	s11 =	sadd.s32 $0x91400, s13  }
0x13: {  	s13 =	sshrl.u32 s15, $0x3;
	s15 =	sshrl.u32 s16, $0x3;
	s16 =	sshrl.u32 s17, $0x3  }
0x14: {  	s17 =	sshrl.u32 s18, $0x3;
	s18 =	sshrl.u32 s19, $0x3;
	s19 =	simm.s32 $0x1400  }
.LBB2_1:
0x15: {  	[spmem:s13], [sflag:s6] =	dma.local [hbm:s5], $0x800  }
0x16: {  	_ =	swait.ge [sflag:s14], $0x800  }
0x17: {  	[sflag:s14] =	ssyncset.done $0x0  }
0x18: {  	[sflag:s14] =	ssyncadd.s32 $0xFFFFF800  }
0x19: {  	[spmem:s15], [sflag:s6] =	dma.local [hbm:s5], $0x800  }
0x1a: {  	_ =	swait.ge [sflag:s14], $0x800  }
0x1b: {  	[sflag:s14] =	ssyncset.done $0x0  }
0x1c: {  	[sflag:s14] =	ssyncadd.s32 $0xFFFFF800  }
0x1d: {  	[spmem:s16], [sflag:s6] =	dma.local [hbm:s5], $0x800  }
0x1e: {  	_ =	swait.ge [sflag:s14], $0x800  }
0x1f: {  	[sflag:s14] =	ssyncset.done $0x0  }
0x20: {  	[sflag:s14] =	ssyncadd.s32 $0xFFFFF800  }
0x21: {  	[spmem:s17], [sflag:s6] =	dma.local [hbm:s5], $0x800  }
0x22: {  	_ =	swait.ge [sflag:s14], $0x800  }
0x23: {  	[sflag:s14] =	ssyncset.done $0x0  }
0x24: {  	[sflag:s14] =	ssyncadd.s32 $0xFFFFF800  }
0x25: {  	[spmem:s18], [sflag:s6] =	dma.local [hbm:s5], $0x800  }
0x26: {  	_ =	swait.ge [sflag:s14], $0x800  }
0x27: {  	[sflag:s14] =	ssyncset.done $0x0  }
0x28: {  	[sflag:s14] =	ssyncadd.s32 $0xFFFFF800  }
0x29: {  	[bflag:$0x0] =	sbarrier.arrive $0xFFFF  }
0x2a: {  	s0 =	rddreg [dreg:$0x3]  }
0x2b: {  	[tilespmem:s3], [sflag:$0x3] =	stream.linear.gather [hbm4b:s0+s3], $0x1400, $0x38;
	[tilespmem:$0x1E800] =	vst v63  }
0x2c: {  	_ =	swait.ge [sflag:s14], $0x1400  }
0x2d: {  	[sflag:s14] =	ssyncset.done $0x0  }
0x2e: {  	[sflag:s14] =	ssyncadd.s32 $0xFFFFEC00  }
0x2f: {  	[tilespmem:s19], [sflag:$0x3] =	stream.linear.gather [hbm4b:s8+s3], $0x1400, $0x38;
	[tilespmem:$0x1E800] =	vst v63  }
0x30: {  	_ =	swait.ge [sflag:s14], $0x1400  }
0x31: {  	[sflag:s14] =	ssyncset.done $0x0  }
0x32: {  	[sflag:s14] =	ssyncadd.s32 $0xFFFFEC00  }
0x33: {  	[tilespmem:s21], [sflag:$0x1] =	stream.indirect.gather [hbm4b:s4+s20], $0x80, s3, s20, $0xb8;
	[tilespmem:$0x1E800] =	vst v63  }
0x34: {  	s30 =	simm.s32 $0x80  }
0x35: {  	[tilespmem:s22], [sflag:$0x2] =	stream.indirect.gather [hbm4b:s4+s20], $0x80, s30, s20, $0xb8;
	[tilespmem:$0x1E800] =	vst v63  }
0x36: {  	_ =	swait.ge [sflag:s23], $0x4000  }
0x37: {  	[sflag:s23] =	ssyncset.done $0x0  }
0x38: {  	s30 =	simm.s32 $0x1400;
	[sflag:s23] =	ssyncadd.s32 $0xFFFFC000  }
0x39: {  	[spmem:s1] =	stream.indirect.scatter.add.f32 [tilespmem:s21], [sflag:$0x3], $0x80, s30, s20, $0xb8;
	[tilespmem:$0x1E800] =	vst v63  }
0x3a: {  	_ =	swait.ge [sflag:s14], $0x4000  }
0x3b: {  	[sflag:s14] =	ssyncset.done $0x0  }
0x3c: {  	s30 =	simm.s32 $0x100;
	[sflag:s14] =	ssyncadd.s32 $0xFFFFC000  }
0x3d: {  	[tilespmem:s21], [sflag:$0x1] =	stream.indirect.gather [hbm4b:s4+s20], $0x80, s30, s20, $0xb8;
	[tilespmem:$0x1E800] =	vst v63  }
0x3e: {  	_ =	swait.ge [sflag:s24], $0x4000  }
0x3f: {  	[sflag:s24] =	ssyncset.done $0x0  }
0x40: {  	s30 =	simm.s32 $0x1480;
	[sflag:s24] =	ssyncadd.s32 $0xFFFFC000  }
0x41: {  	[spmem:s1] =	stream.indirect.scatter.add.f32 [tilespmem:s22], [sflag:$0x3], $0x80, s30, s20, $0xb8;
	[tilespmem:$0x1E800] =	vst v63  }
0x42: {  	_ =	swait.ge [sflag:s14], $0x4000  }
0x43: {  	s31 =	simm.s32 $0x800;
	s30 =	simm.s32 $0x100;
	[sflag:s14] =	ssyncset.done $0x0  }
.LBB2_2:
0x44: {  	s0 =	sadd.s32 $0x80, s30  }
0x45: {  	[sflag:s14] =	ssyncadd.s32 $0xFFFFC000;
	s2 =	smov.u32 s31;
	s7 =	sadd.s32 $0x400, s31  }
0x46: {  	[tilespmem:s22], [sflag:$0x2] =	stream.indirect.gather [hbm4b:s4+s20], $0x80, s0, s20, $0xb8;
	[tilespmem:$0x1E800] =	vst v63  }
0x47: {  	p0 =	sne.s32 s31, $0x4800;
	_ =	swait.ge [sflag:s23], $0x4000  }
0x48: {  	[sflag:s23] =	ssyncset.done $0x0  }
0x49: {  	s0 =	sadd.s32 $0x1400, s30;
	[sflag:s23] =	ssyncadd.s32 $0xFFFFC000  }
0x4a: {  	[spmem:s1] =	stream.indirect.scatter.add.f32 [tilespmem:s21], [sflag:$0x3], $0x80, s0, s20, $0xb8;
	[tilespmem:$0x1E800] =	vst v63  }
0x4b: {  	_ =	swait.ge [sflag:s14], $0x4000  }
0x4c: {  	[sflag:s14] =	ssyncset.done $0x0  }
0x4d: {  	s0 =	sadd.s32 $0x100, s30;
	[sflag:s14] =	ssyncadd.s32 $0xFFFFC000  }
0x4e: {  	[tilespmem:s21], [sflag:$0x1] =	stream.indirect.gather [hbm4b:s4+s20], $0x80, s0, s20, $0xb8;
	[tilespmem:$0x1E800] =	vst v63  }
0x4f: {  	_ =	swait.ge [sflag:s24], $0x4000  }
.Ltmp0:
0x50: {  	[sflag:s24] =	ssyncset.done $0x0;
	(pc) =	sbr.rel @p0 .LBB2_2-.Ltmp0, $4  }
0x51: {  	s0 =	sadd.s32 $0x1480, s30;
	[sflag:s24] =	ssyncadd.s32 $0xFFFFC000  }
0x52: {  	[spmem:s1] =	stream.indirect.scatter.add.f32 [tilespmem:s22], [sflag:$0x3], $0x80, s0, s20, $0xb8;
	[tilespmem:$0x1E800] =	vst v63  }
0x53: {  	_ =	swait.ge [sflag:s14], $0x4000  }
0x54: {  	s31 =	smov.u32 s7;
	s30 =	sshra.s32 s2, $0x2;
	[sflag:s14] =	ssyncset.done $0x0  }
0x55: {  	s0 =	sadd.s32 $0x80, s30;
	[sflag:s14] =	ssyncadd.s32 $0xFFFFC000  }
0x56: {  	[tilespmem:s22], [sflag:$0x2] =	stream.indirect.gather [hbm4b:s4+s20], $0x80, s0, s20, $0xb8;
	[tilespmem:$0x1E800] =	vst v63  }
0x57: {  	_ =	swait.ge [sflag:s23], $0x4000  }
0x58: {  	[sflag:s23] =	ssyncset.done $0x0  }
0x59: {  	s2 =	sadd.s32 $0x1400, s30;
	[sflag:s23] =	ssyncadd.s32 $0xFFFFC000  }
0x5a: {  	[spmem:s1] =	stream.indirect.scatter.add.f32 [tilespmem:s21], [sflag:$0x3], $0x80, s2, s20, $0xb8;
	[tilespmem:$0x1E800] =	vst v63  }
0x5b: {  	_ =	swait.ge [sflag:s14], $0x4000  }
0x5c: {  	[sflag:s14] =	ssyncset.done $0x0  }
0x5d: {  	s7 =	sadd.s32 $0x100, s30;
	[sflag:s14] =	ssyncadd.s32 $0xFFFFC000  }
0x5e: {  	[tilespmem:s21], [sflag:$0x1] =	stream.indirect.gather [hbm4b:s4+s20], $0x80, s7, s20, $0xb8;
	[tilespmem:$0x1E800] =	vst v63  }
0x5f: {  	_ =	swait.ge [sflag:s24], $0x4000  }
0x60: {  	[sflag:s24] =	ssyncset.done $0x0  }
0x61: {  	s2 =	sadd.s32 $0x1480, s30;
	[sflag:s24] =	ssyncadd.s32 $0xFFFFC000  }
0x62: {  	[spmem:s1] =	stream.indirect.scatter.add.f32 [tilespmem:s22], [sflag:$0x3], $0x80, s2, s20, $0xb8;
	[tilespmem:$0x1E800] =	vst v63  }
0x63: {  	_ =	swait.ge [sflag:s14], $0x4000  }
0x64: {  	[sflag:s14] =	ssyncset.done $0x0  }
0x65: {  	[sflag:s14] =	ssyncadd.s32 $0xFFFFC000  }
0x66: {  	[tilespmem:s22], [sflag:$0x2] =	stream.indirect.gather [hbm4b:s4+s20], $0x80, s25, s20, $0xb8;
	[tilespmem:$0x1E800] =	vst v63  }
0x67: {  	_ =	swait.ge [sflag:s23], $0x4000  }
0x68: {  	[sflag:s23] =	ssyncset.done $0x0  }
0x69: {  	[sflag:s23] =	ssyncadd.s32 $0xFFFFC000  }
0x6a: {  	[spmem:s1] =	stream.indirect.scatter.add.f32 [tilespmem:s21], [sflag:$0x3], $0x80, s26, s20, $0xb8;
	[tilespmem:$0x1E800] =	vst v63  }
0x6b: {  	_ =	swait.ge [sflag:s14], $0x4000  }
0x6c: {  	[sflag:s14] =	ssyncset.done $0x0  }
0x6d: {  	[sflag:s14] =	ssyncadd.s32 $0xFFFFC000  }
0x6e: {  	_ =	swait.ge [sflag:s24], $0x4000  }
0x6f: {  	[sflag:s24] =	ssyncset.done $0x0  }
0x70: {  	[sflag:s24] =	ssyncadd.s32 $0xFFFFC000  }
0x71: {  	[spmem:s1] =	stream.indirect.scatter.add.f32 [tilespmem:s22], [sflag:$0x3], $0x80, s28, s20, $0xb8;
	[tilespmem:$0x1E800] =	vst v63  }
0x72: {  	_ =	swait.ge [sflag:s14], $0x4000  }
0x73: {  	[sflag:s14] =	ssyncset.done $0x0  }
0x74: {  	s7 =	simm.s32 $0x0;
	[sflag:s14] =	ssyncadd.s32 $0xFFFFC000  }
0x75: {  	[tilespmem:s7], [sflag:$0x3] =	stream.linear.gather [hbm4b:s9+s7], $0x1400, $0x38;
	[tilespmem:$0x1E800] =	vst v63  }
0x76: {  	_ =	swait.ge [sflag:s14], $0x1400  }
0x77: {  	[sflag:s14] =	ssyncset.done $0x0  }
0x78: {  	[sflag:s14] =	ssyncadd.s32 $0xFFFFEC00  }
0x79: {  	[tilespmem:s19], [sflag:$0x3] =	stream.linear.gather [hbm4b:s10+s7], $0x1400, $0x38;
	[tilespmem:$0x1E800] =	vst v63  }
0x7a: {  	_ =	swait.ge [sflag:s14], $0x1400  }
0x7b: {  	[sflag:s14] =	ssyncset.done $0x0  }
0x7c: {  	[sflag:s14] =	ssyncadd.s32 $0xFFFFEC00  }
0x7d: {  	[tilespmem:s21], [sflag:$0x1] =	stream.indirect.gather [hbm4b:s4+s20], $0x80, s7, s20, $0xb8;
	[tilespmem:$0x1E800] =	vst v63  }
0x7e: {  	s2 =	simm.s32 $0x80  }
0x7f: {  	[tilespmem:s22], [sflag:$0x2] =	stream.indirect.gather [hbm4b:s4+s20], $0x80, s2, s20, $0xb8;
	[tilespmem:$0x1E800] =	vst v63  }
0x80: {  	_ =	swait.ge [sflag:s23], $0x4000  }
0x81: {  	[sflag:s23] =	ssyncset.done $0x0  }
0x82: {  	s7 =	simm.s32 $0x1400;
	[sflag:s23] =	ssyncadd.s32 $0xFFFFC000  }
0x83: {  	[spmem:s1] =	stream.indirect.scatter.add.f32 [tilespmem:s21], [sflag:$0x3], $0x80, s7, s20, $0xb8;
	[tilespmem:$0x1E800] =	vst v63  }
0x84: {  	_ =	swait.ge [sflag:s14], $0x4000  }
0x85: {  	[sflag:s14] =	ssyncset.done $0x0  }
0x86: {  	s2 =	simm.s32 $0x100;
	[sflag:s14] =	ssyncadd.s32 $0xFFFFC000  }
0x87: {  	[tilespmem:s21], [sflag:$0x1] =	stream.indirect.gather [hbm4b:s4+s20], $0x80, s2, s20, $0xb8;
	[tilespmem:$0x1E800] =	vst v63  }
0x88: {  	_ =	swait.ge [sflag:s24], $0x4000  }
0x89: {  	[sflag:s24] =	ssyncset.done $0x0  }
0x8a: {  	s7 =	simm.s32 $0x1480;
	[sflag:s24] =	ssyncadd.s32 $0xFFFFC000  }
0x8b: {  	[spmem:s1] =	stream.indirect.scatter.add.f32 [tilespmem:s22], [sflag:$0x3], $0x80, s7, s20, $0xb8;
	[tilespmem:$0x1E800] =	vst v63  }
0x8c: {  	_ =	swait.ge [sflag:s14], $0x4000  }
0x8d: {  	s31 =	simm.s32 $0x800;
	s30 =	simm.s32 $0x100;
	[sflag:s14] =	ssyncset.done $0x0  }
.LBB2_4:
0x8e: {  	s0 =	sadd.s32 $0x80, s30  }
0x8f: {  	[sflag:s14] =	ssyncadd.s32 $0xFFFFC000;
	s2 =	smov.u32 s31;
	s7 =	sadd.s32 $0x400, s31  }
0x90: {  	[tilespmem:s22], [sflag:$0x2] =	stream.indirect.gather [hbm4b:s4+s20], $0x80, s0, s20, $0xb8;
	[tilespmem:$0x1E800] =	vst v63  }
0x91: {  	p0 =	sne.s32 s31, $0x4800;
	_ =	swait.ge [sflag:s23], $0x4000  }
0x92: {  	[sflag:s23] =	ssyncset.done $0x0  }
0x93: {  	s0 =	sadd.s32 $0x1400, s30;
	[sflag:s23] =	ssyncadd.s32 $0xFFFFC000  }
0x94: {  	[spmem:s1] =	stream.indirect.scatter.add.f32 [tilespmem:s21], [sflag:$0x3], $0x80, s0, s20, $0xb8;
	[tilespmem:$0x1E800] =	vst v63  }
0x95: {  	_ =	swait.ge [sflag:s14], $0x4000  }
0x96: {  	[sflag:s14] =	ssyncset.done $0x0  }
0x97: {  	s0 =	sadd.s32 $0x100, s30;
	[sflag:s14] =	ssyncadd.s32 $0xFFFFC000  }
0x98: {  	[tilespmem:s21], [sflag:$0x1] =	stream.indirect.gather [hbm4b:s4+s20], $0x80, s0, s20, $0xb8;
	[tilespmem:$0x1E800] =	vst v63  }
0x99: {  	_ =	swait.ge [sflag:s24], $0x4000  }
.Ltmp1:
0x9a: {  	[sflag:s24] =	ssyncset.done $0x0;
	(pc) =	sbr.rel @p0 .LBB2_4-.Ltmp1, $4  }
0x9b: {  	s0 =	sadd.s32 $0x1480, s30;
	[sflag:s24] =	ssyncadd.s32 $0xFFFFC000  }
0x9c: {  	[spmem:s1] =	stream.indirect.scatter.add.f32 [tilespmem:s22], [sflag:$0x3], $0x80, s0, s20, $0xb8;
	[tilespmem:$0x1E800] =	vst v63  }
0x9d: {  	_ =	swait.ge [sflag:s14], $0x4000  }
0x9e: {  	s31 =	smov.u32 s7;
	s30 =	sshra.s32 s2, $0x2;
	[sflag:s14] =	ssyncset.done $0x0  }
0x9f: {  	s0 =	sadd.s32 $0x80, s30;
	[sflag:s14] =	ssyncadd.s32 $0xFFFFC000  }
0xa0: {  	[tilespmem:s22], [sflag:$0x2] =	stream.indirect.gather [hbm4b:s4+s20], $0x80, s0, s20, $0xb8;
	[tilespmem:$0x1E800] =	vst v63  }
0xa1: {  	_ =	swait.ge [sflag:s23], $0x4000  }
0xa2: {  	[sflag:s23] =	ssyncset.done $0x0  }
0xa3: {  	s2 =	sadd.s32 $0x1400, s30;
	[sflag:s23] =	ssyncadd.s32 $0xFFFFC000  }
0xa4: {  	[spmem:s1] =	stream.indirect.scatter.add.f32 [tilespmem:s21], [sflag:$0x3], $0x80, s2, s20, $0xb8;
	[tilespmem:$0x1E800] =	vst v63  }
0xa5: {  	_ =	swait.ge [sflag:s14], $0x4000  }
0xa6: {  	[sflag:s14] =	ssyncset.done $0x0  }
0xa7: {  	s7 =	sadd.s32 $0x100, s30;
	[sflag:s14] =	ssyncadd.s32 $0xFFFFC000  }
0xa8: {  	[tilespmem:s21], [sflag:$0x1] =	stream.indirect.gather [hbm4b:s4+s20], $0x80, s7, s20, $0xb8;
	[tilespmem:$0x1E800] =	vst v63  }
0xa9: {  	_ =	swait.ge [sflag:s24], $0x4000  }
0xaa: {  	[sflag:s24] =	ssyncset.done $0x0  }
0xab: {  	s31 =	sadd.s32 $0x1480, s30;
	[sflag:s24] =	ssyncadd.s32 $0xFFFFC000  }
0xac: {  	[spmem:s1] =	stream.indirect.scatter.add.f32 [tilespmem:s22], [sflag:$0x3], $0x80, s31, s20, $0xb8;
	[tilespmem:$0x1E800] =	vst v63  }
0xad: {  	_ =	swait.ge [sflag:s14], $0x4000  }
0xae: {  	[sflag:s14] =	ssyncset.done $0x0  }
0xaf: {  	[sflag:s14] =	ssyncadd.s32 $0xFFFFC000  }
0xb0: {  	[tilespmem:s22], [sflag:$0x2] =	stream.indirect.gather [hbm4b:s4+s20], $0x80, s25, s20, $0xb8;
	[tilespmem:$0x1E800] =	vst v63  }
0xb1: {  	_ =	swait.ge [sflag:s23], $0x4000  }
0xb2: {  	[sflag:s23] =	ssyncset.done $0x0  }
0xb3: {  	[sflag:s23] =	ssyncadd.s32 $0xFFFFC000  }
0xb4: {  	[spmem:s1] =	stream.indirect.scatter.add.f32 [tilespmem:s21], [sflag:$0x3], $0x80, s26, s20, $0xb8;
	[tilespmem:$0x1E800] =	vst v63  }
0xb5: {  	_ =	swait.ge [sflag:s14], $0x4000  }
0xb6: {  	[sflag:s14] =	ssyncset.done $0x0  }
0xb7: {  	[sflag:s14] =	ssyncadd.s32 $0xFFFFC000  }
0xb8: {  	_ =	swait.ge [sflag:s24], $0x4000  }
0xb9: {  	[sflag:s24] =	ssyncset.done $0x0  }
0xba: {  	[sflag:s24] =	ssyncadd.s32 $0xFFFFC000  }
0xbb: {  	[spmem:s1] =	stream.indirect.scatter.add.f32 [tilespmem:s22], [sflag:$0x3], $0x80, s28, s20, $0xb8;
	[tilespmem:$0x1E800] =	vst v63  }
0xbc: {  	_ =	swait.ge [sflag:s14], $0x4000  }
0xbd: {  	s29 =	sadd.s32 $0x1, s29;
	[sflag:s14] =	ssyncset.done $0x0  }
0xbe: {  	p0 =	sne.s32 s29, s12;
	[sflag:s14] =	ssyncadd.s32 $0xFFFFC000  }
.Ltmp2:
0xbf: {  	[bflag:$0x0] =	sbarrier.arrive $0xFFFF;
	(pc) =	sbr.rel @p0 .LBB2_1-.Ltmp2, $4  }
0xc0: {  	[hbm:s11], [sflag:s6] =	dma.local [spmem:s13], $0x2800  }
0xc1: {  	_ =	swait.ge [sflag:s14], $0x2800  }
0xc2: {  	[sflag:s14] =	ssyncset.done $0x0  }
0xc3: {  	[sflag:s14] =	ssyncadd.s32 $0xFFFFD800  }
0xc4: {  	_ =	sfence.sel $0x180000  }
0xc5: {  	[bflag:$0x0] =	sbarrier.arrive $0xFFFF  }
0xc6: {  	_ =	strace $0x90000050  }
0xc7: {  	s0 =	stileid.u32;
	[bflag:$0x2] =	sbarrier.arrive $0xFFFF  }
0xc8: {  	p0 =	sne.s32 s0, $0x0;
	s0 =	rddreg [dreg:$0x2]  }
0xc9: {  	s0 =	sadd.s32 @!p0 $0x100000, s0  }
0xca: {  	[sflag:s0] =	ssyncadd.tile.s32 @!p0 $0x1;
	_ =	shalt  }
.Lfunc_end2:
_tile_overlayer_lowered:
.L_overlay_start_2:
0xcb: {  	(tag) =	ssettag $0x2  }
0xcc: {  	s0 =	rddreg [dreg:$0x0];
	s2 =	stileid.u32  }
0xcd: {  	s1 =	rddreg [dreg:$0x1];
	p0 =	sne.s32 s2, $0x0  }
0xce: {  	s3 =	rddreg [dreg:$0x2];
	[bflag:$0x3] =	sbarrier.arrive $0xFFFF;
	s2 =	simm.s32 @!p0 $0x1C03  }
0xcf: {  	[timem:s3], [sflag:s2] =	dma.local @!p0 [hbm:s0], s1  }
0xd0: {  	s0 =	simm.s32 @!p0 $0x3  }
0xd1: {  	_ =	swait.ge @!p0 [sflag:s0], s1  }
0xd2: {  	s1 =	ssub.s32 @!p0 $0x0, s1;
	[sflag:s0] =	ssyncset.done @!p0 $0x0  }
0xd3: {  	[sflag:s0] =	ssyncadd.s32 @!p0 s1  }
0xd4: {  	[bflag:$0x3] =	sbarrier.arrive $0xFFFF  }
0xd5: {  	_ =	shalt  }

// kernel: kernel.26.cloned.1.call-start
scs
__scs_entry_jumppad:
0x0: {  	(pc) =	sbr.rel $0x88, $3  }
0x1: {  	(tag) =	ssettag $0x0;
	lr =	simm.s32 $0x1  }
0x2: {  	[smem:$0x3F92] =	sst lr;
	_ =	strace $0xD0000000  }
0x3: {  	_ = 	snop  }
0x4: {  	_ = 	snop  }
0x5: {  	_ = 	snop  }
0x6: {  	_ = 	snop  }
0x7: {  	_ = 	snop  }
__scs_overlays_trampoline_lowered:
0x8: {  	[smem:$0x3FA1] =	sst s0  }
0x9: {  	[smem:$0x3FA2] =	sst s1  }
0xa: {  	[smem:$0x3FA3] =	sst s2  }
0xb: {  	[smem:$0x3FA4] =	sst s3  }
0xc: {  	[smem:$0x3FA5] =	sst s4  }
0xd: {  	[smem:$0x3FA6] =	sst s5  }
0xe: {  	[smem:$0x3FA7] =	sst s6  }
0xf: {  	[smem:$0x3FA8] =	sst s7  }
0x10: {  	[smem:$0x3FA9] =	sst s8  }
0x11: {  	[smem:$0x3FAA] =	sst s9;
	s0 =	simm.s32 @!p0 $0x0  }
0x12: {  	s1 =	sld [smem:$0x3F90];
	s0 =	simm.s32 @p0 $0x1  }
0x13: {  	[smem:$0x3FAB] =	sst s0;
	s0 =	simm.s32 @!p1 $0x0  }
0x14: {  	s2 =	sld [smem:$0x3F8F];
	s0 =	simm.s32 @p1 $0x1  }
0x15: {  	[smem:$0x3FAC] =	sst s0;
	s0 =	simm.s32 @!p2 $0x0  }
0x16: {  	s3 =	sld [smem:$0x3FDB];
	s0 =	simm.s32 @p2 $0x1  }
0x17: {  	s4 =	simm.s32 $0x1BF5;
	[smem:$0x3FAE] =	sst s0  }
0x18: {  	s0 =	sld [smem:$0x3F91];
	_ =	swait.ge [sflag:s4], $0x0  }
0x19: {  	s7 =	sld [smem:$0x3F92]  }
0x1a: {  	s8 =	sadd.s32 $0xFFFFE003, lr  }
0x1b: {  	s9 =	sadd.s32 $0xFFFFFEF7, lr;
	s5 =	simm.s32 $0xFFFFFFFF;
	p2 =	slt.u32 s8, $0xFFFFF086  }
0x1c: {  	p1 =	slt.u32 s9, $0xF7A;
	s5 =	simm.s32 @!p2 $0x0  }
0x1d: {  	s5 =	simm.s32 @p1 $0x1;
	p0 =	seq.s32 s7, s2  }
0x1e: {  	s7 =	smul.u32 @!p0 $0xF7A, s2;
	p2 =	seq.s32 @!p0 s5, $0x0  }
0x1f: {  	s9 =	smul.u32 $0xF7A, s1;
	s8 =	simm.s32 @!p0 $0x1BF5;
	p2 =	por !p2, p0  }
0x20: {  	[sflag:s8] =	ssyncset.s32 @!p0 $0xFFFFF086;
	s6 =	sadd.s32 @!p0 s3, s7;
	s7 =	simm.s32 @!p0 $0x108  }
0x21: {  	s3 =	sadd.s32 s3, s9;
	s6 =	sadd.s32 @!p0 $0x88, s6;
	s7 =	simm.s32 @p2 $0x1082  }
0x22: {  	[simem:s7], [sflag:s8] =	dma.local @!p0 [hbm:s6], $0xF7A  }
0x23: {  	s9 =	sor.u32 $0xD0000000, s2;
	s6 =	simm.s32 $0x108;
	_ =	swait.ge @!p0 [sflag:s8], $0x0  }
0x24: {  	s3 =	sadd.s32 $0x88, s3;
	s6 =	simm.s32 @!p1 $0x1082;
	[sflag:s4] =	ssyncset.s32 $0xFFFFF086  }
0x25: {  	[simem:s6], [sflag:s4] =	dma.local [hbm:s3], $0xF7A  }
0x26: {  	[smem:$0x3F92] =	sst s1;
	(tag) =	ssettag s2;
	_ =	strace s9  }
0x27: {  	s1 =	sld [smem:$0x3FA2]  }
0x28: {  	s2 =	sld [smem:$0x3FA3]  }
0x29: {  	s4 =	sld [smem:$0x3FA5]  }
0x2a: {  	p0 =	seq.s32 s5, $0x0;
	s5 =	sld [smem:$0x3FA6]  }
0x2b: {  	s6 =	sld [smem:$0x3FA7]  }
0x2c: {  	s7 =	sld [smem:$0x3FA8]  }
0x2d: {  	s3 =	simm.s32 $0x108;
	s8 =	sld [smem:$0x3FA9]  }
0x2e: {  	s3 =	simm.s32 @!p0 $0x1082;
	s9 =	sld [smem:$0x3FAA]  }
0x2f: {  	lr =	sadd.s32 s0, s3;
	s0 =	sld [smem:$0x3FA1]  }
0x30: {  	s3 =	sld [smem:$0x3FA4]  }
0x31: {  	[smem:$0x3FAD] =	sst s10  }
0x32: {  	s10 =	sld [smem:$0x3FAB];
	_ =	sdelay $0x3  }
0x33: {  	p0 =	seq.s32 s10, $0x1;
	s10 =	sld [smem:$0x3FAD];
	_ =	sdelay $0x3  }
0x34: {  	[smem:$0x3FAD] =	sst s10  }
0x35: {  	s10 =	sld [smem:$0x3FAC];
	_ =	sdelay $0x3  }
0x36: {  	p1 =	seq.s32 s10, $0x1;
	s10 =	sld [smem:$0x3FAD];
	_ =	sdelay $0x3  }
0x37: {  	[smem:$0x3FAD] =	sst s10  }
0x38: {  	s10 =	sld [smem:$0x3FAE]  }
0x39: {  	_ = 	snop;
	(pc) =	sbr.ind lr, $3  }
0x3a: {  	_ = 	snop  }
0x3b: {  	_ = 	snop  }
0x3c: {  	p2 =	seq.s32 s10, $0x1;
	s10 =	sld [smem:$0x3FAD]  }
0x3d: {  	_ =	shalt  }
0x3e: {  	_ =	shalt  }
0x3f: {  	_ =	shalt  }
0x40: {  	_ =	shalt  }
0x41: {  	_ =	shalt  }
0x42: {  	_ =	shalt  }
0x43: {  	_ =	shalt  }
0x44: {  	_ =	shalt  }
0x45: {  	_ =	shalt  }
0x46: {  	_ =	shalt  }
0x47: {  	_ =	shalt  }
0x48: {  	_ =	shalt  }
0x49: {  	_ =	shalt  }
0x4a: {  	_ =	shalt  }
0x4b: {  	_ =	shalt  }
0x4c: {  	_ =	shalt  }
0x4d: {  	_ =	shalt  }
0x4e: {  	_ =	shalt  }
0x4f: {  	_ =	shalt  }
0x50: {  	_ =	shalt  }
0x51: {  	_ =	shalt  }
0x52: {  	_ =	shalt  }
0x53: {  	_ =	shalt  }
0x54: {  	_ =	shalt  }
0x55: {  	_ =	shalt  }
0x56: {  	_ =	shalt  }
0x57: {  	_ =	shalt  }
0x58: {  	_ =	shalt  }
0x59: {  	_ =	shalt  }
0x5a: {  	_ =	shalt  }
0x5b: {  	_ =	shalt  }
0x5c: {  	_ =	shalt  }
0x5d: {  	_ =	shalt  }
0x5e: {  	_ =	shalt  }
0x5f: {  	_ =	shalt  }
0x60: {  	_ =	shalt  }
0x61: {  	_ =	shalt  }
0x62: {  	_ =	shalt  }
0x63: {  	_ =	shalt  }
0x64: {  	_ =	shalt  }
0x65: {  	_ =	shalt  }
0x66: {  	_ =	shalt  }
0x67: {  	_ =	shalt  }
0x68: {  	_ =	shalt  }
0x69: {  	_ =	shalt  }
0x6a: {  	_ =	shalt  }
0x6b: {  	_ =	shalt  }
0x6c: {  	_ =	shalt  }
0x6d: {  	_ =	shalt  }
0x6e: {  	_ =	shalt  }
0x6f: {  	_ =	shalt  }
0x70: {  	_ =	shalt  }
0x71: {  	_ =	shalt  }
0x72: {  	_ =	shalt  }
0x73: {  	_ =	shalt  }
0x74: {  	_ =	shalt  }
0x75: {  	_ =	shalt  }
0x76: {  	_ =	shalt  }
0x77: {  	_ =	shalt  }
0x78: {  	_ =	shalt  }
0x79: {  	_ =	shalt  }
0x7a: {  	_ =	shalt  }
0x7b: {  	_ =	shalt  }
0x7c: {  	_ =	shalt  }
0x7d: {  	_ =	shalt  }
0x7e: {  	_ =	shalt  }
0x7f: {  	_ =	shalt  }
0x80: {  	_ =	shalt  }
0x81: {  	_ =	shalt  }
0x82: {  	_ =	shalt  }
0x83: {  	_ =	shalt  }
0x84: {  	_ =	shalt  }
0x85: {  	_ =	shalt  }
0x86: {  	_ =	shalt  }
0x87: {  	_ =	shalt  }
.Lfunc_end0:
.L_simem_size_0:
called_computation.4_lowered:
.L_overlay_start_0:
0x88: {  	s2 =	sld [smem:$0x3FD9]  }
0x89: {  	s3 =	sld [smem:$0x3FFE];
	_ =	sdelay $0x1  }
0x8a: {  	s1 =	srdreg.scid  }
0x8b: {  	s0 =	sand.u32 $0x1, s1  }
0x8c: {  	s16 =	sshll.u32 s0, $0xA;
	s2 =	sadd.s32 s3, s2  }
0x8d: {  	s2 =	sadd.s32 s2, s16  }
0x8e: {  	[smem:$0x3FB9] =	sst s2  }
0x8f: {  	_ = 	snop  }
0x90: {  	(tm) =	ssettm $0x1  }
0x91: {  	s17 =	sld [smem:$0x3FFB];
	_ =	sdelay $0x3  }
0x92: {  	_ =	strace s17  }
0x93: {  	s2 =	sld [smem:$0x3FFC];
	_ =	sdelay $0x3  }
0x94: {  	_ =	strace s2  }
0x95: {  	s2 =	sld [smem:$0x3FFD];
	_ =	sdelay $0x3  }
0x96: {  	_ =	strace s2  }
0x97: {  	_ =	strace $0x8FFFFFFF  }
0x98: {  	s18 =	sld [smem:$0x3FDB];
	_ =	sdelay $0x1  }
0x99: {  	s19 =	simm.s32 $_scs_section_size  }
0x9a: {  	s4 =	simm.s32 $_size__tile_overlayer_lowered;
	s5 =	simm.s32 $_tile_overlayer_lowered  }
0x9b: {  	s22 =	simm.s32 $0x1BFF;
	s21 =	sshll.u32 s5, $0x1;
	s2 =	sadd.s32 s19, s18  }
0x9c: {  	s6 =	simm.s32 $0x0;
	s20 =	sshll.u32 s4, $0x1;
	s4 =	sadd.s32 s21, s2  }
0x9d: {  	[timem:s6], [sflag:s22] =	dma.local [hbm:s4], s20  }
0x9e: {  	_ =	swait.ge [sflag:s22], s20  }
0x9f: {  	s3 =	ssub.s32 $0x0, s20;
	[sflag:s22] =	ssyncset.done $0x0  }
0xa0: {  	[sflag:s22] =	ssyncadd.s32 s3;
	_ =	sdelay $0x1  }
0xa1: {  	s23 =	simm.s32 $0x1B8B  }
0xa2: {  	_ =	swait.ge [sflag:s23], $0x1  }
0xa3: {  	[sflag:s23] =	ssyncset.done $0x0  }
0xa4: {  	s25 =	simm.s32 $0x1B8E;
	s24 =	sld [smem:$0x3FFE];
	[sflag:s23] =	ssyncadd.s32 $0xFFFFFFFF  }
0xa5: {  	s26 =	simm.s32 $execute0_lowered;
	[smem:$0x3FD2] =	sst s25  }
0xa6: {  	s4 =	sshll.u32 s26, $0x1;
	_ =	strace $0x80000052;
	[dreg:$0x1] =	wrdreg $0xFFFFFFFF  }
0xa7: {  	s28 =	simm.s32 $_size_execute0_lowered;
	s2 =	sadd.s32 s2, s4;
	[dreg:$0x0] =	wrdreg $0x0  }
0xa8: {  	s4 =	sshll.u32 s28, $0x1;
	[dreg:$0x2] =	wrdreg s2  }
0xa9: {  	[dreg:$0x3] =	wrdreg s4  }
0xaa: {  	[dreg:$0x4] =	wrdreg $0xC0  }
0xab: {  	_ =	task [dreg:s6], $0x5FFFF  }
0xac: {  	[dreg:$0x1] =	wrdreg $0xFFFFFFFF  }
0xad: {  	[dreg:$0x0] =	wrdreg $0x60  }
0xae: {  	[dreg:$0x2] =	wrdreg s24  }
0xaf: {  	[dreg:$0x3] =	wrdreg $0xA8000  }
0xb0: {  	[dreg:$0x4] =	wrdreg $0x9  }
0xb1: {  	_ =	task.clear_ibuf [dreg:s6], $0x5FFFF;
	_ =	strace $0x90000052  }
0xb2: {  	s29 =	simm.s32 $0x9;
	_ =	strace $0x80000054  }
0xb3: {  	_ =	swait.ge [sflag:s29], $0x1  }
0xb4: {  	[sflag:s29] =	ssyncadd.s32 $0xFFFFFFFF  }
0xb5: {  	_ =	strace $0x90000054  }
0xb6: {  	_ =	sfence  }
0xb7: {  	s30 =	sld [smem:$0x0];
	_ =	sdelay $0x2  }
0xb8: {  	s31 =	sshll.u32 s1, $0xD;
	s1 =	sshrl.u32 s1, $0x2  }
0xb9: {  	s3 =	sand.u32 $0x4000, s31;
	s1 =	sadd.s32 s1, s30  }
0xba: {  	s0 =	sor.u32 s3, s0;
	s1 =	sshll.u32 s1, $0x11  }
0xbb: {  	s0 =	sor.u32 s1, s0  }
0xbc: {  	s0 =	sadd.s32 $0x8F2B, s0  }
0xbd: {  	[sflag:s0] =	ssyncadd.remote.s32 $0x1  }
0xbe: {  	_ =	sfence.sel $0xFFFF  }
0xbf: {  	[dreg:$0x0] =	wrdreg $0xFFFFFFFF;
	(pc) =	sbr.abs _section_cstart, $3  }
0xc0: {  	[dreg:$0x1] =	wrdreg $0xFFFFFFFF  }
0xc1: {  	_ =	task.clear_ibuf [dreg:s6], $0x2FFFF;
	_ =	strace $0x9FFFFFFF  }
0xc2: {  	(tm) =	ssettm $0x7FFFFFFF  }
0xc3: {  	_ =	shalt  }
tec
execute0_lowered:
.L_overlay_start_1:
0x0: {  	(tag) =	ssettag $0x1  }
0x1: {  	s6 =	rddreg [dreg:$0x0]  }
0x2: {  	s1 =	rddreg [dreg:$0x1];
	s2 =	srdreg.scid  }
0x3: {  	s3 =	simm.s32 $0x0;
	s0 =	stileid.u32;
	s20 =	simm.s32 $0x80  }
0x4: {  	s21 =	simm.s32 $0x2800;
	s22 =	simm.s32 $0x6800;
	s23 =	simm.s32 $0x1  }
0x5: {  	s28 =	simm.s32 $0x2780;
	s29 =	simm.s32 $0x0;
	s7 =	sand.u32 $0x1, s2  }
0x6: {  	[smem:$0x7FF] =	sst s3;
	s8 =	smul.u32 $0x14000, s0;
	s4 =	sadd.s32 $0x6A200, s6  }
0x7: {  	s9 =	sadd.s32 $0xF200, s6;
	s10 =	sadd.s32 $0x5200, s6;
	s12 =	smul.u32 $0x50000, s0  }
0x8: {  	s30 =	sshll.u32 s0, $0x6;
	s5 =	smul.u32 $0x140000, s7;
	s11 =	sshll.u32 s7, $0x4  }
0x9: {  	_ =	strace $0x80000053;
	s7 =	ssub.s32 $0x2, s7;
	s11 =	sor.u32 s0, s11  }
0xa: {  	s24 =	sshrl.u32 s7, $0x1;
	s26 =	sshrl.u32 s12, $0x2;
	s8 =	sadd.s32 s8, s5  }
0xb: {  	s5 =	sadd.s32 $0x19200, s6;
	s25 =	smul.u32 $0x2800, s11;
	s14 =	ssub.s32 s7, s24  }
0xc: {  	s15 =	sadd.s32 s26, s1;
	s24 =	simm.s32 $0x2;
	s26 =	simm.s32 $0x2700  }
0xd: {  	s8 =	sshrl.u32 s8, $0x3;
	s12 =	smax.u32 s14, $0x1;
	s16 =	sadd.s32 $0x4000, s15  }
0xe: {  	s17 =	sadd.s32 $0x8000, s15;
	s18 =	sadd.s32 $0xC000, s15;
	s19 =	sadd.s32 $0x10000, s15  }
0xf: {  	s14 =	simm.s32 $0x3;
	s13 =	sadd.s32 s8, s6;
	s11 =	sshrl.u32 s25, $0x3  }
0x10: {  	s6 =	sor.u32 $0x1C03, s30;
	s25 =	simm.s32 $0x1380;
	s31 =	sadd.s32 s9, s11  }
0x11: {  	s8 =	sadd.s32 s10, s11;
	s11 =	sadd.s32 $0x280, s11;
	[dreg:$0x3] =	wrdreg s31  }
0x12: {  	s9 =	sadd.s32 s9, s11;
	s10 =	sadd.s32 s10, s11;
	s11 =	sadd.s32 $0x91400, s13  }
0x13: {  	s13 =	sshrl.u32 s15, $0x3;
	s15 =	sshrl.u32 s16, $0x3;
	s16 =	sshrl.u32 s17, $0x3  }
0x14: {  	s17 =	sshrl.u32 s18, $0x3;
	s18 =	sshrl.u32 s19, $0x3;
	s19 =	simm.s32 $0x1400  }
.LBB2_1:
0x15: {  	[spmem:s13], [sflag:s6] =	dma.local [hbm:s5], $0x800  }
0x16: {  	_ =	swait.ge [sflag:s14], $0x800  }
0x17: {  	[sflag:s14] =	ssyncset.done $0x0  }
0x18: {  	[sflag:s14] =	ssyncadd.s32 $0xFFFFF800  }
0x19: {  	[spmem:s15], [sflag:s6] =	dma.local [hbm:s5], $0x800  }
0x1a: {  	_ =	swait.ge [sflag:s14], $0x800  }
0x1b: {  	[sflag:s14] =	ssyncset.done $0x0  }
0x1c: {  	[sflag:s14] =	ssyncadd.s32 $0xFFFFF800  }
0x1d: {  	[spmem:s16], [sflag:s6] =	dma.local [hbm:s5], $0x800  }
0x1e: {  	_ =	swait.ge [sflag:s14], $0x800  }
0x1f: {  	[sflag:s14] =	ssyncset.done $0x0  }
0x20: {  	[sflag:s14] =	ssyncadd.s32 $0xFFFFF800  }
0x21: {  	[spmem:s17], [sflag:s6] =	dma.local [hbm:s5], $0x800  }
0x22: {  	_ =	swait.ge [sflag:s14], $0x800  }
0x23: {  	[sflag:s14] =	ssyncset.done $0x0  }
0x24: {  	[sflag:s14] =	ssyncadd.s32 $0xFFFFF800  }
0x25: {  	[spmem:s18], [sflag:s6] =	dma.local [hbm:s5], $0x800  }
0x26: {  	_ =	swait.ge [sflag:s14], $0x800  }
0x27: {  	[sflag:s14] =	ssyncset.done $0x0  }
0x28: {  	[sflag:s14] =	ssyncadd.s32 $0xFFFFF800  }
0x29: {  	[bflag:$0x0] =	sbarrier.arrive $0xFFFF  }
0x2a: {  	s0 =	rddreg [dreg:$0x3]  }
0x2b: {  	[tilespmem:s3], [sflag:$0x3] =	stream.linear.gather [hbm4b:s0+s3], $0x1400, $0x38;
	[tilespmem:$0x1E800] =	vst v63  }
0x2c: {  	_ =	swait.ge [sflag:s14], $0x1400  }
0x2d: {  	[sflag:s14] =	ssyncset.done $0x0  }
0x2e: {  	[sflag:s14] =	ssyncadd.s32 $0xFFFFEC00  }
0x2f: {  	[tilespmem:s19], [sflag:$0x3] =	stream.linear.gather [hbm4b:s8+s3], $0x1400, $0x38;
	[tilespmem:$0x1E800] =	vst v63  }
0x30: {  	_ =	swait.ge [sflag:s14], $0x1400  }
0x31: {  	[sflag:s14] =	ssyncset.done $0x0  }
0x32: {  	[sflag:s14] =	ssyncadd.s32 $0xFFFFEC00  }
0x33: {  	[tilespmem:s21], [sflag:$0x1] =	stream.indirect.gather [hbm4b:s4+s20], $0x80, s3, s20, $0xb8;
	[tilespmem:$0x1E800] =	vst v63  }
0x34: {  	s30 =	simm.s32 $0x80  }
0x35: {  	[tilespmem:s22], [sflag:$0x2] =	stream.indirect.gather [hbm4b:s4+s20], $0x80, s30, s20, $0xb8;
	[tilespmem:$0x1E800] =	vst v63  }
0x36: {  	_ =	swait.ge [sflag:s23], $0x4000  }
0x37: {  	[sflag:s23] =	ssyncset.done $0x0  }
0x38: {  	s30 =	simm.s32 $0x1400;
	[sflag:s23] =	ssyncadd.s32 $0xFFFFC000  }
0x39: {  	[spmem:s1] =	stream.indirect.scatter.add.f32 [tilespmem:s21], [sflag:$0x3], $0x80, s30, s20, $0xb8;
	[tilespmem:$0x1E800] =	vst v63  }
0x3a: {  	_ =	swait.ge [sflag:s14], $0x4000  }
0x3b: {  	[sflag:s14] =	ssyncset.done $0x0  }
0x3c: {  	s30 =	simm.s32 $0x100;
	[sflag:s14] =	ssyncadd.s32 $0xFFFFC000  }
0x3d: {  	[tilespmem:s21], [sflag:$0x1] =	stream.indirect.gather [hbm4b:s4+s20], $0x80, s30, s20, $0xb8;
	[tilespmem:$0x1E800] =	vst v63  }
0x3e: {  	_ =	swait.ge [sflag:s24], $0x4000  }
0x3f: {  	[sflag:s24] =	ssyncset.done $0x0  }
0x40: {  	s30 =	simm.s32 $0x1480;
	[sflag:s24] =	ssyncadd.s32 $0xFFFFC000  }
0x41: {  	[spmem:s1] =	stream.indirect.scatter.add.f32 [tilespmem:s22], [sflag:$0x3], $0x80, s30, s20, $0xb8;
	[tilespmem:$0x1E800] =	vst v63  }
0x42: {  	_ =	swait.ge [sflag:s14], $0x4000  }
0x43: {  	s31 =	simm.s32 $0x800;
	s30 =	simm.s32 $0x100;
	[sflag:s14] =	ssyncset.done $0x0  }
.LBB2_2:
0x44: {  	s0 =	sadd.s32 $0x80, s30  }
0x45: {  	[sflag:s14] =	ssyncadd.s32 $0xFFFFC000;
	s2 =	smov.u32 s31;
	s7 =	sadd.s32 $0x400, s31  }
0x46: {  	[tilespmem:s22], [sflag:$0x2] =	stream.indirect.gather [hbm4b:s4+s20], $0x80, s0, s20, $0xb8;
	[tilespmem:$0x1E800] =	vst v63  }
0x47: {  	p0 =	sne.s32 s31, $0x4800;
	_ =	swait.ge [sflag:s23], $0x4000  }
0x48: {  	[sflag:s23] =	ssyncset.done $0x0  }
0x49: {  	s0 =	sadd.s32 $0x1400, s30;
	[sflag:s23] =	ssyncadd.s32 $0xFFFFC000  }
0x4a: {  	[spmem:s1] =	stream.indirect.scatter.add.f32 [tilespmem:s21], [sflag:$0x3], $0x80, s0, s20, $0xb8;
	[tilespmem:$0x1E800] =	vst v63  }
0x4b: {  	_ =	swait.ge [sflag:s14], $0x4000  }
0x4c: {  	[sflag:s14] =	ssyncset.done $0x0  }
0x4d: {  	s0 =	sadd.s32 $0x100, s30;
	[sflag:s14] =	ssyncadd.s32 $0xFFFFC000  }
0x4e: {  	[tilespmem:s21], [sflag:$0x1] =	stream.indirect.gather [hbm4b:s4+s20], $0x80, s0, s20, $0xb8;
	[tilespmem:$0x1E800] =	vst v63  }
0x4f: {  	_ =	swait.ge [sflag:s24], $0x4000  }
.Ltmp0:
0x50: {  	[sflag:s24] =	ssyncset.done $0x0;
	(pc) =	sbr.rel @p0 .LBB2_2-.Ltmp0, $4  }
0x51: {  	s0 =	sadd.s32 $0x1480, s30;
	[sflag:s24] =	ssyncadd.s32 $0xFFFFC000  }
0x52: {  	[spmem:s1] =	stream.indirect.scatter.add.f32 [tilespmem:s22], [sflag:$0x3], $0x80, s0, s20, $0xb8;
	[tilespmem:$0x1E800] =	vst v63  }
0x53: {  	_ =	swait.ge [sflag:s14], $0x4000  }
0x54: {  	s31 =	smov.u32 s7;
	s30 =	sshra.s32 s2, $0x2;
	[sflag:s14] =	ssyncset.done $0x0  }
0x55: {  	s0 =	sadd.s32 $0x80, s30;
	[sflag:s14] =	ssyncadd.s32 $0xFFFFC000  }
0x56: {  	[tilespmem:s22], [sflag:$0x2] =	stream.indirect.gather [hbm4b:s4+s20], $0x80, s0, s20, $0xb8;
	[tilespmem:$0x1E800] =	vst v63  }
0x57: {  	_ =	swait.ge [sflag:s23], $0x4000  }
0x58: {  	[sflag:s23] =	ssyncset.done $0x0  }
0x59: {  	s2 =	sadd.s32 $0x1400, s30;
	[sflag:s23] =	ssyncadd.s32 $0xFFFFC000  }
0x5a: {  	[spmem:s1] =	stream.indirect.scatter.add.f32 [tilespmem:s21], [sflag:$0x3], $0x80, s2, s20, $0xb8;
	[tilespmem:$0x1E800] =	vst v63  }
0x5b: {  	_ =	swait.ge [sflag:s14], $0x4000  }
0x5c: {  	[sflag:s14] =	ssyncset.done $0x0  }
0x5d: {  	s7 =	sadd.s32 $0x100, s30;
	[sflag:s14] =	ssyncadd.s32 $0xFFFFC000  }
0x5e: {  	[tilespmem:s21], [sflag:$0x1] =	stream.indirect.gather [hbm4b:s4+s20], $0x80, s7, s20, $0xb8;
	[tilespmem:$0x1E800] =	vst v63  }
0x5f: {  	_ =	swait.ge [sflag:s24], $0x4000  }
0x60: {  	[sflag:s24] =	ssyncset.done $0x0  }
0x61: {  	s2 =	sadd.s32 $0x1480, s30;
	[sflag:s24] =	ssyncadd.s32 $0xFFFFC000  }
0x62: {  	[spmem:s1] =	stream.indirect.scatter.add.f32 [tilespmem:s22], [sflag:$0x3], $0x80, s2, s20, $0xb8;
	[tilespmem:$0x1E800] =	vst v63  }
0x63: {  	_ =	swait.ge [sflag:s14], $0x4000  }
0x64: {  	[sflag:s14] =	ssyncset.done $0x0  }
0x65: {  	[sflag:s14] =	ssyncadd.s32 $0xFFFFC000  }
0x66: {  	[tilespmem:s22], [sflag:$0x2] =	stream.indirect.gather [hbm4b:s4+s20], $0x80, s25, s20, $0xb8;
	[tilespmem:$0x1E800] =	vst v63  }
0x67: {  	_ =	swait.ge [sflag:s23], $0x4000  }
0x68: {  	[sflag:s23] =	ssyncset.done $0x0  }
0x69: {  	[sflag:s23] =	ssyncadd.s32 $0xFFFFC000  }
0x6a: {  	[spmem:s1] =	stream.indirect.scatter.add.f32 [tilespmem:s21], [sflag:$0x3], $0x80, s26, s20, $0xb8;
	[tilespmem:$0x1E800] =	vst v63  }
0x6b: {  	_ =	swait.ge [sflag:s14], $0x4000  }
0x6c: {  	[sflag:s14] =	ssyncset.done $0x0  }
0x6d: {  	[sflag:s14] =	ssyncadd.s32 $0xFFFFC000  }
0x6e: {  	_ =	swait.ge [sflag:s24], $0x4000  }
0x6f: {  	[sflag:s24] =	ssyncset.done $0x0  }
0x70: {  	[sflag:s24] =	ssyncadd.s32 $0xFFFFC000  }
0x71: {  	[spmem:s1] =	stream.indirect.scatter.add.f32 [tilespmem:s22], [sflag:$0x3], $0x80, s28, s20, $0xb8;
	[tilespmem:$0x1E800] =	vst v63  }
0x72: {  	_ =	swait.ge [sflag:s14], $0x4000  }
0x73: {  	[sflag:s14] =	ssyncset.done $0x0  }
0x74: {  	s7 =	simm.s32 $0x0;
	[sflag:s14] =	ssyncadd.s32 $0xFFFFC000  }
0x75: {  	[tilespmem:s7], [sflag:$0x3] =	stream.linear.gather [hbm4b:s9+s7], $0x1400, $0x38;
	[tilespmem:$0x1E800] =	vst v63  }
0x76: {  	_ =	swait.ge [sflag:s14], $0x1400  }
0x77: {  	[sflag:s14] =	ssyncset.done $0x0  }
0x78: {  	[sflag:s14] =	ssyncadd.s32 $0xFFFFEC00  }
0x79: {  	[tilespmem:s19], [sflag:$0x3] =	stream.linear.gather [hbm4b:s10+s7], $0x1400, $0x38;
	[tilespmem:$0x1E800] =	vst v63  }
0x7a: {  	_ =	swait.ge [sflag:s14], $0x1400  }
0x7b: {  	[sflag:s14] =	ssyncset.done $0x0  }
0x7c: {  	[sflag:s14] =	ssyncadd.s32 $0xFFFFEC00  }
0x7d: {  	[tilespmem:s21], [sflag:$0x1] =	stream.indirect.gather [hbm4b:s4+s20], $0x80, s7, s20, $0xb8;
	[tilespmem:$0x1E800] =	vst v63  }
0x7e: {  	s2 =	simm.s32 $0x80  }
0x7f: {  	[tilespmem:s22], [sflag:$0x2] =	stream.indirect.gather [hbm4b:s4+s20], $0x80, s2, s20, $0xb8;
	[tilespmem:$0x1E800] =	vst v63  }
0x80: {  	_ =	swait.ge [sflag:s23], $0x4000  }
0x81: {  	[sflag:s23] =	ssyncset.done $0x0  }
0x82: {  	s7 =	simm.s32 $0x1400;
	[sflag:s23] =	ssyncadd.s32 $0xFFFFC000  }
0x83: {  	[spmem:s1] =	stream.indirect.scatter.add.f32 [tilespmem:s21], [sflag:$0x3], $0x80, s7, s20, $0xb8;
	[tilespmem:$0x1E800] =	vst v63  }
0x84: {  	_ =	swait.ge [sflag:s14], $0x4000  }
0x85: {  	[sflag:s14] =	ssyncset.done $0x0  }
0x86: {  	s2 =	simm.s32 $0x100;
	[sflag:s14] =	ssyncadd.s32 $0xFFFFC000  }
0x87: {  	[tilespmem:s21], [sflag:$0x1] =	stream.indirect.gather [hbm4b:s4+s20], $0x80, s2, s20, $0xb8;
	[tilespmem:$0x1E800] =	vst v63  }
0x88: {  	_ =	swait.ge [sflag:s24], $0x4000  }
0x89: {  	[sflag:s24] =	ssyncset.done $0x0  }
0x8a: {  	s7 =	simm.s32 $0x1480;
	[sflag:s24] =	ssyncadd.s32 $0xFFFFC000  }
0x8b: {  	[spmem:s1] =	stream.indirect.scatter.add.f32 [tilespmem:s22], [sflag:$0x3], $0x80, s7, s20, $0xb8;
	[tilespmem:$0x1E800] =	vst v63  }
0x8c: {  	_ =	swait.ge [sflag:s14], $0x4000  }
0x8d: {  	s31 =	simm.s32 $0x800;
	s30 =	simm.s32 $0x100;
	[sflag:s14] =	ssyncset.done $0x0  }
.LBB2_4:
0x8e: {  	s0 =	sadd.s32 $0x80, s30  }
0x8f: {  	[sflag:s14] =	ssyncadd.s32 $0xFFFFC000;
	s2 =	smov.u32 s31;
	s7 =	sadd.s32 $0x400, s31  }
0x90: {  	[tilespmem:s22], [sflag:$0x2] =	stream.indirect.gather [hbm4b:s4+s20], $0x80, s0, s20, $0xb8;
	[tilespmem:$0x1E800] =	vst v63  }
0x91: {  	p0 =	sne.s32 s31, $0x4800;
	_ =	swait.ge [sflag:s23], $0x4000  }
0x92: {  	[sflag:s23] =	ssyncset.done $0x0  }
0x93: {  	s0 =	sadd.s32 $0x1400, s30;
	[sflag:s23] =	ssyncadd.s32 $0xFFFFC000  }
0x94: {  	[spmem:s1] =	stream.indirect.scatter.add.f32 [tilespmem:s21], [sflag:$0x3], $0x80, s0, s20, $0xb8;
	[tilespmem:$0x1E800] =	vst v63  }
0x95: {  	_ =	swait.ge [sflag:s14], $0x4000  }
0x96: {  	[sflag:s14] =	ssyncset.done $0x0  }
0x97: {  	s0 =	sadd.s32 $0x100, s30;
	[sflag:s14] =	ssyncadd.s32 $0xFFFFC000  }
0x98: {  	[tilespmem:s21], [sflag:$0x1] =	stream.indirect.gather [hbm4b:s4+s20], $0x80, s0, s20, $0xb8;
	[tilespmem:$0x1E800] =	vst v63  }
0x99: {  	_ =	swait.ge [sflag:s24], $0x4000  }
.Ltmp1:
0x9a: {  	[sflag:s24] =	ssyncset.done $0x0;
	(pc) =	sbr.rel @p0 .LBB2_4-.Ltmp1, $4  }
0x9b: {  	s0 =	sadd.s32 $0x1480, s30;
	[sflag:s24] =	ssyncadd.s32 $0xFFFFC000  }
0x9c: {  	[spmem:s1] =	stream.indirect.scatter.add.f32 [tilespmem:s22], [sflag:$0x3], $0x80, s0, s20, $0xb8;
	[tilespmem:$0x1E800] =	vst v63  }
0x9d: {  	_ =	swait.ge [sflag:s14], $0x4000  }
0x9e: {  	s31 =	smov.u32 s7;
	s30 =	sshra.s32 s2, $0x2;
	[sflag:s14] =	ssyncset.done $0x0  }
0x9f: {  	s0 =	sadd.s32 $0x80, s30;
	[sflag:s14] =	ssyncadd.s32 $0xFFFFC000  }
0xa0: {  	[tilespmem:s22], [sflag:$0x2] =	stream.indirect.gather [hbm4b:s4+s20], $0x80, s0, s20, $0xb8;
	[tilespmem:$0x1E800] =	vst v63  }
0xa1: {  	_ =	swait.ge [sflag:s23], $0x4000  }
0xa2: {  	[sflag:s23] =	ssyncset.done $0x0  }
0xa3: {  	s2 =	sadd.s32 $0x1400, s30;
	[sflag:s23] =	ssyncadd.s32 $0xFFFFC000  }
0xa4: {  	[spmem:s1] =	stream.indirect.scatter.add.f32 [tilespmem:s21], [sflag:$0x3], $0x80, s2, s20, $0xb8;
	[tilespmem:$0x1E800] =	vst v63  }
0xa5: {  	_ =	swait.ge [sflag:s14], $0x4000  }
0xa6: {  	[sflag:s14] =	ssyncset.done $0x0  }
0xa7: {  	s7 =	sadd.s32 $0x100, s30;
	[sflag:s14] =	ssyncadd.s32 $0xFFFFC000  }
0xa8: {  	[tilespmem:s21], [sflag:$0x1] =	stream.indirect.gather [hbm4b:s4+s20], $0x80, s7, s20, $0xb8;
	[tilespmem:$0x1E800] =	vst v63  }
0xa9: {  	_ =	swait.ge [sflag:s24], $0x4000  }
0xaa: {  	[sflag:s24] =	ssyncset.done $0x0  }
0xab: {  	s31 =	sadd.s32 $0x1480, s30;
	[sflag:s24] =	ssyncadd.s32 $0xFFFFC000  }
0xac: {  	[spmem:s1] =	stream.indirect.scatter.add.f32 [tilespmem:s22], [sflag:$0x3], $0x80, s31, s20, $0xb8;
	[tilespmem:$0x1E800] =	vst v63  }
0xad: {  	_ =	swait.ge [sflag:s14], $0x4000  }
0xae: {  	[sflag:s14] =	ssyncset.done $0x0  }
0xaf: {  	[sflag:s14] =	ssyncadd.s32 $0xFFFFC000  }
0xb0: {  	[tilespmem:s22], [sflag:$0x2] =	stream.indirect.gather [hbm4b:s4+s20], $0x80, s25, s20, $0xb8;
	[tilespmem:$0x1E800] =	vst v63  }
0xb1: {  	_ =	swait.ge [sflag:s23], $0x4000  }
0xb2: {  	[sflag:s23] =	ssyncset.done $0x0  }
0xb3: {  	[sflag:s23] =	ssyncadd.s32 $0xFFFFC000  }
0xb4: {  	[spmem:s1] =	stream.indirect.scatter.add.f32 [tilespmem:s21], [sflag:$0x3], $0x80, s26, s20, $0xb8;
	[tilespmem:$0x1E800] =	vst v63  }
0xb5: {  	_ =	swait.ge [sflag:s14], $0x4000  }
0xb6: {  	[sflag:s14] =	ssyncset.done $0x0  }
0xb7: {  	[sflag:s14] =	ssyncadd.s32 $0xFFFFC000  }
0xb8: {  	_ =	swait.ge [sflag:s24], $0x4000  }
0xb9: {  	[sflag:s24] =	ssyncset.done $0x0  }
0xba: {  	[sflag:s24] =	ssyncadd.s32 $0xFFFFC000  }
0xbb: {  	[spmem:s1] =	stream.indirect.scatter.add.f32 [tilespmem:s22], [sflag:$0x3], $0x80, s28, s20, $0xb8;
	[tilespmem:$0x1E800] =	vst v63  }
0xbc: {  	_ =	swait.ge [sflag:s14], $0x4000  }
0xbd: {  	s29 =	sadd.s32 $0x1, s29;
	[sflag:s14] =	ssyncset.done $0x0  }
0xbe: {  	p0 =	sne.s32 s29, s12;
	[sflag:s14] =	ssyncadd.s32 $0xFFFFC000  }
.Ltmp2:
0xbf: {  	[bflag:$0x0] =	sbarrier.arrive $0xFFFF;
	(pc) =	sbr.rel @p0 .LBB2_1-.Ltmp2, $4  }
0xc0: {  	[hbm:s11], [sflag:s6] =	dma.local [spmem:s13], $0x2800  }
0xc1: {  	_ =	swait.ge [sflag:s14], $0x2800  }
0xc2: {  	[sflag:s14] =	ssyncset.done $0x0  }
0xc3: {  	[sflag:s14] =	ssyncadd.s32 $0xFFFFD800  }
0xc4: {  	_ =	sfence.sel $0x180000  }
0xc5: {  	[bflag:$0x0] =	sbarrier.arrive $0xFFFF  }
0xc6: {  	_ =	strace $0x90000053  }
0xc7: {  	s0 =	stileid.u32;
	[bflag:$0x2] =	sbarrier.arrive $0xFFFF  }
0xc8: {  	p0 =	sne.s32 s0, $0x0;
	s0 =	rddreg [dreg:$0x2]  }
0xc9: {  	s0 =	sadd.s32 @!p0 $0x100000, s0  }
0xca: {  	[sflag:s0] =	ssyncadd.tile.s32 @!p0 $0x1;
	_ =	shalt  }
.Lfunc_end2:
_tile_overlayer_lowered:
.L_overlay_start_2:
0xcb: {  	(tag) =	ssettag $0x2  }
0xcc: {  	s0 =	rddreg [dreg:$0x0];
	s2 =	stileid.u32  }
0xcd: {  	s1 =	rddreg [dreg:$0x1];
	p0 =	sne.s32 s2, $0x0  }
0xce: {  	s3 =	rddreg [dreg:$0x2];
	[bflag:$0x3] =	sbarrier.arrive $0xFFFF;
	s2 =	simm.s32 @!p0 $0x1C03  }
0xcf: {  	[timem:s3], [sflag:s2] =	dma.local @!p0 [hbm:s0], s1  }
0xd0: {  	s0 =	simm.s32 @!p0 $0x3  }
0xd1: {  	_ =	swait.ge @!p0 [sflag:s0], s1  }
0xd2: {  	s1 =	ssub.s32 @!p0 $0x0, s1;
	[sflag:s0] =	ssyncset.done @!p0 $0x0  }
0xd3: {  	[sflag:s0] =	ssyncadd.s32 @!p0 s1  }
0xd4: {  	[bflag:$0x3] =	sbarrier.arrive $0xFFFF  }
0xd5: {  	_ =	shalt  }

// kernel: kernel.29.cloned.1.call-start
scs
__scs_entry_jumppad:
0x0: {  	(pc) =	sbr.rel $0x88, $3  }
0x1: {  	(tag) =	ssettag $0x0;
	lr =	simm.s32 $0x1  }
0x2: {  	[smem:$0x3F92] =	sst lr;
	_ =	strace $0xD0000000  }
0x3: {  	_ = 	snop  }
0x4: {  	_ = 	snop  }
0x5: {  	_ = 	snop  }
0x6: {  	_ = 	snop  }
0x7: {  	_ = 	snop  }
__scs_overlays_trampoline_lowered:
0x8: {  	[smem:$0x3FA1] =	sst s0  }
0x9: {  	[smem:$0x3FA2] =	sst s1  }
0xa: {  	[smem:$0x3FA3] =	sst s2  }
0xb: {  	[smem:$0x3FA4] =	sst s3  }
0xc: {  	[smem:$0x3FA5] =	sst s4  }
0xd: {  	[smem:$0x3FA6] =	sst s5  }
0xe: {  	[smem:$0x3FA7] =	sst s6  }
0xf: {  	[smem:$0x3FA8] =	sst s7  }
0x10: {  	[smem:$0x3FA9] =	sst s8  }
0x11: {  	[smem:$0x3FAA] =	sst s9;
	s0 =	simm.s32 @!p0 $0x0  }
0x12: {  	s1 =	sld [smem:$0x3F90];
	s0 =	simm.s32 @p0 $0x1  }
0x13: {  	[smem:$0x3FAB] =	sst s0;
	s0 =	simm.s32 @!p1 $0x0  }
0x14: {  	s2 =	sld [smem:$0x3F8F];
	s0 =	simm.s32 @p1 $0x1  }
0x15: {  	[smem:$0x3FAC] =	sst s0;
	s0 =	simm.s32 @!p2 $0x0  }
0x16: {  	s3 =	sld [smem:$0x3FDB];
	s0 =	simm.s32 @p2 $0x1  }
0x17: {  	s4 =	simm.s32 $0x1BF5;
	[smem:$0x3FAE] =	sst s0  }
0x18: {  	s0 =	sld [smem:$0x3F91];
	_ =	swait.ge [sflag:s4], $0x0  }
0x19: {  	s7 =	sld [smem:$0x3F92]  }
0x1a: {  	s8 =	sadd.s32 $0xFFFFE003, lr  }
0x1b: {  	s9 =	sadd.s32 $0xFFFFFEF7, lr;
	s5 =	simm.s32 $0xFFFFFFFF;
	p2 =	slt.u32 s8, $0xFFFFF086  }
0x1c: {  	p1 =	slt.u32 s9, $0xF7A;
	s5 =	simm.s32 @!p2 $0x0  }
0x1d: {  	s5 =	simm.s32 @p1 $0x1;
	p0 =	seq.s32 s7, s2  }
0x1e: {  	s7 =	smul.u32 @!p0 $0xF7A, s2;
	p2 =	seq.s32 @!p0 s5, $0x0  }
0x1f: {  	s9 =	smul.u32 $0xF7A, s1;
	s8 =	simm.s32 @!p0 $0x1BF5;
	p2 =	por !p2, p0  }
0x20: {  	[sflag:s8] =	ssyncset.s32 @!p0 $0xFFFFF086;
	s6 =	sadd.s32 @!p0 s3, s7;
	s7 =	simm.s32 @!p0 $0x108  }
0x21: {  	s3 =	sadd.s32 s3, s9;
	s6 =	sadd.s32 @!p0 $0x88, s6;
	s7 =	simm.s32 @p2 $0x1082  }
0x22: {  	[simem:s7], [sflag:s8] =	dma.local @!p0 [hbm:s6], $0xF7A  }
0x23: {  	s9 =	sor.u32 $0xD0000000, s2;
	s6 =	simm.s32 $0x108;
	_ =	swait.ge @!p0 [sflag:s8], $0x0  }
0x24: {  	s3 =	sadd.s32 $0x88, s3;
	s6 =	simm.s32 @!p1 $0x1082;
	[sflag:s4] =	ssyncset.s32 $0xFFFFF086  }
0x25: {  	[simem:s6], [sflag:s4] =	dma.local [hbm:s3], $0xF7A  }
0x26: {  	[smem:$0x3F92] =	sst s1;
	(tag) =	ssettag s2;
	_ =	strace s9  }
0x27: {  	s1 =	sld [smem:$0x3FA2]  }
0x28: {  	s2 =	sld [smem:$0x3FA3]  }
0x29: {  	s4 =	sld [smem:$0x3FA5]  }
0x2a: {  	p0 =	seq.s32 s5, $0x0;
	s5 =	sld [smem:$0x3FA6]  }
0x2b: {  	s6 =	sld [smem:$0x3FA7]  }
0x2c: {  	s7 =	sld [smem:$0x3FA8]  }
0x2d: {  	s3 =	simm.s32 $0x108;
	s8 =	sld [smem:$0x3FA9]  }
0x2e: {  	s3 =	simm.s32 @!p0 $0x1082;
	s9 =	sld [smem:$0x3FAA]  }
0x2f: {  	lr =	sadd.s32 s0, s3;
	s0 =	sld [smem:$0x3FA1]  }
0x30: {  	s3 =	sld [smem:$0x3FA4]  }
0x31: {  	[smem:$0x3FAD] =	sst s10  }
0x32: {  	s10 =	sld [smem:$0x3FAB];
	_ =	sdelay $0x3  }
0x33: {  	p0 =	seq.s32 s10, $0x1;
	s10 =	sld [smem:$0x3FAD];
	_ =	sdelay $0x3  }
0x34: {  	[smem:$0x3FAD] =	sst s10  }
0x35: {  	s10 =	sld [smem:$0x3FAC];
	_ =	sdelay $0x3  }
0x36: {  	p1 =	seq.s32 s10, $0x1;
	s10 =	sld [smem:$0x3FAD];
	_ =	sdelay $0x3  }
0x37: {  	[smem:$0x3FAD] =	sst s10  }
0x38: {  	s10 =	sld [smem:$0x3FAE]  }
0x39: {  	_ = 	snop;
	(pc) =	sbr.ind lr, $3  }
0x3a: {  	_ = 	snop  }
0x3b: {  	_ = 	snop  }
0x3c: {  	p2 =	seq.s32 s10, $0x1;
	s10 =	sld [smem:$0x3FAD]  }
0x3d: {  	_ =	shalt  }
0x3e: {  	_ =	shalt  }
0x3f: {  	_ =	shalt  }
0x40: {  	_ =	shalt  }
0x41: {  	_ =	shalt  }
0x42: {  	_ =	shalt  }
0x43: {  	_ =	shalt  }
0x44: {  	_ =	shalt  }
0x45: {  	_ =	shalt  }
0x46: {  	_ =	shalt  }
0x47: {  	_ =	shalt  }
0x48: {  	_ =	shalt  }
0x49: {  	_ =	shalt  }
0x4a: {  	_ =	shalt  }
0x4b: {  	_ =	shalt  }
0x4c: {  	_ =	shalt  }
0x4d: {  	_ =	shalt  }
0x4e: {  	_ =	shalt  }
0x4f: {  	_ =	shalt  }
0x50: {  	_ =	shalt  }
0x51: {  	_ =	shalt  }
0x52: {  	_ =	shalt  }
0x53: {  	_ =	shalt  }
0x54: {  	_ =	shalt  }
0x55: {  	_ =	shalt  }
0x56: {  	_ =	shalt  }
0x57: {  	_ =	shalt  }
0x58: {  	_ =	shalt  }
0x59: {  	_ =	shalt  }
0x5a: {  	_ =	shalt  }
0x5b: {  	_ =	shalt  }
0x5c: {  	_ =	shalt  }
0x5d: {  	_ =	shalt  }
0x5e: {  	_ =	shalt  }
0x5f: {  	_ =	shalt  }
0x60: {  	_ =	shalt  }
0x61: {  	_ =	shalt  }
0x62: {  	_ =	shalt  }
0x63: {  	_ =	shalt  }
0x64: {  	_ =	shalt  }
0x65: {  	_ =	shalt  }
0x66: {  	_ =	shalt  }
0x67: {  	_ =	shalt  }
0x68: {  	_ =	shalt  }
0x69: {  	_ =	shalt  }
0x6a: {  	_ =	shalt  }
0x6b: {  	_ =	shalt  }
0x6c: {  	_ =	shalt  }
0x6d: {  	_ =	shalt  }
0x6e: {  	_ =	shalt  }
0x6f: {  	_ =	shalt  }
0x70: {  	_ =	shalt  }
0x71: {  	_ =	shalt  }
0x72: {  	_ =	shalt  }
0x73: {  	_ =	shalt  }
0x74: {  	_ =	shalt  }
0x75: {  	_ =	shalt  }
0x76: {  	_ =	shalt  }
0x77: {  	_ =	shalt  }
0x78: {  	_ =	shalt  }
0x79: {  	_ =	shalt  }
0x7a: {  	_ =	shalt  }
0x7b: {  	_ =	shalt  }
0x7c: {  	_ =	shalt  }
0x7d: {  	_ =	shalt  }
0x7e: {  	_ =	shalt  }
0x7f: {  	_ =	shalt  }
0x80: {  	_ =	shalt  }
0x81: {  	_ =	shalt  }
0x82: {  	_ =	shalt  }
0x83: {  	_ =	shalt  }
0x84: {  	_ =	shalt  }
0x85: {  	_ =	shalt  }
0x86: {  	_ =	shalt  }
0x87: {  	_ =	shalt  }
.Lfunc_end0:
.L_simem_size_0:
called_computation.5_lowered:
.L_overlay_start_0:
0x88: {  	s2 =	sld [smem:$0x3FD9]  }
0x89: {  	s3 =	sld [smem:$0x3FFE];
	_ =	sdelay $0x1  }
0x8a: {  	s1 =	srdreg.scid  }
0x8b: {  	s0 =	sand.u32 $0x1, s1  }
0x8c: {  	s16 =	sshll.u32 s0, $0xA;
	s2 =	sadd.s32 s3, s2  }
0x8d: {  	s2 =	sadd.s32 s2, s16  }
0x8e: {  	[smem:$0x3FB9] =	sst s2  }
0x8f: {  	_ = 	snop  }
0x90: {  	(tm) =	ssettm $0x1  }
0x91: {  	s17 =	sld [smem:$0x3FFB];
	_ =	sdelay $0x3  }
0x92: {  	_ =	strace s17  }
0x93: {  	s2 =	sld [smem:$0x3FFC];
	_ =	sdelay $0x3  }
0x94: {  	_ =	strace s2  }
0x95: {  	s2 =	sld [smem:$0x3FFD];
	_ =	sdelay $0x3  }
0x96: {  	_ =	strace s2  }
0x97: {  	_ =	strace $0x8FFFFFFF  }
0x98: {  	s18 =	sld [smem:$0x3FDB];
	_ =	sdelay $0x1  }
0x99: {  	s19 =	simm.s32 $_scs_section_size  }
0x9a: {  	s4 =	simm.s32 $_size__tile_overlayer_lowered;
	s5 =	simm.s32 $_tile_overlayer_lowered  }
0x9b: {  	s22 =	simm.s32 $0x1BFF;
	s21 =	sshll.u32 s5, $0x1;
	s2 =	sadd.s32 s19, s18  }
0x9c: {  	s6 =	simm.s32 $0x0;
	s20 =	sshll.u32 s4, $0x1;
	s4 =	sadd.s32 s21, s2  }
0x9d: {  	[timem:s6], [sflag:s22] =	dma.local [hbm:s4], s20  }
0x9e: {  	_ =	swait.ge [sflag:s22], s20  }
0x9f: {  	s3 =	ssub.s32 $0x0, s20;
	[sflag:s22] =	ssyncset.done $0x0  }
0xa0: {  	[sflag:s22] =	ssyncadd.s32 s3;
	_ =	sdelay $0x1  }
0xa1: {  	s23 =	simm.s32 $0x1B8B  }
0xa2: {  	_ =	swait.ge [sflag:s23], $0x1  }
0xa3: {  	[sflag:s23] =	ssyncset.done $0x0  }
0xa4: {  	s25 =	simm.s32 $0x1B8E;
	s24 =	sld [smem:$0x3FFE];
	[sflag:s23] =	ssyncadd.s32 $0xFFFFFFFF  }
0xa5: {  	s26 =	simm.s32 $execute0_lowered;
	[smem:$0x3FD2] =	sst s25  }
0xa6: {  	s4 =	sshll.u32 s26, $0x1;
	_ =	strace $0x80000055;
	[dreg:$0x1] =	wrdreg $0xFFFFFFFF  }
0xa7: {  	s28 =	simm.s32 $_size_execute0_lowered;
	s2 =	sadd.s32 s2, s4;
	[dreg:$0x0] =	wrdreg $0x0  }
0xa8: {  	s4 =	sshll.u32 s28, $0x1;
	[dreg:$0x2] =	wrdreg s2  }
0xa9: {  	[dreg:$0x3] =	wrdreg s4  }
0xaa: {  	[dreg:$0x4] =	wrdreg $0xC0  }
0xab: {  	_ =	task [dreg:s6], $0x5FFFF  }
0xac: {  	[dreg:$0x1] =	wrdreg $0xFFFFFFFF  }
0xad: {  	[dreg:$0x0] =	wrdreg $0x60  }
0xae: {  	[dreg:$0x2] =	wrdreg s24  }
0xaf: {  	[dreg:$0x3] =	wrdreg $0xA8000  }
0xb0: {  	[dreg:$0x4] =	wrdreg $0x9  }
0xb1: {  	_ =	task.clear_ibuf [dreg:s6], $0x5FFFF;
	_ =	strace $0x90000055  }
0xb2: {  	s29 =	simm.s32 $0x9;
	_ =	strace $0x80000057  }
0xb3: {  	_ =	swait.ge [sflag:s29], $0x1  }
0xb4: {  	[sflag:s29] =	ssyncadd.s32 $0xFFFFFFFF  }
0xb5: {  	_ =	strace $0x90000057  }
0xb6: {  	_ =	sfence  }
0xb7: {  	s30 =	sld [smem:$0x0];
	_ =	sdelay $0x2  }
0xb8: {  	s31 =	sshll.u32 s1, $0xD;
	s1 =	sshrl.u32 s1, $0x2  }
0xb9: {  	s3 =	sand.u32 $0x4000, s31;
	s1 =	sadd.s32 s1, s30  }
0xba: {  	s0 =	sor.u32 s3, s0;
	s1 =	sshll.u32 s1, $0x11  }
0xbb: {  	s0 =	sor.u32 s1, s0  }
0xbc: {  	s0 =	sadd.s32 $0x8F2B, s0  }
0xbd: {  	[sflag:s0] =	ssyncadd.remote.s32 $0x1  }
0xbe: {  	_ =	sfence.sel $0xFFFF  }
0xbf: {  	[dreg:$0x0] =	wrdreg $0xFFFFFFFF;
	(pc) =	sbr.abs _section_cstart, $3  }
0xc0: {  	[dreg:$0x1] =	wrdreg $0xFFFFFFFF  }
0xc1: {  	_ =	task.clear_ibuf [dreg:s6], $0x2FFFF;
	_ =	strace $0x9FFFFFFF  }
0xc2: {  	(tm) =	ssettm $0x7FFFFFFF  }
0xc3: {  	_ =	shalt  }
tec
execute0_lowered:
.L_overlay_start_1:
0x0: {  	(tag) =	ssettag $0x1  }
0x1: {  	s6 =	rddreg [dreg:$0x0]  }
0x2: {  	s1 =	rddreg [dreg:$0x1];
	s2 =	srdreg.scid  }
0x3: {  	s3 =	simm.s32 $0x0;
	s0 =	stileid.u32;
	s20 =	simm.s32 $0x80  }
0x4: {  	s21 =	simm.s32 $0x2800;
	s22 =	simm.s32 $0x6800;
	s23 =	simm.s32 $0x1  }
0x5: {  	s28 =	simm.s32 $0x2780;
	s29 =	simm.s32 $0x0;
	s7 =	sand.u32 $0x1, s2  }
0x6: {  	[smem:$0x7FF] =	sst s3;
	s8 =	smul.u32 $0x14000, s0;
	s4 =	sadd.s32 $0x6A200, s6  }
0x7: {  	s9 =	sadd.s32 $0xF200, s6;
	s10 =	sadd.s32 $0x5200, s6;
	s12 =	smul.u32 $0x50000, s0  }
0x8: {  	s30 =	sshll.u32 s0, $0x6;
	s5 =	smul.u32 $0x140000, s7;
	s11 =	sshll.u32 s7, $0x4  }
0x9: {  	_ =	strace $0x80000056;
	s7 =	ssub.s32 $0x2, s7;
	s11 =	sor.u32 s0, s11  }
0xa: {  	s24 =	sshrl.u32 s7, $0x1;
	s26 =	sshrl.u32 s12, $0x2;
	s8 =	sadd.s32 s8, s5  }
0xb: {  	s5 =	sadd.s32 $0x19200, s6;
	s25 =	smul.u32 $0x2800, s11;
	s14 =	ssub.s32 s7, s24  }
0xc: {  	s15 =	sadd.s32 s26, s1;
	s24 =	simm.s32 $0x2;
	s26 =	simm.s32 $0x2700  }
0xd: {  	s8 =	sshrl.u32 s8, $0x3;
	s12 =	smax.u32 s14, $0x1;
	s16 =	sadd.s32 $0x4000, s15  }
0xe: {  	s17 =	sadd.s32 $0x8000, s15;
	s18 =	sadd.s32 $0xC000, s15;
	s19 =	sadd.s32 $0x10000, s15  }
0xf: {  	s14 =	simm.s32 $0x3;
	s13 =	sadd.s32 s8, s6;
	s11 =	sshrl.u32 s25, $0x3  }
0x10: {  	s6 =	sor.u32 $0x1C03, s30;
	s25 =	simm.s32 $0x1380;
	s31 =	sadd.s32 s9, s11  }
0x11: {  	s8 =	sadd.s32 s10, s11;
	s11 =	sadd.s32 $0x280, s11;
	[dreg:$0x3] =	wrdreg s31  }
0x12: {  	s9 =	sadd.s32 s9, s11;
	s10 =	sadd.s32 s10, s11;
	s11 =	sadd.s32 $0x91400, s13  }
0x13: {  	s13 =	sshrl.u32 s15, $0x3;
	s15 =	sshrl.u32 s16, $0x3;
	s16 =	sshrl.u32 s17, $0x3  }
0x14: {  	s17 =	sshrl.u32 s18, $0x3;
	s18 =	sshrl.u32 s19, $0x3;
	s19 =	simm.s32 $0x1400  }
.LBB2_1:
0x15: {  	[spmem:s13], [sflag:s6] =	dma.local [hbm:s5], $0x800  }
0x16: {  	_ =	swait.ge [sflag:s14], $0x800  }
0x17: {  	[sflag:s14] =	ssyncset.done $0x0  }
0x18: {  	[sflag:s14] =	ssyncadd.s32 $0xFFFFF800  }
0x19: {  	[spmem:s15], [sflag:s6] =	dma.local [hbm:s5], $0x800  }
0x1a: {  	_ =	swait.ge [sflag:s14], $0x800  }
0x1b: {  	[sflag:s14] =	ssyncset.done $0x0  }
0x1c: {  	[sflag:s14] =	ssyncadd.s32 $0xFFFFF800  }
0x1d: {  	[spmem:s16], [sflag:s6] =	dma.local [hbm:s5], $0x800  }
0x1e: {  	_ =	swait.ge [sflag:s14], $0x800  }
0x1f: {  	[sflag:s14] =	ssyncset.done $0x0  }
0x20: {  	[sflag:s14] =	ssyncadd.s32 $0xFFFFF800  }
0x21: {  	[spmem:s17], [sflag:s6] =	dma.local [hbm:s5], $0x800  }
0x22: {  	_ =	swait.ge [sflag:s14], $0x800  }
0x23: {  	[sflag:s14] =	ssyncset.done $0x0  }
0x24: {  	[sflag:s14] =	ssyncadd.s32 $0xFFFFF800  }
0x25: {  	[spmem:s18], [sflag:s6] =	dma.local [hbm:s5], $0x800  }
0x26: {  	_ =	swait.ge [sflag:s14], $0x800  }
0x27: {  	[sflag:s14] =	ssyncset.done $0x0  }
0x28: {  	[sflag:s14] =	ssyncadd.s32 $0xFFFFF800  }
0x29: {  	[bflag:$0x0] =	sbarrier.arrive $0xFFFF  }
0x2a: {  	s0 =	rddreg [dreg:$0x3]  }
0x2b: {  	[tilespmem:s3], [sflag:$0x3] =	stream.linear.gather [hbm4b:s0+s3], $0x1400, $0x38;
	[tilespmem:$0x1E800] =	vst v63  }
0x2c: {  	_ =	swait.ge [sflag:s14], $0x1400  }
0x2d: {  	[sflag:s14] =	ssyncset.done $0x0  }
0x2e: {  	[sflag:s14] =	ssyncadd.s32 $0xFFFFEC00  }
0x2f: {  	[tilespmem:s19], [sflag:$0x3] =	stream.linear.gather [hbm4b:s8+s3], $0x1400, $0x38;
	[tilespmem:$0x1E800] =	vst v63  }
0x30: {  	_ =	swait.ge [sflag:s14], $0x1400  }
0x31: {  	[sflag:s14] =	ssyncset.done $0x0  }
0x32: {  	[sflag:s14] =	ssyncadd.s32 $0xFFFFEC00  }
0x33: {  	[tilespmem:s21], [sflag:$0x1] =	stream.indirect.gather [hbm4b:s4+s20], $0x80, s3, s20, $0xb8;
	[tilespmem:$0x1E800] =	vst v63  }
0x34: {  	s30 =	simm.s32 $0x80  }
0x35: {  	[tilespmem:s22], [sflag:$0x2] =	stream.indirect.gather [hbm4b:s4+s20], $0x80, s30, s20, $0xb8;
	[tilespmem:$0x1E800] =	vst v63  }
0x36: {  	_ =	swait.ge [sflag:s23], $0x4000  }
0x37: {  	[sflag:s23] =	ssyncset.done $0x0  }
0x38: {  	s30 =	simm.s32 $0x1400;
	[sflag:s23] =	ssyncadd.s32 $0xFFFFC000  }
0x39: {  	[spmem:s1] =	stream.indirect.scatter.add.f32 [tilespmem:s21], [sflag:$0x3], $0x80, s30, s20, $0xb8;
	[tilespmem:$0x1E800] =	vst v63  }
0x3a: {  	_ =	swait.ge [sflag:s14], $0x4000  }
0x3b: {  	[sflag:s14] =	ssyncset.done $0x0  }
0x3c: {  	s30 =	simm.s32 $0x100;
	[sflag:s14] =	ssyncadd.s32 $0xFFFFC000  }
0x3d: {  	[tilespmem:s21], [sflag:$0x1] =	stream.indirect.gather [hbm4b:s4+s20], $0x80, s30, s20, $0xb8;
	[tilespmem:$0x1E800] =	vst v63  }
0x3e: {  	_ =	swait.ge [sflag:s24], $0x4000  }
0x3f: {  	[sflag:s24] =	ssyncset.done $0x0  }
0x40: {  	s30 =	simm.s32 $0x1480;
	[sflag:s24] =	ssyncadd.s32 $0xFFFFC000  }
0x41: {  	[spmem:s1] =	stream.indirect.scatter.add.f32 [tilespmem:s22], [sflag:$0x3], $0x80, s30, s20, $0xb8;
	[tilespmem:$0x1E800] =	vst v63  }
0x42: {  	_ =	swait.ge [sflag:s14], $0x4000  }
0x43: {  	s31 =	simm.s32 $0x800;
	s30 =	simm.s32 $0x100;
	[sflag:s14] =	ssyncset.done $0x0  }
.LBB2_2:
0x44: {  	s0 =	sadd.s32 $0x80, s30  }
0x45: {  	[sflag:s14] =	ssyncadd.s32 $0xFFFFC000;
	s2 =	smov.u32 s31;
	s7 =	sadd.s32 $0x400, s31  }
0x46: {  	[tilespmem:s22], [sflag:$0x2] =	stream.indirect.gather [hbm4b:s4+s20], $0x80, s0, s20, $0xb8;
	[tilespmem:$0x1E800] =	vst v63  }
0x47: {  	p0 =	sne.s32 s31, $0x4800;
	_ =	swait.ge [sflag:s23], $0x4000  }
0x48: {  	[sflag:s23] =	ssyncset.done $0x0  }
0x49: {  	s0 =	sadd.s32 $0x1400, s30;
	[sflag:s23] =	ssyncadd.s32 $0xFFFFC000  }
0x4a: {  	[spmem:s1] =	stream.indirect.scatter.add.f32 [tilespmem:s21], [sflag:$0x3], $0x80, s0, s20, $0xb8;
	[tilespmem:$0x1E800] =	vst v63  }
0x4b: {  	_ =	swait.ge [sflag:s14], $0x4000  }
0x4c: {  	[sflag:s14] =	ssyncset.done $0x0  }
0x4d: {  	s0 =	sadd.s32 $0x100, s30;
	[sflag:s14] =	ssyncadd.s32 $0xFFFFC000  }
0x4e: {  	[tilespmem:s21], [sflag:$0x1] =	stream.indirect.gather [hbm4b:s4+s20], $0x80, s0, s20, $0xb8;
	[tilespmem:$0x1E800] =	vst v63  }
0x4f: {  	_ =	swait.ge [sflag:s24], $0x4000  }
.Ltmp0:
0x50: {  	[sflag:s24] =	ssyncset.done $0x0;
	(pc) =	sbr.rel @p0 .LBB2_2-.Ltmp0, $4  }
0x51: {  	s0 =	sadd.s32 $0x1480, s30;
	[sflag:s24] =	ssyncadd.s32 $0xFFFFC000  }
0x52: {  	[spmem:s1] =	stream.indirect.scatter.add.f32 [tilespmem:s22], [sflag:$0x3], $0x80, s0, s20, $0xb8;
	[tilespmem:$0x1E800] =	vst v63  }
0x53: {  	_ =	swait.ge [sflag:s14], $0x4000  }
0x54: {  	s31 =	smov.u32 s7;
	s30 =	sshra.s32 s2, $0x2;
	[sflag:s14] =	ssyncset.done $0x0  }
0x55: {  	s0 =	sadd.s32 $0x80, s30;
	[sflag:s14] =	ssyncadd.s32 $0xFFFFC000  }
0x56: {  	[tilespmem:s22], [sflag:$0x2] =	stream.indirect.gather [hbm4b:s4+s20], $0x80, s0, s20, $0xb8;
	[tilespmem:$0x1E800] =	vst v63  }
0x57: {  	_ =	swait.ge [sflag:s23], $0x4000  }
0x58: {  	[sflag:s23] =	ssyncset.done $0x0  }
0x59: {  	s2 =	sadd.s32 $0x1400, s30;
	[sflag:s23] =	ssyncadd.s32 $0xFFFFC000  }
0x5a: {  	[spmem:s1] =	stream.indirect.scatter.add.f32 [tilespmem:s21], [sflag:$0x3], $0x80, s2, s20, $0xb8;
	[tilespmem:$0x1E800] =	vst v63  }
0x5b: {  	_ =	swait.ge [sflag:s14], $0x4000  }
0x5c: {  	[sflag:s14] =	ssyncset.done $0x0  }
0x5d: {  	s7 =	sadd.s32 $0x100, s30;
	[sflag:s14] =	ssyncadd.s32 $0xFFFFC000  }
0x5e: {  	[tilespmem:s21], [sflag:$0x1] =	stream.indirect.gather [hbm4b:s4+s20], $0x80, s7, s20, $0xb8;
	[tilespmem:$0x1E800] =	vst v63  }
0x5f: {  	_ =	swait.ge [sflag:s24], $0x4000  }
0x60: {  	[sflag:s24] =	ssyncset.done $0x0  }
0x61: {  	s2 =	sadd.s32 $0x1480, s30;
	[sflag:s24] =	ssyncadd.s32 $0xFFFFC000  }
0x62: {  	[spmem:s1] =	stream.indirect.scatter.add.f32 [tilespmem:s22], [sflag:$0x3], $0x80, s2, s20, $0xb8;
	[tilespmem:$0x1E800] =	vst v63  }
0x63: {  	_ =	swait.ge [sflag:s14], $0x4000  }
0x64: {  	[sflag:s14] =	ssyncset.done $0x0  }
0x65: {  	[sflag:s14] =	ssyncadd.s32 $0xFFFFC000  }
0x66: {  	[tilespmem:s22], [sflag:$0x2] =	stream.indirect.gather [hbm4b:s4+s20], $0x80, s25, s20, $0xb8;
	[tilespmem:$0x1E800] =	vst v63  }
0x67: {  	_ =	swait.ge [sflag:s23], $0x4000  }
0x68: {  	[sflag:s23] =	ssyncset.done $0x0  }
0x69: {  	[sflag:s23] =	ssyncadd.s32 $0xFFFFC000  }
0x6a: {  	[spmem:s1] =	stream.indirect.scatter.add.f32 [tilespmem:s21], [sflag:$0x3], $0x80, s26, s20, $0xb8;
	[tilespmem:$0x1E800] =	vst v63  }
0x6b: {  	_ =	swait.ge [sflag:s14], $0x4000  }
0x6c: {  	[sflag:s14] =	ssyncset.done $0x0  }
0x6d: {  	[sflag:s14] =	ssyncadd.s32 $0xFFFFC000  }
0x6e: {  	_ =	swait.ge [sflag:s24], $0x4000  }
0x6f: {  	[sflag:s24] =	ssyncset.done $0x0  }
0x70: {  	[sflag:s24] =	ssyncadd.s32 $0xFFFFC000  }
0x71: {  	[spmem:s1] =	stream.indirect.scatter.add.f32 [tilespmem:s22], [sflag:$0x3], $0x80, s28, s20, $0xb8;
	[tilespmem:$0x1E800] =	vst v63  }
0x72: {  	_ =	swait.ge [sflag:s14], $0x4000  }
0x73: {  	[sflag:s14] =	ssyncset.done $0x0  }
0x74: {  	s7 =	simm.s32 $0x0;
	[sflag:s14] =	ssyncadd.s32 $0xFFFFC000  }
0x75: {  	[tilespmem:s7], [sflag:$0x3] =	stream.linear.gather [hbm4b:s9+s7], $0x1400, $0x38;
	[tilespmem:$0x1E800] =	vst v63  }
0x76: {  	_ =	swait.ge [sflag:s14], $0x1400  }
0x77: {  	[sflag:s14] =	ssyncset.done $0x0  }
0x78: {  	[sflag:s14] =	ssyncadd.s32 $0xFFFFEC00  }
0x79: {  	[tilespmem:s19], [sflag:$0x3] =	stream.linear.gather [hbm4b:s10+s7], $0x1400, $0x38;
	[tilespmem:$0x1E800] =	vst v63  }
0x7a: {  	_ =	swait.ge [sflag:s14], $0x1400  }
0x7b: {  	[sflag:s14] =	ssyncset.done $0x0  }
0x7c: {  	[sflag:s14] =	ssyncadd.s32 $0xFFFFEC00  }
0x7d: {  	[tilespmem:s21], [sflag:$0x1] =	stream.indirect.gather [hbm4b:s4+s20], $0x80, s7, s20, $0xb8;
	[tilespmem:$0x1E800] =	vst v63  }
0x7e: {  	s2 =	simm.s32 $0x80  }
0x7f: {  	[tilespmem:s22], [sflag:$0x2] =	stream.indirect.gather [hbm4b:s4+s20], $0x80, s2, s20, $0xb8;
	[tilespmem:$0x1E800] =	vst v63  }
0x80: {  	_ =	swait.ge [sflag:s23], $0x4000  }
0x81: {  	[sflag:s23] =	ssyncset.done $0x0  }
0x82: {  	s7 =	simm.s32 $0x1400;
	[sflag:s23] =	ssyncadd.s32 $0xFFFFC000  }
0x83: {  	[spmem:s1] =	stream.indirect.scatter.add.f32 [tilespmem:s21], [sflag:$0x3], $0x80, s7, s20, $0xb8;
	[tilespmem:$0x1E800] =	vst v63  }
0x84: {  	_ =	swait.ge [sflag:s14], $0x4000  }
0x85: {  	[sflag:s14] =	ssyncset.done $0x0  }
0x86: {  	s2 =	simm.s32 $0x100;
	[sflag:s14] =	ssyncadd.s32 $0xFFFFC000  }
0x87: {  	[tilespmem:s21], [sflag:$0x1] =	stream.indirect.gather [hbm4b:s4+s20], $0x80, s2, s20, $0xb8;
	[tilespmem:$0x1E800] =	vst v63  }
0x88: {  	_ =	swait.ge [sflag:s24], $0x4000  }
0x89: {  	[sflag:s24] =	ssyncset.done $0x0  }
0x8a: {  	s7 =	simm.s32 $0x1480;
	[sflag:s24] =	ssyncadd.s32 $0xFFFFC000  }
0x8b: {  	[spmem:s1] =	stream.indirect.scatter.add.f32 [tilespmem:s22], [sflag:$0x3], $0x80, s7, s20, $0xb8;
	[tilespmem:$0x1E800] =	vst v63  }
0x8c: {  	_ =	swait.ge [sflag:s14], $0x4000  }
0x8d: {  	s31 =	simm.s32 $0x800;
	s30 =	simm.s32 $0x100;
	[sflag:s14] =	ssyncset.done $0x0  }
.LBB2_4:
0x8e: {  	s0 =	sadd.s32 $0x80, s30  }
0x8f: {  	[sflag:s14] =	ssyncadd.s32 $0xFFFFC000;
	s2 =	smov.u32 s31;
	s7 =	sadd.s32 $0x400, s31  }
0x90: {  	[tilespmem:s22], [sflag:$0x2] =	stream.indirect.gather [hbm4b:s4+s20], $0x80, s0, s20, $0xb8;
	[tilespmem:$0x1E800] =	vst v63  }
0x91: {  	p0 =	sne.s32 s31, $0x4800;
	_ =	swait.ge [sflag:s23], $0x4000  }
0x92: {  	[sflag:s23] =	ssyncset.done $0x0  }
0x93: {  	s0 =	sadd.s32 $0x1400, s30;
	[sflag:s23] =	ssyncadd.s32 $0xFFFFC000  }
0x94: {  	[spmem:s1] =	stream.indirect.scatter.add.f32 [tilespmem:s21], [sflag:$0x3], $0x80, s0, s20, $0xb8;
	[tilespmem:$0x1E800] =	vst v63  }
0x95: {  	_ =	swait.ge [sflag:s14], $0x4000  }
0x96: {  	[sflag:s14] =	ssyncset.done $0x0  }
0x97: {  	s0 =	sadd.s32 $0x100, s30;
	[sflag:s14] =	ssyncadd.s32 $0xFFFFC000  }
0x98: {  	[tilespmem:s21], [sflag:$0x1] =	stream.indirect.gather [hbm4b:s4+s20], $0x80, s0, s20, $0xb8;
	[tilespmem:$0x1E800] =	vst v63  }
0x99: {  	_ =	swait.ge [sflag:s24], $0x4000  }
.Ltmp1:
0x9a: {  	[sflag:s24] =	ssyncset.done $0x0;
	(pc) =	sbr.rel @p0 .LBB2_4-.Ltmp1, $4  }
0x9b: {  	s0 =	sadd.s32 $0x1480, s30;
	[sflag:s24] =	ssyncadd.s32 $0xFFFFC000  }
0x9c: {  	[spmem:s1] =	stream.indirect.scatter.add.f32 [tilespmem:s22], [sflag:$0x3], $0x80, s0, s20, $0xb8;
	[tilespmem:$0x1E800] =	vst v63  }
0x9d: {  	_ =	swait.ge [sflag:s14], $0x4000  }
0x9e: {  	s31 =	smov.u32 s7;
	s30 =	sshra.s32 s2, $0x2;
	[sflag:s14] =	ssyncset.done $0x0  }
0x9f: {  	s0 =	sadd.s32 $0x80, s30;
	[sflag:s14] =	ssyncadd.s32 $0xFFFFC000  }
0xa0: {  	[tilespmem:s22], [sflag:$0x2] =	stream.indirect.gather [hbm4b:s4+s20], $0x80, s0, s20, $0xb8;
	[tilespmem:$0x1E800] =	vst v63  }
0xa1: {  	_ =	swait.ge [sflag:s23], $0x4000  }
0xa2: {  	[sflag:s23] =	ssyncset.done $0x0  }
0xa3: {  	s2 =	sadd.s32 $0x1400, s30;
	[sflag:s23] =	ssyncadd.s32 $0xFFFFC000  }
0xa4: {  	[spmem:s1] =	stream.indirect.scatter.add.f32 [tilespmem:s21], [sflag:$0x3], $0x80, s2, s20, $0xb8;
	[tilespmem:$0x1E800] =	vst v63  }
0xa5: {  	_ =	swait.ge [sflag:s14], $0x4000  }
0xa6: {  	[sflag:s14] =	ssyncset.done $0x0  }
0xa7: {  	s7 =	sadd.s32 $0x100, s30;
	[sflag:s14] =	ssyncadd.s32 $0xFFFFC000  }
0xa8: {  	[tilespmem:s21], [sflag:$0x1] =	stream.indirect.gather [hbm4b:s4+s20], $0x80, s7, s20, $0xb8;
	[tilespmem:$0x1E800] =	vst v63  }
0xa9: {  	_ =	swait.ge [sflag:s24], $0x4000  }
0xaa: {  	[sflag:s24] =	ssyncset.done $0x0  }
0xab: {  	s31 =	sadd.s32 $0x1480, s30;
	[sflag:s24] =	ssyncadd.s32 $0xFFFFC000  }
0xac: {  	[spmem:s1] =	stream.indirect.scatter.add.f32 [tilespmem:s22], [sflag:$0x3], $0x80, s31, s20, $0xb8;
	[tilespmem:$0x1E800] =	vst v63  }
0xad: {  	_ =	swait.ge [sflag:s14], $0x4000  }
0xae: {  	[sflag:s14] =	ssyncset.done $0x0  }
0xaf: {  	[sflag:s14] =	ssyncadd.s32 $0xFFFFC000  }
0xb0: {  	[tilespmem:s22], [sflag:$0x2] =	stream.indirect.gather [hbm4b:s4+s20], $0x80, s25, s20, $0xb8;
	[tilespmem:$0x1E800] =	vst v63  }
0xb1: {  	_ =	swait.ge [sflag:s23], $0x4000  }
0xb2: {  	[sflag:s23] =	ssyncset.done $0x0  }
0xb3: {  	[sflag:s23] =	ssyncadd.s32 $0xFFFFC000  }
0xb4: {  	[spmem:s1] =	stream.indirect.scatter.add.f32 [tilespmem:s21], [sflag:$0x3], $0x80, s26, s20, $0xb8;
	[tilespmem:$0x1E800] =	vst v63  }
0xb5: {  	_ =	swait.ge [sflag:s14], $0x4000  }
0xb6: {  	[sflag:s14] =	ssyncset.done $0x0  }
0xb7: {  	[sflag:s14] =	ssyncadd.s32 $0xFFFFC000  }
0xb8: {  	_ =	swait.ge [sflag:s24], $0x4000  }
0xb9: {  	[sflag:s24] =	ssyncset.done $0x0  }
0xba: {  	[sflag:s24] =	ssyncadd.s32 $0xFFFFC000  }
0xbb: {  	[spmem:s1] =	stream.indirect.scatter.add.f32 [tilespmem:s22], [sflag:$0x3], $0x80, s28, s20, $0xb8;
	[tilespmem:$0x1E800] =	vst v63  }
0xbc: {  	_ =	swait.ge [sflag:s14], $0x4000  }
0xbd: {  	s29 =	sadd.s32 $0x1, s29;
	[sflag:s14] =	ssyncset.done $0x0  }
0xbe: {  	p0 =	sne.s32 s29, s12;
	[sflag:s14] =	ssyncadd.s32 $0xFFFFC000  }
.Ltmp2:
0xbf: {  	[bflag:$0x0] =	sbarrier.arrive $0xFFFF;
	(pc) =	sbr.rel @p0 .LBB2_1-.Ltmp2, $4  }
0xc0: {  	[hbm:s11], [sflag:s6] =	dma.local [spmem:s13], $0x2800  }
0xc1: {  	_ =	swait.ge [sflag:s14], $0x2800  }
0xc2: {  	[sflag:s14] =	ssyncset.done $0x0  }
0xc3: {  	[sflag:s14] =	ssyncadd.s32 $0xFFFFD800  }
0xc4: {  	_ =	sfence.sel $0x180000  }
0xc5: {  	[bflag:$0x0] =	sbarrier.arrive $0xFFFF  }
0xc6: {  	_ =	strace $0x90000056  }
0xc7: {  	s0 =	stileid.u32;
	[bflag:$0x2] =	sbarrier.arrive $0xFFFF  }
0xc8: {  	p0 =	sne.s32 s0, $0x0;
	s0 =	rddreg [dreg:$0x2]  }
0xc9: {  	s0 =	sadd.s32 @!p0 $0x100000, s0  }
0xca: {  	[sflag:s0] =	ssyncadd.tile.s32 @!p0 $0x1;
	_ =	shalt  }
.Lfunc_end2:
_tile_overlayer_lowered:
.L_overlay_start_2:
0xcb: {  	(tag) =	ssettag $0x2  }
0xcc: {  	s0 =	rddreg [dreg:$0x0];
	s2 =	stileid.u32  }
0xcd: {  	s1 =	rddreg [dreg:$0x1];
	p0 =	sne.s32 s2, $0x0  }
0xce: {  	s3 =	rddreg [dreg:$0x2];
	[bflag:$0x3] =	sbarrier.arrive $0xFFFF;
	s2 =	simm.s32 @!p0 $0x1C03  }
0xcf: {  	[timem:s3], [sflag:s2] =	dma.local @!p0 [hbm:s0], s1  }
0xd0: {  	s0 =	simm.s32 @!p0 $0x3  }
0xd1: {  	_ =	swait.ge @!p0 [sflag:s0], s1  }
0xd2: {  	s1 =	ssub.s32 @!p0 $0x0, s1;
	[sflag:s0] =	ssyncset.done @!p0 $0x0  }
0xd3: {  	[sflag:s0] =	ssyncadd.s32 @!p0 s1  }
0xd4: {  	[bflag:$0x3] =	sbarrier.arrive $0xFFFF  }
0xd5: {  	_ =	shalt  }

</sc_bundles>
